<compile_context>
chip_gen: v7x
topology: tpu7x:2x2x1
jax: 0.10.2.dev20260603
libtpu: 0.0.44.dev20260713+nightly
codegen_flags: <defaults>
</compile_context>

<pallas_src>
import functools

import jax
import jax.numpy as jnp
from jax import lax
from jax.experimental import pallas as pl
from jax.experimental.pallas import tpu as pltpu
from jax.experimental.pallas import tpu_sc as plsc

N = 10000
NROWS = 10240
NC, NS = 2, 16
NW = NC * NS
CH = 128
NCHUNK = 2560
TOTAL_E = NCHUNK * CH
EPT1 = NCHUNK // NS
QEPT1 = EPT1 // 4
EPT2 = NCHUNK // NW
RPT = NROWS // NS
D1 = 128
DH = 64
D2 = 16
NBUF = 4
BLK = 1280
GRID = NROWS // BLK

_MESH = plsc.VectorSubcoreMesh(core_axis_name="c", subcore_axis_name="s")


def _edge_pipeline(y_src, src_v, dst_v, rows_v, agg_sh, sgs, sss, nchunks,
                   nbuf):
    for b in range(nbuf):
        pltpu.async_copy(y_src.at[src_v.at[b]], rows_v.at[b], sgs[b])
    ngroups = nchunks // nbuf

    def group(g, carry):
        q0 = nbuf * g
        descs = []
        for b in range(nbuf):
            q = q0 + b
            pltpu.make_async_copy(y_src.at[src_v.at[q]], rows_v.at[b],
                                  sgs[b]).wait()
            descs.append(pltpu.async_copy(rows_v.at[b],
                                          agg_sh.at[dst_v.at[q]],
                                          sss[b], add=True))
        for b in range(nbuf):
            descs[b].wait()

            @pl.when(g < ngroups - 1)
            def _(b=b):
                pltpu.async_copy(y_src.at[src_v.at[q0 + b + nbuf]],
                                 rows_v.at[b], sgs[b])

        return carry

    lax.fori_loop(0, ngroups, group, 0)


def _readout(agg_sh, out_hbm, rows_v, c, s, sems, d):
    nk = RPT // CH
    for k in range(nk):
        b = k % 2
        if k >= 2:
            pltpu.make_async_copy(
                rows_v.at[b],
                out_hbm.at[pl.ds(c * NROWS + s * RPT + (k - 2) * CH, CH)],
                sems[b]).wait()
        pltpu.sync_copy(agg_sh.at[pl.ds(s * RPT + k * CH, CH)], rows_v.at[b])
        pltpu.async_copy(rows_v.at[b],
                         out_hbm.at[pl.ds(c * NROWS + s * RPT + k * CH, CH)],
                         sems[b])
    for k in range(nk - 2, nk):
        b = k % 2
        pltpu.make_async_copy(
            rows_v.at[b],
            out_hbm.at[pl.ds(c * NROWS + s * RPT + k * CH, CH)],
            sems[b]).wait()


@functools.partial(
    pl.kernel,
    compiler_params=pltpu.CompilerParams(use_tc_tiling_on_sc=False, skip_device_barrier=True),
    out_type=jax.ShapeDtypeStruct((NC * NROWS, DH), jnp.float32),
    mesh=_MESH,
    scratch_types=[
        pltpu.VMEM((QEPT1, CH), jnp.int32),
        pltpu.VMEM((QEPT1, CH), jnp.int32),
        pltpu.VMEM((2, CH, DH), jnp.float32),
        pltpu.VMEM_SHARED((NROWS, DH), jnp.float32),
        pltpu.VMEM_SHARED((NROWS, DH), jnp.float32),
    ] + [pltpu.SemaphoreType.DMA] * 4,
)
def _sc_agg_l1(ya_hbm, yb_hbm, srcs_hbm, dsts_hbm, zeros_hbm, out_hbm,
               src_v, dst_v, rows_v, y_sh, agg_sh, *sems):
    sgs, sss = sems[:2], sems[2:]
    c = lax.axis_index("c")
    s = lax.axis_index("s")
    rsl = pl.ds(s * RPT, RPT)
    @pl.when(c == 0)
    def _():
        pltpu.sync_copy(ya_hbm.at[rsl], y_sh.at[rsl])

    @pl.when(c == 1)
    def _():
        pltpu.sync_copy(yb_hbm.at[rsl], y_sh.at[rsl])

    pltpu.sync_copy(zeros_hbm.at[rsl], agg_sh.at[rsl])
    plsc.subcore_barrier()

    for ph in range(4):
        base = s * EPT1 + ph * QEPT1
        pltpu.sync_copy(srcs_hbm.at[pl.ds(base, QEPT1)], src_v)
        pltpu.sync_copy(dsts_hbm.at[pl.ds(base, QEPT1)], dst_v)
        _edge_pipeline(y_sh, src_v, dst_v, rows_v, agg_sh,
                       sgs, sss, QEPT1, 2)

    plsc.subcore_barrier()
    _readout(agg_sh, out_hbm, rows_v, c, s, sgs, DH)


@functools.partial(
    pl.kernel,
    compiler_params=pltpu.CompilerParams(use_tc_tiling_on_sc=False, skip_device_barrier=True),
    out_type=jax.ShapeDtypeStruct((NC * NROWS, D2), jnp.float32),
    mesh=_MESH,
    scratch_types=[
        pltpu.VMEM((EPT2, CH), jnp.int32),
        pltpu.VMEM((EPT2, CH), jnp.int32),
        pltpu.VMEM((NBUF, CH, D2), jnp.float32),
        pltpu.VMEM_SHARED((NROWS, D2), jnp.float32),
        pltpu.VMEM_SHARED((NROWS, D2), jnp.float32),
    ] + [pltpu.SemaphoreType.DMA] * (2 * NBUF),
)
def _sc_agg_l2(y_hbm, srcs_hbm, dsts_hbm, zeros_hbm, out_hbm,
               src_v, dst_v, rows_v, y_sh, agg_sh, *sems):
    sgs, sss = sems[:NBUF], sems[NBUF:]
    c = lax.axis_index("c")
    s = lax.axis_index("s")
    wid = c * NS + s
    pltpu.sync_copy(srcs_hbm.at[pl.ds(wid * EPT2, EPT2)], src_v)
    pltpu.sync_copy(dsts_hbm.at[pl.ds(wid * EPT2, EPT2)], dst_v)
    rsl = pl.ds(s * RPT, RPT)
    pltpu.sync_copy(y_hbm.at[rsl], y_sh.at[rsl])
    pltpu.sync_copy(zeros_hbm.at[rsl], agg_sh.at[rsl])
    plsc.subcore_barrier()
    _edge_pipeline(y_sh, src_v, dst_v, rows_v, agg_sh, sgs, sss, EPT2, NBUF)
    plsc.subcore_barrier()
    _readout(agg_sh, out_hbm, rows_v, c, s, sgs, D2)


@functools.partial(
    pl.kernel,
    compiler_params=pltpu.CompilerParams(use_tc_tiling_on_sc=False, skip_device_barrier=True),
    out_type=jax.ShapeDtypeStruct((NC * NROWS, D2), jnp.float32),
    mesh=_MESH,
    scratch_types=[
        pltpu.VMEM((EPT2, CH), jnp.int32),
        pltpu.VMEM((CH, D2), jnp.float32),
        pltpu.VMEM((2, CH, D2), jnp.float32),
        pltpu.VMEM_SHARED((NROWS, D2), jnp.float32),
    ] + [pltpu.SemaphoreType.DMA] * NBUF,
)
def _sc_deg(dsts_hbm, ones_hbm, zeros_hbm, out_hbm,
            dst_v, ones_v, bounce_v, agg_sh, *sems):
    c = lax.axis_index("c")
    s = lax.axis_index("s")
    wid = c * NS + s
    pltpu.sync_copy(dsts_hbm.at[pl.ds(wid * EPT2, EPT2)], dst_v)
    pltpu.sync_copy(ones_hbm, ones_v)
    rsl = pl.ds(s * RPT, RPT)
    pltpu.sync_copy(zeros_hbm.at[rsl], agg_sh.at[rsl])
    plsc.subcore_barrier()

    for b in range(NBUF):
        pltpu.async_copy(ones_v, agg_sh.at[dst_v.at[b]], sems[b], add=True)
    ngroups = EPT2 // NBUF

    def group(g, carry):
        q0 = NBUF * g
        for b in range(NBUF):
            pltpu.make_async_copy(ones_v, agg_sh.at[dst_v.at[q0 + b]],
                                  sems[b]).wait()

            @pl.when(g < ngroups - 1)
            def _(b=b):
                pltpu.async_copy(ones_v, agg_sh.at[dst_v.at[q0 + b + NBUF]],
                                 sems[b], add=True)

        return carry

    lax.fori_loop(0, ngroups, group, 0)
    plsc.subcore_barrier()
    _readout(agg_sh, out_hbm, bounce_v, c, s, sems[:2], D2)


def _tc0_body(x_ref, w_ref, xw_ref):
    xw_ref[...] = jnp.dot(x_ref[...], w_ref[...],
                          preferred_element_type=jnp.float32)


def _tc1_body(deg0_ref, deg1_ref, xw_ref, ya_ref, yb_ref, dinv_ref):
    d = deg0_ref[:, 0:1] + deg1_ref[:, 0:1]
    dinv = jnp.where(d > 0, lax.rsqrt(d), 0.0)
    y = dinv * xw_ref[...]
    ya_ref[...] = y[:, :DH]
    yb_ref[...] = y[:, DH:]
    dinv_ref[...] = jnp.broadcast_to(dinv, (BLK, D2))


def _tc2_body(aa_ref, ab_ref, ya_ref, yb_ref, dinv_ref, w2_ref, b1_ref, y2_ref):
    a = jnp.concatenate([aa_ref[...] + ya_ref[...],
                         ab_ref[...] + yb_ref[...]], axis=1)
    dv = dinv_ref[:, 0:1]
    h = jnp.maximum(dv * a + b1_ref[...], 0.0)
    y2_ref[...] = dv * jnp.dot(h, w2_ref[...], preferred_element_type=jnp.float32)


def _tc3_body(a0_ref, a1_ref, y2_ref, dinv_ref, b2_ref, out_ref):
    z = dinv_ref[:, 0:1] * (a0_ref[...] + a1_ref[...] + y2_ref[...]) + b2_ref[...]
    z0 = z[:, 0:1]
    z1 = z[:, 1:2]
    m = jnp.maximum(z0, z1)
    e0 = jnp.exp(z0 - m)
    e1 = jnp.exp(z1 - m)
    den = e0 + e1
    out_ref[...] = jnp.concatenate(
        [e0 / den, e1 / den, jnp.zeros((BLK, D2 - 2), jnp.float32)], axis=1)


def _row_spec(d):
    return pl.BlockSpec((BLK, d), lambda i: (i, 0))


def _full_spec(shape):
    nd = len(shape)
    return pl.BlockSpec(shape, lambda i: (0,) * nd)


def kernel(x, edge_index, W1, b1, W2, b2):
    e32 = edge_index.astype(jnp.int32)
    src = e32[0]
    dst = e32[1]
    pad = TOTAL_E - src.shape[0]
    srcp = jnp.concatenate([src, jnp.zeros((pad,), jnp.int32)]).reshape(NCHUNK, CH)
    dstp = jnp.concatenate([dst, jnp.full((pad,), N, jnp.int32)]).reshape(NCHUNK, CH)
    xp = jnp.pad(x, ((0, NROWS - N), (0, 0)))
    w2p = jnp.pad(W2, ((0, 0), (0, D2 - W2.shape[1])))
    b1r = b1.reshape(1, D1)
    b2r = jnp.pad(b2, (0, D2 - 2)).reshape(1, D2)
    zeros_dh = jnp.zeros((NROWS, DH), jnp.float32)
    zeros_d2 = jnp.zeros((NROWS, D2), jnp.float32)
    ones_d2 = jnp.ones((CH, D2), jnp.float32)

    xw = pl.pallas_call(
        _tc0_body,
        grid=(GRID,),
        in_specs=[_row_spec(D1), _full_spec((D1, D1))],
        out_specs=_row_spec(D1),
        out_shape=jax.ShapeDtypeStruct((NROWS, D1), jnp.float32),
    )(xp, W1)

    degp = _sc_deg(dstp, ones_d2, zeros_d2)
    deg0, deg1 = degp[:NROWS], degp[NROWS:]

    y1a, y1b, dinv = pl.pallas_call(
        _tc1_body,
        grid=(GRID,),
        in_specs=[_row_spec(D2), _row_spec(D2), _row_spec(D1)],
        out_specs=[_row_spec(DH), _row_spec(DH), _row_spec(D2)],
        out_shape=[jax.ShapeDtypeStruct((NROWS, DH), jnp.float32),
                   jax.ShapeDtypeStruct((NROWS, DH), jnp.float32),
                   jax.ShapeDtypeStruct((NROWS, D2), jnp.float32)],
    )(deg0, deg1, xw)

    agg1 = _sc_agg_l1(y1a, y1b, srcp, dstp, zeros_dh)
    agg1a, agg1b = agg1[:NROWS], agg1[NROWS:]

    y2 = pl.pallas_call(
        _tc2_body,
        grid=(GRID,),
        in_specs=[_row_spec(DH), _row_spec(DH), _row_spec(DH), _row_spec(DH),
                  _row_spec(D2), _full_spec((D1, D2)), _full_spec((1, D1))],
        out_specs=_row_spec(D2),
        out_shape=jax.ShapeDtypeStruct((NROWS, D2), jnp.float32),
    )(agg1a, agg1b, y1a, y1b, dinv, w2p, b1r)

    agg2 = _sc_agg_l2(y2, srcp, dstp, zeros_d2)
    a2_0, a2_1 = agg2[:NROWS], agg2[NROWS:]

    out = pl.pallas_call(
        _tc3_body,
        grid=(GRID,),
        in_specs=[_row_spec(D2), _row_spec(D2), _row_spec(D2), _row_spec(D2),
                  _full_spec((1, D2))],
        out_specs=_row_spec(D2),
        out_shape=jax.ShapeDtypeStruct((NROWS, D2), jnp.float32),
    )(a2_0, a2_1, y2, dinv, b2r)

    return out[:N, :2]

# --- scband reference (transcript-rebuilt; emitter-appended) ---
"""Pipeline reference for scband-graph-fake-detector-28544352649461 (READ-ONLY COPY).

The authoritative reference and input builder live on the scoring server;
editing this copy changes nothing except your own understanding.
"""

import jax, jax.numpy as jnp
import numpy as np

N_NODES = 10000


def gcn_conv(x, edge_index, W, b):
    n = x.shape[0]
    src = edge_index[0]
    dst = edge_index[1]
    # add self loops (PyG GCNConv default)
    loop = jnp.arange(n, dtype=edge_index.dtype)
    src = jnp.concatenate([src, loop])
    dst = jnp.concatenate([dst, loop])
    # symmetric normalization D^{-1/2} (A+I) D^{-1/2}
    deg = jnp.zeros((n,), dtype=x.dtype).at[dst].add(1.0)
    dinv = jnp.where(deg > 0, deg ** -0.5, 0.0)
    norm = dinv[src] * dinv[dst]
    xw = x @ W
    msg = xw[src] * norm[:, None]
    out = jnp.zeros((n, W.shape[1]), dtype=x.dtype).at[dst].add(msg)
    return out + b


def setup_inputs(seed: int = 0) -> dict:
    key = jax.random.key(seed)
    k1, k2, k3, k4, k5, k6 = jax.random.split(key, 6)
    input_dim, hidden_dim, output_dim = 128, 128, 2
    x = jax.random.normal(k1, (N_NODES, input_dim), dtype=jnp.float32)
    edge_index = jax.random.randint(k2, (2, 320000), 0, N_NODES, dtype=jnp.int64)
    s1 = (1.0 / np.sqrt(input_dim)).astype(np.float32) if isinstance(np.sqrt(input_dim), np.ndarray) else np.float32(1.0 / np.sqrt(input_dim))
    s2 = np.float32(1.0 / np.sqrt(hidden_dim))
    W1 = jax.random.uniform(k3, (input_dim, hidden_dim), minval=-s1, maxval=s1, dtype=jnp.float32)
    b1 = jnp.zeros((hidden_dim,), dtype=jnp.float32)
    W2 = jax.random.uniform(k4, (hidden_dim, output_dim), minval=-s2, maxval=s2, dtype=jnp.float32)
    b2 = jnp.zeros((output_dim,), dtype=jnp.float32)
    return {"x": x, "edge_index": edge_index, "W1": W1, "b1": b1, "W2": W2, "b2": b2}


def reference(x, edge_index, W1, b1, W2, b2):
    h = jax.nn.relu(gcn_conv(x, edge_index, W1, b1))
    h = gcn_conv(h, edge_index, W2, b2)
    return jax.nn.softmax(h, axis=-1)

if __name__ == "__main__":
    import jax
    _d = setup_inputs()
    print(jax.jit(kernel)(*tuple(_d.values())))

</pallas_src>

<mosaic_0001>
#map = affine_map<(d0, d1) -> (0, 0)>
module attributes {stable_mosaic.version = 14 : i64} {
  func.func @_sc_agg_l1(%arg0: i32, %arg1: i32, %arg2: memref<10240x64xf32, #tpu.memory_space<hbm>>, %arg3: memref<10240x64xf32, #tpu.memory_space<hbm>>, %arg4: memref<2560x128xi32, #tpu.memory_space<hbm>>, %arg5: memref<2560x128xi32, #tpu.memory_space<hbm>>, %arg6: memref<10240x64xf32, #tpu.memory_space<hbm>>, %arg7: memref<20480x64xf32, #tpu.memory_space<hbm>>, %arg8: memref<40x128xi32, #tpu.memory_space<vmem>>, %arg9: memref<40x128xi32, #tpu.memory_space<vmem>>, %arg10: memref<2x128x64xf32, #tpu.memory_space<vmem>>, %arg11: memref<10240x64xf32, #tpu.memory_space<vmem_shared>>, %arg12: memref<10240x64xf32, #tpu.memory_space<vmem_shared>>, %arg13: memref<!tpu.dma_semaphore, #tpu.memory_space<semaphore_mem>>, %arg14: memref<!tpu.dma_semaphore, #tpu.memory_space<semaphore_mem>>, %arg15: memref<!tpu.dma_semaphore, #tpu.memory_space<semaphore_mem>>, %arg16: memref<!tpu.dma_semaphore, #tpu.memory_space<semaphore_mem>>) attributes {dimension_semantics = [#tpu.dimension_semantics<core_parallel>, #tpu.dimension_semantics<subcore_parallel>], iteration_bounds = array<i64: 2, 16>, scalar_prefetch = 0 : i64, scratch_operands = 9 : i64, tpu.core_type = #tpu.core_type<sc_vector_subcore>, window_params = [{transform_indices = #map}, {transform_indices = #map}, {transform_indices = #map}, {transform_indices = #map}, {transform_indices = #map}, {transform_indices = #map}]} {
    %mul3A = arith.constant 640 : i32
    %mul3A_0 = arith.muli %arg1, %mul3A : i32
    %eq3A = arith.constant 0 : i32
    %eq3A_1 = arith.cmpi eq, %arg0, %eq3A : i32
    %convert_element_type3A = arith.extui %eq3A_1 : i1 to i32
    %cond3A = arith.constant 0 : i32
    %cond3A_2 = arith.cmpi ne, %convert_element_type3A, %cond3A : i32
    scf.if %cond3A_2 {
      "tpu.region"() ({
        %run_scoped3A_365 = tpu.sem_alloc : memref<!tpu.dma_semaphore, #tpu.memory_space<semaphore_mem>>
        %dma_start3A_366 = arith.constant 0 : i32
        %dma_start3A_367 = tpu.memref_slice %arg11[%mul3A_0, %dma_start3A_366] : memref<10240x64xf32, #tpu.memory_space<vmem_shared>> -> memref<640x64xf32, #tpu.memory_space<vmem_shared>>
        %dma_start3A_368 = arith.constant 0 : i32
        %dma_start3A_369 = tpu.memref_slice %arg2[%mul3A_0, %dma_start3A_368] : memref<10240x64xf32, #tpu.memory_space<hbm>> -> memref<640x64xf32, #tpu.memory_space<hbm>>
        tpu.enqueue_dma source(%dma_start3A_369 : memref<640x64xf32, #tpu.memory_space<hbm>>) target(%dma_start3A_367 : memref<640x64xf32, #tpu.memory_space<vmem_shared>>) target_semaphore(%run_scoped3A_365 : memref<!tpu.dma_semaphore, #tpu.memory_space<semaphore_mem>>)
        %dma_wait3A_370 = arith.constant 0 : i32
        %dma_wait3A_371 = tpu.memref_slice %arg11[%mul3A_0, %dma_wait3A_370] : memref<10240x64xf32, #tpu.memory_space<vmem_shared>> -> memref<640x64xf32, #tpu.memory_space<vmem_shared>>
        %dma_wait3A_372 = arith.constant 0 : i32
        %dma_wait3A_373 = tpu.memref_slice %arg2[%mul3A_0, %dma_wait3A_372] : memref<10240x64xf32, #tpu.memory_space<hbm>> -> memref<640x64xf32, #tpu.memory_space<hbm>>
        tpu.wait_dma2 semaphore(%run_scoped3A_365 : memref<!tpu.dma_semaphore, #tpu.memory_space<semaphore_mem>>) src(%dma_wait3A_373 : memref<640x64xf32, #tpu.memory_space<hbm>>) dst(%dma_wait3A_371 : memref<640x64xf32, #tpu.memory_space<vmem_shared>>)
        tpu.yield
      }) : () -> ()
    } else {
    }
    %eq3A_3 = arith.constant 1 : i32
    %eq3A_4 = arith.cmpi eq, %arg0, %eq3A_3 : i32
    %convert_element_type3A_5 = arith.extui %eq3A_4 : i1 to i32
    %cond3A_6 = arith.constant 0 : i32
    %cond3A_7 = arith.cmpi ne, %convert_element_type3A_5, %cond3A_6 : i32
    scf.if %cond3A_7 {
      "tpu.region"() ({
        %run_scoped3A_365 = tpu.sem_alloc : memref<!tpu.dma_semaphore, #tpu.memory_space<semaphore_mem>>
        %dma_start3A_366 = arith.constant 0 : i32
        %dma_start3A_367 = tpu.memref_slice %arg11[%mul3A_0, %dma_start3A_366] : memref<10240x64xf32, #tpu.memory_space<vmem_shared>> -> memref<640x64xf32, #tpu.memory_space<vmem_shared>>
        %dma_start3A_368 = arith.constant 0 : i32
        %dma_start3A_369 = tpu.memref_slice %arg3[%mul3A_0, %dma_start3A_368] : memref<10240x64xf32, #tpu.memory_space<hbm>> -> memref<640x64xf32, #tpu.memory_space<hbm>>
        tpu.enqueue_dma source(%dma_start3A_369 : memref<640x64xf32, #tpu.memory_space<hbm>>) target(%dma_start3A_367 : memref<640x64xf32, #tpu.memory_space<vmem_shared>>) target_semaphore(%run_scoped3A_365 : memref<!tpu.dma_semaphore, #tpu.memory_space<semaphore_mem>>)
        %dma_wait3A_370 = arith.constant 0 : i32
        %dma_wait3A_371 = tpu.memref_slice %arg11[%mul3A_0, %dma_wait3A_370] : memref<10240x64xf32, #tpu.memory_space<vmem_shared>> -> memref<640x64xf32, #tpu.memory_space<vmem_shared>>
        %dma_wait3A_372 = arith.constant 0 : i32
        %dma_wait3A_373 = tpu.memref_slice %arg3[%mul3A_0, %dma_wait3A_372] : memref<10240x64xf32, #tpu.memory_space<hbm>> -> memref<640x64xf32, #tpu.memory_space<hbm>>
        tpu.wait_dma2 semaphore(%run_scoped3A_365 : memref<!tpu.dma_semaphore, #tpu.memory_space<semaphore_mem>>) src(%dma_wait3A_373 : memref<640x64xf32, #tpu.memory_space<hbm>>) dst(%dma_wait3A_371 : memref<640x64xf32, #tpu.memory_space<vmem_shared>>)
        tpu.yield
      }) : () -> ()
    } else {
    }
    "tpu.region"() ({
      %run_scoped3A_365 = tpu.sem_alloc : memref<!tpu.dma_semaphore, #tpu.memory_space<semaphore_mem>>
      %dma_start3A_366 = arith.constant 0 : i32
      %dma_start3A_367 = tpu.memref_slice %arg12[%mul3A_0, %dma_start3A_366] : memref<10240x64xf32, #tpu.memory_space<vmem_shared>> -> memref<640x64xf32, #tpu.memory_space<vmem_shared>>
      %dma_start3A_368 = arith.constant 0 : i32
      %dma_start3A_369 = tpu.memref_slice %arg6[%mul3A_0, %dma_start3A_368] : memref<10240x64xf32, #tpu.memory_space<hbm>> -> memref<640x64xf32, #tpu.memory_space<hbm>>
      tpu.enqueue_dma source(%dma_start3A_369 : memref<640x64xf32, #tpu.memory_space<hbm>>) target(%dma_start3A_367 : memref<640x64xf32, #tpu.memory_space<vmem_shared>>) target_semaphore(%run_scoped3A_365 : memref<!tpu.dma_semaphore, #tpu.memory_space<semaphore_mem>>)
      %dma_wait3A_370 = arith.constant 0 : i32
      %dma_wait3A_371 = tpu.memref_slice %arg12[%mul3A_0, %dma_wait3A_370] : memref<10240x64xf32, #tpu.memory_space<vmem_shared>> -> memref<640x64xf32, #tpu.memory_space<vmem_shared>>
      %dma_wait3A_372 = arith.constant 0 : i32
      %dma_wait3A_373 = tpu.memref_slice %arg6[%mul3A_0, %dma_wait3A_372] : memref<10240x64xf32, #tpu.memory_space<hbm>> -> memref<640x64xf32, #tpu.memory_space<hbm>>
      tpu.wait_dma2 semaphore(%run_scoped3A_365 : memref<!tpu.dma_semaphore, #tpu.memory_space<semaphore_mem>>) src(%dma_wait3A_373 : memref<640x64xf32, #tpu.memory_space<hbm>>) dst(%dma_wait3A_371 : memref<640x64xf32, #tpu.memory_space<vmem_shared>>)
      tpu.yield
    }) : () -> ()
    %barrier3A = arith.constant 0 : index
    tpu.barrier barrier_id(%barrier3A)
    %mul3A_8 = arith.constant 160 : i32
    %mul3A_9 = arith.muli %arg1, %mul3A_8 : i32
    %add3A = arith.constant 0 : i32
    %add3A_10 = arith.addi %mul3A_9, %add3A : i32
    "tpu.region"() ({
      %run_scoped3A_365 = tpu.sem_alloc : memref<!tpu.dma_semaphore, #tpu.memory_space<semaphore_mem>>
      %dma_start3A_366 = arith.constant 0 : i32
      %dma_start3A_367 = tpu.memref_slice %arg4[%add3A_10, %dma_start3A_366] : memref<2560x128xi32, #tpu.memory_space<hbm>> -> memref<40x128xi32, #tpu.memory_space<hbm>>
      %dma_start3A_368 = arith.constant 0 : i32
      %dma_start3A_369 = tpu.memref_slice %arg4[%add3A_10, %dma_start3A_368] : memref<2560x128xi32, #tpu.memory_space<hbm>> -> memref<40x128xi32, #tpu.memory_space<hbm>>
      tpu.enqueue_dma source(%dma_start3A_369 : memref<40x128xi32, #tpu.memory_space<hbm>>) target(%arg8 : memref<40x128xi32, #tpu.memory_space<vmem>>) target_semaphore(%run_scoped3A_365 : memref<!tpu.dma_semaphore, #tpu.memory_space<semaphore_mem>>)
      %dma_wait3A_370 = arith.constant 0 : i32
      %dma_wait3A_371 = tpu.memref_slice %arg4[%add3A_10, %dma_wait3A_370] : memref<2560x128xi32, #tpu.memory_space<hbm>> -> memref<40x128xi32, #tpu.memory_space<hbm>>
      %dma_wait3A_372 = arith.constant 0 : i32
      %dma_wait3A_373 = tpu.memref_slice %arg4[%add3A_10, %dma_wait3A_372] : memref<2560x128xi32, #tpu.memory_space<hbm>> -> memref<40x128xi32, #tpu.memory_space<hbm>>
      tpu.wait_dma2 semaphore(%run_scoped3A_365 : memref<!tpu.dma_semaphore, #tpu.memory_space<semaphore_mem>>) src(%dma_wait3A_373 : memref<40x128xi32, #tpu.memory_space<hbm>>) dst(%arg8 : memref<40x128xi32, #tpu.memory_space<vmem>>)
      tpu.yield
    }) : () -> ()
    "tpu.region"() ({
      %run_scoped3A_365 = tpu.sem_alloc : memref<!tpu.dma_semaphore, #tpu.memory_space<semaphore_mem>>
      %dma_start3A_366 = arith.constant 0 : i32
      %dma_start3A_367 = tpu.memref_slice %arg5[%add3A_10, %dma_start3A_366] : memref<2560x128xi32, #tpu.memory_space<hbm>> -> memref<40x128xi32, #tpu.memory_space<hbm>>
      %dma_start3A_368 = arith.constant 0 : i32
      %dma_start3A_369 = tpu.memref_slice %arg5[%add3A_10, %dma_start3A_368] : memref<2560x128xi32, #tpu.memory_space<hbm>> -> memref<40x128xi32, #tpu.memory_space<hbm>>
      tpu.enqueue_dma source(%dma_start3A_369 : memref<40x128xi32, #tpu.memory_space<hbm>>) target(%arg9 : memref<40x128xi32, #tpu.memory_space<vmem>>) target_semaphore(%run_scoped3A_365 : memref<!tpu.dma_semaphore, #tpu.memory_space<semaphore_mem>>)
      %dma_wait3A_370 = arith.constant 0 : i32
      %dma_wait3A_371 = tpu.memref_slice %arg5[%add3A_10, %dma_wait3A_370] : memref<2560x128xi32, #tpu.memory_space<hbm>> -> memref<40x128xi32, #tpu.memory_space<hbm>>
      %dma_wait3A_372 = arith.constant 0 : i32
      %dma_wait3A_373 = tpu.memref_slice %arg5[%add3A_10, %dma_wait3A_372] : memref<2560x128xi32, #tpu.memory_space<hbm>> -> memref<40x128xi32, #tpu.memory_space<hbm>>
      tpu.wait_dma2 semaphore(%run_scoped3A_365 : memref<!tpu.dma_semaphore, #tpu.memory_space<semaphore_mem>>) src(%dma_wait3A_373 : memref<40x128xi32, #tpu.memory_space<hbm>>) dst(%arg9 : memref<40x128xi32, #tpu.memory_space<vmem>>)
      tpu.yield
    }) : () -> ()
    %dma_start3A = arith.constant 0 : i32
    %dma_start3A_11 = arith.constant 0 : i32
    %dma_start3A_12 = arith.constant 0 : i32
    %dma_start3A_13 = arith.constant 0 : i32
    %dma_start3A_14 = tpu.memref_slice %arg10[%dma_start3A_11, %dma_start3A_12, %dma_start3A_13] : memref<2x128x64xf32, #tpu.memory_space<vmem>> -> memref<1x128x64xf32, #tpu.memory_space<vmem>>
    %dma_start3A_15 = tpu.memref_squeeze %dma_start3A_14 : memref<1x128x64xf32, #tpu.memory_space<vmem>> -> memref<128x64xf32, #tpu.memory_space<vmem>>
    %dma_start3A_16 = arith.constant 0 : i32
    %dma_start3A_17 = tpu.memref_slice %arg8[%dma_start3A, %dma_start3A_16] : memref<40x128xi32, #tpu.memory_space<vmem>> -> memref<1x128xi32, #tpu.memory_space<vmem>>
    %dma_start3A_18 = tpu.memref_squeeze %dma_start3A_17 : memref<1x128xi32, #tpu.memory_space<vmem>> -> memref<128xi32, #tpu.memory_space<vmem>>
    %dma_start3A_19 = arith.constant 0 : i32
    %dma_start3A_20 = arith.constant 0 : i32
    %dma_start3A_21 = tpu.memref_slice %arg11[%dma_start3A_19, %dma_start3A_20] : memref<10240x64xf32, #tpu.memory_space<vmem_shared>> -> memref<10240x64xf32, #tpu.memory_space<vmem_shared>>
    tpu.enqueue_indirect_dma source(%dma_start3A_21 : memref<10240x64xf32, #tpu.memory_space<vmem_shared>>) target(%dma_start3A_15 : memref<128x64xf32, #tpu.memory_space<vmem>>) offsets(%dma_start3A_18 : memref<128xi32, #tpu.memory_space<vmem>>) semaphore(%arg13 : memref<!tpu.dma_semaphore, #tpu.memory_space<semaphore_mem>>)
    %dma_start3A_22 = arith.constant 1 : i32
    %dma_start3A_23 = arith.constant 1 : i32
    %dma_start3A_24 = arith.constant 0 : i32
    %dma_start3A_25 = arith.constant 0 : i32
    %dma_start3A_26 = tpu.memref_slice %arg10[%dma_start3A_23, %dma_start3A_24, %dma_start3A_25] : memref<2x128x64xf32, #tpu.memory_space<vmem>> -> memref<1x128x64xf32, #tpu.memory_space<vmem>>
    %dma_start3A_27 = tpu.memref_squeeze %dma_start3A_26 : memref<1x128x64xf32, #tpu.memory_space<vmem>> -> memref<128x64xf32, #tpu.memory_space<vmem>>
    %dma_start3A_28 = arith.constant 0 : i32
    %dma_start3A_29 = tpu.memref_slice %arg8[%dma_start3A_22, %dma_start3A_28] : memref<40x128xi32, #tpu.memory_space<vmem>> -> memref<1x128xi32, #tpu.memory_space<vmem>>
    %dma_start3A_30 = tpu.memref_squeeze %dma_start3A_29 : memref<1x128xi32, #tpu.memory_space<vmem>> -> memref<128xi32, #tpu.memory_space<vmem>>
    %dma_start3A_31 = arith.constant 0 : i32
    %dma_start3A_32 = arith.constant 0 : i32
    %dma_start3A_33 = tpu.memref_slice %arg11[%dma_start3A_31, %dma_start3A_32] : memref<10240x64xf32, #tpu.memory_space<vmem_shared>> -> memref<10240x64xf32, #tpu.memory_space<vmem_shared>>
    tpu.enqueue_indirect_dma source(%dma_start3A_33 : memref<10240x64xf32, #tpu.memory_space<vmem_shared>>) target(%dma_start3A_27 : memref<128x64xf32, #tpu.memory_space<vmem>>) offsets(%dma_start3A_30 : memref<128xi32, #tpu.memory_space<vmem>>) semaphore(%arg14 : memref<!tpu.dma_semaphore, #tpu.memory_space<semaphore_mem>>)
    %scan3A = arith.constant 0 : i32
    %scan3A_34 = arith.constant 0 : i32
    %scan3A_35 = arith.constant 20 : i32
    %scan3A_36 = arith.addi %scan3A_34, %scan3A_35 : i32
    %scan3A_37 = arith.constant 1 : i32
    scf.for %scan3A_365 = %scan3A_34 to %scan3A_36 step %scan3A_37  : i32 {
      %mul3A_366 = arith.constant 2 : i32
      %mul3A_367 = arith.muli %mul3A_366, %scan3A_365 : i32
      %add3A_368 = arith.constant 0 : i32
      %add3A_369 = arith.addi %mul3A_367, %add3A_368 : i32
      %dma_wait3A_370 = arith.constant 0 : i32
      %dma_wait3A_371 = arith.constant 0 : i32
      %dma_wait3A_372 = arith.constant 0 : i32
      %dma_wait3A_373 = tpu.memref_slice %arg10[%dma_wait3A_370, %dma_wait3A_371, %dma_wait3A_372] : memref<2x128x64xf32, #tpu.memory_space<vmem>> -> memref<1x128x64xf32, #tpu.memory_space<vmem>>
      %dma_wait3A_374 = tpu.memref_squeeze %dma_wait3A_373 : memref<1x128x64xf32, #tpu.memory_space<vmem>> -> memref<128x64xf32, #tpu.memory_space<vmem>>
      %dma_wait3A_375 = arith.constant 0 : i32
      %dma_wait3A_376 = tpu.memref_slice %arg8[%add3A_369, %dma_wait3A_375] : memref<40x128xi32, #tpu.memory_space<vmem>> -> memref<1x128xi32, #tpu.memory_space<vmem>>
      %dma_wait3A_377 = tpu.memref_squeeze %dma_wait3A_376 : memref<1x128xi32, #tpu.memory_space<vmem>> -> memref<128xi32, #tpu.memory_space<vmem>>
      %dma_wait3A_378 = arith.constant 0 : i32
      %dma_wait3A_379 = arith.constant 0 : i32
      %dma_wait3A_380 = tpu.memref_slice %arg11[%dma_wait3A_378, %dma_wait3A_379] : memref<10240x64xf32, #tpu.memory_space<vmem_shared>> -> memref<10240x64xf32, #tpu.memory_space<vmem_shared>>
      tpu.wait_indirect_dma semaphore(%arg13 : memref<!tpu.dma_semaphore, #tpu.memory_space<semaphore_mem>>) src(%dma_wait3A_380 : memref<10240x64xf32, #tpu.memory_space<vmem_shared>>) dst(%dma_wait3A_374 : memref<128x64xf32, #tpu.memory_space<vmem>>)
      %dma_start3A_381 = arith.constant 0 : i32
      %dma_start3A_382 = arith.constant 0 : i32
      %dma_start3A_383 = arith.constant 0 : i32
      %dma_start3A_384 = tpu.memref_slice %arg10[%dma_start3A_381, %dma_start3A_382, %dma_start3A_383] : memref<2x128x64xf32, #tpu.memory_space<vmem>> -> memref<1x128x64xf32, #tpu.memory_space<vmem>>
      %dma_start3A_385 = tpu.memref_squeeze %dma_start3A_384 : memref<1x128x64xf32, #tpu.memory_space<vmem>> -> memref<128x64xf32, #tpu.memory_space<vmem>>
      %dma_start3A_386 = arith.constant 0 : i32
      %dma_start3A_387 = tpu.memref_slice %arg9[%add3A_369, %dma_start3A_386] : memref<40x128xi32, #tpu.memory_space<vmem>> -> memref<1x128xi32, #tpu.memory_space<vmem>>
      %dma_start3A_388 = tpu.memref_squeeze %dma_start3A_387 : memref<1x128xi32, #tpu.memory_space<vmem>> -> memref<128xi32, #tpu.memory_space<vmem>>
      %dma_start3A_389 = arith.constant 0 : i32
      %dma_start3A_390 = arith.constant 0 : i32
      %dma_start3A_391 = tpu.memref_slice %arg12[%dma_start3A_389, %dma_start3A_390] : memref<10240x64xf32, #tpu.memory_space<vmem_shared>> -> memref<10240x64xf32, #tpu.memory_space<vmem_shared>>
      tpu.enqueue_indirect_dma source(%dma_start3A_385 : memref<128x64xf32, #tpu.memory_space<vmem>>) target(%dma_start3A_391 : memref<10240x64xf32, #tpu.memory_space<vmem_shared>>) offsets(%dma_start3A_388 : memref<128xi32, #tpu.memory_space<vmem>>) semaphore(%arg15 : memref<!tpu.dma_semaphore, #tpu.memory_space<semaphore_mem>>) {add = true}
      %add3A_392 = arith.constant 1 : i32
      %add3A_393 = arith.addi %mul3A_367, %add3A_392 : i32
      %dma_wait3A_394 = arith.constant 1 : i32
      %dma_wait3A_395 = arith.constant 0 : i32
      %dma_wait3A_396 = arith.constant 0 : i32
      %dma_wait3A_397 = tpu.memref_slice %arg10[%dma_wait3A_394, %dma_wait3A_395, %dma_wait3A_396] : memref<2x128x64xf32, #tpu.memory_space<vmem>> -> memref<1x128x64xf32, #tpu.memory_space<vmem>>
      %dma_wait3A_398 = tpu.memref_squeeze %dma_wait3A_397 : memref<1x128x64xf32, #tpu.memory_space<vmem>> -> memref<128x64xf32, #tpu.memory_space<vmem>>
      %dma_wait3A_399 = arith.constant 0 : i32
      %dma_wait3A_400 = tpu.memref_slice %arg8[%add3A_393, %dma_wait3A_399] : memref<40x128xi32, #tpu.memory_space<vmem>> -> memref<1x128xi32, #tpu.memory_space<vmem>>
      %dma_wait3A_401 = tpu.memref_squeeze %dma_wait3A_400 : memref<1x128xi32, #tpu.memory_space<vmem>> -> memref<128xi32, #tpu.memory_space<vmem>>
      %dma_wait3A_402 = arith.constant 0 : i32
      %dma_wait3A_403 = arith.constant 0 : i32
      %dma_wait3A_404 = tpu.memref_slice %arg11[%dma_wait3A_402, %dma_wait3A_403] : memref<10240x64xf32, #tpu.memory_space<vmem_shared>> -> memref<10240x64xf32, #tpu.memory_space<vmem_shared>>
      tpu.wait_indirect_dma semaphore(%arg14 : memref<!tpu.dma_semaphore, #tpu.memory_space<semaphore_mem>>) src(%dma_wait3A_404 : memref<10240x64xf32, #tpu.memory_space<vmem_shared>>) dst(%dma_wait3A_398 : memref<128x64xf32, #tpu.memory_space<vmem>>)
      %dma_start3A_405 = arith.constant 1 : i32
      %dma_start3A_406 = arith.constant 0 : i32
      %dma_start3A_407 = arith.constant 0 : i32
      %dma_start3A_408 = tpu.memref_slice %arg10[%dma_start3A_405, %dma_start3A_406, %dma_start3A_407] : memref<2x128x64xf32, #tpu.memory_space<vmem>> -> memref<1x128x64xf32, #tpu.memory_space<vmem>>
      %dma_start3A_409 = tpu.memref_squeeze %dma_start3A_408 : memref<1x128x64xf32, #tpu.memory_space<vmem>> -> memref<128x64xf32, #tpu.memory_space<vmem>>
      %dma_start3A_410 = arith.constant 0 : i32
      %dma_start3A_411 = tpu.memref_slice %arg9[%add3A_393, %dma_start3A_410] : memref<40x128xi32, #tpu.memory_space<vmem>> -> memref<1x128xi32, #tpu.memory_space<vmem>>
      %dma_start3A_412 = tpu.memref_squeeze %dma_start3A_411 : memref<1x128xi32, #tpu.memory_space<vmem>> -> memref<128xi32, #tpu.memory_space<vmem>>
      %dma_start3A_413 = arith.constant 0 : i32
      %dma_start3A_414 = arith.constant 0 : i32
      %dma_start3A_415 = tpu.memref_slice %arg12[%dma_start3A_413, %dma_start3A_414] : memref<10240x64xf32, #tpu.memory_space<vmem_shared>> -> memref<10240x64xf32, #tpu.memory_space<vmem_shared>>
      tpu.enqueue_indirect_dma source(%dma_start3A_409 : memref<128x64xf32, #tpu.memory_space<vmem>>) target(%dma_start3A_415 : memref<10240x64xf32, #tpu.memory_space<vmem_shared>>) offsets(%dma_start3A_412 : memref<128xi32, #tpu.memory_space<vmem>>) semaphore(%arg16 : memref<!tpu.dma_semaphore, #tpu.memory_space<semaphore_mem>>) {add = true}
      %dma_wait3A_416 = arith.constant 0 : i32
      %dma_wait3A_417 = arith.constant 0 : i32
      %dma_wait3A_418 = arith.constant 0 : i32
      %dma_wait3A_419 = tpu.memref_slice %arg10[%dma_wait3A_416, %dma_wait3A_417, %dma_wait3A_418] : memref<2x128x64xf32, #tpu.memory_space<vmem>> -> memref<1x128x64xf32, #tpu.memory_space<vmem>>
      %dma_wait3A_420 = tpu.memref_squeeze %dma_wait3A_419 : memref<1x128x64xf32, #tpu.memory_space<vmem>> -> memref<128x64xf32, #tpu.memory_space<vmem>>
      %dma_wait3A_421 = arith.constant 0 : i32
      %dma_wait3A_422 = tpu.memref_slice %arg9[%add3A_369, %dma_wait3A_421] : memref<40x128xi32, #tpu.memory_space<vmem>> -> memref<1x128xi32, #tpu.memory_space<vmem>>
      %dma_wait3A_423 = tpu.memref_squeeze %dma_wait3A_422 : memref<1x128xi32, #tpu.memory_space<vmem>> -> memref<128xi32, #tpu.memory_space<vmem>>
      %dma_wait3A_424 = arith.constant 0 : i32
      %dma_wait3A_425 = arith.constant 0 : i32
      %dma_wait3A_426 = tpu.memref_slice %arg12[%dma_wait3A_424, %dma_wait3A_425] : memref<10240x64xf32, #tpu.memory_space<vmem_shared>> -> memref<10240x64xf32, #tpu.memory_space<vmem_shared>>
      tpu.wait_indirect_dma semaphore(%arg15 : memref<!tpu.dma_semaphore, #tpu.memory_space<semaphore_mem>>) src(%dma_wait3A_420 : memref<128x64xf32, #tpu.memory_space<vmem>>) dst(%dma_wait3A_426 : memref<10240x64xf32, #tpu.memory_space<vmem_shared>>)
      %lt3A = arith.constant 19 : i32
      %lt3A_427 = arith.cmpi slt, %scan3A_365, %lt3A : i32
      %convert_element_type3A_428 = arith.extui %lt3A_427 : i1 to i32
      %cond3A_429 = arith.constant 0 : i32
      %cond3A_430 = arith.cmpi ne, %convert_element_type3A_428, %cond3A_429 : i32
      scf.if %cond3A_430 {
        %add3A_447 = arith.constant 0 : i32
        %add3A_448 = arith.addi %mul3A_367, %add3A_447 : i32
        %add3A_449 = arith.constant 2 : i32
        %add3A_450 = arith.addi %add3A_448, %add3A_449 : i32
        %dma_start3A_451 = arith.constant 0 : i32
        %dma_start3A_452 = arith.constant 0 : i32
        %dma_start3A_453 = arith.constant 0 : i32
        %dma_start3A_454 = tpu.memref_slice %arg10[%dma_start3A_451, %dma_start3A_452, %dma_start3A_453] : memref<2x128x64xf32, #tpu.memory_space<vmem>> -> memref<1x128x64xf32, #tpu.memory_space<vmem>>
        %dma_start3A_455 = tpu.memref_squeeze %dma_start3A_454 : memref<1x128x64xf32, #tpu.memory_space<vmem>> -> memref<128x64xf32, #tpu.memory_space<vmem>>
        %dma_start3A_456 = arith.constant 0 : i32
        %dma_start3A_457 = tpu.memref_slice %arg8[%add3A_450, %dma_start3A_456] : memref<40x128xi32, #tpu.memory_space<vmem>> -> memref<1x128xi32, #tpu.memory_space<vmem>>
        %dma_start3A_458 = tpu.memref_squeeze %dma_start3A_457 : memref<1x128xi32, #tpu.memory_space<vmem>> -> memref<128xi32, #tpu.memory_space<vmem>>
        %dma_start3A_459 = arith.constant 0 : i32
        %dma_start3A_460 = arith.constant 0 : i32
        %dma_start3A_461 = tpu.memref_slice %arg11[%dma_start3A_459, %dma_start3A_460] : memref<10240x64xf32, #tpu.memory_space<vmem_shared>> -> memref<10240x64xf32, #tpu.memory_space<vmem_shared>>
        tpu.enqueue_indirect_dma source(%dma_start3A_461 : memref<10240x64xf32, #tpu.memory_space<vmem_shared>>) target(%dma_start3A_455 : memref<128x64xf32, #tpu.memory_space<vmem>>) offsets(%dma_start3A_458 : memref<128xi32, #tpu.memory_space<vmem>>) semaphore(%arg13 : memref<!tpu.dma_semaphore, #tpu.memory_space<semaphore_mem>>)
      } else {
      }
      %dma_wait3A_431 = arith.constant 1 : i32
      %dma_wait3A_432 = arith.constant 0 : i32
      %dma_wait3A_433 = arith.constant 0 : i32
      %dma_wait3A_434 = tpu.memref_slice %arg10[%dma_wait3A_431, %dma_wait3A_432, %dma_wait3A_433] : memref<2x128x64xf32, #tpu.memory_space<vmem>> -> memref<1x128x64xf32, #tpu.memory_space<vmem>>
      %dma_wait3A_435 = tpu.memref_squeeze %dma_wait3A_434 : memref<1x128x64xf32, #tpu.memory_space<vmem>> -> memref<128x64xf32, #tpu.memory_space<vmem>>
      %dma_wait3A_436 = arith.constant 0 : i32
      %dma_wait3A_437 = tpu.memref_slice %arg9[%add3A_393, %dma_wait3A_436] : memref<40x128xi32, #tpu.memory_space<vmem>> -> memref<1x128xi32, #tpu.memory_space<vmem>>
      %dma_wait3A_438 = tpu.memref_squeeze %dma_wait3A_437 : memref<1x128xi32, #tpu.memory_space<vmem>> -> memref<128xi32, #tpu.memory_space<vmem>>
      %dma_wait3A_439 = arith.constant 0 : i32
      %dma_wait3A_440 = arith.constant 0 : i32
      %dma_wait3A_441 = tpu.memref_slice %arg12[%dma_wait3A_439, %dma_wait3A_440] : memref<10240x64xf32, #tpu.memory_space<vmem_shared>> -> memref<10240x64xf32, #tpu.memory_space<vmem_shared>>
      tpu.wait_indirect_dma semaphore(%arg16 : memref<!tpu.dma_semaphore, #tpu.memory_space<semaphore_mem>>) src(%dma_wait3A_435 : memref<128x64xf32, #tpu.memory_space<vmem>>) dst(%dma_wait3A_441 : memref<10240x64xf32, #tpu.memory_space<vmem_shared>>)
      %lt3A_442 = arith.constant 19 : i32
      %lt3A_443 = arith.cmpi slt, %scan3A_365, %lt3A_442 : i32
      %convert_element_type3A_444 = arith.extui %lt3A_443 : i1 to i32
      %cond3A_445 = arith.constant 0 : i32
      %cond3A_446 = arith.cmpi ne, %convert_element_type3A_444, %cond3A_445 : i32
      scf.if %cond3A_446 {
        %add3A_447 = arith.constant 1 : i32
        %add3A_448 = arith.addi %mul3A_367, %add3A_447 : i32
        %add3A_449 = arith.constant 2 : i32
        %add3A_450 = arith.addi %add3A_448, %add3A_449 : i32
        %dma_start3A_451 = arith.constant 1 : i32
        %dma_start3A_452 = arith.constant 0 : i32
        %dma_start3A_453 = arith.constant 0 : i32
        %dma_start3A_454 = tpu.memref_slice %arg10[%dma_start3A_451, %dma_start3A_452, %dma_start3A_453] : memref<2x128x64xf32, #tpu.memory_space<vmem>> -> memref<1x128x64xf32, #tpu.memory_space<vmem>>
        %dma_start3A_455 = tpu.memref_squeeze %dma_start3A_454 : memref<1x128x64xf32, #tpu.memory_space<vmem>> -> memref<128x64xf32, #tpu.memory_space<vmem>>
        %dma_start3A_456 = arith.constant 0 : i32
        %dma_start3A_457 = tpu.memref_slice %arg8[%add3A_450, %dma_start3A_456] : memref<40x128xi32, #tpu.memory_space<vmem>> -> memref<1x128xi32, #tpu.memory_space<vmem>>
        %dma_start3A_458 = tpu.memref_squeeze %dma_start3A_457 : memref<1x128xi32, #tpu.memory_space<vmem>> -> memref<128xi32, #tpu.memory_space<vmem>>
        %dma_start3A_459 = arith.constant 0 : i32
        %dma_start3A_460 = arith.constant 0 : i32
        %dma_start3A_461 = tpu.memref_slice %arg11[%dma_start3A_459, %dma_start3A_460] : memref<10240x64xf32, #tpu.memory_space<vmem_shared>> -> memref<10240x64xf32, #tpu.memory_space<vmem_shared>>
        tpu.enqueue_indirect_dma source(%dma_start3A_461 : memref<10240x64xf32, #tpu.memory_space<vmem_shared>>) target(%dma_start3A_455 : memref<128x64xf32, #tpu.memory_space<vmem>>) offsets(%dma_start3A_458 : memref<128xi32, #tpu.memory_space<vmem>>) semaphore(%arg14 : memref<!tpu.dma_semaphore, #tpu.memory_space<semaphore_mem>>)
      } else {
      }
    }
    %scan3A_38 = arith.constant 20 : i32
    %mul3A_39 = arith.constant 160 : i32
    %mul3A_40 = arith.muli %arg1, %mul3A_39 : i32
    %add3A_41 = arith.constant 40 : i32
    %add3A_42 = arith.addi %mul3A_40, %add3A_41 : i32
    "tpu.region"() ({
      %run_scoped3A_365 = tpu.sem_alloc : memref<!tpu.dma_semaphore, #tpu.memory_space<semaphore_mem>>
      %dma_start3A_366 = arith.constant 0 : i32
      %dma_start3A_367 = tpu.memref_slice %arg4[%add3A_42, %dma_start3A_366] : memref<2560x128xi32, #tpu.memory_space<hbm>> -> memref<40x128xi32, #tpu.memory_space<hbm>>
      %dma_start3A_368 = arith.constant 0 : i32
      %dma_start3A_369 = tpu.memref_slice %arg4[%add3A_42, %dma_start3A_368] : memref<2560x128xi32, #tpu.memory_space<hbm>> -> memref<40x128xi32, #tpu.memory_space<hbm>>
      tpu.enqueue_dma source(%dma_start3A_369 : memref<40x128xi32, #tpu.memory_space<hbm>>) target(%arg8 : memref<40x128xi32, #tpu.memory_space<vmem>>) target_semaphore(%run_scoped3A_365 : memref<!tpu.dma_semaphore, #tpu.memory_space<semaphore_mem>>)
      %dma_wait3A_370 = arith.constant 0 : i32
      %dma_wait3A_371 = tpu.memref_slice %arg4[%add3A_42, %dma_wait3A_370] : memref<2560x128xi32, #tpu.memory_space<hbm>> -> memref<40x128xi32, #tpu.memory_space<hbm>>
      %dma_wait3A_372 = arith.constant 0 : i32
      %dma_wait3A_373 = tpu.memref_slice %arg4[%add3A_42, %dma_wait3A_372] : memref<2560x128xi32, #tpu.memory_space<hbm>> -> memref<40x128xi32, #tpu.memory_space<hbm>>
      tpu.wait_dma2 semaphore(%run_scoped3A_365 : memref<!tpu.dma_semaphore, #tpu.memory_space<semaphore_mem>>) src(%dma_wait3A_373 : memref<40x128xi32, #tpu.memory_space<hbm>>) dst(%arg8 : memref<40x128xi32, #tpu.memory_space<vmem>>)
      tpu.yield
    }) : () -> ()
    "tpu.region"() ({
      %run_scoped3A_365 = tpu.sem_alloc : memref<!tpu.dma_semaphore, #tpu.memory_space<semaphore_mem>>
      %dma_start3A_366 = arith.constant 0 : i32
      %dma_start3A_367 = tpu.memref_slice %arg5[%add3A_42, %dma_start3A_366] : memref<2560x128xi32, #tpu.memory_space<hbm>> -> memref<40x128xi32, #tpu.memory_space<hbm>>
      %dma_start3A_368 = arith.constant 0 : i32
      %dma_start3A_369 = tpu.memref_slice %arg5[%add3A_42, %dma_start3A_368] : memref<2560x128xi32, #tpu.memory_space<hbm>> -> memref<40x128xi32, #tpu.memory_space<hbm>>
      tpu.enqueue_dma source(%dma_start3A_369 : memref<40x128xi32, #tpu.memory_space<hbm>>) target(%arg9 : memref<40x128xi32, #tpu.memory_space<vmem>>) target_semaphore(%run_scoped3A_365 : memref<!tpu.dma_semaphore, #tpu.memory_space<semaphore_mem>>)
      %dma_wait3A_370 = arith.constant 0 : i32
      %dma_wait3A_371 = tpu.memref_slice %arg5[%add3A_42, %dma_wait3A_370] : memref<2560x128xi32, #tpu.memory_space<hbm>> -> memref<40x128xi32, #tpu.memory_space<hbm>>
      %dma_wait3A_372 = arith.constant 0 : i32
      %dma_wait3A_373 = tpu.memref_slice %arg5[%add3A_42, %dma_wait3A_372] : memref<2560x128xi32, #tpu.memory_space<hbm>> -> memref<40x128xi32, #tpu.memory_space<hbm>>
      tpu.wait_dma2 semaphore(%run_scoped3A_365 : memref<!tpu.dma_semaphore, #tpu.memory_space<semaphore_mem>>) src(%dma_wait3A_373 : memref<40x128xi32, #tpu.memory_space<hbm>>) dst(%arg9 : memref<40x128xi32, #tpu.memory_space<vmem>>)
      tpu.yield
    }) : () -> ()
    %dma_start3A_43 = arith.constant 0 : i32
    %dma_start3A_44 = arith.constant 0 : i32
    %dma_start3A_45 = arith.constant 0 : i32
    %dma_start3A_46 = arith.constant 0 : i32
    %dma_start3A_47 = tpu.memref_slice %arg10[%dma_start3A_44, %dma_start3A_45, %dma_start3A_46] : memref<2x128x64xf32, #tpu.memory_space<vmem>> -> memref<1x128x64xf32, #tpu.memory_space<vmem>>
    %dma_start3A_48 = tpu.memref_squeeze %dma_start3A_47 : memref<1x128x64xf32, #tpu.memory_space<vmem>> -> memref<128x64xf32, #tpu.memory_space<vmem>>
    %dma_start3A_49 = arith.constant 0 : i32
    %dma_start3A_50 = tpu.memref_slice %arg8[%dma_start3A_43, %dma_start3A_49] : memref<40x128xi32, #tpu.memory_space<vmem>> -> memref<1x128xi32, #tpu.memory_space<vmem>>
    %dma_start3A_51 = tpu.memref_squeeze %dma_start3A_50 : memref<1x128xi32, #tpu.memory_space<vmem>> -> memref<128xi32, #tpu.memory_space<vmem>>
    %dma_start3A_52 = arith.constant 0 : i32
    %dma_start3A_53 = arith.constant 0 : i32
    %dma_start3A_54 = tpu.memref_slice %arg11[%dma_start3A_52, %dma_start3A_53] : memref<10240x64xf32, #tpu.memory_space<vmem_shared>> -> memref<10240x64xf32, #tpu.memory_space<vmem_shared>>
    tpu.enqueue_indirect_dma source(%dma_start3A_54 : memref<10240x64xf32, #tpu.memory_space<vmem_shared>>) target(%dma_start3A_48 : memref<128x64xf32, #tpu.memory_space<vmem>>) offsets(%dma_start3A_51 : memref<128xi32, #tpu.memory_space<vmem>>) semaphore(%arg13 : memref<!tpu.dma_semaphore, #tpu.memory_space<semaphore_mem>>)
    %dma_start3A_55 = arith.constant 1 : i32
    %dma_start3A_56 = arith.constant 1 : i32
    %dma_start3A_57 = arith.constant 0 : i32
    %dma_start3A_58 = arith.constant 0 : i32
    %dma_start3A_59 = tpu.memref_slice %arg10[%dma_start3A_56, %dma_start3A_57, %dma_start3A_58] : memref<2x128x64xf32, #tpu.memory_space<vmem>> -> memref<1x128x64xf32, #tpu.memory_space<vmem>>
    %dma_start3A_60 = tpu.memref_squeeze %dma_start3A_59 : memref<1x128x64xf32, #tpu.memory_space<vmem>> -> memref<128x64xf32, #tpu.memory_space<vmem>>
    %dma_start3A_61 = arith.constant 0 : i32
    %dma_start3A_62 = tpu.memref_slice %arg8[%dma_start3A_55, %dma_start3A_61] : memref<40x128xi32, #tpu.memory_space<vmem>> -> memref<1x128xi32, #tpu.memory_space<vmem>>
    %dma_start3A_63 = tpu.memref_squeeze %dma_start3A_62 : memref<1x128xi32, #tpu.memory_space<vmem>> -> memref<128xi32, #tpu.memory_space<vmem>>
    %dma_start3A_64 = arith.constant 0 : i32
    %dma_start3A_65 = arith.constant 0 : i32
    %dma_start3A_66 = tpu.memref_slice %arg11[%dma_start3A_64, %dma_start3A_65] : memref<10240x64xf32, #tpu.memory_space<vmem_shared>> -> memref<10240x64xf32, #tpu.memory_space<vmem_shared>>
    tpu.enqueue_indirect_dma source(%dma_start3A_66 : memref<10240x64xf32, #tpu.memory_space<vmem_shared>>) target(%dma_start3A_60 : memref<128x64xf32, #tpu.memory_space<vmem>>) offsets(%dma_start3A_63 : memref<128xi32, #tpu.memory_space<vmem>>) semaphore(%arg14 : memref<!tpu.dma_semaphore, #tpu.memory_space<semaphore_mem>>)
    %scan3A_67 = arith.constant 0 : i32
    %scan3A_68 = arith.constant 0 : i32
    %scan3A_69 = arith.constant 20 : i32
    %scan3A_70 = arith.addi %scan3A_68, %scan3A_69 : i32
    %scan3A_71 = arith.constant 1 : i32
    scf.for %scan3A_365 = %scan3A_68 to %scan3A_70 step %scan3A_71  : i32 {
      %mul3A_366 = arith.constant 2 : i32
      %mul3A_367 = arith.muli %mul3A_366, %scan3A_365 : i32
      %add3A_368 = arith.constant 0 : i32
      %add3A_369 = arith.addi %mul3A_367, %add3A_368 : i32
      %dma_wait3A_370 = arith.constant 0 : i32
      %dma_wait3A_371 = arith.constant 0 : i32
      %dma_wait3A_372 = arith.constant 0 : i32
      %dma_wait3A_373 = tpu.memref_slice %arg10[%dma_wait3A_370, %dma_wait3A_371, %dma_wait3A_372] : memref<2x128x64xf32, #tpu.memory_space<vmem>> -> memref<1x128x64xf32, #tpu.memory_space<vmem>>
      %dma_wait3A_374 = tpu.memref_squeeze %dma_wait3A_373 : memref<1x128x64xf32, #tpu.memory_space<vmem>> -> memref<128x64xf32, #tpu.memory_space<vmem>>
      %dma_wait3A_375 = arith.constant 0 : i32
      %dma_wait3A_376 = tpu.memref_slice %arg8[%add3A_369, %dma_wait3A_375] : memref<40x128xi32, #tpu.memory_space<vmem>> -> memref<1x128xi32, #tpu.memory_space<vmem>>
      %dma_wait3A_377 = tpu.memref_squeeze %dma_wait3A_376 : memref<1x128xi32, #tpu.memory_space<vmem>> -> memref<128xi32, #tpu.memory_space<vmem>>
      %dma_wait3A_378 = arith.constant 0 : i32
      %dma_wait3A_379 = arith.constant 0 : i32
      %dma_wait3A_380 = tpu.memref_slice %arg11[%dma_wait3A_378, %dma_wait3A_379] : memref<10240x64xf32, #tpu.memory_space<vmem_shared>> -> memref<10240x64xf32, #tpu.memory_space<vmem_shared>>
      tpu.wait_indirect_dma semaphore(%arg13 : memref<!tpu.dma_semaphore, #tpu.memory_space<semaphore_mem>>) src(%dma_wait3A_380 : memref<10240x64xf32, #tpu.memory_space<vmem_shared>>) dst(%dma_wait3A_374 : memref<128x64xf32, #tpu.memory_space<vmem>>)
      %dma_start3A_381 = arith.constant 0 : i32
      %dma_start3A_382 = arith.constant 0 : i32
      %dma_start3A_383 = arith.constant 0 : i32
      %dma_start3A_384 = tpu.memref_slice %arg10[%dma_start3A_381, %dma_start3A_382, %dma_start3A_383] : memref<2x128x64xf32, #tpu.memory_space<vmem>> -> memref<1x128x64xf32, #tpu.memory_space<vmem>>
      %dma_start3A_385 = tpu.memref_squeeze %dma_start3A_384 : memref<1x128x64xf32, #tpu.memory_space<vmem>> -> memref<128x64xf32, #tpu.memory_space<vmem>>
      %dma_start3A_386 = arith.constant 0 : i32
      %dma_start3A_387 = tpu.memref_slice %arg9[%add3A_369, %dma_start3A_386] : memref<40x128xi32, #tpu.memory_space<vmem>> -> memref<1x128xi32, #tpu.memory_space<vmem>>
      %dma_start3A_388 = tpu.memref_squeeze %dma_start3A_387 : memref<1x128xi32, #tpu.memory_space<vmem>> -> memref<128xi32, #tpu.memory_space<vmem>>
      %dma_start3A_389 = arith.constant 0 : i32
      %dma_start3A_390 = arith.constant 0 : i32
      %dma_start3A_391 = tpu.memref_slice %arg12[%dma_start3A_389, %dma_start3A_390] : memref<10240x64xf32, #tpu.memory_space<vmem_shared>> -> memref<10240x64xf32, #tpu.memory_space<vmem_shared>>
      tpu.enqueue_indirect_dma source(%dma_start3A_385 : memref<128x64xf32, #tpu.memory_space<vmem>>) target(%dma_start3A_391 : memref<10240x64xf32, #tpu.memory_space<vmem_shared>>) offsets(%dma_start3A_388 : memref<128xi32, #tpu.memory_space<vmem>>) semaphore(%arg15 : memref<!tpu.dma_semaphore, #tpu.memory_space<semaphore_mem>>) {add = true}
      %add3A_392 = arith.constant 1 : i32
      %add3A_393 = arith.addi %mul3A_367, %add3A_392 : i32
      %dma_wait3A_394 = arith.constant 1 : i32
      %dma_wait3A_395 = arith.constant 0 : i32
      %dma_wait3A_396 = arith.constant 0 : i32
      %dma_wait3A_397 = tpu.memref_slice %arg10[%dma_wait3A_394, %dma_wait3A_395, %dma_wait3A_396] : memref<2x128x64xf32, #tpu.memory_space<vmem>> -> memref<1x128x64xf32, #tpu.memory_space<vmem>>
      %dma_wait3A_398 = tpu.memref_squeeze %dma_wait3A_397 : memref<1x128x64xf32, #tpu.memory_space<vmem>> -> memref<128x64xf32, #tpu.memory_space<vmem>>
      %dma_wait3A_399 = arith.constant 0 : i32
      %dma_wait3A_400 = tpu.memref_slice %arg8[%add3A_393, %dma_wait3A_399] : memref<40x128xi32, #tpu.memory_space<vmem>> -> memref<1x128xi32, #tpu.memory_space<vmem>>
      %dma_wait3A_401 = tpu.memref_squeeze %dma_wait3A_400 : memref<1x128xi32, #tpu.memory_space<vmem>> -> memref<128xi32, #tpu.memory_space<vmem>>
      %dma_wait3A_402 = arith.constant 0 : i32
      %dma_wait3A_403 = arith.constant 0 : i32
      %dma_wait3A_404 = tpu.memref_slice %arg11[%dma_wait3A_402, %dma_wait3A_403] : memref<10240x64xf32, #tpu.memory_space<vmem_shared>> -> memref<10240x64xf32, #tpu.memory_space<vmem_shared>>
      tpu.wait_indirect_dma semaphore(%arg14 : memref<!tpu.dma_semaphore, #tpu.memory_space<semaphore_mem>>) src(%dma_wait3A_404 : memref<10240x64xf32, #tpu.memory_space<vmem_shared>>) dst(%dma_wait3A_398 : memref<128x64xf32, #tpu.memory_space<vmem>>)
      %dma_start3A_405 = arith.constant 1 : i32
      %dma_start3A_406 = arith.constant 0 : i32
      %dma_start3A_407 = arith.constant 0 : i32
      %dma_start3A_408 = tpu.memref_slice %arg10[%dma_start3A_405, %dma_start3A_406, %dma_start3A_407] : memref<2x128x64xf32, #tpu.memory_space<vmem>> -> memref<1x128x64xf32, #tpu.memory_space<vmem>>
      %dma_start3A_409 = tpu.memref_squeeze %dma_start3A_408 : memref<1x128x64xf32, #tpu.memory_space<vmem>> -> memref<128x64xf32, #tpu.memory_space<vmem>>
      %dma_start3A_410 = arith.constant 0 : i32
      %dma_start3A_411 = tpu.memref_slice %arg9[%add3A_393, %dma_start3A_410] : memref<40x128xi32, #tpu.memory_space<vmem>> -> memref<1x128xi32, #tpu.memory_space<vmem>>
      %dma_start3A_412 = tpu.memref_squeeze %dma_start3A_411 : memref<1x128xi32, #tpu.memory_space<vmem>> -> memref<128xi32, #tpu.memory_space<vmem>>
      %dma_start3A_413 = arith.constant 0 : i32
      %dma_start3A_414 = arith.constant 0 : i32
      %dma_start3A_415 = tpu.memref_slice %arg12[%dma_start3A_413, %dma_start3A_414] : memref<10240x64xf32, #tpu.memory_space<vmem_shared>> -> memref<10240x64xf32, #tpu.memory_space<vmem_shared>>
      tpu.enqueue_indirect_dma source(%dma_start3A_409 : memref<128x64xf32, #tpu.memory_space<vmem>>) target(%dma_start3A_415 : memref<10240x64xf32, #tpu.memory_space<vmem_shared>>) offsets(%dma_start3A_412 : memref<128xi32, #tpu.memory_space<vmem>>) semaphore(%arg16 : memref<!tpu.dma_semaphore, #tpu.memory_space<semaphore_mem>>) {add = true}
      %dma_wait3A_416 = arith.constant 0 : i32
      %dma_wait3A_417 = arith.constant 0 : i32
      %dma_wait3A_418 = arith.constant 0 : i32
      %dma_wait3A_419 = tpu.memref_slice %arg10[%dma_wait3A_416, %dma_wait3A_417, %dma_wait3A_418] : memref<2x128x64xf32, #tpu.memory_space<vmem>> -> memref<1x128x64xf32, #tpu.memory_space<vmem>>
      %dma_wait3A_420 = tpu.memref_squeeze %dma_wait3A_419 : memref<1x128x64xf32, #tpu.memory_space<vmem>> -> memref<128x64xf32, #tpu.memory_space<vmem>>
      %dma_wait3A_421 = arith.constant 0 : i32
      %dma_wait3A_422 = tpu.memref_slice %arg9[%add3A_369, %dma_wait3A_421] : memref<40x128xi32, #tpu.memory_space<vmem>> -> memref<1x128xi32, #tpu.memory_space<vmem>>
      %dma_wait3A_423 = tpu.memref_squeeze %dma_wait3A_422 : memref<1x128xi32, #tpu.memory_space<vmem>> -> memref<128xi32, #tpu.memory_space<vmem>>
      %dma_wait3A_424 = arith.constant 0 : i32
      %dma_wait3A_425 = arith.constant 0 : i32
      %dma_wait3A_426 = tpu.memref_slice %arg12[%dma_wait3A_424, %dma_wait3A_425] : memref<10240x64xf32, #tpu.memory_space<vmem_shared>> -> memref<10240x64xf32, #tpu.memory_space<vmem_shared>>
      tpu.wait_indirect_dma semaphore(%arg15 : memref<!tpu.dma_semaphore, #tpu.memory_space<semaphore_mem>>) src(%dma_wait3A_420 : memref<128x64xf32, #tpu.memory_space<vmem>>) dst(%dma_wait3A_426 : memref<10240x64xf32, #tpu.memory_space<vmem_shared>>)
      %lt3A = arith.constant 19 : i32
      %lt3A_427 = arith.cmpi slt, %scan3A_365, %lt3A : i32
      %convert_element_type3A_428 = arith.extui %lt3A_427 : i1 to i32
      %cond3A_429 = arith.constant 0 : i32
      %cond3A_430 = arith.cmpi ne, %convert_element_type3A_428, %cond3A_429 : i32
      scf.if %cond3A_430 {
        %add3A_447 = arith.constant 0 : i32
        %add3A_448 = arith.addi %mul3A_367, %add3A_447 : i32
        %add3A_449 = arith.constant 2 : i32
        %add3A_450 = arith.addi %add3A_448, %add3A_449 : i32
        %dma_start3A_451 = arith.constant 0 : i32
        %dma_start3A_452 = arith.constant 0 : i32
        %dma_start3A_453 = arith.constant 0 : i32
        %dma_start3A_454 = tpu.memref_slice %arg10[%dma_start3A_451, %dma_start3A_452, %dma_start3A_453] : memref<2x128x64xf32, #tpu.memory_space<vmem>> -> memref<1x128x64xf32, #tpu.memory_space<vmem>>
        %dma_start3A_455 = tpu.memref_squeeze %dma_start3A_454 : memref<1x128x64xf32, #tpu.memory_space<vmem>> -> memref<128x64xf32, #tpu.memory_space<vmem>>
        %dma_start3A_456 = arith.constant 0 : i32
        %dma_start3A_457 = tpu.memref_slice %arg8[%add3A_450, %dma_start3A_456] : memref<40x128xi32, #tpu.memory_space<vmem>> -> memref<1x128xi32, #tpu.memory_space<vmem>>
        %dma_start3A_458 = tpu.memref_squeeze %dma_start3A_457 : memref<1x128xi32, #tpu.memory_space<vmem>> -> memref<128xi32, #tpu.memory_space<vmem>>
        %dma_start3A_459 = arith.constant 0 : i32
        %dma_start3A_460 = arith.constant 0 : i32
        %dma_start3A_461 = tpu.memref_slice %arg11[%dma_start3A_459, %dma_start3A_460] : memref<10240x64xf32, #tpu.memory_space<vmem_shared>> -> memref<10240x64xf32, #tpu.memory_space<vmem_shared>>
        tpu.enqueue_indirect_dma source(%dma_start3A_461 : memref<10240x64xf32, #tpu.memory_space<vmem_shared>>) target(%dma_start3A_455 : memref<128x64xf32, #tpu.memory_space<vmem>>) offsets(%dma_start3A_458 : memref<128xi32, #tpu.memory_space<vmem>>) semaphore(%arg13 : memref<!tpu.dma_semaphore, #tpu.memory_space<semaphore_mem>>)
      } else {
      }
      %dma_wait3A_431 = arith.constant 1 : i32
      %dma_wait3A_432 = arith.constant 0 : i32
      %dma_wait3A_433 = arith.constant 0 : i32
      %dma_wait3A_434 = tpu.memref_slice %arg10[%dma_wait3A_431, %dma_wait3A_432, %dma_wait3A_433] : memref<2x128x64xf32, #tpu.memory_space<vmem>> -> memref<1x128x64xf32, #tpu.memory_space<vmem>>
      %dma_wait3A_435 = tpu.memref_squeeze %dma_wait3A_434 : memref<1x128x64xf32, #tpu.memory_space<vmem>> -> memref<128x64xf32, #tpu.memory_space<vmem>>
      %dma_wait3A_436 = arith.constant 0 : i32
      %dma_wait3A_437 = tpu.memref_slice %arg9[%add3A_393, %dma_wait3A_436] : memref<40x128xi32, #tpu.memory_space<vmem>> -> memref<1x128xi32, #tpu.memory_space<vmem>>
      %dma_wait3A_438 = tpu.memref_squeeze %dma_wait3A_437 : memref<1x128xi32, #tpu.memory_space<vmem>> -> memref<128xi32, #tpu.memory_space<vmem>>
      %dma_wait3A_439 = arith.constant 0 : i32
      %dma_wait3A_440 = arith.constant 0 : i32
      %dma_wait3A_441 = tpu.memref_slice %arg12[%dma_wait3A_439, %dma_wait3A_440] : memref<10240x64xf32, #tpu.memory_space<vmem_shared>> -> memref<10240x64xf32, #tpu.memory_space<vmem_shared>>
      tpu.wait_indirect_dma semaphore(%arg16 : memref<!tpu.dma_semaphore, #tpu.memory_space<semaphore_mem>>) src(%dma_wait3A_435 : memref<128x64xf32, #tpu.memory_space<vmem>>) dst(%dma_wait3A_441 : memref<10240x64xf32, #tpu.memory_space<vmem_shared>>)
      %lt3A_442 = arith.constant 19 : i32
      %lt3A_443 = arith.cmpi slt, %scan3A_365, %lt3A_442 : i32
      %convert_element_type3A_444 = arith.extui %lt3A_443 : i1 to i32
      %cond3A_445 = arith.constant 0 : i32
      %cond3A_446 = arith.cmpi ne, %convert_element_type3A_444, %cond3A_445 : i32
      scf.if %cond3A_446 {
        %add3A_447 = arith.constant 1 : i32
        %add3A_448 = arith.addi %mul3A_367, %add3A_447 : i32
        %add3A_449 = arith.constant 2 : i32
        %add3A_450 = arith.addi %add3A_448, %add3A_449 : i32
        %dma_start3A_451 = arith.constant 1 : i32
        %dma_start3A_452 = arith.constant 0 : i32
        %dma_start3A_453 = arith.constant 0 : i32
        %dma_start3A_454 = tpu.memref_slice %arg10[%dma_start3A_451, %dma_start3A_452, %dma_start3A_453] : memref<2x128x64xf32, #tpu.memory_space<vmem>> -> memref<1x128x64xf32, #tpu.memory_space<vmem>>
        %dma_start3A_455 = tpu.memref_squeeze %dma_start3A_454 : memref<1x128x64xf32, #tpu.memory_space<vmem>> -> memref<128x64xf32, #tpu.memory_space<vmem>>
        %dma_start3A_456 = arith.constant 0 : i32
        %dma_start3A_457 = tpu.memref_slice %arg8[%add3A_450, %dma_start3A_456] : memref<40x128xi32, #tpu.memory_space<vmem>> -> memref<1x128xi32, #tpu.memory_space<vmem>>
        %dma_start3A_458 = tpu.memref_squeeze %dma_start3A_457 : memref<1x128xi32, #tpu.memory_space<vmem>> -> memref<128xi32, #tpu.memory_space<vmem>>
        %dma_start3A_459 = arith.constant 0 : i32
        %dma_start3A_460 = arith.constant 0 : i32
        %dma_start3A_461 = tpu.memref_slice %arg11[%dma_start3A_459, %dma_start3A_460] : memref<10240x64xf32, #tpu.memory_space<vmem_shared>> -> memref<10240x64xf32, #tpu.memory_space<vmem_shared>>
        tpu.enqueue_indirect_dma source(%dma_start3A_461 : memref<10240x64xf32, #tpu.memory_space<vmem_shared>>) target(%dma_start3A_455 : memref<128x64xf32, #tpu.memory_space<vmem>>) offsets(%dma_start3A_458 : memref<128xi32, #tpu.memory_space<vmem>>) semaphore(%arg14 : memref<!tpu.dma_semaphore, #tpu.memory_space<semaphore_mem>>)
      } else {
      }
    }
    %scan3A_72 = arith.constant 20 : i32
    %mul3A_73 = arith.constant 160 : i32
    %mul3A_74 = arith.muli %arg1, %mul3A_73 : i32
    %add3A_75 = arith.constant 80 : i32
    %add3A_76 = arith.addi %mul3A_74, %add3A_75 : i32
    "tpu.region"() ({
      %run_scoped3A_365 = tpu.sem_alloc : memref<!tpu.dma_semaphore, #tpu.memory_space<semaphore_mem>>
      %dma_start3A_366 = arith.constant 0 : i32
      %dma_start3A_367 = tpu.memref_slice %arg4[%add3A_76, %dma_start3A_366] : memref<2560x128xi32, #tpu.memory_space<hbm>> -> memref<40x128xi32, #tpu.memory_space<hbm>>
      %dma_start3A_368 = arith.constant 0 : i32
      %dma_start3A_369 = tpu.memref_slice %arg4[%add3A_76, %dma_start3A_368] : memref<2560x128xi32, #tpu.memory_space<hbm>> -> memref<40x128xi32, #tpu.memory_space<hbm>>
      tpu.enqueue_dma source(%dma_start3A_369 : memref<40x128xi32, #tpu.memory_space<hbm>>) target(%arg8 : memref<40x128xi32, #tpu.memory_space<vmem>>) target_semaphore(%run_scoped3A_365 : memref<!tpu.dma_semaphore, #tpu.memory_space<semaphore_mem>>)
      %dma_wait3A_370 = arith.constant 0 : i32
      %dma_wait3A_371 = tpu.memref_slice %arg4[%add3A_76, %dma_wait3A_370] : memref<2560x128xi32, #tpu.memory_space<hbm>> -> memref<40x128xi32, #tpu.memory_space<hbm>>
      %dma_wait3A_372 = arith.constant 0 : i32
      %dma_wait3A_373 = tpu.memref_slice %arg4[%add3A_76, %dma_wait3A_372] : memref<2560x128xi32, #tpu.memory_space<hbm>> -> memref<40x128xi32, #tpu.memory_space<hbm>>
      tpu.wait_dma2 semaphore(%run_scoped3A_365 : memref<!tpu.dma_semaphore, #tpu.memory_space<semaphore_mem>>) src(%dma_wait3A_373 : memref<40x128xi32, #tpu.memory_space<hbm>>) dst(%arg8 : memref<40x128xi32, #tpu.memory_space<vmem>>)
      tpu.yield
    }) : () -> ()
    "tpu.region"() ({
      %run_scoped3A_365 = tpu.sem_alloc : memref<!tpu.dma_semaphore, #tpu.memory_space<semaphore_mem>>
      %dma_start3A_366 = arith.constant 0 : i32
      %dma_start3A_367 = tpu.memref_slice %arg5[%add3A_76, %dma_start3A_366] : memref<2560x128xi32, #tpu.memory_space<hbm>> -> memref<40x128xi32, #tpu.memory_space<hbm>>
      %dma_start3A_368 = arith.constant 0 : i32
      %dma_start3A_369 = tpu.memref_slice %arg5[%add3A_76, %dma_start3A_368] : memref<2560x128xi32, #tpu.memory_space<hbm>> -> memref<40x128xi32, #tpu.memory_space<hbm>>
      tpu.enqueue_dma source(%dma_start3A_369 : memref<40x128xi32, #tpu.memory_space<hbm>>) target(%arg9 : memref<40x128xi32, #tpu.memory_space<vmem>>) target_semaphore(%run_scoped3A_365 : memref<!tpu.dma_semaphore, #tpu.memory_space<semaphore_mem>>)
      %dma_wait3A_370 = arith.constant 0 : i32
      %dma_wait3A_371 = tpu.memref_slice %arg5[%add3A_76, %dma_wait3A_370] : memref<2560x128xi32, #tpu.memory_space<hbm>> -> memref<40x128xi32, #tpu.memory_space<hbm>>
      %dma_wait3A_372 = arith.constant 0 : i32
      %dma_wait3A_373 = tpu.memref_slice %arg5[%add3A_76, %dma_wait3A_372] : memref<2560x128xi32, #tpu.memory_space<hbm>> -> memref<40x128xi32, #tpu.memory_space<hbm>>
      tpu.wait_dma2 semaphore(%run_scoped3A_365 : memref<!tpu.dma_semaphore, #tpu.memory_space<semaphore_mem>>) src(%dma_wait3A_373 : memref<40x128xi32, #tpu.memory_space<hbm>>) dst(%arg9 : memref<40x128xi32, #tpu.memory_space<vmem>>)
      tpu.yield
    }) : () -> ()
    %dma_start3A_77 = arith.constant 0 : i32
    %dma_start3A_78 = arith.constant 0 : i32
    %dma_start3A_79 = arith.constant 0 : i32
    %dma_start3A_80 = arith.constant 0 : i32
    %dma_start3A_81 = tpu.memref_slice %arg10[%dma_start3A_78, %dma_start3A_79, %dma_start3A_80] : memref<2x128x64xf32, #tpu.memory_space<vmem>> -> memref<1x128x64xf32, #tpu.memory_space<vmem>>
    %dma_start3A_82 = tpu.memref_squeeze %dma_start3A_81 : memref<1x128x64xf32, #tpu.memory_space<vmem>> -> memref<128x64xf32, #tpu.memory_space<vmem>>
    %dma_start3A_83 = arith.constant 0 : i32
    %dma_start3A_84 = tpu.memref_slice %arg8[%dma_start3A_77, %dma_start3A_83] : memref<40x128xi32, #tpu.memory_space<vmem>> -> memref<1x128xi32, #tpu.memory_space<vmem>>
    %dma_start3A_85 = tpu.memref_squeeze %dma_start3A_84 : memref<1x128xi32, #tpu.memory_space<vmem>> -> memref<128xi32, #tpu.memory_space<vmem>>
    %dma_start3A_86 = arith.constant 0 : i32
    %dma_start3A_87 = arith.constant 0 : i32
    %dma_start3A_88 = tpu.memref_slice %arg11[%dma_start3A_86, %dma_start3A_87] : memref<10240x64xf32, #tpu.memory_space<vmem_shared>> -> memref<10240x64xf32, #tpu.memory_space<vmem_shared>>
    tpu.enqueue_indirect_dma source(%dma_start3A_88 : memref<10240x64xf32, #tpu.memory_space<vmem_shared>>) target(%dma_start3A_82 : memref<128x64xf32, #tpu.memory_space<vmem>>) offsets(%dma_start3A_85 : memref<128xi32, #tpu.memory_space<vmem>>) semaphore(%arg13 : memref<!tpu.dma_semaphore, #tpu.memory_space<semaphore_mem>>)
    %dma_start3A_89 = arith.constant 1 : i32
    %dma_start3A_90 = arith.constant 1 : i32
    %dma_start3A_91 = arith.constant 0 : i32
    %dma_start3A_92 = arith.constant 0 : i32
    %dma_start3A_93 = tpu.memref_slice %arg10[%dma_start3A_90, %dma_start3A_91, %dma_start3A_92] : memref<2x128x64xf32, #tpu.memory_space<vmem>> -> memref<1x128x64xf32, #tpu.memory_space<vmem>>
    %dma_start3A_94 = tpu.memref_squeeze %dma_start3A_93 : memref<1x128x64xf32, #tpu.memory_space<vmem>> -> memref<128x64xf32, #tpu.memory_space<vmem>>
    %dma_start3A_95 = arith.constant 0 : i32
    %dma_start3A_96 = tpu.memref_slice %arg8[%dma_start3A_89, %dma_start3A_95] : memref<40x128xi32, #tpu.memory_space<vmem>> -> memref<1x128xi32, #tpu.memory_space<vmem>>
    %dma_start3A_97 = tpu.memref_squeeze %dma_start3A_96 : memref<1x128xi32, #tpu.memory_space<vmem>> -> memref<128xi32, #tpu.memory_space<vmem>>
    %dma_start3A_98 = arith.constant 0 : i32
    %dma_start3A_99 = arith.constant 0 : i32
    %dma_start3A_100 = tpu.memref_slice %arg11[%dma_start3A_98, %dma_start3A_99] : memref<10240x64xf32, #tpu.memory_space<vmem_shared>> -> memref<10240x64xf32, #tpu.memory_space<vmem_shared>>
    tpu.enqueue_indirect_dma source(%dma_start3A_100 : memref<10240x64xf32, #tpu.memory_space<vmem_shared>>) target(%dma_start3A_94 : memref<128x64xf32, #tpu.memory_space<vmem>>) offsets(%dma_start3A_97 : memref<128xi32, #tpu.memory_space<vmem>>) semaphore(%arg14 : memref<!tpu.dma_semaphore, #tpu.memory_space<semaphore_mem>>)
    %scan3A_101 = arith.constant 0 : i32
    %scan3A_102 = arith.constant 0 : i32
    %scan3A_103 = arith.constant 20 : i32
    %scan3A_104 = arith.addi %scan3A_102, %scan3A_103 : i32
    %scan3A_105 = arith.constant 1 : i32
    scf.for %scan3A_365 = %scan3A_102 to %scan3A_104 step %scan3A_105  : i32 {
      %mul3A_366 = arith.constant 2 : i32
      %mul3A_367 = arith.muli %mul3A_366, %scan3A_365 : i32
      %add3A_368 = arith.constant 0 : i32
      %add3A_369 = arith.addi %mul3A_367, %add3A_368 : i32
      %dma_wait3A_370 = arith.constant 0 : i32
      %dma_wait3A_371 = arith.constant 0 : i32
      %dma_wait3A_372 = arith.constant 0 : i32
      %dma_wait3A_373 = tpu.memref_slice %arg10[%dma_wait3A_370, %dma_wait3A_371, %dma_wait3A_372] : memref<2x128x64xf32, #tpu.memory_space<vmem>> -> memref<1x128x64xf32, #tpu.memory_space<vmem>>
      %dma_wait3A_374 = tpu.memref_squeeze %dma_wait3A_373 : memref<1x128x64xf32, #tpu.memory_space<vmem>> -> memref<128x64xf32, #tpu.memory_space<vmem>>
      %dma_wait3A_375 = arith.constant 0 : i32
      %dma_wait3A_376 = tpu.memref_slice %arg8[%add3A_369, %dma_wait3A_375] : memref<40x128xi32, #tpu.memory_space<vmem>> -> memref<1x128xi32, #tpu.memory_space<vmem>>
      %dma_wait3A_377 = tpu.memref_squeeze %dma_wait3A_376 : memref<1x128xi32, #tpu.memory_space<vmem>> -> memref<128xi32, #tpu.memory_space<vmem>>
      %dma_wait3A_378 = arith.constant 0 : i32
      %dma_wait3A_379 = arith.constant 0 : i32
      %dma_wait3A_380 = tpu.memref_slice %arg11[%dma_wait3A_378, %dma_wait3A_379] : memref<10240x64xf32, #tpu.memory_space<vmem_shared>> -> memref<10240x64xf32, #tpu.memory_space<vmem_shared>>
      tpu.wait_indirect_dma semaphore(%arg13 : memref<!tpu.dma_semaphore, #tpu.memory_space<semaphore_mem>>) src(%dma_wait3A_380 : memref<10240x64xf32, #tpu.memory_space<vmem_shared>>) dst(%dma_wait3A_374 : memref<128x64xf32, #tpu.memory_space<vmem>>)
      %dma_start3A_381 = arith.constant 0 : i32
      %dma_start3A_382 = arith.constant 0 : i32
      %dma_start3A_383 = arith.constant 0 : i32
      %dma_start3A_384 = tpu.memref_slice %arg10[%dma_start3A_381, %dma_start3A_382, %dma_start3A_383] : memref<2x128x64xf32, #tpu.memory_space<vmem>> -> memref<1x128x64xf32, #tpu.memory_space<vmem>>
      %dma_start3A_385 = tpu.memref_squeeze %dma_start3A_384 : memref<1x128x64xf32, #tpu.memory_space<vmem>> -> memref<128x64xf32, #tpu.memory_space<vmem>>
      %dma_start3A_386 = arith.constant 0 : i32
      %dma_start3A_387 = tpu.memref_slice %arg9[%add3A_369, %dma_start3A_386] : memref<40x128xi32, #tpu.memory_space<vmem>> -> memref<1x128xi32, #tpu.memory_space<vmem>>
      %dma_start3A_388 = tpu.memref_squeeze %dma_start3A_387 : memref<1x128xi32, #tpu.memory_space<vmem>> -> memref<128xi32, #tpu.memory_space<vmem>>
      %dma_start3A_389 = arith.constant 0 : i32
      %dma_start3A_390 = arith.constant 0 : i32
      %dma_start3A_391 = tpu.memref_slice %arg12[%dma_start3A_389, %dma_start3A_390] : memref<10240x64xf32, #tpu.memory_space<vmem_shared>> -> memref<10240x64xf32, #tpu.memory_space<vmem_shared>>
      tpu.enqueue_indirect_dma source(%dma_start3A_385 : memref<128x64xf32, #tpu.memory_space<vmem>>) target(%dma_start3A_391 : memref<10240x64xf32, #tpu.memory_space<vmem_shared>>) offsets(%dma_start3A_388 : memref<128xi32, #tpu.memory_space<vmem>>) semaphore(%arg15 : memref<!tpu.dma_semaphore, #tpu.memory_space<semaphore_mem>>) {add = true}
      %add3A_392 = arith.constant 1 : i32
      %add3A_393 = arith.addi %mul3A_367, %add3A_392 : i32
      %dma_wait3A_394 = arith.constant 1 : i32
      %dma_wait3A_395 = arith.constant 0 : i32
      %dma_wait3A_396 = arith.constant 0 : i32
      %dma_wait3A_397 = tpu.memref_slice %arg10[%dma_wait3A_394, %dma_wait3A_395, %dma_wait3A_396] : memref<2x128x64xf32, #tpu.memory_space<vmem>> -> memref<1x128x64xf32, #tpu.memory_space<vmem>>
      %dma_wait3A_398 = tpu.memref_squeeze %dma_wait3A_397 : memref<1x128x64xf32, #tpu.memory_space<vmem>> -> memref<128x64xf32, #tpu.memory_space<vmem>>
      %dma_wait3A_399 = arith.constant 0 : i32
      %dma_wait3A_400 = tpu.memref_slice %arg8[%add3A_393, %dma_wait3A_399] : memref<40x128xi32, #tpu.memory_space<vmem>> -> memref<1x128xi32, #tpu.memory_space<vmem>>
      %dma_wait3A_401 = tpu.memref_squeeze %dma_wait3A_400 : memref<1x128xi32, #tpu.memory_space<vmem>> -> memref<128xi32, #tpu.memory_space<vmem>>
      %dma_wait3A_402 = arith.constant 0 : i32
      %dma_wait3A_403 = arith.constant 0 : i32
      %dma_wait3A_404 = tpu.memref_slice %arg11[%dma_wait3A_402, %dma_wait3A_403] : memref<10240x64xf32, #tpu.memory_space<vmem_shared>> -> memref<10240x64xf32, #tpu.memory_space<vmem_shared>>
      tpu.wait_indirect_dma semaphore(%arg14 : memref<!tpu.dma_semaphore, #tpu.memory_space<semaphore_mem>>) src(%dma_wait3A_404 : memref<10240x64xf32, #tpu.memory_space<vmem_shared>>) dst(%dma_wait3A_398 : memref<128x64xf32, #tpu.memory_space<vmem>>)
      %dma_start3A_405 = arith.constant 1 : i32
      %dma_start3A_406 = arith.constant 0 : i32
      %dma_start3A_407 = arith.constant 0 : i32
      %dma_start3A_408 = tpu.memref_slice %arg10[%dma_start3A_405, %dma_start3A_406, %dma_start3A_407] : memref<2x128x64xf32, #tpu.memory_space<vmem>> -> memref<1x128x64xf32, #tpu.memory_space<vmem>>
      %dma_start3A_409 = tpu.memref_squeeze %dma_start3A_408 : memref<1x128x64xf32, #tpu.memory_space<vmem>> -> memref<128x64xf32, #tpu.memory_space<vmem>>
      %dma_start3A_410 = arith.constant 0 : i32
      %dma_start3A_411 = tpu.memref_slice %arg9[%add3A_393, %dma_start3A_410] : memref<40x128xi32, #tpu.memory_space<vmem>> -> memref<1x128xi32, #tpu.memory_space<vmem>>
      %dma_start3A_412 = tpu.memref_squeeze %dma_start3A_411 : memref<1x128xi32, #tpu.memory_space<vmem>> -> memref<128xi32, #tpu.memory_space<vmem>>
      %dma_start3A_413 = arith.constant 0 : i32
      %dma_start3A_414 = arith.constant 0 : i32
      %dma_start3A_415 = tpu.memref_slice %arg12[%dma_start3A_413, %dma_start3A_414] : memref<10240x64xf32, #tpu.memory_space<vmem_shared>> -> memref<10240x64xf32, #tpu.memory_space<vmem_shared>>
      tpu.enqueue_indirect_dma source(%dma_start3A_409 : memref<128x64xf32, #tpu.memory_space<vmem>>) target(%dma_start3A_415 : memref<10240x64xf32, #tpu.memory_space<vmem_shared>>) offsets(%dma_start3A_412 : memref<128xi32, #tpu.memory_space<vmem>>) semaphore(%arg16 : memref<!tpu.dma_semaphore, #tpu.memory_space<semaphore_mem>>) {add = true}
      %dma_wait3A_416 = arith.constant 0 : i32
      %dma_wait3A_417 = arith.constant 0 : i32
      %dma_wait3A_418 = arith.constant 0 : i32
      %dma_wait3A_419 = tpu.memref_slice %arg10[%dma_wait3A_416, %dma_wait3A_417, %dma_wait3A_418] : memref<2x128x64xf32, #tpu.memory_space<vmem>> -> memref<1x128x64xf32, #tpu.memory_space<vmem>>
      %dma_wait3A_420 = tpu.memref_squeeze %dma_wait3A_419 : memref<1x128x64xf32, #tpu.memory_space<vmem>> -> memref<128x64xf32, #tpu.memory_space<vmem>>
      %dma_wait3A_421 = arith.constant 0 : i32
      %dma_wait3A_422 = tpu.memref_slice %arg9[%add3A_369, %dma_wait3A_421] : memref<40x128xi32, #tpu.memory_space<vmem>> -> memref<1x128xi32, #tpu.memory_space<vmem>>
      %dma_wait3A_423 = tpu.memref_squeeze %dma_wait3A_422 : memref<1x128xi32, #tpu.memory_space<vmem>> -> memref<128xi32, #tpu.memory_space<vmem>>
      %dma_wait3A_424 = arith.constant 0 : i32
      %dma_wait3A_425 = arith.constant 0 : i32
      %dma_wait3A_426 = tpu.memref_slice %arg12[%dma_wait3A_424, %dma_wait3A_425] : memref<10240x64xf32, #tpu.memory_space<vmem_shared>> -> memref<10240x64xf32, #tpu.memory_space<vmem_shared>>
      tpu.wait_indirect_dma semaphore(%arg15 : memref<!tpu.dma_semaphore, #tpu.memory_space<semaphore_mem>>) src(%dma_wait3A_420 : memref<128x64xf32, #tpu.memory_space<vmem>>) dst(%dma_wait3A_426 : memref<10240x64xf32, #tpu.memory_space<vmem_shared>>)
      %lt3A = arith.constant 19 : i32
      %lt3A_427 = arith.cmpi slt, %scan3A_365, %lt3A : i32
      %convert_element_type3A_428 = arith.extui %lt3A_427 : i1 to i32
      %cond3A_429 = arith.constant 0 : i32
      %cond3A_430 = arith.cmpi ne, %convert_element_type3A_428, %cond3A_429 : i32
      scf.if %cond3A_430 {
        %add3A_447 = arith.constant 0 : i32
        %add3A_448 = arith.addi %mul3A_367, %add3A_447 : i32
        %add3A_449 = arith.constant 2 : i32
        %add3A_450 = arith.addi %add3A_448, %add3A_449 : i32
        %dma_start3A_451 = arith.constant 0 : i32
        %dma_start3A_452 = arith.constant 0 : i32
        %dma_start3A_453 = arith.constant 0 : i32
        %dma_start3A_454 = tpu.memref_slice %arg10[%dma_start3A_451, %dma_start3A_452, %dma_start3A_453] : memref<2x128x64xf32, #tpu.memory_space<vmem>> -> memref<1x128x64xf32, #tpu.memory_space<vmem>>
        %dma_start3A_455 = tpu.memref_squeeze %dma_start3A_454 : memref<1x128x64xf32, #tpu.memory_space<vmem>> -> memref<128x64xf32, #tpu.memory_space<vmem>>
        %dma_start3A_456 = arith.constant 0 : i32
        %dma_start3A_457 = tpu.memref_slice %arg8[%add3A_450, %dma_start3A_456] : memref<40x128xi32, #tpu.memory_space<vmem>> -> memref<1x128xi32, #tpu.memory_space<vmem>>
        %dma_start3A_458 = tpu.memref_squeeze %dma_start3A_457 : memref<1x128xi32, #tpu.memory_space<vmem>> -> memref<128xi32, #tpu.memory_space<vmem>>
        %dma_start3A_459 = arith.constant 0 : i32
        %dma_start3A_460 = arith.constant 0 : i32
        %dma_start3A_461 = tpu.memref_slice %arg11[%dma_start3A_459, %dma_start3A_460] : memref<10240x64xf32, #tpu.memory_space<vmem_shared>> -> memref<10240x64xf32, #tpu.memory_space<vmem_shared>>
        tpu.enqueue_indirect_dma source(%dma_start3A_461 : memref<10240x64xf32, #tpu.memory_space<vmem_shared>>) target(%dma_start3A_455 : memref<128x64xf32, #tpu.memory_space<vmem>>) offsets(%dma_start3A_458 : memref<128xi32, #tpu.memory_space<vmem>>) semaphore(%arg13 : memref<!tpu.dma_semaphore, #tpu.memory_space<semaphore_mem>>)
      } else {
      }
      %dma_wait3A_431 = arith.constant 1 : i32
      %dma_wait3A_432 = arith.constant 0 : i32
      %dma_wait3A_433 = arith.constant 0 : i32
      %dma_wait3A_434 = tpu.memref_slice %arg10[%dma_wait3A_431, %dma_wait3A_432, %dma_wait3A_433] : memref<2x128x64xf32, #tpu.memory_space<vmem>> -> memref<1x128x64xf32, #tpu.memory_space<vmem>>
      %dma_wait3A_435 = tpu.memref_squeeze %dma_wait3A_434 : memref<1x128x64xf32, #tpu.memory_space<vmem>> -> memref<128x64xf32, #tpu.memory_space<vmem>>
      %dma_wait3A_436 = arith.constant 0 : i32
      %dma_wait3A_437 = tpu.memref_slice %arg9[%add3A_393, %dma_wait3A_436] : memref<40x128xi32, #tpu.memory_space<vmem>> -> memref<1x128xi32, #tpu.memory_space<vmem>>
      %dma_wait3A_438 = tpu.memref_squeeze %dma_wait3A_437 : memref<1x128xi32, #tpu.memory_space<vmem>> -> memref<128xi32, #tpu.memory_space<vmem>>
      %dma_wait3A_439 = arith.constant 0 : i32
      %dma_wait3A_440 = arith.constant 0 : i32
      %dma_wait3A_441 = tpu.memref_slice %arg12[%dma_wait3A_439, %dma_wait3A_440] : memref<10240x64xf32, #tpu.memory_space<vmem_shared>> -> memref<10240x64xf32, #tpu.memory_space<vmem_shared>>
      tpu.wait_indirect_dma semaphore(%arg16 : memref<!tpu.dma_semaphore, #tpu.memory_space<semaphore_mem>>) src(%dma_wait3A_435 : memref<128x64xf32, #tpu.memory_space<vmem>>) dst(%dma_wait3A_441 : memref<10240x64xf32, #tpu.memory_space<vmem_shared>>)
      %lt3A_442 = arith.constant 19 : i32
      %lt3A_443 = arith.cmpi slt, %scan3A_365, %lt3A_442 : i32
      %convert_element_type3A_444 = arith.extui %lt3A_443 : i1 to i32
      %cond3A_445 = arith.constant 0 : i32
      %cond3A_446 = arith.cmpi ne, %convert_element_type3A_444, %cond3A_445 : i32
      scf.if %cond3A_446 {
        %add3A_447 = arith.constant 1 : i32
        %add3A_448 = arith.addi %mul3A_367, %add3A_447 : i32
        %add3A_449 = arith.constant 2 : i32
        %add3A_450 = arith.addi %add3A_448, %add3A_449 : i32
        %dma_start3A_451 = arith.constant 1 : i32
        %dma_start3A_452 = arith.constant 0 : i32
        %dma_start3A_453 = arith.constant 0 : i32
        %dma_start3A_454 = tpu.memref_slice %arg10[%dma_start3A_451, %dma_start3A_452, %dma_start3A_453] : memref<2x128x64xf32, #tpu.memory_space<vmem>> -> memref<1x128x64xf32, #tpu.memory_space<vmem>>
        %dma_start3A_455 = tpu.memref_squeeze %dma_start3A_454 : memref<1x128x64xf32, #tpu.memory_space<vmem>> -> memref<128x64xf32, #tpu.memory_space<vmem>>
        %dma_start3A_456 = arith.constant 0 : i32
        %dma_start3A_457 = tpu.memref_slice %arg8[%add3A_450, %dma_start3A_456] : memref<40x128xi32, #tpu.memory_space<vmem>> -> memref<1x128xi32, #tpu.memory_space<vmem>>
        %dma_start3A_458 = tpu.memref_squeeze %dma_start3A_457 : memref<1x128xi32, #tpu.memory_space<vmem>> -> memref<128xi32, #tpu.memory_space<vmem>>
        %dma_start3A_459 = arith.constant 0 : i32
        %dma_start3A_460 = arith.constant 0 : i32
        %dma_start3A_461 = tpu.memref_slice %arg11[%dma_start3A_459, %dma_start3A_460] : memref<10240x64xf32, #tpu.memory_space<vmem_shared>> -> memref<10240x64xf32, #tpu.memory_space<vmem_shared>>
        tpu.enqueue_indirect_dma source(%dma_start3A_461 : memref<10240x64xf32, #tpu.memory_space<vmem_shared>>) target(%dma_start3A_455 : memref<128x64xf32, #tpu.memory_space<vmem>>) offsets(%dma_start3A_458 : memref<128xi32, #tpu.memory_space<vmem>>) semaphore(%arg14 : memref<!tpu.dma_semaphore, #tpu.memory_space<semaphore_mem>>)
      } else {
      }
    }
    %scan3A_106 = arith.constant 20 : i32
    %mul3A_107 = arith.constant 160 : i32
    %mul3A_108 = arith.muli %arg1, %mul3A_107 : i32
    %add3A_109 = arith.constant 120 : i32
    %add3A_110 = arith.addi %mul3A_108, %add3A_109 : i32
    "tpu.region"() ({
      %run_scoped3A_365 = tpu.sem_alloc : memref<!tpu.dma_semaphore, #tpu.memory_space<semaphore_mem>>
      %dma_start3A_366 = arith.constant 0 : i32
      %dma_start3A_367 = tpu.memref_slice %arg4[%add3A_110, %dma_start3A_366] : memref<2560x128xi32, #tpu.memory_space<hbm>> -> memref<40x128xi32, #tpu.memory_space<hbm>>
      %dma_start3A_368 = arith.constant 0 : i32
      %dma_start3A_369 = tpu.memref_slice %arg4[%add3A_110, %dma_start3A_368] : memref<2560x128xi32, #tpu.memory_space<hbm>> -> memref<40x128xi32, #tpu.memory_space<hbm>>
      tpu.enqueue_dma source(%dma_start3A_369 : memref<40x128xi32, #tpu.memory_space<hbm>>) target(%arg8 : memref<40x128xi32, #tpu.memory_space<vmem>>) target_semaphore(%run_scoped3A_365 : memref<!tpu.dma_semaphore, #tpu.memory_space<semaphore_mem>>)
      %dma_wait3A_370 = arith.constant 0 : i32
      %dma_wait3A_371 = tpu.memref_slice %arg4[%add3A_110, %dma_wait3A_370] : memref<2560x128xi32, #tpu.memory_space<hbm>> -> memref<40x128xi32, #tpu.memory_space<hbm>>
      %dma_wait3A_372 = arith.constant 0 : i32
      %dma_wait3A_373 = tpu.memref_slice %arg4[%add3A_110, %dma_wait3A_372] : memref<2560x128xi32, #tpu.memory_space<hbm>> -> memref<40x128xi32, #tpu.memory_space<hbm>>
      tpu.wait_dma2 semaphore(%run_scoped3A_365 : memref<!tpu.dma_semaphore, #tpu.memory_space<semaphore_mem>>) src(%dma_wait3A_373 : memref<40x128xi32, #tpu.memory_space<hbm>>) dst(%arg8 : memref<40x128xi32, #tpu.memory_space<vmem>>)
      tpu.yield
    }) : () -> ()
    "tpu.region"() ({
      %run_scoped3A_365 = tpu.sem_alloc : memref<!tpu.dma_semaphore, #tpu.memory_space<semaphore_mem>>
      %dma_start3A_366 = arith.constant 0 : i32
      %dma_start3A_367 = tpu.memref_slice %arg5[%add3A_110, %dma_start3A_366] : memref<2560x128xi32, #tpu.memory_space<hbm>> -> memref<40x128xi32, #tpu.memory_space<hbm>>
      %dma_start3A_368 = arith.constant 0 : i32
      %dma_start3A_369 = tpu.memref_slice %arg5[%add3A_110, %dma_start3A_368] : memref<2560x128xi32, #tpu.memory_space<hbm>> -> memref<40x128xi32, #tpu.memory_space<hbm>>
      tpu.enqueue_dma source(%dma_start3A_369 : memref<40x128xi32, #tpu.memory_space<hbm>>) target(%arg9 : memref<40x128xi32, #tpu.memory_space<vmem>>) target_semaphore(%run_scoped3A_365 : memref<!tpu.dma_semaphore, #tpu.memory_space<semaphore_mem>>)
      %dma_wait3A_370 = arith.constant 0 : i32
      %dma_wait3A_371 = tpu.memref_slice %arg5[%add3A_110, %dma_wait3A_370] : memref<2560x128xi32, #tpu.memory_space<hbm>> -> memref<40x128xi32, #tpu.memory_space<hbm>>
      %dma_wait3A_372 = arith.constant 0 : i32
      %dma_wait3A_373 = tpu.memref_slice %arg5[%add3A_110, %dma_wait3A_372] : memref<2560x128xi32, #tpu.memory_space<hbm>> -> memref<40x128xi32, #tpu.memory_space<hbm>>
      tpu.wait_dma2 semaphore(%run_scoped3A_365 : memref<!tpu.dma_semaphore, #tpu.memory_space<semaphore_mem>>) src(%dma_wait3A_373 : memref<40x128xi32, #tpu.memory_space<hbm>>) dst(%arg9 : memref<40x128xi32, #tpu.memory_space<vmem>>)
      tpu.yield
    }) : () -> ()
    %dma_start3A_111 = arith.constant 0 : i32
    %dma_start3A_112 = arith.constant 0 : i32
    %dma_start3A_113 = arith.constant 0 : i32
    %dma_start3A_114 = arith.constant 0 : i32
    %dma_start3A_115 = tpu.memref_slice %arg10[%dma_start3A_112, %dma_start3A_113, %dma_start3A_114] : memref<2x128x64xf32, #tpu.memory_space<vmem>> -> memref<1x128x64xf32, #tpu.memory_space<vmem>>
    %dma_start3A_116 = tpu.memref_squeeze %dma_start3A_115 : memref<1x128x64xf32, #tpu.memory_space<vmem>> -> memref<128x64xf32, #tpu.memory_space<vmem>>
    %dma_start3A_117 = arith.constant 0 : i32
    %dma_start3A_118 = tpu.memref_slice %arg8[%dma_start3A_111, %dma_start3A_117] : memref<40x128xi32, #tpu.memory_space<vmem>> -> memref<1x128xi32, #tpu.memory_space<vmem>>
    %dma_start3A_119 = tpu.memref_squeeze %dma_start3A_118 : memref<1x128xi32, #tpu.memory_space<vmem>> -> memref<128xi32, #tpu.memory_space<vmem>>
    %dma_start3A_120 = arith.constant 0 : i32
    %dma_start3A_121 = arith.constant 0 : i32
    %dma_start3A_122 = tpu.memref_slice %arg11[%dma_start3A_120, %dma_start3A_121] : memref<10240x64xf32, #tpu.memory_space<vmem_shared>> -> memref<10240x64xf32, #tpu.memory_space<vmem_shared>>
    tpu.enqueue_indirect_dma source(%dma_start3A_122 : memref<10240x64xf32, #tpu.memory_space<vmem_shared>>) target(%dma_start3A_116 : memref<128x64xf32, #tpu.memory_space<vmem>>) offsets(%dma_start3A_119 : memref<128xi32, #tpu.memory_space<vmem>>) semaphore(%arg13 : memref<!tpu.dma_semaphore, #tpu.memory_space<semaphore_mem>>)
    %dma_start3A_123 = arith.constant 1 : i32
    %dma_start3A_124 = arith.constant 1 : i32
    %dma_start3A_125 = arith.constant 0 : i32
    %dma_start3A_126 = arith.constant 0 : i32
    %dma_start3A_127 = tpu.memref_slice %arg10[%dma_start3A_124, %dma_start3A_125, %dma_start3A_126] : memref<2x128x64xf32, #tpu.memory_space<vmem>> -> memref<1x128x64xf32, #tpu.memory_space<vmem>>
    %dma_start3A_128 = tpu.memref_squeeze %dma_start3A_127 : memref<1x128x64xf32, #tpu.memory_space<vmem>> -> memref<128x64xf32, #tpu.memory_space<vmem>>
    %dma_start3A_129 = arith.constant 0 : i32
    %dma_start3A_130 = tpu.memref_slice %arg8[%dma_start3A_123, %dma_start3A_129] : memref<40x128xi32, #tpu.memory_space<vmem>> -> memref<1x128xi32, #tpu.memory_space<vmem>>
    %dma_start3A_131 = tpu.memref_squeeze %dma_start3A_130 : memref<1x128xi32, #tpu.memory_space<vmem>> -> memref<128xi32, #tpu.memory_space<vmem>>
    %dma_start3A_132 = arith.constant 0 : i32
    %dma_start3A_133 = arith.constant 0 : i32
    %dma_start3A_134 = tpu.memref_slice %arg11[%dma_start3A_132, %dma_start3A_133] : memref<10240x64xf32, #tpu.memory_space<vmem_shared>> -> memref<10240x64xf32, #tpu.memory_space<vmem_shared>>
    tpu.enqueue_indirect_dma source(%dma_start3A_134 : memref<10240x64xf32, #tpu.memory_space<vmem_shared>>) target(%dma_start3A_128 : memref<128x64xf32, #tpu.memory_space<vmem>>) offsets(%dma_start3A_131 : memref<128xi32, #tpu.memory_space<vmem>>) semaphore(%arg14 : memref<!tpu.dma_semaphore, #tpu.memory_space<semaphore_mem>>)
    %scan3A_135 = arith.constant 0 : i32
    %scan3A_136 = arith.constant 0 : i32
    %scan3A_137 = arith.constant 20 : i32
    %scan3A_138 = arith.addi %scan3A_136, %scan3A_137 : i32
    %scan3A_139 = arith.constant 1 : i32
    scf.for %scan3A_365 = %scan3A_136 to %scan3A_138 step %scan3A_139  : i32 {
      %mul3A_366 = arith.constant 2 : i32
      %mul3A_367 = arith.muli %mul3A_366, %scan3A_365 : i32
      %add3A_368 = arith.constant 0 : i32
      %add3A_369 = arith.addi %mul3A_367, %add3A_368 : i32
      %dma_wait3A_370 = arith.constant 0 : i32
      %dma_wait3A_371 = arith.constant 0 : i32
      %dma_wait3A_372 = arith.constant 0 : i32
      %dma_wait3A_373 = tpu.memref_slice %arg10[%dma_wait3A_370, %dma_wait3A_371, %dma_wait3A_372] : memref<2x128x64xf32, #tpu.memory_space<vmem>> -> memref<1x128x64xf32, #tpu.memory_space<vmem>>
      %dma_wait3A_374 = tpu.memref_squeeze %dma_wait3A_373 : memref<1x128x64xf32, #tpu.memory_space<vmem>> -> memref<128x64xf32, #tpu.memory_space<vmem>>
      %dma_wait3A_375 = arith.constant 0 : i32
      %dma_wait3A_376 = tpu.memref_slice %arg8[%add3A_369, %dma_wait3A_375] : memref<40x128xi32, #tpu.memory_space<vmem>> -> memref<1x128xi32, #tpu.memory_space<vmem>>
      %dma_wait3A_377 = tpu.memref_squeeze %dma_wait3A_376 : memref<1x128xi32, #tpu.memory_space<vmem>> -> memref<128xi32, #tpu.memory_space<vmem>>
      %dma_wait3A_378 = arith.constant 0 : i32
      %dma_wait3A_379 = arith.constant 0 : i32
      %dma_wait3A_380 = tpu.memref_slice %arg11[%dma_wait3A_378, %dma_wait3A_379] : memref<10240x64xf32, #tpu.memory_space<vmem_shared>> -> memref<10240x64xf32, #tpu.memory_space<vmem_shared>>
      tpu.wait_indirect_dma semaphore(%arg13 : memref<!tpu.dma_semaphore, #tpu.memory_space<semaphore_mem>>) src(%dma_wait3A_380 : memref<10240x64xf32, #tpu.memory_space<vmem_shared>>) dst(%dma_wait3A_374 : memref<128x64xf32, #tpu.memory_space<vmem>>)
      %dma_start3A_381 = arith.constant 0 : i32
      %dma_start3A_382 = arith.constant 0 : i32
      %dma_start3A_383 = arith.constant 0 : i32
      %dma_start3A_384 = tpu.memref_slice %arg10[%dma_start3A_381, %dma_start3A_382, %dma_start3A_383] : memref<2x128x64xf32, #tpu.memory_space<vmem>> -> memref<1x128x64xf32, #tpu.memory_space<vmem>>
      %dma_start3A_385 = tpu.memref_squeeze %dma_start3A_384 : memref<1x128x64xf32, #tpu.memory_space<vmem>> -> memref<128x64xf32, #tpu.memory_space<vmem>>
      %dma_start3A_386 = arith.constant 0 : i32
      %dma_start3A_387 = tpu.memref_slice %arg9[%add3A_369, %dma_start3A_386] : memref<40x128xi32, #tpu.memory_space<vmem>> -> memref<1x128xi32, #tpu.memory_space<vmem>>
      %dma_start3A_388 = tpu.memref_squeeze %dma_start3A_387 : memref<1x128xi32, #tpu.memory_space<vmem>> -> memref<128xi32, #tpu.memory_space<vmem>>
      %dma_start3A_389 = arith.constant 0 : i32
      %dma_start3A_390 = arith.constant 0 : i32
      %dma_start3A_391 = tpu.memref_slice %arg12[%dma_start3A_389, %dma_start3A_390] : memref<10240x64xf32, #tpu.memory_space<vmem_shared>> -> memref<10240x64xf32, #tpu.memory_space<vmem_shared>>
      tpu.enqueue_indirect_dma source(%dma_start3A_385 : memref<128x64xf32, #tpu.memory_space<vmem>>) target(%dma_start3A_391 : memref<10240x64xf32, #tpu.memory_space<vmem_shared>>) offsets(%dma_start3A_388 : memref<128xi32, #tpu.memory_space<vmem>>) semaphore(%arg15 : memref<!tpu.dma_semaphore, #tpu.memory_space<semaphore_mem>>) {add = true}
      %add3A_392 = arith.constant 1 : i32
      %add3A_393 = arith.addi %mul3A_367, %add3A_392 : i32
      %dma_wait3A_394 = arith.constant 1 : i32
      %dma_wait3A_395 = arith.constant 0 : i32
      %dma_wait3A_396 = arith.constant 0 : i32
      %dma_wait3A_397 = tpu.memref_slice %arg10[%dma_wait3A_394, %dma_wait3A_395, %dma_wait3A_396] : memref<2x128x64xf32, #tpu.memory_space<vmem>> -> memref<1x128x64xf32, #tpu.memory_space<vmem>>
      %dma_wait3A_398 = tpu.memref_squeeze %dma_wait3A_397 : memref<1x128x64xf32, #tpu.memory_space<vmem>> -> memref<128x64xf32, #tpu.memory_space<vmem>>
      %dma_wait3A_399 = arith.constant 0 : i32
      %dma_wait3A_400 = tpu.memref_slice %arg8[%add3A_393, %dma_wait3A_399] : memref<40x128xi32, #tpu.memory_space<vmem>> -> memref<1x128xi32, #tpu.memory_space<vmem>>
      %dma_wait3A_401 = tpu.memref_squeeze %dma_wait3A_400 : memref<1x128xi32, #tpu.memory_space<vmem>> -> memref<128xi32, #tpu.memory_space<vmem>>
      %dma_wait3A_402 = arith.constant 0 : i32
      %dma_wait3A_403 = arith.constant 0 : i32
      %dma_wait3A_404 = tpu.memref_slice %arg11[%dma_wait3A_402, %dma_wait3A_403] : memref<10240x64xf32, #tpu.memory_space<vmem_shared>> -> memref<10240x64xf32, #tpu.memory_space<vmem_shared>>
      tpu.wait_indirect_dma semaphore(%arg14 : memref<!tpu.dma_semaphore, #tpu.memory_space<semaphore_mem>>) src(%dma_wait3A_404 : memref<10240x64xf32, #tpu.memory_space<vmem_shared>>) dst(%dma_wait3A_398 : memref<128x64xf32, #tpu.memory_space<vmem>>)
      %dma_start3A_405 = arith.constant 1 : i32
      %dma_start3A_406 = arith.constant 0 : i32
      %dma_start3A_407 = arith.constant 0 : i32
      %dma_start3A_408 = tpu.memref_slice %arg10[%dma_start3A_405, %dma_start3A_406, %dma_start3A_407] : memref<2x128x64xf32, #tpu.memory_space<vmem>> -> memref<1x128x64xf32, #tpu.memory_space<vmem>>
      %dma_start3A_409 = tpu.memref_squeeze %dma_start3A_408 : memref<1x128x64xf32, #tpu.memory_space<vmem>> -> memref<128x64xf32, #tpu.memory_space<vmem>>
      %dma_start3A_410 = arith.constant 0 : i32
      %dma_start3A_411 = tpu.memref_slice %arg9[%add3A_393, %dma_start3A_410] : memref<40x128xi32, #tpu.memory_space<vmem>> -> memref<1x128xi32, #tpu.memory_space<vmem>>
      %dma_start3A_412 = tpu.memref_squeeze %dma_start3A_411 : memref<1x128xi32, #tpu.memory_space<vmem>> -> memref<128xi32, #tpu.memory_space<vmem>>
      %dma_start3A_413 = arith.constant 0 : i32
      %dma_start3A_414 = arith.constant 0 : i32
      %dma_start3A_415 = tpu.memref_slice %arg12[%dma_start3A_413, %dma_start3A_414] : memref<10240x64xf32, #tpu.memory_space<vmem_shared>> -> memref<10240x64xf32, #tpu.memory_space<vmem_shared>>
      tpu.enqueue_indirect_dma source(%dma_start3A_409 : memref<128x64xf32, #tpu.memory_space<vmem>>) target(%dma_start3A_415 : memref<10240x64xf32, #tpu.memory_space<vmem_shared>>) offsets(%dma_start3A_412 : memref<128xi32, #tpu.memory_space<vmem>>) semaphore(%arg16 : memref<!tpu.dma_semaphore, #tpu.memory_space<semaphore_mem>>) {add = true}
      %dma_wait3A_416 = arith.constant 0 : i32
      %dma_wait3A_417 = arith.constant 0 : i32
      %dma_wait3A_418 = arith.constant 0 : i32
      %dma_wait3A_419 = tpu.memref_slice %arg10[%dma_wait3A_416, %dma_wait3A_417, %dma_wait3A_418] : memref<2x128x64xf32, #tpu.memory_space<vmem>> -> memref<1x128x64xf32, #tpu.memory_space<vmem>>
      %dma_wait3A_420 = tpu.memref_squeeze %dma_wait3A_419 : memref<1x128x64xf32, #tpu.memory_space<vmem>> -> memref<128x64xf32, #tpu.memory_space<vmem>>
      %dma_wait3A_421 = arith.constant 0 : i32
      %dma_wait3A_422 = tpu.memref_slice %arg9[%add3A_369, %dma_wait3A_421] : memref<40x128xi32, #tpu.memory_space<vmem>> -> memref<1x128xi32, #tpu.memory_space<vmem>>
      %dma_wait3A_423 = tpu.memref_squeeze %dma_wait3A_422 : memref<1x128xi32, #tpu.memory_space<vmem>> -> memref<128xi32, #tpu.memory_space<vmem>>
      %dma_wait3A_424 = arith.constant 0 : i32
      %dma_wait3A_425 = arith.constant 0 : i32
      %dma_wait3A_426 = tpu.memref_slice %arg12[%dma_wait3A_424, %dma_wait3A_425] : memref<10240x64xf32, #tpu.memory_space<vmem_shared>> -> memref<10240x64xf32, #tpu.memory_space<vmem_shared>>
      tpu.wait_indirect_dma semaphore(%arg15 : memref<!tpu.dma_semaphore, #tpu.memory_space<semaphore_mem>>) src(%dma_wait3A_420 : memref<128x64xf32, #tpu.memory_space<vmem>>) dst(%dma_wait3A_426 : memref<10240x64xf32, #tpu.memory_space<vmem_shared>>)
      %lt3A = arith.constant 19 : i32
      %lt3A_427 = arith.cmpi slt, %scan3A_365, %lt3A : i32
      %convert_element_type3A_428 = arith.extui %lt3A_427 : i1 to i32
      %cond3A_429 = arith.constant 0 : i32
      %cond3A_430 = arith.cmpi ne, %convert_element_type3A_428, %cond3A_429 : i32
      scf.if %cond3A_430 {
        %add3A_447 = arith.constant 0 : i32
        %add3A_448 = arith.addi %mul3A_367, %add3A_447 : i32
        %add3A_449 = arith.constant 2 : i32
        %add3A_450 = arith.addi %add3A_448, %add3A_449 : i32
        %dma_start3A_451 = arith.constant 0 : i32
        %dma_start3A_452 = arith.constant 0 : i32
        %dma_start3A_453 = arith.constant 0 : i32
        %dma_start3A_454 = tpu.memref_slice %arg10[%dma_start3A_451, %dma_start3A_452, %dma_start3A_453] : memref<2x128x64xf32, #tpu.memory_space<vmem>> -> memref<1x128x64xf32, #tpu.memory_space<vmem>>
        %dma_start3A_455 = tpu.memref_squeeze %dma_start3A_454 : memref<1x128x64xf32, #tpu.memory_space<vmem>> -> memref<128x64xf32, #tpu.memory_space<vmem>>
        %dma_start3A_456 = arith.constant 0 : i32
        %dma_start3A_457 = tpu.memref_slice %arg8[%add3A_450, %dma_start3A_456] : memref<40x128xi32, #tpu.memory_space<vmem>> -> memref<1x128xi32, #tpu.memory_space<vmem>>
        %dma_start3A_458 = tpu.memref_squeeze %dma_start3A_457 : memref<1x128xi32, #tpu.memory_space<vmem>> -> memref<128xi32, #tpu.memory_space<vmem>>
        %dma_start3A_459 = arith.constant 0 : i32
        %dma_start3A_460 = arith.constant 0 : i32
        %dma_start3A_461 = tpu.memref_slice %arg11[%dma_start3A_459, %dma_start3A_460] : memref<10240x64xf32, #tpu.memory_space<vmem_shared>> -> memref<10240x64xf32, #tpu.memory_space<vmem_shared>>
        tpu.enqueue_indirect_dma source(%dma_start3A_461 : memref<10240x64xf32, #tpu.memory_space<vmem_shared>>) target(%dma_start3A_455 : memref<128x64xf32, #tpu.memory_space<vmem>>) offsets(%dma_start3A_458 : memref<128xi32, #tpu.memory_space<vmem>>) semaphore(%arg13 : memref<!tpu.dma_semaphore, #tpu.memory_space<semaphore_mem>>)
      } else {
      }
      %dma_wait3A_431 = arith.constant 1 : i32
      %dma_wait3A_432 = arith.constant 0 : i32
      %dma_wait3A_433 = arith.constant 0 : i32
      %dma_wait3A_434 = tpu.memref_slice %arg10[%dma_wait3A_431, %dma_wait3A_432, %dma_wait3A_433] : memref<2x128x64xf32, #tpu.memory_space<vmem>> -> memref<1x128x64xf32, #tpu.memory_space<vmem>>
      %dma_wait3A_435 = tpu.memref_squeeze %dma_wait3A_434 : memref<1x128x64xf32, #tpu.memory_space<vmem>> -> memref<128x64xf32, #tpu.memory_space<vmem>>
      %dma_wait3A_436 = arith.constant 0 : i32
      %dma_wait3A_437 = tpu.memref_slice %arg9[%add3A_393, %dma_wait3A_436] : memref<40x128xi32, #tpu.memory_space<vmem>> -> memref<1x128xi32, #tpu.memory_space<vmem>>
      %dma_wait3A_438 = tpu.memref_squeeze %dma_wait3A_437 : memref<1x128xi32, #tpu.memory_space<vmem>> -> memref<128xi32, #tpu.memory_space<vmem>>
      %dma_wait3A_439 = arith.constant 0 : i32
      %dma_wait3A_440 = arith.constant 0 : i32
      %dma_wait3A_441 = tpu.memref_slice %arg12[%dma_wait3A_439, %dma_wait3A_440] : memref<10240x64xf32, #tpu.memory_space<vmem_shared>> -> memref<10240x64xf32, #tpu.memory_space<vmem_shared>>
      tpu.wait_indirect_dma semaphore(%arg16 : memref<!tpu.dma_semaphore, #tpu.memory_space<semaphore_mem>>) src(%dma_wait3A_435 : memref<128x64xf32, #tpu.memory_space<vmem>>) dst(%dma_wait3A_441 : memref<10240x64xf32, #tpu.memory_space<vmem_shared>>)
      %lt3A_442 = arith.constant 19 : i32
      %lt3A_443 = arith.cmpi slt, %scan3A_365, %lt3A_442 : i32
      %convert_element_type3A_444 = arith.extui %lt3A_443 : i1 to i32
      %cond3A_445 = arith.constant 0 : i32
      %cond3A_446 = arith.cmpi ne, %convert_element_type3A_444, %cond3A_445 : i32
      scf.if %cond3A_446 {
        %add3A_447 = arith.constant 1 : i32
        %add3A_448 = arith.addi %mul3A_367, %add3A_447 : i32
        %add3A_449 = arith.constant 2 : i32
        %add3A_450 = arith.addi %add3A_448, %add3A_449 : i32
        %dma_start3A_451 = arith.constant 1 : i32
        %dma_start3A_452 = arith.constant 0 : i32
        %dma_start3A_453 = arith.constant 0 : i32
        %dma_start3A_454 = tpu.memref_slice %arg10[%dma_start3A_451, %dma_start3A_452, %dma_start3A_453] : memref<2x128x64xf32, #tpu.memory_space<vmem>> -> memref<1x128x64xf32, #tpu.memory_space<vmem>>
        %dma_start3A_455 = tpu.memref_squeeze %dma_start3A_454 : memref<1x128x64xf32, #tpu.memory_space<vmem>> -> memref<128x64xf32, #tpu.memory_space<vmem>>
        %dma_start3A_456 = arith.constant 0 : i32
        %dma_start3A_457 = tpu.memref_slice %arg8[%add3A_450, %dma_start3A_456] : memref<40x128xi32, #tpu.memory_space<vmem>> -> memref<1x128xi32, #tpu.memory_space<vmem>>
        %dma_start3A_458 = tpu.memref_squeeze %dma_start3A_457 : memref<1x128xi32, #tpu.memory_space<vmem>> -> memref<128xi32, #tpu.memory_space<vmem>>
        %dma_start3A_459 = arith.constant 0 : i32
        %dma_start3A_460 = arith.constant 0 : i32
        %dma_start3A_461 = tpu.memref_slice %arg11[%dma_start3A_459, %dma_start3A_460] : memref<10240x64xf32, #tpu.memory_space<vmem_shared>> -> memref<10240x64xf32, #tpu.memory_space<vmem_shared>>
        tpu.enqueue_indirect_dma source(%dma_start3A_461 : memref<10240x64xf32, #tpu.memory_space<vmem_shared>>) target(%dma_start3A_455 : memref<128x64xf32, #tpu.memory_space<vmem>>) offsets(%dma_start3A_458 : memref<128xi32, #tpu.memory_space<vmem>>) semaphore(%arg14 : memref<!tpu.dma_semaphore, #tpu.memory_space<semaphore_mem>>)
      } else {
      }
    }
    %scan3A_140 = arith.constant 20 : i32
    %barrier3A_141 = arith.constant 0 : index
    tpu.barrier barrier_id(%barrier3A_141)
    %mul3A_142 = arith.constant 640 : i32
    %mul3A_143 = arith.muli %arg1, %mul3A_142 : i32
    %add3A_144 = arith.constant 0 : i32
    %add3A_145 = arith.addi %mul3A_143, %add3A_144 : i32
    %run_scoped3A = arith.constant 0 : i32
    "tpu.region"() ({
      %run_scoped3A_365 = tpu.sem_alloc : memref<!tpu.dma_semaphore, #tpu.memory_space<semaphore_mem>>
      %dma_start3A_366 = arith.constant 0 : i32
      %dma_start3A_367 = arith.constant 0 : i32
      %dma_start3A_368 = tpu.memref_slice %arg10[%run_scoped3A, %dma_start3A_366, %dma_start3A_367] : memref<2x128x64xf32, #tpu.memory_space<vmem>> -> memref<1x128x64xf32, #tpu.memory_space<vmem>>
      %dma_start3A_369 = tpu.memref_squeeze %dma_start3A_368 : memref<1x128x64xf32, #tpu.memory_space<vmem>> -> memref<128x64xf32, #tpu.memory_space<vmem>>
      %dma_start3A_370 = arith.constant 0 : i32
      %dma_start3A_371 = tpu.memref_slice %arg12[%add3A_145, %dma_start3A_370] : memref<10240x64xf32, #tpu.memory_space<vmem_shared>> -> memref<128x64xf32, #tpu.memory_space<vmem_shared>>
      %dma_start3A_372 = arith.constant 0 : i32
      %dma_start3A_373 = arith.constant 0 : i32
      %dma_start3A_374 = tpu.memref_slice %arg10[%run_scoped3A, %dma_start3A_372, %dma_start3A_373] : memref<2x128x64xf32, #tpu.memory_space<vmem>> -> memref<1x128x64xf32, #tpu.memory_space<vmem>>
      %dma_start3A_375 = tpu.memref_squeeze %dma_start3A_374 : memref<1x128x64xf32, #tpu.memory_space<vmem>> -> memref<128x64xf32, #tpu.memory_space<vmem>>
      %dma_start3A_376 = arith.constant 0 : i32
      %dma_start3A_377 = tpu.memref_slice %arg12[%add3A_145, %dma_start3A_376] : memref<10240x64xf32, #tpu.memory_space<vmem_shared>> -> memref<128x64xf32, #tpu.memory_space<vmem_shared>>
      tpu.enqueue_dma source(%dma_start3A_377 : memref<128x64xf32, #tpu.memory_space<vmem_shared>>) target(%dma_start3A_375 : memref<128x64xf32, #tpu.memory_space<vmem>>) target_semaphore(%run_scoped3A_365 : memref<!tpu.dma_semaphore, #tpu.memory_space<semaphore_mem>>)
      %dma_wait3A_378 = arith.constant 0 : i32
      %dma_wait3A_379 = arith.constant 0 : i32
      %dma_wait3A_380 = tpu.memref_slice %arg10[%run_scoped3A, %dma_wait3A_378, %dma_wait3A_379] : memref<2x128x64xf32, #tpu.memory_space<vmem>> -> memref<1x128x64xf32, #tpu.memory_space<vmem>>
      %dma_wait3A_381 = tpu.memref_squeeze %dma_wait3A_380 : memref<1x128x64xf32, #tpu.memory_space<vmem>> -> memref<128x64xf32, #tpu.memory_space<vmem>>
      %dma_wait3A_382 = arith.constant 0 : i32
      %dma_wait3A_383 = tpu.memref_slice %arg12[%add3A_145, %dma_wait3A_382] : memref<10240x64xf32, #tpu.memory_space<vmem_shared>> -> memref<128x64xf32, #tpu.memory_space<vmem_shared>>
      %dma_wait3A_384 = arith.constant 0 : i32
      %dma_wait3A_385 = arith.constant 0 : i32
      %dma_wait3A_386 = tpu.memref_slice %arg10[%run_scoped3A, %dma_wait3A_384, %dma_wait3A_385] : memref<2x128x64xf32, #tpu.memory_space<vmem>> -> memref<1x128x64xf32, #tpu.memory_space<vmem>>
      %dma_wait3A_387 = tpu.memref_squeeze %dma_wait3A_386 : memref<1x128x64xf32, #tpu.memory_space<vmem>> -> memref<128x64xf32, #tpu.memory_space<vmem>>
      %dma_wait3A_388 = arith.constant 0 : i32
      %dma_wait3A_389 = tpu.memref_slice %arg12[%add3A_145, %dma_wait3A_388] : memref<10240x64xf32, #tpu.memory_space<vmem_shared>> -> memref<128x64xf32, #tpu.memory_space<vmem_shared>>
      tpu.wait_dma2 semaphore(%run_scoped3A_365 : memref<!tpu.dma_semaphore, #tpu.memory_space<semaphore_mem>>) src(%dma_wait3A_389 : memref<128x64xf32, #tpu.memory_space<vmem_shared>>) dst(%dma_wait3A_387 : memref<128x64xf32, #tpu.memory_space<vmem>>)
      tpu.yield
    }) : () -> ()
    %mul3A_146 = arith.constant 10240 : i32
    %mul3A_147 = arith.muli %arg0, %mul3A_146 : i32
    %mul3A_148 = arith.constant 640 : i32
    %mul3A_149 = arith.muli %arg1, %mul3A_148 : i32
    %add3A_150 = arith.addi %mul3A_147, %mul3A_149 : i32
    %add3A_151 = arith.constant 0 : i32
    %add3A_152 = arith.addi %add3A_150, %add3A_151 : i32
    %dma_start3A_153 = arith.constant 0 : i32
    %dma_start3A_154 = arith.constant 0 : i32
    %dma_start3A_155 = arith.constant 0 : i32
    %dma_start3A_156 = tpu.memref_slice %arg10[%dma_start3A_153, %dma_start3A_154, %dma_start3A_155] : memref<2x128x64xf32, #tpu.memory_space<vmem>> -> memref<1x128x64xf32, #tpu.memory_space<vmem>>
    %dma_start3A_157 = tpu.memref_squeeze %dma_start3A_156 : memref<1x128x64xf32, #tpu.memory_space<vmem>> -> memref<128x64xf32, #tpu.memory_space<vmem>>
    %dma_start3A_158 = arith.constant 0 : i32
    %dma_start3A_159 = tpu.memref_slice %arg7[%add3A_152, %dma_start3A_158] : memref<20480x64xf32, #tpu.memory_space<hbm>> -> memref<128x64xf32, #tpu.memory_space<hbm>>
    %dma_start3A_160 = arith.constant 0 : i32
    %dma_start3A_161 = tpu.memref_slice %arg7[%add3A_152, %dma_start3A_160] : memref<20480x64xf32, #tpu.memory_space<hbm>> -> memref<128x64xf32, #tpu.memory_space<hbm>>
    %dma_start3A_162 = arith.constant 0 : i32
    %dma_start3A_163 = arith.constant 0 : i32
    %dma_start3A_164 = tpu.memref_slice %arg10[%dma_start3A_153, %dma_start3A_162, %dma_start3A_163] : memref<2x128x64xf32, #tpu.memory_space<vmem>> -> memref<1x128x64xf32, #tpu.memory_space<vmem>>
    %dma_start3A_165 = tpu.memref_squeeze %dma_start3A_164 : memref<1x128x64xf32, #tpu.memory_space<vmem>> -> memref<128x64xf32, #tpu.memory_space<vmem>>
    tpu.enqueue_dma source(%dma_start3A_165 : memref<128x64xf32, #tpu.memory_space<vmem>>) target(%dma_start3A_161 : memref<128x64xf32, #tpu.memory_space<hbm>>) target_semaphore(%arg13 : memref<!tpu.dma_semaphore, #tpu.memory_space<semaphore_mem>>)
    %mul3A_166 = arith.constant 640 : i32
    %mul3A_167 = arith.muli %arg1, %mul3A_166 : i32
    %add3A_168 = arith.constant 128 : i32
    %add3A_169 = arith.addi %mul3A_167, %add3A_168 : i32
    %run_scoped3A_170 = arith.constant 1 : i32
    "tpu.region"() ({
      %run_scoped3A_365 = tpu.sem_alloc : memref<!tpu.dma_semaphore, #tpu.memory_space<semaphore_mem>>
      %dma_start3A_366 = arith.constant 0 : i32
      %dma_start3A_367 = arith.constant 0 : i32
      %dma_start3A_368 = tpu.memref_slice %arg10[%run_scoped3A_170, %dma_start3A_366, %dma_start3A_367] : memref<2x128x64xf32, #tpu.memory_space<vmem>> -> memref<1x128x64xf32, #tpu.memory_space<vmem>>
      %dma_start3A_369 = tpu.memref_squeeze %dma_start3A_368 : memref<1x128x64xf32, #tpu.memory_space<vmem>> -> memref<128x64xf32, #tpu.memory_space<vmem>>
      %dma_start3A_370 = arith.constant 0 : i32
      %dma_start3A_371 = tpu.memref_slice %arg12[%add3A_169, %dma_start3A_370] : memref<10240x64xf32, #tpu.memory_space<vmem_shared>> -> memref<128x64xf32, #tpu.memory_space<vmem_shared>>
      %dma_start3A_372 = arith.constant 0 : i32
      %dma_start3A_373 = arith.constant 0 : i32
      %dma_start3A_374 = tpu.memref_slice %arg10[%run_scoped3A_170, %dma_start3A_372, %dma_start3A_373] : memref<2x128x64xf32, #tpu.memory_space<vmem>> -> memref<1x128x64xf32, #tpu.memory_space<vmem>>
      %dma_start3A_375 = tpu.memref_squeeze %dma_start3A_374 : memref<1x128x64xf32, #tpu.memory_space<vmem>> -> memref<128x64xf32, #tpu.memory_space<vmem>>
      %dma_start3A_376 = arith.constant 0 : i32
      %dma_start3A_377 = tpu.memref_slice %arg12[%add3A_169, %dma_start3A_376] : memref<10240x64xf32, #tpu.memory_space<vmem_shared>> -> memref<128x64xf32, #tpu.memory_space<vmem_shared>>
      tpu.enqueue_dma source(%dma_start3A_377 : memref<128x64xf32, #tpu.memory_space<vmem_shared>>) target(%dma_start3A_375 : memref<128x64xf32, #tpu.memory_space<vmem>>) target_semaphore(%run_scoped3A_365 : memref<!tpu.dma_semaphore, #tpu.memory_space<semaphore_mem>>)
      %dma_wait3A_378 = arith.constant 0 : i32
      %dma_wait3A_379 = arith.constant 0 : i32
      %dma_wait3A_380 = tpu.memref_slice %arg10[%run_scoped3A_170, %dma_wait3A_378, %dma_wait3A_379] : memref<2x128x64xf32, #tpu.memory_space<vmem>> -> memref<1x128x64xf32, #tpu.memory_space<vmem>>
      %dma_wait3A_381 = tpu.memref_squeeze %dma_wait3A_380 : memref<1x128x64xf32, #tpu.memory_space<vmem>> -> memref<128x64xf32, #tpu.memory_space<vmem>>
      %dma_wait3A_382 = arith.constant 0 : i32
      %dma_wait3A_383 = tpu.memref_slice %arg12[%add3A_169, %dma_wait3A_382] : memref<10240x64xf32, #tpu.memory_space<vmem_shared>> -> memref<128x64xf32, #tpu.memory_space<vmem_shared>>
      %dma_wait3A_384 = arith.constant 0 : i32
      %dma_wait3A_385 = arith.constant 0 : i32
      %dma_wait3A_386 = tpu.memref_slice %arg10[%run_scoped3A_170, %dma_wait3A_384, %dma_wait3A_385] : memref<2x128x64xf32, #tpu.memory_space<vmem>> -> memref<1x128x64xf32, #tpu.memory_space<vmem>>
      %dma_wait3A_387 = tpu.memref_squeeze %dma_wait3A_386 : memref<1x128x64xf32, #tpu.memory_space<vmem>> -> memref<128x64xf32, #tpu.memory_space<vmem>>
      %dma_wait3A_388 = arith.constant 0 : i32
      %dma_wait3A_389 = tpu.memref_slice %arg12[%add3A_169, %dma_wait3A_388] : memref<10240x64xf32, #tpu.memory_space<vmem_shared>> -> memref<128x64xf32, #tpu.memory_space<vmem_shared>>
      tpu.wait_dma2 semaphore(%run_scoped3A_365 : memref<!tpu.dma_semaphore, #tpu.memory_space<semaphore_mem>>) src(%dma_wait3A_389 : memref<128x64xf32, #tpu.memory_space<vmem_shared>>) dst(%dma_wait3A_387 : memref<128x64xf32, #tpu.memory_space<vmem>>)
      tpu.yield
    }) : () -> ()
    %mul3A_171 = arith.constant 10240 : i32
    %mul3A_172 = arith.muli %arg0, %mul3A_171 : i32
    %mul3A_173 = arith.constant 640 : i32
    %mul3A_174 = arith.muli %arg1, %mul3A_173 : i32
    %add3A_175 = arith.addi %mul3A_172, %mul3A_174 : i32
    %add3A_176 = arith.constant 128 : i32
    %add3A_177 = arith.addi %add3A_175, %add3A_176 : i32
    %dma_start3A_178 = arith.constant 1 : i32
    %dma_start3A_179 = arith.constant 0 : i32
    %dma_start3A_180 = arith.constant 0 : i32
    %dma_start3A_181 = tpu.memref_slice %arg10[%dma_start3A_178, %dma_start3A_179, %dma_start3A_180] : memref<2x128x64xf32, #tpu.memory_space<vmem>> -> memref<1x128x64xf32, #tpu.memory_space<vmem>>
    %dma_start3A_182 = tpu.memref_squeeze %dma_start3A_181 : memref<1x128x64xf32, #tpu.memory_space<vmem>> -> memref<128x64xf32, #tpu.memory_space<vmem>>
    %dma_start3A_183 = arith.constant 0 : i32
    %dma_start3A_184 = tpu.memref_slice %arg7[%add3A_177, %dma_start3A_183] : memref<20480x64xf32, #tpu.memory_space<hbm>> -> memref<128x64xf32, #tpu.memory_space<hbm>>
    %dma_start3A_185 = arith.constant 0 : i32
    %dma_start3A_186 = tpu.memref_slice %arg7[%add3A_177, %dma_start3A_185] : memref<20480x64xf32, #tpu.memory_space<hbm>> -> memref<128x64xf32, #tpu.memory_space<hbm>>
    %dma_start3A_187 = arith.constant 0 : i32
    %dma_start3A_188 = arith.constant 0 : i32
    %dma_start3A_189 = tpu.memref_slice %arg10[%dma_start3A_178, %dma_start3A_187, %dma_start3A_188] : memref<2x128x64xf32, #tpu.memory_space<vmem>> -> memref<1x128x64xf32, #tpu.memory_space<vmem>>
    %dma_start3A_190 = tpu.memref_squeeze %dma_start3A_189 : memref<1x128x64xf32, #tpu.memory_space<vmem>> -> memref<128x64xf32, #tpu.memory_space<vmem>>
    tpu.enqueue_dma source(%dma_start3A_190 : memref<128x64xf32, #tpu.memory_space<vmem>>) target(%dma_start3A_186 : memref<128x64xf32, #tpu.memory_space<hbm>>) target_semaphore(%arg14 : memref<!tpu.dma_semaphore, #tpu.memory_space<semaphore_mem>>)
    %mul3A_191 = arith.constant 10240 : i32
    %mul3A_192 = arith.muli %arg0, %mul3A_191 : i32
    %mul3A_193 = arith.constant 640 : i32
    %mul3A_194 = arith.muli %arg1, %mul3A_193 : i32
    %add3A_195 = arith.addi %mul3A_192, %mul3A_194 : i32
    %add3A_196 = arith.constant 0 : i32
    %add3A_197 = arith.addi %add3A_195, %add3A_196 : i32
    %dma_wait3A = arith.constant 0 : i32
    %dma_wait3A_198 = arith.constant 0 : i32
    %dma_wait3A_199 = arith.constant 0 : i32
    %dma_wait3A_200 = tpu.memref_slice %arg10[%dma_wait3A, %dma_wait3A_198, %dma_wait3A_199] : memref<2x128x64xf32, #tpu.memory_space<vmem>> -> memref<1x128x64xf32, #tpu.memory_space<vmem>>
    %dma_wait3A_201 = tpu.memref_squeeze %dma_wait3A_200 : memref<1x128x64xf32, #tpu.memory_space<vmem>> -> memref<128x64xf32, #tpu.memory_space<vmem>>
    %dma_wait3A_202 = arith.constant 0 : i32
    %dma_wait3A_203 = tpu.memref_slice %arg7[%add3A_197, %dma_wait3A_202] : memref<20480x64xf32, #tpu.memory_space<hbm>> -> memref<128x64xf32, #tpu.memory_space<hbm>>
    %dma_wait3A_204 = arith.constant 0 : i32
    %dma_wait3A_205 = tpu.memref_slice %arg7[%add3A_197, %dma_wait3A_204] : memref<20480x64xf32, #tpu.memory_space<hbm>> -> memref<128x64xf32, #tpu.memory_space<hbm>>
    %dma_wait3A_206 = arith.constant 0 : i32
    %dma_wait3A_207 = arith.constant 0 : i32
    %dma_wait3A_208 = tpu.memref_slice %arg10[%dma_wait3A, %dma_wait3A_206, %dma_wait3A_207] : memref<2x128x64xf32, #tpu.memory_space<vmem>> -> memref<1x128x64xf32, #tpu.memory_space<vmem>>
    %dma_wait3A_209 = tpu.memref_squeeze %dma_wait3A_208 : memref<1x128x64xf32, #tpu.memory_space<vmem>> -> memref<128x64xf32, #tpu.memory_space<vmem>>
    tpu.wait_dma2 semaphore(%arg13 : memref<!tpu.dma_semaphore, #tpu.memory_space<semaphore_mem>>) src(%dma_wait3A_209 : memref<128x64xf32, #tpu.memory_space<vmem>>) dst(%dma_wait3A_205 : memref<128x64xf32, #tpu.memory_space<hbm>>)
    %mul3A_210 = arith.constant 640 : i32
    %mul3A_211 = arith.muli %arg1, %mul3A_210 : i32
    %add3A_212 = arith.constant 256 : i32
    %add3A_213 = arith.addi %mul3A_211, %add3A_212 : i32
    %run_scoped3A_214 = arith.constant 0 : i32
    "tpu.region"() ({
      %run_scoped3A_365 = tpu.sem_alloc : memref<!tpu.dma_semaphore, #tpu.memory_space<semaphore_mem>>
      %dma_start3A_366 = arith.constant 0 : i32
      %dma_start3A_367 = arith.constant 0 : i32
      %dma_start3A_368 = tpu.memref_slice %arg10[%run_scoped3A_214, %dma_start3A_366, %dma_start3A_367] : memref<2x128x64xf32, #tpu.memory_space<vmem>> -> memref<1x128x64xf32, #tpu.memory_space<vmem>>
      %dma_start3A_369 = tpu.memref_squeeze %dma_start3A_368 : memref<1x128x64xf32, #tpu.memory_space<vmem>> -> memref<128x64xf32, #tpu.memory_space<vmem>>
      %dma_start3A_370 = arith.constant 0 : i32
      %dma_start3A_371 = tpu.memref_slice %arg12[%add3A_213, %dma_start3A_370] : memref<10240x64xf32, #tpu.memory_space<vmem_shared>> -> memref<128x64xf32, #tpu.memory_space<vmem_shared>>
      %dma_start3A_372 = arith.constant 0 : i32
      %dma_start3A_373 = arith.constant 0 : i32
      %dma_start3A_374 = tpu.memref_slice %arg10[%run_scoped3A_214, %dma_start3A_372, %dma_start3A_373] : memref<2x128x64xf32, #tpu.memory_space<vmem>> -> memref<1x128x64xf32, #tpu.memory_space<vmem>>
      %dma_start3A_375 = tpu.memref_squeeze %dma_start3A_374 : memref<1x128x64xf32, #tpu.memory_space<vmem>> -> memref<128x64xf32, #tpu.memory_space<vmem>>
      %dma_start3A_376 = arith.constant 0 : i32
      %dma_start3A_377 = tpu.memref_slice %arg12[%add3A_213, %dma_start3A_376] : memref<10240x64xf32, #tpu.memory_space<vmem_shared>> -> memref<128x64xf32, #tpu.memory_space<vmem_shared>>
      tpu.enqueue_dma source(%dma_start3A_377 : memref<128x64xf32, #tpu.memory_space<vmem_shared>>) target(%dma_start3A_375 : memref<128x64xf32, #tpu.memory_space<vmem>>) target_semaphore(%run_scoped3A_365 : memref<!tpu.dma_semaphore, #tpu.memory_space<semaphore_mem>>)
      %dma_wait3A_378 = arith.constant 0 : i32
      %dma_wait3A_379 = arith.constant 0 : i32
      %dma_wait3A_380 = tpu.memref_slice %arg10[%run_scoped3A_214, %dma_wait3A_378, %dma_wait3A_379] : memref<2x128x64xf32, #tpu.memory_space<vmem>> -> memref<1x128x64xf32, #tpu.memory_space<vmem>>
      %dma_wait3A_381 = tpu.memref_squeeze %dma_wait3A_380 : memref<1x128x64xf32, #tpu.memory_space<vmem>> -> memref<128x64xf32, #tpu.memory_space<vmem>>
      %dma_wait3A_382 = arith.constant 0 : i32
      %dma_wait3A_383 = tpu.memref_slice %arg12[%add3A_213, %dma_wait3A_382] : memref<10240x64xf32, #tpu.memory_space<vmem_shared>> -> memref<128x64xf32, #tpu.memory_space<vmem_shared>>
      %dma_wait3A_384 = arith.constant 0 : i32
      %dma_wait3A_385 = arith.constant 0 : i32
      %dma_wait3A_386 = tpu.memref_slice %arg10[%run_scoped3A_214, %dma_wait3A_384, %dma_wait3A_385] : memref<2x128x64xf32, #tpu.memory_space<vmem>> -> memref<1x128x64xf32, #tpu.memory_space<vmem>>
      %dma_wait3A_387 = tpu.memref_squeeze %dma_wait3A_386 : memref<1x128x64xf32, #tpu.memory_space<vmem>> -> memref<128x64xf32, #tpu.memory_space<vmem>>
      %dma_wait3A_388 = arith.constant 0 : i32
      %dma_wait3A_389 = tpu.memref_slice %arg12[%add3A_213, %dma_wait3A_388] : memref<10240x64xf32, #tpu.memory_space<vmem_shared>> -> memref<128x64xf32, #tpu.memory_space<vmem_shared>>
      tpu.wait_dma2 semaphore(%run_scoped3A_365 : memref<!tpu.dma_semaphore, #tpu.memory_space<semaphore_mem>>) src(%dma_wait3A_389 : memref<128x64xf32, #tpu.memory_space<vmem_shared>>) dst(%dma_wait3A_387 : memref<128x64xf32, #tpu.memory_space<vmem>>)
      tpu.yield
    }) : () -> ()
    %mul3A_215 = arith.constant 10240 : i32
    %mul3A_216 = arith.muli %arg0, %mul3A_215 : i32
    %mul3A_217 = arith.constant 640 : i32
    %mul3A_218 = arith.muli %arg1, %mul3A_217 : i32
    %add3A_219 = arith.addi %mul3A_216, %mul3A_218 : i32
    %add3A_220 = arith.constant 256 : i32
    %add3A_221 = arith.addi %add3A_219, %add3A_220 : i32
    %dma_start3A_222 = arith.constant 0 : i32
    %dma_start3A_223 = arith.constant 0 : i32
    %dma_start3A_224 = arith.constant 0 : i32
    %dma_start3A_225 = tpu.memref_slice %arg10[%dma_start3A_222, %dma_start3A_223, %dma_start3A_224] : memref<2x128x64xf32, #tpu.memory_space<vmem>> -> memref<1x128x64xf32, #tpu.memory_space<vmem>>
    %dma_start3A_226 = tpu.memref_squeeze %dma_start3A_225 : memref<1x128x64xf32, #tpu.memory_space<vmem>> -> memref<128x64xf32, #tpu.memory_space<vmem>>
    %dma_start3A_227 = arith.constant 0 : i32
    %dma_start3A_228 = tpu.memref_slice %arg7[%add3A_221, %dma_start3A_227] : memref<20480x64xf32, #tpu.memory_space<hbm>> -> memref<128x64xf32, #tpu.memory_space<hbm>>
    %dma_start3A_229 = arith.constant 0 : i32
    %dma_start3A_230 = tpu.memref_slice %arg7[%add3A_221, %dma_start3A_229] : memref<20480x64xf32, #tpu.memory_space<hbm>> -> memref<128x64xf32, #tpu.memory_space<hbm>>
    %dma_start3A_231 = arith.constant 0 : i32
    %dma_start3A_232 = arith.constant 0 : i32
    %dma_start3A_233 = tpu.memref_slice %arg10[%dma_start3A_222, %dma_start3A_231, %dma_start3A_232] : memref<2x128x64xf32, #tpu.memory_space<vmem>> -> memref<1x128x64xf32, #tpu.memory_space<vmem>>
    %dma_start3A_234 = tpu.memref_squeeze %dma_start3A_233 : memref<1x128x64xf32, #tpu.memory_space<vmem>> -> memref<128x64xf32, #tpu.memory_space<vmem>>
    tpu.enqueue_dma source(%dma_start3A_234 : memref<128x64xf32, #tpu.memory_space<vmem>>) target(%dma_start3A_230 : memref<128x64xf32, #tpu.memory_space<hbm>>) target_semaphore(%arg13 : memref<!tpu.dma_semaphore, #tpu.memory_space<semaphore_mem>>)
    %mul3A_235 = arith.constant 10240 : i32
    %mul3A_236 = arith.muli %arg0, %mul3A_235 : i32
    %mul3A_237 = arith.constant 640 : i32
    %mul3A_238 = arith.muli %arg1, %mul3A_237 : i32
    %add3A_239 = arith.addi %mul3A_236, %mul3A_238 : i32
    %add3A_240 = arith.constant 128 : i32
    %add3A_241 = arith.addi %add3A_239, %add3A_240 : i32
    %dma_wait3A_242 = arith.constant 1 : i32
    %dma_wait3A_243 = arith.constant 0 : i32
    %dma_wait3A_244 = arith.constant 0 : i32
    %dma_wait3A_245 = tpu.memref_slice %arg10[%dma_wait3A_242, %dma_wait3A_243, %dma_wait3A_244] : memref<2x128x64xf32, #tpu.memory_space<vmem>> -> memref<1x128x64xf32, #tpu.memory_space<vmem>>
    %dma_wait3A_246 = tpu.memref_squeeze %dma_wait3A_245 : memref<1x128x64xf32, #tpu.memory_space<vmem>> -> memref<128x64xf32, #tpu.memory_space<vmem>>
    %dma_wait3A_247 = arith.constant 0 : i32
    %dma_wait3A_248 = tpu.memref_slice %arg7[%add3A_241, %dma_wait3A_247] : memref<20480x64xf32, #tpu.memory_space<hbm>> -> memref<128x64xf32, #tpu.memory_space<hbm>>
    %dma_wait3A_249 = arith.constant 0 : i32
    %dma_wait3A_250 = tpu.memref_slice %arg7[%add3A_241, %dma_wait3A_249] : memref<20480x64xf32, #tpu.memory_space<hbm>> -> memref<128x64xf32, #tpu.memory_space<hbm>>
    %dma_wait3A_251 = arith.constant 0 : i32
    %dma_wait3A_252 = arith.constant 0 : i32
    %dma_wait3A_253 = tpu.memref_slice %arg10[%dma_wait3A_242, %dma_wait3A_251, %dma_wait3A_252] : memref<2x128x64xf32, #tpu.memory_space<vmem>> -> memref<1x128x64xf32, #tpu.memory_space<vmem>>
    %dma_wait3A_254 = tpu.memref_squeeze %dma_wait3A_253 : memref<1x128x64xf32, #tpu.memory_space<vmem>> -> memref<128x64xf32, #tpu.memory_space<vmem>>
    tpu.wait_dma2 semaphore(%arg14 : memref<!tpu.dma_semaphore, #tpu.memory_space<semaphore_mem>>) src(%dma_wait3A_254 : memref<128x64xf32, #tpu.memory_space<vmem>>) dst(%dma_wait3A_250 : memref<128x64xf32, #tpu.memory_space<hbm>>)
    %mul3A_255 = arith.constant 640 : i32
    %mul3A_256 = arith.muli %arg1, %mul3A_255 : i32
    %add3A_257 = arith.constant 384 : i32
    %add3A_258 = arith.addi %mul3A_256, %add3A_257 : i32
    %run_scoped3A_259 = arith.constant 1 : i32
    "tpu.region"() ({
      %run_scoped3A_365 = tpu.sem_alloc : memref<!tpu.dma_semaphore, #tpu.memory_space<semaphore_mem>>
      %dma_start3A_366 = arith.constant 0 : i32
      %dma_start3A_367 = arith.constant 0 : i32
      %dma_start3A_368 = tpu.memref_slice %arg10[%run_scoped3A_259, %dma_start3A_366, %dma_start3A_367] : memref<2x128x64xf32, #tpu.memory_space<vmem>> -> memref<1x128x64xf32, #tpu.memory_space<vmem>>
      %dma_start3A_369 = tpu.memref_squeeze %dma_start3A_368 : memref<1x128x64xf32, #tpu.memory_space<vmem>> -> memref<128x64xf32, #tpu.memory_space<vmem>>
      %dma_start3A_370 = arith.constant 0 : i32
      %dma_start3A_371 = tpu.memref_slice %arg12[%add3A_258, %dma_start3A_370] : memref<10240x64xf32, #tpu.memory_space<vmem_shared>> -> memref<128x64xf32, #tpu.memory_space<vmem_shared>>
      %dma_start3A_372 = arith.constant 0 : i32
      %dma_start3A_373 = arith.constant 0 : i32
      %dma_start3A_374 = tpu.memref_slice %arg10[%run_scoped3A_259, %dma_start3A_372, %dma_start3A_373] : memref<2x128x64xf32, #tpu.memory_space<vmem>> -> memref<1x128x64xf32, #tpu.memory_space<vmem>>
      %dma_start3A_375 = tpu.memref_squeeze %dma_start3A_374 : memref<1x128x64xf32, #tpu.memory_space<vmem>> -> memref<128x64xf32, #tpu.memory_space<vmem>>
      %dma_start3A_376 = arith.constant 0 : i32
      %dma_start3A_377 = tpu.memref_slice %arg12[%add3A_258, %dma_start3A_376] : memref<10240x64xf32, #tpu.memory_space<vmem_shared>> -> memref<128x64xf32, #tpu.memory_space<vmem_shared>>
      tpu.enqueue_dma source(%dma_start3A_377 : memref<128x64xf32, #tpu.memory_space<vmem_shared>>) target(%dma_start3A_375 : memref<128x64xf32, #tpu.memory_space<vmem>>) target_semaphore(%run_scoped3A_365 : memref<!tpu.dma_semaphore, #tpu.memory_space<semaphore_mem>>)
      %dma_wait3A_378 = arith.constant 0 : i32
      %dma_wait3A_379 = arith.constant 0 : i32
      %dma_wait3A_380 = tpu.memref_slice %arg10[%run_scoped3A_259, %dma_wait3A_378, %dma_wait3A_379] : memref<2x128x64xf32, #tpu.memory_space<vmem>> -> memref<1x128x64xf32, #tpu.memory_space<vmem>>
      %dma_wait3A_381 = tpu.memref_squeeze %dma_wait3A_380 : memref<1x128x64xf32, #tpu.memory_space<vmem>> -> memref<128x64xf32, #tpu.memory_space<vmem>>
      %dma_wait3A_382 = arith.constant 0 : i32
      %dma_wait3A_383 = tpu.memref_slice %arg12[%add3A_258, %dma_wait3A_382] : memref<10240x64xf32, #tpu.memory_space<vmem_shared>> -> memref<128x64xf32, #tpu.memory_space<vmem_shared>>
      %dma_wait3A_384 = arith.constant 0 : i32
      %dma_wait3A_385 = arith.constant 0 : i32
      %dma_wait3A_386 = tpu.memref_slice %arg10[%run_scoped3A_259, %dma_wait3A_384, %dma_wait3A_385] : memref<2x128x64xf32, #tpu.memory_space<vmem>> -> memref<1x128x64xf32, #tpu.memory_space<vmem>>
      %dma_wait3A_387 = tpu.memref_squeeze %dma_wait3A_386 : memref<1x128x64xf32, #tpu.memory_space<vmem>> -> memref<128x64xf32, #tpu.memory_space<vmem>>
      %dma_wait3A_388 = arith.constant 0 : i32
      %dma_wait3A_389 = tpu.memref_slice %arg12[%add3A_258, %dma_wait3A_388] : memref<10240x64xf32, #tpu.memory_space<vmem_shared>> -> memref<128x64xf32, #tpu.memory_space<vmem_shared>>
      tpu.wait_dma2 semaphore(%run_scoped3A_365 : memref<!tpu.dma_semaphore, #tpu.memory_space<semaphore_mem>>) src(%dma_wait3A_389 : memref<128x64xf32, #tpu.memory_space<vmem_shared>>) dst(%dma_wait3A_387 : memref<128x64xf32, #tpu.memory_space<vmem>>)
      tpu.yield
    }) : () -> ()
    %mul3A_260 = arith.constant 10240 : i32
    %mul3A_261 = arith.muli %arg0, %mul3A_260 : i32
    %mul3A_262 = arith.constant 640 : i32
    %mul3A_263 = arith.muli %arg1, %mul3A_262 : i32
    %add3A_264 = arith.addi %mul3A_261, %mul3A_263 : i32
    %add3A_265 = arith.constant 384 : i32
    %add3A_266 = arith.addi %add3A_264, %add3A_265 : i32
    %dma_start3A_267 = arith.constant 1 : i32
    %dma_start3A_268 = arith.constant 0 : i32
    %dma_start3A_269 = arith.constant 0 : i32
    %dma_start3A_270 = tpu.memref_slice %arg10[%dma_start3A_267, %dma_start3A_268, %dma_start3A_269] : memref<2x128x64xf32, #tpu.memory_space<vmem>> -> memref<1x128x64xf32, #tpu.memory_space<vmem>>
    %dma_start3A_271 = tpu.memref_squeeze %dma_start3A_270 : memref<1x128x64xf32, #tpu.memory_space<vmem>> -> memref<128x64xf32, #tpu.memory_space<vmem>>
    %dma_start3A_272 = arith.constant 0 : i32
    %dma_start3A_273 = tpu.memref_slice %arg7[%add3A_266, %dma_start3A_272] : memref<20480x64xf32, #tpu.memory_space<hbm>> -> memref<128x64xf32, #tpu.memory_space<hbm>>
    %dma_start3A_274 = arith.constant 0 : i32
    %dma_start3A_275 = tpu.memref_slice %arg7[%add3A_266, %dma_start3A_274] : memref<20480x64xf32, #tpu.memory_space<hbm>> -> memref<128x64xf32, #tpu.memory_space<hbm>>
    %dma_start3A_276 = arith.constant 0 : i32
    %dma_start3A_277 = arith.constant 0 : i32
    %dma_start3A_278 = tpu.memref_slice %arg10[%dma_start3A_267, %dma_start3A_276, %dma_start3A_277] : memref<2x128x64xf32, #tpu.memory_space<vmem>> -> memref<1x128x64xf32, #tpu.memory_space<vmem>>
    %dma_start3A_279 = tpu.memref_squeeze %dma_start3A_278 : memref<1x128x64xf32, #tpu.memory_space<vmem>> -> memref<128x64xf32, #tpu.memory_space<vmem>>
    tpu.enqueue_dma source(%dma_start3A_279 : memref<128x64xf32, #tpu.memory_space<vmem>>) target(%dma_start3A_275 : memref<128x64xf32, #tpu.memory_space<hbm>>) target_semaphore(%arg14 : memref<!tpu.dma_semaphore, #tpu.memory_space<semaphore_mem>>)
    %mul3A_280 = arith.constant 10240 : i32
    %mul3A_281 = arith.muli %arg0, %mul3A_280 : i32
    %mul3A_282 = arith.constant 640 : i32
    %mul3A_283 = arith.muli %arg1, %mul3A_282 : i32
    %add3A_284 = arith.addi %mul3A_281, %mul3A_283 : i32
    %add3A_285 = arith.constant 256 : i32
    %add3A_286 = arith.addi %add3A_284, %add3A_285 : i32
    %dma_wait3A_287 = arith.constant 0 : i32
    %dma_wait3A_288 = arith.constant 0 : i32
    %dma_wait3A_289 = arith.constant 0 : i32
    %dma_wait3A_290 = tpu.memref_slice %arg10[%dma_wait3A_287, %dma_wait3A_288, %dma_wait3A_289] : memref<2x128x64xf32, #tpu.memory_space<vmem>> -> memref<1x128x64xf32, #tpu.memory_space<vmem>>
    %dma_wait3A_291 = tpu.memref_squeeze %dma_wait3A_290 : memref<1x128x64xf32, #tpu.memory_space<vmem>> -> memref<128x64xf32, #tpu.memory_space<vmem>>
    %dma_wait3A_292 = arith.constant 0 : i32
    %dma_wait3A_293 = tpu.memref_slice %arg7[%add3A_286, %dma_wait3A_292] : memref<20480x64xf32, #tpu.memory_space<hbm>> -> memref<128x64xf32, #tpu.memory_space<hbm>>
    %dma_wait3A_294 = arith.constant 0 : i32
    %dma_wait3A_295 = tpu.memref_slice %arg7[%add3A_286, %dma_wait3A_294] : memref<20480x64xf32, #tpu.memory_space<hbm>> -> memref<128x64xf32, #tpu.memory_space<hbm>>
    %dma_wait3A_296 = arith.constant 0 : i32
    %dma_wait3A_297 = arith.constant 0 : i32
    %dma_wait3A_298 = tpu.memref_slice %arg10[%dma_wait3A_287, %dma_wait3A_296, %dma_wait3A_297] : memref<2x128x64xf32, #tpu.memory_space<vmem>> -> memref<1x128x64xf32, #tpu.memory_space<vmem>>
    %dma_wait3A_299 = tpu.memref_squeeze %dma_wait3A_298 : memref<1x128x64xf32, #tpu.memory_space<vmem>> -> memref<128x64xf32, #tpu.memory_space<vmem>>
    tpu.wait_dma2 semaphore(%arg13 : memref<!tpu.dma_semaphore, #tpu.memory_space<semaphore_mem>>) src(%dma_wait3A_299 : memref<128x64xf32, #tpu.memory_space<vmem>>) dst(%dma_wait3A_295 : memref<128x64xf32, #tpu.memory_space<hbm>>)
    %mul3A_300 = arith.constant 640 : i32
    %mul3A_301 = arith.muli %arg1, %mul3A_300 : i32
    %add3A_302 = arith.constant 512 : i32
    %add3A_303 = arith.addi %mul3A_301, %add3A_302 : i32
    %run_scoped3A_304 = arith.constant 0 : i32
    "tpu.region"() ({
      %run_scoped3A_365 = tpu.sem_alloc : memref<!tpu.dma_semaphore, #tpu.memory_space<semaphore_mem>>
      %dma_start3A_366 = arith.constant 0 : i32
      %dma_start3A_367 = arith.constant 0 : i32
      %dma_start3A_368 = tpu.memref_slice %arg10[%run_scoped3A_304, %dma_start3A_366, %dma_start3A_367] : memref<2x128x64xf32, #tpu.memory_space<vmem>> -> memref<1x128x64xf32, #tpu.memory_space<vmem>>
      %dma_start3A_369 = tpu.memref_squeeze %dma_start3A_368 : memref<1x128x64xf32, #tpu.memory_space<vmem>> -> memref<128x64xf32, #tpu.memory_space<vmem>>
      %dma_start3A_370 = arith.constant 0 : i32
      %dma_start3A_371 = tpu.memref_slice %arg12[%add3A_303, %dma_start3A_370] : memref<10240x64xf32, #tpu.memory_space<vmem_shared>> -> memref<128x64xf32, #tpu.memory_space<vmem_shared>>
      %dma_start3A_372 = arith.constant 0 : i32
      %dma_start3A_373 = arith.constant 0 : i32
      %dma_start3A_374 = tpu.memref_slice %arg10[%run_scoped3A_304, %dma_start3A_372, %dma_start3A_373] : memref<2x128x64xf32, #tpu.memory_space<vmem>> -> memref<1x128x64xf32, #tpu.memory_space<vmem>>
      %dma_start3A_375 = tpu.memref_squeeze %dma_start3A_374 : memref<1x128x64xf32, #tpu.memory_space<vmem>> -> memref<128x64xf32, #tpu.memory_space<vmem>>
      %dma_start3A_376 = arith.constant 0 : i32
      %dma_start3A_377 = tpu.memref_slice %arg12[%add3A_303, %dma_start3A_376] : memref<10240x64xf32, #tpu.memory_space<vmem_shared>> -> memref<128x64xf32, #tpu.memory_space<vmem_shared>>
      tpu.enqueue_dma source(%dma_start3A_377 : memref<128x64xf32, #tpu.memory_space<vmem_shared>>) target(%dma_start3A_375 : memref<128x64xf32, #tpu.memory_space<vmem>>) target_semaphore(%run_scoped3A_365 : memref<!tpu.dma_semaphore, #tpu.memory_space<semaphore_mem>>)
      %dma_wait3A_378 = arith.constant 0 : i32
      %dma_wait3A_379 = arith.constant 0 : i32
      %dma_wait3A_380 = tpu.memref_slice %arg10[%run_scoped3A_304, %dma_wait3A_378, %dma_wait3A_379] : memref<2x128x64xf32, #tpu.memory_space<vmem>> -> memref<1x128x64xf32, #tpu.memory_space<vmem>>
      %dma_wait3A_381 = tpu.memref_squeeze %dma_wait3A_380 : memref<1x128x64xf32, #tpu.memory_space<vmem>> -> memref<128x64xf32, #tpu.memory_space<vmem>>
      %dma_wait3A_382 = arith.constant 0 : i32
      %dma_wait3A_383 = tpu.memref_slice %arg12[%add3A_303, %dma_wait3A_382] : memref<10240x64xf32, #tpu.memory_space<vmem_shared>> -> memref<128x64xf32, #tpu.memory_space<vmem_shared>>
      %dma_wait3A_384 = arith.constant 0 : i32
      %dma_wait3A_385 = arith.constant 0 : i32
      %dma_wait3A_386 = tpu.memref_slice %arg10[%run_scoped3A_304, %dma_wait3A_384, %dma_wait3A_385] : memref<2x128x64xf32, #tpu.memory_space<vmem>> -> memref<1x128x64xf32, #tpu.memory_space<vmem>>
      %dma_wait3A_387 = tpu.memref_squeeze %dma_wait3A_386 : memref<1x128x64xf32, #tpu.memory_space<vmem>> -> memref<128x64xf32, #tpu.memory_space<vmem>>
      %dma_wait3A_388 = arith.constant 0 : i32
      %dma_wait3A_389 = tpu.memref_slice %arg12[%add3A_303, %dma_wait3A_388] : memref<10240x64xf32, #tpu.memory_space<vmem_shared>> -> memref<128x64xf32, #tpu.memory_space<vmem_shared>>
      tpu.wait_dma2 semaphore(%run_scoped3A_365 : memref<!tpu.dma_semaphore, #tpu.memory_space<semaphore_mem>>) src(%dma_wait3A_389 : memref<128x64xf32, #tpu.memory_space<vmem_shared>>) dst(%dma_wait3A_387 : memref<128x64xf32, #tpu.memory_space<vmem>>)
      tpu.yield
    }) : () -> ()
    %mul3A_305 = arith.constant 10240 : i32
    %mul3A_306 = arith.muli %arg0, %mul3A_305 : i32
    %mul3A_307 = arith.constant 640 : i32
    %mul3A_308 = arith.muli %arg1, %mul3A_307 : i32
    %add3A_309 = arith.addi %mul3A_306, %mul3A_308 : i32
    %add3A_310 = arith.constant 512 : i32
    %add3A_311 = arith.addi %add3A_309, %add3A_310 : i32
    %dma_start3A_312 = arith.constant 0 : i32
    %dma_start3A_313 = arith.constant 0 : i32
    %dma_start3A_314 = arith.constant 0 : i32
    %dma_start3A_315 = tpu.memref_slice %arg10[%dma_start3A_312, %dma_start3A_313, %dma_start3A_314] : memref<2x128x64xf32, #tpu.memory_space<vmem>> -> memref<1x128x64xf32, #tpu.memory_space<vmem>>
    %dma_start3A_316 = tpu.memref_squeeze %dma_start3A_315 : memref<1x128x64xf32, #tpu.memory_space<vmem>> -> memref<128x64xf32, #tpu.memory_space<vmem>>
    %dma_start3A_317 = arith.constant 0 : i32
    %dma_start3A_318 = tpu.memref_slice %arg7[%add3A_311, %dma_start3A_317] : memref<20480x64xf32, #tpu.memory_space<hbm>> -> memref<128x64xf32, #tpu.memory_space<hbm>>
    %dma_start3A_319 = arith.constant 0 : i32
    %dma_start3A_320 = tpu.memref_slice %arg7[%add3A_311, %dma_start3A_319] : memref<20480x64xf32, #tpu.memory_space<hbm>> -> memref<128x64xf32, #tpu.memory_space<hbm>>
    %dma_start3A_321 = arith.constant 0 : i32
    %dma_start3A_322 = arith.constant 0 : i32
    %dma_start3A_323 = tpu.memref_slice %arg10[%dma_start3A_312, %dma_start3A_321, %dma_start3A_322] : memref<2x128x64xf32, #tpu.memory_space<vmem>> -> memref<1x128x64xf32, #tpu.memory_space<vmem>>
    %dma_start3A_324 = tpu.memref_squeeze %dma_start3A_323 : memref<1x128x64xf32, #tpu.memory_space<vmem>> -> memref<128x64xf32, #tpu.memory_space<vmem>>
    tpu.enqueue_dma source(%dma_start3A_324 : memref<128x64xf32, #tpu.memory_space<vmem>>) target(%dma_start3A_320 : memref<128x64xf32, #tpu.memory_space<hbm>>) target_semaphore(%arg13 : memref<!tpu.dma_semaphore, #tpu.memory_space<semaphore_mem>>)
    %mul3A_325 = arith.constant 10240 : i32
    %mul3A_326 = arith.muli %arg0, %mul3A_325 : i32
    %mul3A_327 = arith.constant 640 : i32
    %mul3A_328 = arith.muli %arg1, %mul3A_327 : i32
    %add3A_329 = arith.addi %mul3A_326, %mul3A_328 : i32
    %add3A_330 = arith.constant 384 : i32
    %add3A_331 = arith.addi %add3A_329, %add3A_330 : i32
    %dma_wait3A_332 = arith.constant 1 : i32
    %dma_wait3A_333 = arith.constant 0 : i32
    %dma_wait3A_334 = arith.constant 0 : i32
    %dma_wait3A_335 = tpu.memref_slice %arg10[%dma_wait3A_332, %dma_wait3A_333, %dma_wait3A_334] : memref<2x128x64xf32, #tpu.memory_space<vmem>> -> memref<1x128x64xf32, #tpu.memory_space<vmem>>
    %dma_wait3A_336 = tpu.memref_squeeze %dma_wait3A_335 : memref<1x128x64xf32, #tpu.memory_space<vmem>> -> memref<128x64xf32, #tpu.memory_space<vmem>>
    %dma_wait3A_337 = arith.constant 0 : i32
    %dma_wait3A_338 = tpu.memref_slice %arg7[%add3A_331, %dma_wait3A_337] : memref<20480x64xf32, #tpu.memory_space<hbm>> -> memref<128x64xf32, #tpu.memory_space<hbm>>
    %dma_wait3A_339 = arith.constant 0 : i32
    %dma_wait3A_340 = tpu.memref_slice %arg7[%add3A_331, %dma_wait3A_339] : memref<20480x64xf32, #tpu.memory_space<hbm>> -> memref<128x64xf32, #tpu.memory_space<hbm>>
    %dma_wait3A_341 = arith.constant 0 : i32
    %dma_wait3A_342 = arith.constant 0 : i32
    %dma_wait3A_343 = tpu.memref_slice %arg10[%dma_wait3A_332, %dma_wait3A_341, %dma_wait3A_342] : memref<2x128x64xf32, #tpu.memory_space<vmem>> -> memref<1x128x64xf32, #tpu.memory_space<vmem>>
    %dma_wait3A_344 = tpu.memref_squeeze %dma_wait3A_343 : memref<1x128x64xf32, #tpu.memory_space<vmem>> -> memref<128x64xf32, #tpu.memory_space<vmem>>
    tpu.wait_dma2 semaphore(%arg14 : memref<!tpu.dma_semaphore, #tpu.memory_space<semaphore_mem>>) src(%dma_wait3A_344 : memref<128x64xf32, #tpu.memory_space<vmem>>) dst(%dma_wait3A_340 : memref<128x64xf32, #tpu.memory_space<hbm>>)
    %mul3A_345 = arith.constant 10240 : i32
    %mul3A_346 = arith.muli %arg0, %mul3A_345 : i32
    %mul3A_347 = arith.constant 640 : i32
    %mul3A_348 = arith.muli %arg1, %mul3A_347 : i32
    %add3A_349 = arith.addi %mul3A_346, %mul3A_348 : i32
    %add3A_350 = arith.constant 512 : i32
    %add3A_351 = arith.addi %add3A_349, %add3A_350 : i32
    %dma_wait3A_352 = arith.constant 0 : i32
    %dma_wait3A_353 = arith.constant 0 : i32
    %dma_wait3A_354 = arith.constant 0 : i32
    %dma_wait3A_355 = tpu.memref_slice %arg10[%dma_wait3A_352, %dma_wait3A_353, %dma_wait3A_354] : memref<2x128x64xf32, #tpu.memory_space<vmem>> -> memref<1x128x64xf32, #tpu.memory_space<vmem>>
    %dma_wait3A_356 = tpu.memref_squeeze %dma_wait3A_355 : memref<1x128x64xf32, #tpu.memory_space<vmem>> -> memref<128x64xf32, #tpu.memory_space<vmem>>
    %dma_wait3A_357 = arith.constant 0 : i32
    %dma_wait3A_358 = tpu.memref_slice %arg7[%add3A_351, %dma_wait3A_357] : memref<20480x64xf32, #tpu.memory_space<hbm>> -> memref<128x64xf32, #tpu.memory_space<hbm>>
    %dma_wait3A_359 = arith.constant 0 : i32
    %dma_wait3A_360 = tpu.memref_slice %arg7[%add3A_351, %dma_wait3A_359] : memref<20480x64xf32, #tpu.memory_space<hbm>> -> memref<128x64xf32, #tpu.memory_space<hbm>>
    %dma_wait3A_361 = arith.constant 0 : i32
    %dma_wait3A_362 = arith.constant 0 : i32
    %dma_wait3A_363 = tpu.memref_slice %arg10[%dma_wait3A_352, %dma_wait3A_361, %dma_wait3A_362] : memref<2x128x64xf32, #tpu.memory_space<vmem>> -> memref<1x128x64xf32, #tpu.memory_space<vmem>>
    %dma_wait3A_364 = tpu.memref_squeeze %dma_wait3A_363 : memref<1x128x64xf32, #tpu.memory_space<vmem>> -> memref<128x64xf32, #tpu.memory_space<vmem>>
    tpu.wait_dma2 semaphore(%arg13 : memref<!tpu.dma_semaphore, #tpu.memory_space<semaphore_mem>>) src(%dma_wait3A_364 : memref<128x64xf32, #tpu.memory_space<vmem>>) dst(%dma_wait3A_360 : memref<128x64xf32, #tpu.memory_space<hbm>>)
    return
  }
}

#map = affine_map<(d0, d1) -> (0, 0)>
module attributes {stable_mosaic.version = 14 : i64} {
  func.func @_sc_deg(%arg0: i32, %arg1: i32, %arg2: memref<2560x128xi32, #tpu.memory_space<hbm>>, %arg3: memref<128x16xf32, #tpu.memory_space<hbm>>, %arg4: memref<10240x16xf32, #tpu.memory_space<hbm>>, %arg5: memref<20480x16xf32, #tpu.memory_space<hbm>>, %arg6: memref<80x128xi32, #tpu.memory_space<vmem>>, %arg7: memref<128x16xf32, #tpu.memory_space<vmem>>, %arg8: memref<2x128x16xf32, #tpu.memory_space<vmem>>, %arg9: memref<10240x16xf32, #tpu.memory_space<vmem_shared>>, %arg10: memref<!tpu.dma_semaphore, #tpu.memory_space<semaphore_mem>>, %arg11: memref<!tpu.dma_semaphore, #tpu.memory_space<semaphore_mem>>, %arg12: memref<!tpu.dma_semaphore, #tpu.memory_space<semaphore_mem>>, %arg13: memref<!tpu.dma_semaphore, #tpu.memory_space<semaphore_mem>>) attributes {dimension_semantics = [#tpu.dimension_semantics<core_parallel>, #tpu.dimension_semantics<subcore_parallel>], iteration_bounds = array<i64: 2, 16>, scalar_prefetch = 0 : i64, scratch_operands = 8 : i64, tpu.core_type = #tpu.core_type<sc_vector_subcore>, window_params = [{transform_indices = #map}, {transform_indices = #map}, {transform_indices = #map}, {transform_indices = #map}]} {
    %mul3A = arith.constant 16 : i32
    %mul3A_0 = arith.muli %arg0, %mul3A : i32
    %add3A = arith.addi %mul3A_0, %arg1 : i32
    %mul3A_1 = arith.constant 80 : i32
    %mul3A_2 = arith.muli %add3A, %mul3A_1 : i32
    "tpu.region"() ({
      %run_scoped3A_261 = tpu.sem_alloc : memref<!tpu.dma_semaphore, #tpu.memory_space<semaphore_mem>>
      %dma_start3A_262 = arith.constant 0 : i32
      %dma_start3A_263 = tpu.memref_slice %arg2[%mul3A_2, %dma_start3A_262] : memref<2560x128xi32, #tpu.memory_space<hbm>> -> memref<80x128xi32, #tpu.memory_space<hbm>>
      %dma_start3A_264 = arith.constant 0 : i32
      %dma_start3A_265 = tpu.memref_slice %arg2[%mul3A_2, %dma_start3A_264] : memref<2560x128xi32, #tpu.memory_space<hbm>> -> memref<80x128xi32, #tpu.memory_space<hbm>>
      tpu.enqueue_dma source(%dma_start3A_265 : memref<80x128xi32, #tpu.memory_space<hbm>>) target(%arg6 : memref<80x128xi32, #tpu.memory_space<vmem>>) target_semaphore(%run_scoped3A_261 : memref<!tpu.dma_semaphore, #tpu.memory_space<semaphore_mem>>)
      %dma_wait3A_266 = arith.constant 0 : i32
      %dma_wait3A_267 = tpu.memref_slice %arg2[%mul3A_2, %dma_wait3A_266] : memref<2560x128xi32, #tpu.memory_space<hbm>> -> memref<80x128xi32, #tpu.memory_space<hbm>>
      %dma_wait3A_268 = arith.constant 0 : i32
      %dma_wait3A_269 = tpu.memref_slice %arg2[%mul3A_2, %dma_wait3A_268] : memref<2560x128xi32, #tpu.memory_space<hbm>> -> memref<80x128xi32, #tpu.memory_space<hbm>>
      tpu.wait_dma2 semaphore(%run_scoped3A_261 : memref<!tpu.dma_semaphore, #tpu.memory_space<semaphore_mem>>) src(%dma_wait3A_269 : memref<80x128xi32, #tpu.memory_space<hbm>>) dst(%arg6 : memref<80x128xi32, #tpu.memory_space<vmem>>)
      tpu.yield
    }) : () -> ()
    "tpu.region"() ({
      %run_scoped3A_261 = tpu.sem_alloc : memref<!tpu.dma_semaphore, #tpu.memory_space<semaphore_mem>>
      tpu.enqueue_dma source(%arg3 : memref<128x16xf32, #tpu.memory_space<hbm>>) target(%arg7 : memref<128x16xf32, #tpu.memory_space<vmem>>) target_semaphore(%run_scoped3A_261 : memref<!tpu.dma_semaphore, #tpu.memory_space<semaphore_mem>>)
      tpu.wait_dma2 semaphore(%run_scoped3A_261 : memref<!tpu.dma_semaphore, #tpu.memory_space<semaphore_mem>>) src(%arg3 : memref<128x16xf32, #tpu.memory_space<hbm>>) dst(%arg7 : memref<128x16xf32, #tpu.memory_space<vmem>>)
      tpu.yield
    }) : () -> ()
    %mul3A_3 = arith.constant 640 : i32
    %mul3A_4 = arith.muli %arg1, %mul3A_3 : i32
    "tpu.region"() ({
      %run_scoped3A_261 = tpu.sem_alloc : memref<!tpu.dma_semaphore, #tpu.memory_space<semaphore_mem>>
      %dma_start3A_262 = arith.constant 0 : i32
      %dma_start3A_263 = tpu.memref_slice %arg9[%mul3A_4, %dma_start3A_262] : memref<10240x16xf32, #tpu.memory_space<vmem_shared>> -> memref<640x16xf32, #tpu.memory_space<vmem_shared>>
      %dma_start3A_264 = arith.constant 0 : i32
      %dma_start3A_265 = tpu.memref_slice %arg4[%mul3A_4, %dma_start3A_264] : memref<10240x16xf32, #tpu.memory_space<hbm>> -> memref<640x16xf32, #tpu.memory_space<hbm>>
      tpu.enqueue_dma source(%dma_start3A_265 : memref<640x16xf32, #tpu.memory_space<hbm>>) target(%dma_start3A_263 : memref<640x16xf32, #tpu.memory_space<vmem_shared>>) target_semaphore(%run_scoped3A_261 : memref<!tpu.dma_semaphore, #tpu.memory_space<semaphore_mem>>)
      %dma_wait3A_266 = arith.constant 0 : i32
      %dma_wait3A_267 = tpu.memref_slice %arg9[%mul3A_4, %dma_wait3A_266] : memref<10240x16xf32, #tpu.memory_space<vmem_shared>> -> memref<640x16xf32, #tpu.memory_space<vmem_shared>>
      %dma_wait3A_268 = arith.constant 0 : i32
      %dma_wait3A_269 = tpu.memref_slice %arg4[%mul3A_4, %dma_wait3A_268] : memref<10240x16xf32, #tpu.memory_space<hbm>> -> memref<640x16xf32, #tpu.memory_space<hbm>>
      tpu.wait_dma2 semaphore(%run_scoped3A_261 : memref<!tpu.dma_semaphore, #tpu.memory_space<semaphore_mem>>) src(%dma_wait3A_269 : memref<640x16xf32, #tpu.memory_space<hbm>>) dst(%dma_wait3A_267 : memref<640x16xf32, #tpu.memory_space<vmem_shared>>)
      tpu.yield
    }) : () -> ()
    %barrier3A = arith.constant 0 : index
    tpu.barrier barrier_id(%barrier3A)
    %dma_start3A = arith.constant 0 : i32
    %dma_start3A_5 = arith.constant 0 : i32
    %dma_start3A_6 = tpu.memref_slice %arg6[%dma_start3A, %dma_start3A_5] : memref<80x128xi32, #tpu.memory_space<vmem>> -> memref<1x128xi32, #tpu.memory_space<vmem>>
    %dma_start3A_7 = tpu.memref_squeeze %dma_start3A_6 : memref<1x128xi32, #tpu.memory_space<vmem>> -> memref<128xi32, #tpu.memory_space<vmem>>
    %dma_start3A_8 = arith.constant 0 : i32
    %dma_start3A_9 = arith.constant 0 : i32
    %dma_start3A_10 = tpu.memref_slice %arg9[%dma_start3A_8, %dma_start3A_9] : memref<10240x16xf32, #tpu.memory_space<vmem_shared>> -> memref<10240x16xf32, #tpu.memory_space<vmem_shared>>
    tpu.enqueue_indirect_dma source(%arg7 : memref<128x16xf32, #tpu.memory_space<vmem>>) target(%dma_start3A_10 : memref<10240x16xf32, #tpu.memory_space<vmem_shared>>) offsets(%dma_start3A_7 : memref<128xi32, #tpu.memory_space<vmem>>) semaphore(%arg10 : memref<!tpu.dma_semaphore, #tpu.memory_space<semaphore_mem>>) {add = true}
    %dma_start3A_11 = arith.constant 1 : i32
    %dma_start3A_12 = arith.constant 0 : i32
    %dma_start3A_13 = tpu.memref_slice %arg6[%dma_start3A_11, %dma_start3A_12] : memref<80x128xi32, #tpu.memory_space<vmem>> -> memref<1x128xi32, #tpu.memory_space<vmem>>
    %dma_start3A_14 = tpu.memref_squeeze %dma_start3A_13 : memref<1x128xi32, #tpu.memory_space<vmem>> -> memref<128xi32, #tpu.memory_space<vmem>>
    %dma_start3A_15 = arith.constant 0 : i32
    %dma_start3A_16 = arith.constant 0 : i32
    %dma_start3A_17 = tpu.memref_slice %arg9[%dma_start3A_15, %dma_start3A_16] : memref<10240x16xf32, #tpu.memory_space<vmem_shared>> -> memref<10240x16xf32, #tpu.memory_space<vmem_shared>>
    tpu.enqueue_indirect_dma source(%arg7 : memref<128x16xf32, #tpu.memory_space<vmem>>) target(%dma_start3A_17 : memref<10240x16xf32, #tpu.memory_space<vmem_shared>>) offsets(%dma_start3A_14 : memref<128xi32, #tpu.memory_space<vmem>>) semaphore(%arg11 : memref<!tpu.dma_semaphore, #tpu.memory_space<semaphore_mem>>) {add = true}
    %dma_start3A_18 = arith.constant 2 : i32
    %dma_start3A_19 = arith.constant 0 : i32
    %dma_start3A_20 = tpu.memref_slice %arg6[%dma_start3A_18, %dma_start3A_19] : memref<80x128xi32, #tpu.memory_space<vmem>> -> memref<1x128xi32, #tpu.memory_space<vmem>>
    %dma_start3A_21 = tpu.memref_squeeze %dma_start3A_20 : memref<1x128xi32, #tpu.memory_space<vmem>> -> memref<128xi32, #tpu.memory_space<vmem>>
    %dma_start3A_22 = arith.constant 0 : i32
    %dma_start3A_23 = arith.constant 0 : i32
    %dma_start3A_24 = tpu.memref_slice %arg9[%dma_start3A_22, %dma_start3A_23] : memref<10240x16xf32, #tpu.memory_space<vmem_shared>> -> memref<10240x16xf32, #tpu.memory_space<vmem_shared>>
    tpu.enqueue_indirect_dma source(%arg7 : memref<128x16xf32, #tpu.memory_space<vmem>>) target(%dma_start3A_24 : memref<10240x16xf32, #tpu.memory_space<vmem_shared>>) offsets(%dma_start3A_21 : memref<128xi32, #tpu.memory_space<vmem>>) semaphore(%arg12 : memref<!tpu.dma_semaphore, #tpu.memory_space<semaphore_mem>>) {add = true}
    %dma_start3A_25 = arith.constant 3 : i32
    %dma_start3A_26 = arith.constant 0 : i32
    %dma_start3A_27 = tpu.memref_slice %arg6[%dma_start3A_25, %dma_start3A_26] : memref<80x128xi32, #tpu.memory_space<vmem>> -> memref<1x128xi32, #tpu.memory_space<vmem>>
    %dma_start3A_28 = tpu.memref_squeeze %dma_start3A_27 : memref<1x128xi32, #tpu.memory_space<vmem>> -> memref<128xi32, #tpu.memory_space<vmem>>
    %dma_start3A_29 = arith.constant 0 : i32
    %dma_start3A_30 = arith.constant 0 : i32
    %dma_start3A_31 = tpu.memref_slice %arg9[%dma_start3A_29, %dma_start3A_30] : memref<10240x16xf32, #tpu.memory_space<vmem_shared>> -> memref<10240x16xf32, #tpu.memory_space<vmem_shared>>
    tpu.enqueue_indirect_dma source(%arg7 : memref<128x16xf32, #tpu.memory_space<vmem>>) target(%dma_start3A_31 : memref<10240x16xf32, #tpu.memory_space<vmem_shared>>) offsets(%dma_start3A_28 : memref<128xi32, #tpu.memory_space<vmem>>) semaphore(%arg13 : memref<!tpu.dma_semaphore, #tpu.memory_space<semaphore_mem>>) {add = true}
    %scan3A = arith.constant 0 : i32
    %scan3A_32 = arith.constant 0 : i32
    %scan3A_33 = arith.constant 20 : i32
    %scan3A_34 = arith.addi %scan3A_32, %scan3A_33 : i32
    %scan3A_35 = arith.constant 1 : i32
    scf.for %scan3A_261 = %scan3A_32 to %scan3A_34 step %scan3A_35  : i32 {
      %mul3A_262 = arith.constant 4 : i32
      %mul3A_263 = arith.muli %mul3A_262, %scan3A_261 : i32
      %add3A_264 = arith.constant 0 : i32
      %add3A_265 = arith.addi %mul3A_263, %add3A_264 : i32
      %dma_wait3A_266 = arith.constant 0 : i32
      %dma_wait3A_267 = tpu.memref_slice %arg6[%add3A_265, %dma_wait3A_266] : memref<80x128xi32, #tpu.memory_space<vmem>> -> memref<1x128xi32, #tpu.memory_space<vmem>>
      %dma_wait3A_268 = tpu.memref_squeeze %dma_wait3A_267 : memref<1x128xi32, #tpu.memory_space<vmem>> -> memref<128xi32, #tpu.memory_space<vmem>>
      %dma_wait3A_269 = arith.constant 0 : i32
      %dma_wait3A_270 = arith.constant 0 : i32
      %dma_wait3A_271 = tpu.memref_slice %arg9[%dma_wait3A_269, %dma_wait3A_270] : memref<10240x16xf32, #tpu.memory_space<vmem_shared>> -> memref<10240x16xf32, #tpu.memory_space<vmem_shared>>
      tpu.wait_indirect_dma semaphore(%arg10 : memref<!tpu.dma_semaphore, #tpu.memory_space<semaphore_mem>>) src(%arg7 : memref<128x16xf32, #tpu.memory_space<vmem>>) dst(%dma_wait3A_271 : memref<10240x16xf32, #tpu.memory_space<vmem_shared>>)
      %lt3A = arith.constant 19 : i32
      %lt3A_272 = arith.cmpi slt, %scan3A_261, %lt3A : i32
      %convert_element_type3A = arith.extui %lt3A_272 : i1 to i32
      %cond3A = arith.constant 0 : i32
      %cond3A_273 = arith.cmpi ne, %convert_element_type3A, %cond3A : i32
      scf.if %cond3A_273 {
        %add3A_313 = arith.constant 0 : i32
        %add3A_314 = arith.addi %mul3A_263, %add3A_313 : i32
        %add3A_315 = arith.constant 4 : i32
        %add3A_316 = arith.addi %add3A_314, %add3A_315 : i32
        %dma_start3A_317 = arith.constant 0 : i32
        %dma_start3A_318 = tpu.memref_slice %arg6[%add3A_316, %dma_start3A_317] : memref<80x128xi32, #tpu.memory_space<vmem>> -> memref<1x128xi32, #tpu.memory_space<vmem>>
        %dma_start3A_319 = tpu.memref_squeeze %dma_start3A_318 : memref<1x128xi32, #tpu.memory_space<vmem>> -> memref<128xi32, #tpu.memory_space<vmem>>
        %dma_start3A_320 = arith.constant 0 : i32
        %dma_start3A_321 = arith.constant 0 : i32
        %dma_start3A_322 = tpu.memref_slice %arg9[%dma_start3A_320, %dma_start3A_321] : memref<10240x16xf32, #tpu.memory_space<vmem_shared>> -> memref<10240x16xf32, #tpu.memory_space<vmem_shared>>
        tpu.enqueue_indirect_dma source(%arg7 : memref<128x16xf32, #tpu.memory_space<vmem>>) target(%dma_start3A_322 : memref<10240x16xf32, #tpu.memory_space<vmem_shared>>) offsets(%dma_start3A_319 : memref<128xi32, #tpu.memory_space<vmem>>) semaphore(%arg10 : memref<!tpu.dma_semaphore, #tpu.memory_space<semaphore_mem>>) {add = true}
      } else {
      }
      %add3A_274 = arith.constant 1 : i32
      %add3A_275 = arith.addi %mul3A_263, %add3A_274 : i32
      %dma_wait3A_276 = arith.constant 0 : i32
      %dma_wait3A_277 = tpu.memref_slice %arg6[%add3A_275, %dma_wait3A_276] : memref<80x128xi32, #tpu.memory_space<vmem>> -> memref<1x128xi32, #tpu.memory_space<vmem>>
      %dma_wait3A_278 = tpu.memref_squeeze %dma_wait3A_277 : memref<1x128xi32, #tpu.memory_space<vmem>> -> memref<128xi32, #tpu.memory_space<vmem>>
      %dma_wait3A_279 = arith.constant 0 : i32
      %dma_wait3A_280 = arith.constant 0 : i32
      %dma_wait3A_281 = tpu.memref_slice %arg9[%dma_wait3A_279, %dma_wait3A_280] : memref<10240x16xf32, #tpu.memory_space<vmem_shared>> -> memref<10240x16xf32, #tpu.memory_space<vmem_shared>>
      tpu.wait_indirect_dma semaphore(%arg11 : memref<!tpu.dma_semaphore, #tpu.memory_space<semaphore_mem>>) src(%arg7 : memref<128x16xf32, #tpu.memory_space<vmem>>) dst(%dma_wait3A_281 : memref<10240x16xf32, #tpu.memory_space<vmem_shared>>)
      %lt3A_282 = arith.constant 19 : i32
      %lt3A_283 = arith.cmpi slt, %scan3A_261, %lt3A_282 : i32
      %convert_element_type3A_284 = arith.extui %lt3A_283 : i1 to i32
      %cond3A_285 = arith.constant 0 : i32
      %cond3A_286 = arith.cmpi ne, %convert_element_type3A_284, %cond3A_285 : i32
      scf.if %cond3A_286 {
        %add3A_313 = arith.constant 1 : i32
        %add3A_314 = arith.addi %mul3A_263, %add3A_313 : i32
        %add3A_315 = arith.constant 4 : i32
        %add3A_316 = arith.addi %add3A_314, %add3A_315 : i32
        %dma_start3A_317 = arith.constant 0 : i32
        %dma_start3A_318 = tpu.memref_slice %arg6[%add3A_316, %dma_start3A_317] : memref<80x128xi32, #tpu.memory_space<vmem>> -> memref<1x128xi32, #tpu.memory_space<vmem>>
        %dma_start3A_319 = tpu.memref_squeeze %dma_start3A_318 : memref<1x128xi32, #tpu.memory_space<vmem>> -> memref<128xi32, #tpu.memory_space<vmem>>
        %dma_start3A_320 = arith.constant 0 : i32
        %dma_start3A_321 = arith.constant 0 : i32
        %dma_start3A_322 = tpu.memref_slice %arg9[%dma_start3A_320, %dma_start3A_321] : memref<10240x16xf32, #tpu.memory_space<vmem_shared>> -> memref<10240x16xf32, #tpu.memory_space<vmem_shared>>
        tpu.enqueue_indirect_dma source(%arg7 : memref<128x16xf32, #tpu.memory_space<vmem>>) target(%dma_start3A_322 : memref<10240x16xf32, #tpu.memory_space<vmem_shared>>) offsets(%dma_start3A_319 : memref<128xi32, #tpu.memory_space<vmem>>) semaphore(%arg11 : memref<!tpu.dma_semaphore, #tpu.memory_space<semaphore_mem>>) {add = true}
      } else {
      }
      %add3A_287 = arith.constant 2 : i32
      %add3A_288 = arith.addi %mul3A_263, %add3A_287 : i32
      %dma_wait3A_289 = arith.constant 0 : i32
      %dma_wait3A_290 = tpu.memref_slice %arg6[%add3A_288, %dma_wait3A_289] : memref<80x128xi32, #tpu.memory_space<vmem>> -> memref<1x128xi32, #tpu.memory_space<vmem>>
      %dma_wait3A_291 = tpu.memref_squeeze %dma_wait3A_290 : memref<1x128xi32, #tpu.memory_space<vmem>> -> memref<128xi32, #tpu.memory_space<vmem>>
      %dma_wait3A_292 = arith.constant 0 : i32
      %dma_wait3A_293 = arith.constant 0 : i32
      %dma_wait3A_294 = tpu.memref_slice %arg9[%dma_wait3A_292, %dma_wait3A_293] : memref<10240x16xf32, #tpu.memory_space<vmem_shared>> -> memref<10240x16xf32, #tpu.memory_space<vmem_shared>>
      tpu.wait_indirect_dma semaphore(%arg12 : memref<!tpu.dma_semaphore, #tpu.memory_space<semaphore_mem>>) src(%arg7 : memref<128x16xf32, #tpu.memory_space<vmem>>) dst(%dma_wait3A_294 : memref<10240x16xf32, #tpu.memory_space<vmem_shared>>)
      %lt3A_295 = arith.constant 19 : i32
      %lt3A_296 = arith.cmpi slt, %scan3A_261, %lt3A_295 : i32
      %convert_element_type3A_297 = arith.extui %lt3A_296 : i1 to i32
      %cond3A_298 = arith.constant 0 : i32
      %cond3A_299 = arith.cmpi ne, %convert_element_type3A_297, %cond3A_298 : i32
      scf.if %cond3A_299 {
        %add3A_313 = arith.constant 2 : i32
        %add3A_314 = arith.addi %mul3A_263, %add3A_313 : i32
        %add3A_315 = arith.constant 4 : i32
        %add3A_316 = arith.addi %add3A_314, %add3A_315 : i32
        %dma_start3A_317 = arith.constant 0 : i32
        %dma_start3A_318 = tpu.memref_slice %arg6[%add3A_316, %dma_start3A_317] : memref<80x128xi32, #tpu.memory_space<vmem>> -> memref<1x128xi32, #tpu.memory_space<vmem>>
        %dma_start3A_319 = tpu.memref_squeeze %dma_start3A_318 : memref<1x128xi32, #tpu.memory_space<vmem>> -> memref<128xi32, #tpu.memory_space<vmem>>
        %dma_start3A_320 = arith.constant 0 : i32
        %dma_start3A_321 = arith.constant 0 : i32
        %dma_start3A_322 = tpu.memref_slice %arg9[%dma_start3A_320, %dma_start3A_321] : memref<10240x16xf32, #tpu.memory_space<vmem_shared>> -> memref<10240x16xf32, #tpu.memory_space<vmem_shared>>
        tpu.enqueue_indirect_dma source(%arg7 : memref<128x16xf32, #tpu.memory_space<vmem>>) target(%dma_start3A_322 : memref<10240x16xf32, #tpu.memory_space<vmem_shared>>) offsets(%dma_start3A_319 : memref<128xi32, #tpu.memory_space<vmem>>) semaphore(%arg12 : memref<!tpu.dma_semaphore, #tpu.memory_space<semaphore_mem>>) {add = true}
      } else {
      }
      %add3A_300 = arith.constant 3 : i32
      %add3A_301 = arith.addi %mul3A_263, %add3A_300 : i32
      %dma_wait3A_302 = arith.constant 0 : i32
      %dma_wait3A_303 = tpu.memref_slice %arg6[%add3A_301, %dma_wait3A_302] : memref<80x128xi32, #tpu.memory_space<vmem>> -> memref<1x128xi32, #tpu.memory_space<vmem>>
      %dma_wait3A_304 = tpu.memref_squeeze %dma_wait3A_303 : memref<1x128xi32, #tpu.memory_space<vmem>> -> memref<128xi32, #tpu.memory_space<vmem>>
      %dma_wait3A_305 = arith.constant 0 : i32
      %dma_wait3A_306 = arith.constant 0 : i32
      %dma_wait3A_307 = tpu.memref_slice %arg9[%dma_wait3A_305, %dma_wait3A_306] : memref<10240x16xf32, #tpu.memory_space<vmem_shared>> -> memref<10240x16xf32, #tpu.memory_space<vmem_shared>>
      tpu.wait_indirect_dma semaphore(%arg13 : memref<!tpu.dma_semaphore, #tpu.memory_space<semaphore_mem>>) src(%arg7 : memref<128x16xf32, #tpu.memory_space<vmem>>) dst(%dma_wait3A_307 : memref<10240x16xf32, #tpu.memory_space<vmem_shared>>)
      %lt3A_308 = arith.constant 19 : i32
      %lt3A_309 = arith.cmpi slt, %scan3A_261, %lt3A_308 : i32
      %convert_element_type3A_310 = arith.extui %lt3A_309 : i1 to i32
      %cond3A_311 = arith.constant 0 : i32
      %cond3A_312 = arith.cmpi ne, %convert_element_type3A_310, %cond3A_311 : i32
      scf.if %cond3A_312 {
        %add3A_313 = arith.constant 3 : i32
        %add3A_314 = arith.addi %mul3A_263, %add3A_313 : i32
        %add3A_315 = arith.constant 4 : i32
        %add3A_316 = arith.addi %add3A_314, %add3A_315 : i32
        %dma_start3A_317 = arith.constant 0 : i32
        %dma_start3A_318 = tpu.memref_slice %arg6[%add3A_316, %dma_start3A_317] : memref<80x128xi32, #tpu.memory_space<vmem>> -> memref<1x128xi32, #tpu.memory_space<vmem>>
        %dma_start3A_319 = tpu.memref_squeeze %dma_start3A_318 : memref<1x128xi32, #tpu.memory_space<vmem>> -> memref<128xi32, #tpu.memory_space<vmem>>
        %dma_start3A_320 = arith.constant 0 : i32
        %dma_start3A_321 = arith.constant 0 : i32
        %dma_start3A_322 = tpu.memref_slice %arg9[%dma_start3A_320, %dma_start3A_321] : memref<10240x16xf32, #tpu.memory_space<vmem_shared>> -> memref<10240x16xf32, #tpu.memory_space<vmem_shared>>
        tpu.enqueue_indirect_dma source(%arg7 : memref<128x16xf32, #tpu.memory_space<vmem>>) target(%dma_start3A_322 : memref<10240x16xf32, #tpu.memory_space<vmem_shared>>) offsets(%dma_start3A_319 : memref<128xi32, #tpu.memory_space<vmem>>) semaphore(%arg13 : memref<!tpu.dma_semaphore, #tpu.memory_space<semaphore_mem>>) {add = true}
      } else {
      }
    }
    %scan3A_36 = arith.constant 20 : i32
    %barrier3A_37 = arith.constant 0 : index
    tpu.barrier barrier_id(%barrier3A_37)
    %mul3A_38 = arith.constant 640 : i32
    %mul3A_39 = arith.muli %arg1, %mul3A_38 : i32
    %add3A_40 = arith.constant 0 : i32
    %add3A_41 = arith.addi %mul3A_39, %add3A_40 : i32
    %run_scoped3A = arith.constant 0 : i32
    "tpu.region"() ({
      %run_scoped3A_261 = tpu.sem_alloc : memref<!tpu.dma_semaphore, #tpu.memory_space<semaphore_mem>>
      %dma_start3A_262 = arith.constant 0 : i32
      %dma_start3A_263 = arith.constant 0 : i32
      %dma_start3A_264 = tpu.memref_slice %arg8[%run_scoped3A, %dma_start3A_262, %dma_start3A_263] : memref<2x128x16xf32, #tpu.memory_space<vmem>> -> memref<1x128x16xf32, #tpu.memory_space<vmem>>
      %dma_start3A_265 = tpu.memref_squeeze %dma_start3A_264 : memref<1x128x16xf32, #tpu.memory_space<vmem>> -> memref<128x16xf32, #tpu.memory_space<vmem>>
      %dma_start3A_266 = arith.constant 0 : i32
      %dma_start3A_267 = tpu.memref_slice %arg9[%add3A_41, %dma_start3A_266] : memref<10240x16xf32, #tpu.memory_space<vmem_shared>> -> memref<128x16xf32, #tpu.memory_space<vmem_shared>>
      %dma_start3A_268 = arith.constant 0 : i32
      %dma_start3A_269 = arith.constant 0 : i32
      %dma_start3A_270 = tpu.memref_slice %arg8[%run_scoped3A, %dma_start3A_268, %dma_start3A_269] : memref<2x128x16xf32, #tpu.memory_space<vmem>> -> memref<1x128x16xf32, #tpu.memory_space<vmem>>
      %dma_start3A_271 = tpu.memref_squeeze %dma_start3A_270 : memref<1x128x16xf32, #tpu.memory_space<vmem>> -> memref<128x16xf32, #tpu.memory_space<vmem>>
      %dma_start3A_272 = arith.constant 0 : i32
      %dma_start3A_273 = tpu.memref_slice %arg9[%add3A_41, %dma_start3A_272] : memref<10240x16xf32, #tpu.memory_space<vmem_shared>> -> memref<128x16xf32, #tpu.memory_space<vmem_shared>>
      tpu.enqueue_dma source(%dma_start3A_273 : memref<128x16xf32, #tpu.memory_space<vmem_shared>>) target(%dma_start3A_271 : memref<128x16xf32, #tpu.memory_space<vmem>>) target_semaphore(%run_scoped3A_261 : memref<!tpu.dma_semaphore, #tpu.memory_space<semaphore_mem>>)
      %dma_wait3A_274 = arith.constant 0 : i32
      %dma_wait3A_275 = arith.constant 0 : i32
      %dma_wait3A_276 = tpu.memref_slice %arg8[%run_scoped3A, %dma_wait3A_274, %dma_wait3A_275] : memref<2x128x16xf32, #tpu.memory_space<vmem>> -> memref<1x128x16xf32, #tpu.memory_space<vmem>>
      %dma_wait3A_277 = tpu.memref_squeeze %dma_wait3A_276 : memref<1x128x16xf32, #tpu.memory_space<vmem>> -> memref<128x16xf32, #tpu.memory_space<vmem>>
      %dma_wait3A_278 = arith.constant 0 : i32
      %dma_wait3A_279 = tpu.memref_slice %arg9[%add3A_41, %dma_wait3A_278] : memref<10240x16xf32, #tpu.memory_space<vmem_shared>> -> memref<128x16xf32, #tpu.memory_space<vmem_shared>>
      %dma_wait3A_280 = arith.constant 0 : i32
      %dma_wait3A_281 = arith.constant 0 : i32
      %dma_wait3A_282 = tpu.memref_slice %arg8[%run_scoped3A, %dma_wait3A_280, %dma_wait3A_281] : memref<2x128x16xf32, #tpu.memory_space<vmem>> -> memref<1x128x16xf32, #tpu.memory_space<vmem>>
      %dma_wait3A_283 = tpu.memref_squeeze %dma_wait3A_282 : memref<1x128x16xf32, #tpu.memory_space<vmem>> -> memref<128x16xf32, #tpu.memory_space<vmem>>
      %dma_wait3A_284 = arith.constant 0 : i32
      %dma_wait3A_285 = tpu.memref_slice %arg9[%add3A_41, %dma_wait3A_284] : memref<10240x16xf32, #tpu.memory_space<vmem_shared>> -> memref<128x16xf32, #tpu.memory_space<vmem_shared>>
      tpu.wait_dma2 semaphore(%run_scoped3A_261 : memref<!tpu.dma_semaphore, #tpu.memory_space<semaphore_mem>>) src(%dma_wait3A_285 : memref<128x16xf32, #tpu.memory_space<vmem_shared>>) dst(%dma_wait3A_283 : memref<128x16xf32, #tpu.memory_space<vmem>>)
      tpu.yield
    }) : () -> ()
    %mul3A_42 = arith.constant 10240 : i32
    %mul3A_43 = arith.muli %arg0, %mul3A_42 : i32
    %mul3A_44 = arith.constant 640 : i32
    %mul3A_45 = arith.muli %arg1, %mul3A_44 : i32
    %add3A_46 = arith.addi %mul3A_43, %mul3A_45 : i32
    %add3A_47 = arith.constant 0 : i32
    %add3A_48 = arith.addi %add3A_46, %add3A_47 : i32
    %dma_start3A_49 = arith.constant 0 : i32
    %dma_start3A_50 = arith.constant 0 : i32
    %dma_start3A_51 = arith.constant 0 : i32
    %dma_start3A_52 = tpu.memref_slice %arg8[%dma_start3A_49, %dma_start3A_50, %dma_start3A_51] : memref<2x128x16xf32, #tpu.memory_space<vmem>> -> memref<1x128x16xf32, #tpu.memory_space<vmem>>
    %dma_start3A_53 = tpu.memref_squeeze %dma_start3A_52 : memref<1x128x16xf32, #tpu.memory_space<vmem>> -> memref<128x16xf32, #tpu.memory_space<vmem>>
    %dma_start3A_54 = arith.constant 0 : i32
    %dma_start3A_55 = tpu.memref_slice %arg5[%add3A_48, %dma_start3A_54] : memref<20480x16xf32, #tpu.memory_space<hbm>> -> memref<128x16xf32, #tpu.memory_space<hbm>>
    %dma_start3A_56 = arith.constant 0 : i32
    %dma_start3A_57 = tpu.memref_slice %arg5[%add3A_48, %dma_start3A_56] : memref<20480x16xf32, #tpu.memory_space<hbm>> -> memref<128x16xf32, #tpu.memory_space<hbm>>
    %dma_start3A_58 = arith.constant 0 : i32
    %dma_start3A_59 = arith.constant 0 : i32
    %dma_start3A_60 = tpu.memref_slice %arg8[%dma_start3A_49, %dma_start3A_58, %dma_start3A_59] : memref<2x128x16xf32, #tpu.memory_space<vmem>> -> memref<1x128x16xf32, #tpu.memory_space<vmem>>
    %dma_start3A_61 = tpu.memref_squeeze %dma_start3A_60 : memref<1x128x16xf32, #tpu.memory_space<vmem>> -> memref<128x16xf32, #tpu.memory_space<vmem>>
    tpu.enqueue_dma source(%dma_start3A_61 : memref<128x16xf32, #tpu.memory_space<vmem>>) target(%dma_start3A_57 : memref<128x16xf32, #tpu.memory_space<hbm>>) target_semaphore(%arg10 : memref<!tpu.dma_semaphore, #tpu.memory_space<semaphore_mem>>)
    %mul3A_62 = arith.constant 640 : i32
    %mul3A_63 = arith.muli %arg1, %mul3A_62 : i32
    %add3A_64 = arith.constant 128 : i32
    %add3A_65 = arith.addi %mul3A_63, %add3A_64 : i32
    %run_scoped3A_66 = arith.constant 1 : i32
    "tpu.region"() ({
      %run_scoped3A_261 = tpu.sem_alloc : memref<!tpu.dma_semaphore, #tpu.memory_space<semaphore_mem>>
      %dma_start3A_262 = arith.constant 0 : i32
      %dma_start3A_263 = arith.constant 0 : i32
      %dma_start3A_264 = tpu.memref_slice %arg8[%run_scoped3A_66, %dma_start3A_262, %dma_start3A_263] : memref<2x128x16xf32, #tpu.memory_space<vmem>> -> memref<1x128x16xf32, #tpu.memory_space<vmem>>
      %dma_start3A_265 = tpu.memref_squeeze %dma_start3A_264 : memref<1x128x16xf32, #tpu.memory_space<vmem>> -> memref<128x16xf32, #tpu.memory_space<vmem>>
      %dma_start3A_266 = arith.constant 0 : i32
      %dma_start3A_267 = tpu.memref_slice %arg9[%add3A_65, %dma_start3A_266] : memref<10240x16xf32, #tpu.memory_space<vmem_shared>> -> memref<128x16xf32, #tpu.memory_space<vmem_shared>>
      %dma_start3A_268 = arith.constant 0 : i32
      %dma_start3A_269 = arith.constant 0 : i32
      %dma_start3A_270 = tpu.memref_slice %arg8[%run_scoped3A_66, %dma_start3A_268, %dma_start3A_269] : memref<2x128x16xf32, #tpu.memory_space<vmem>> -> memref<1x128x16xf32, #tpu.memory_space<vmem>>
      %dma_start3A_271 = tpu.memref_squeeze %dma_start3A_270 : memref<1x128x16xf32, #tpu.memory_space<vmem>> -> memref<128x16xf32, #tpu.memory_space<vmem>>
      %dma_start3A_272 = arith.constant 0 : i32
      %dma_start3A_273 = tpu.memref_slice %arg9[%add3A_65, %dma_start3A_272] : memref<10240x16xf32, #tpu.memory_space<vmem_shared>> -> memref<128x16xf32, #tpu.memory_space<vmem_shared>>
      tpu.enqueue_dma source(%dma_start3A_273 : memref<128x16xf32, #tpu.memory_space<vmem_shared>>) target(%dma_start3A_271 : memref<128x16xf32, #tpu.memory_space<vmem>>) target_semaphore(%run_scoped3A_261 : memref<!tpu.dma_semaphore, #tpu.memory_space<semaphore_mem>>)
      %dma_wait3A_274 = arith.constant 0 : i32
      %dma_wait3A_275 = arith.constant 0 : i32
      %dma_wait3A_276 = tpu.memref_slice %arg8[%run_scoped3A_66, %dma_wait3A_274, %dma_wait3A_275] : memref<2x128x16xf32, #tpu.memory_space<vmem>> -> memref<1x128x16xf32, #tpu.memory_space<vmem>>
      %dma_wait3A_277 = tpu.memref_squeeze %dma_wait3A_276 : memref<1x128x16xf32, #tpu.memory_space<vmem>> -> memref<128x16xf32, #tpu.memory_space<vmem>>
      %dma_wait3A_278 = arith.constant 0 : i32
      %dma_wait3A_279 = tpu.memref_slice %arg9[%add3A_65, %dma_wait3A_278] : memref<10240x16xf32, #tpu.memory_space<vmem_shared>> -> memref<128x16xf32, #tpu.memory_space<vmem_shared>>
      %dma_wait3A_280 = arith.constant 0 : i32
      %dma_wait3A_281 = arith.constant 0 : i32
      %dma_wait3A_282 = tpu.memref_slice %arg8[%run_scoped3A_66, %dma_wait3A_280, %dma_wait3A_281] : memref<2x128x16xf32, #tpu.memory_space<vmem>> -> memref<1x128x16xf32, #tpu.memory_space<vmem>>
      %dma_wait3A_283 = tpu.memref_squeeze %dma_wait3A_282 : memref<1x128x16xf32, #tpu.memory_space<vmem>> -> memref<128x16xf32, #tpu.memory_space<vmem>>
      %dma_wait3A_284 = arith.constant 0 : i32
      %dma_wait3A_285 = tpu.memref_slice %arg9[%add3A_65, %dma_wait3A_284] : memref<10240x16xf32, #tpu.memory_space<vmem_shared>> -> memref<128x16xf32, #tpu.memory_space<vmem_shared>>
      tpu.wait_dma2 semaphore(%run_scoped3A_261 : memref<!tpu.dma_semaphore, #tpu.memory_space<semaphore_mem>>) src(%dma_wait3A_285 : memref<128x16xf32, #tpu.memory_space<vmem_shared>>) dst(%dma_wait3A_283 : memref<128x16xf32, #tpu.memory_space<vmem>>)
      tpu.yield
    }) : () -> ()
    %mul3A_67 = arith.constant 10240 : i32
    %mul3A_68 = arith.muli %arg0, %mul3A_67 : i32
    %mul3A_69 = arith.constant 640 : i32
    %mul3A_70 = arith.muli %arg1, %mul3A_69 : i32
    %add3A_71 = arith.addi %mul3A_68, %mul3A_70 : i32
    %add3A_72 = arith.constant 128 : i32
    %add3A_73 = arith.addi %add3A_71, %add3A_72 : i32
    %dma_start3A_74 = arith.constant 1 : i32
    %dma_start3A_75 = arith.constant 0 : i32
    %dma_start3A_76 = arith.constant 0 : i32
    %dma_start3A_77 = tpu.memref_slice %arg8[%dma_start3A_74, %dma_start3A_75, %dma_start3A_76] : memref<2x128x16xf32, #tpu.memory_space<vmem>> -> memref<1x128x16xf32, #tpu.memory_space<vmem>>
    %dma_start3A_78 = tpu.memref_squeeze %dma_start3A_77 : memref<1x128x16xf32, #tpu.memory_space<vmem>> -> memref<128x16xf32, #tpu.memory_space<vmem>>
    %dma_start3A_79 = arith.constant 0 : i32
    %dma_start3A_80 = tpu.memref_slice %arg5[%add3A_73, %dma_start3A_79] : memref<20480x16xf32, #tpu.memory_space<hbm>> -> memref<128x16xf32, #tpu.memory_space<hbm>>
    %dma_start3A_81 = arith.constant 0 : i32
    %dma_start3A_82 = tpu.memref_slice %arg5[%add3A_73, %dma_start3A_81] : memref<20480x16xf32, #tpu.memory_space<hbm>> -> memref<128x16xf32, #tpu.memory_space<hbm>>
    %dma_start3A_83 = arith.constant 0 : i32
    %dma_start3A_84 = arith.constant 0 : i32
    %dma_start3A_85 = tpu.memref_slice %arg8[%dma_start3A_74, %dma_start3A_83, %dma_start3A_84] : memref<2x128x16xf32, #tpu.memory_space<vmem>> -> memref<1x128x16xf32, #tpu.memory_space<vmem>>
    %dma_start3A_86 = tpu.memref_squeeze %dma_start3A_85 : memref<1x128x16xf32, #tpu.memory_space<vmem>> -> memref<128x16xf32, #tpu.memory_space<vmem>>
    tpu.enqueue_dma source(%dma_start3A_86 : memref<128x16xf32, #tpu.memory_space<vmem>>) target(%dma_start3A_82 : memref<128x16xf32, #tpu.memory_space<hbm>>) target_semaphore(%arg11 : memref<!tpu.dma_semaphore, #tpu.memory_space<semaphore_mem>>)
    %mul3A_87 = arith.constant 10240 : i32
    %mul3A_88 = arith.muli %arg0, %mul3A_87 : i32
    %mul3A_89 = arith.constant 640 : i32
    %mul3A_90 = arith.muli %arg1, %mul3A_89 : i32
    %add3A_91 = arith.addi %mul3A_88, %mul3A_90 : i32
    %add3A_92 = arith.constant 0 : i32
    %add3A_93 = arith.addi %add3A_91, %add3A_92 : i32
    %dma_wait3A = arith.constant 0 : i32
    %dma_wait3A_94 = arith.constant 0 : i32
    %dma_wait3A_95 = arith.constant 0 : i32
    %dma_wait3A_96 = tpu.memref_slice %arg8[%dma_wait3A, %dma_wait3A_94, %dma_wait3A_95] : memref<2x128x16xf32, #tpu.memory_space<vmem>> -> memref<1x128x16xf32, #tpu.memory_space<vmem>>
    %dma_wait3A_97 = tpu.memref_squeeze %dma_wait3A_96 : memref<1x128x16xf32, #tpu.memory_space<vmem>> -> memref<128x16xf32, #tpu.memory_space<vmem>>
    %dma_wait3A_98 = arith.constant 0 : i32
    %dma_wait3A_99 = tpu.memref_slice %arg5[%add3A_93, %dma_wait3A_98] : memref<20480x16xf32, #tpu.memory_space<hbm>> -> memref<128x16xf32, #tpu.memory_space<hbm>>
    %dma_wait3A_100 = arith.constant 0 : i32
    %dma_wait3A_101 = tpu.memref_slice %arg5[%add3A_93, %dma_wait3A_100] : memref<20480x16xf32, #tpu.memory_space<hbm>> -> memref<128x16xf32, #tpu.memory_space<hbm>>
    %dma_wait3A_102 = arith.constant 0 : i32
    %dma_wait3A_103 = arith.constant 0 : i32
    %dma_wait3A_104 = tpu.memref_slice %arg8[%dma_wait3A, %dma_wait3A_102, %dma_wait3A_103] : memref<2x128x16xf32, #tpu.memory_space<vmem>> -> memref<1x128x16xf32, #tpu.memory_space<vmem>>
    %dma_wait3A_105 = tpu.memref_squeeze %dma_wait3A_104 : memref<1x128x16xf32, #tpu.memory_space<vmem>> -> memref<128x16xf32, #tpu.memory_space<vmem>>
    tpu.wait_dma2 semaphore(%arg10 : memref<!tpu.dma_semaphore, #tpu.memory_space<semaphore_mem>>) src(%dma_wait3A_105 : memref<128x16xf32, #tpu.memory_space<vmem>>) dst(%dma_wait3A_101 : memref<128x16xf32, #tpu.memory_space<hbm>>)
    %mul3A_106 = arith.constant 640 : i32
    %mul3A_107 = arith.muli %arg1, %mul3A_106 : i32
    %add3A_108 = arith.constant 256 : i32
    %add3A_109 = arith.addi %mul3A_107, %add3A_108 : i32
    %run_scoped3A_110 = arith.constant 0 : i32
    "tpu.region"() ({
      %run_scoped3A_261 = tpu.sem_alloc : memref<!tpu.dma_semaphore, #tpu.memory_space<semaphore_mem>>
      %dma_start3A_262 = arith.constant 0 : i32
      %dma_start3A_263 = arith.constant 0 : i32
      %dma_start3A_264 = tpu.memref_slice %arg8[%run_scoped3A_110, %dma_start3A_262, %dma_start3A_263] : memref<2x128x16xf32, #tpu.memory_space<vmem>> -> memref<1x128x16xf32, #tpu.memory_space<vmem>>
      %dma_start3A_265 = tpu.memref_squeeze %dma_start3A_264 : memref<1x128x16xf32, #tpu.memory_space<vmem>> -> memref<128x16xf32, #tpu.memory_space<vmem>>
      %dma_start3A_266 = arith.constant 0 : i32
      %dma_start3A_267 = tpu.memref_slice %arg9[%add3A_109, %dma_start3A_266] : memref<10240x16xf32, #tpu.memory_space<vmem_shared>> -> memref<128x16xf32, #tpu.memory_space<vmem_shared>>
      %dma_start3A_268 = arith.constant 0 : i32
      %dma_start3A_269 = arith.constant 0 : i32
      %dma_start3A_270 = tpu.memref_slice %arg8[%run_scoped3A_110, %dma_start3A_268, %dma_start3A_269] : memref<2x128x16xf32, #tpu.memory_space<vmem>> -> memref<1x128x16xf32, #tpu.memory_space<vmem>>
      %dma_start3A_271 = tpu.memref_squeeze %dma_start3A_270 : memref<1x128x16xf32, #tpu.memory_space<vmem>> -> memref<128x16xf32, #tpu.memory_space<vmem>>
      %dma_start3A_272 = arith.constant 0 : i32
      %dma_start3A_273 = tpu.memref_slice %arg9[%add3A_109, %dma_start3A_272] : memref<10240x16xf32, #tpu.memory_space<vmem_shared>> -> memref<128x16xf32, #tpu.memory_space<vmem_shared>>
      tpu.enqueue_dma source(%dma_start3A_273 : memref<128x16xf32, #tpu.memory_space<vmem_shared>>) target(%dma_start3A_271 : memref<128x16xf32, #tpu.memory_space<vmem>>) target_semaphore(%run_scoped3A_261 : memref<!tpu.dma_semaphore, #tpu.memory_space<semaphore_mem>>)
      %dma_wait3A_274 = arith.constant 0 : i32
      %dma_wait3A_275 = arith.constant 0 : i32
      %dma_wait3A_276 = tpu.memref_slice %arg8[%run_scoped3A_110, %dma_wait3A_274, %dma_wait3A_275] : memref<2x128x16xf32, #tpu.memory_space<vmem>> -> memref<1x128x16xf32, #tpu.memory_space<vmem>>
      %dma_wait3A_277 = tpu.memref_squeeze %dma_wait3A_276 : memref<1x128x16xf32, #tpu.memory_space<vmem>> -> memref<128x16xf32, #tpu.memory_space<vmem>>
      %dma_wait3A_278 = arith.constant 0 : i32
      %dma_wait3A_279 = tpu.memref_slice %arg9[%add3A_109, %dma_wait3A_278] : memref<10240x16xf32, #tpu.memory_space<vmem_shared>> -> memref<128x16xf32, #tpu.memory_space<vmem_shared>>
      %dma_wait3A_280 = arith.constant 0 : i32
      %dma_wait3A_281 = arith.constant 0 : i32
      %dma_wait3A_282 = tpu.memref_slice %arg8[%run_scoped3A_110, %dma_wait3A_280, %dma_wait3A_281] : memref<2x128x16xf32, #tpu.memory_space<vmem>> -> memref<1x128x16xf32, #tpu.memory_space<vmem>>
      %dma_wait3A_283 = tpu.memref_squeeze %dma_wait3A_282 : memref<1x128x16xf32, #tpu.memory_space<vmem>> -> memref<128x16xf32, #tpu.memory_space<vmem>>
      %dma_wait3A_284 = arith.constant 0 : i32
      %dma_wait3A_285 = tpu.memref_slice %arg9[%add3A_109, %dma_wait3A_284] : memref<10240x16xf32, #tpu.memory_space<vmem_shared>> -> memref<128x16xf32, #tpu.memory_space<vmem_shared>>
      tpu.wait_dma2 semaphore(%run_scoped3A_261 : memref<!tpu.dma_semaphore, #tpu.memory_space<semaphore_mem>>) src(%dma_wait3A_285 : memref<128x16xf32, #tpu.memory_space<vmem_shared>>) dst(%dma_wait3A_283 : memref<128x16xf32, #tpu.memory_space<vmem>>)
      tpu.yield
    }) : () -> ()
    %mul3A_111 = arith.constant 10240 : i32
    %mul3A_112 = arith.muli %arg0, %mul3A_111 : i32
    %mul3A_113 = arith.constant 640 : i32
    %mul3A_114 = arith.muli %arg1, %mul3A_113 : i32
    %add3A_115 = arith.addi %mul3A_112, %mul3A_114 : i32
    %add3A_116 = arith.constant 256 : i32
    %add3A_117 = arith.addi %add3A_115, %add3A_116 : i32
    %dma_start3A_118 = arith.constant 0 : i32
    %dma_start3A_119 = arith.constant 0 : i32
    %dma_start3A_120 = arith.constant 0 : i32
    %dma_start3A_121 = tpu.memref_slice %arg8[%dma_start3A_118, %dma_start3A_119, %dma_start3A_120] : memref<2x128x16xf32, #tpu.memory_space<vmem>> -> memref<1x128x16xf32, #tpu.memory_space<vmem>>
    %dma_start3A_122 = tpu.memref_squeeze %dma_start3A_121 : memref<1x128x16xf32, #tpu.memory_space<vmem>> -> memref<128x16xf32, #tpu.memory_space<vmem>>
    %dma_start3A_123 = arith.constant 0 : i32
    %dma_start3A_124 = tpu.memref_slice %arg5[%add3A_117, %dma_start3A_123] : memref<20480x16xf32, #tpu.memory_space<hbm>> -> memref<128x16xf32, #tpu.memory_space<hbm>>
    %dma_start3A_125 = arith.constant 0 : i32
    %dma_start3A_126 = tpu.memref_slice %arg5[%add3A_117, %dma_start3A_125] : memref<20480x16xf32, #tpu.memory_space<hbm>> -> memref<128x16xf32, #tpu.memory_space<hbm>>
    %dma_start3A_127 = arith.constant 0 : i32
    %dma_start3A_128 = arith.constant 0 : i32
    %dma_start3A_129 = tpu.memref_slice %arg8[%dma_start3A_118, %dma_start3A_127, %dma_start3A_128] : memref<2x128x16xf32, #tpu.memory_space<vmem>> -> memref<1x128x16xf32, #tpu.memory_space<vmem>>
    %dma_start3A_130 = tpu.memref_squeeze %dma_start3A_129 : memref<1x128x16xf32, #tpu.memory_space<vmem>> -> memref<128x16xf32, #tpu.memory_space<vmem>>
    tpu.enqueue_dma source(%dma_start3A_130 : memref<128x16xf32, #tpu.memory_space<vmem>>) target(%dma_start3A_126 : memref<128x16xf32, #tpu.memory_space<hbm>>) target_semaphore(%arg10 : memref<!tpu.dma_semaphore, #tpu.memory_space<semaphore_mem>>)
    %mul3A_131 = arith.constant 10240 : i32
    %mul3A_132 = arith.muli %arg0, %mul3A_131 : i32
    %mul3A_133 = arith.constant 640 : i32
    %mul3A_134 = arith.muli %arg1, %mul3A_133 : i32
    %add3A_135 = arith.addi %mul3A_132, %mul3A_134 : i32
    %add3A_136 = arith.constant 128 : i32
    %add3A_137 = arith.addi %add3A_135, %add3A_136 : i32
    %dma_wait3A_138 = arith.constant 1 : i32
    %dma_wait3A_139 = arith.constant 0 : i32
    %dma_wait3A_140 = arith.constant 0 : i32
    %dma_wait3A_141 = tpu.memref_slice %arg8[%dma_wait3A_138, %dma_wait3A_139, %dma_wait3A_140] : memref<2x128x16xf32, #tpu.memory_space<vmem>> -> memref<1x128x16xf32, #tpu.memory_space<vmem>>
    %dma_wait3A_142 = tpu.memref_squeeze %dma_wait3A_141 : memref<1x128x16xf32, #tpu.memory_space<vmem>> -> memref<128x16xf32, #tpu.memory_space<vmem>>
    %dma_wait3A_143 = arith.constant 0 : i32
    %dma_wait3A_144 = tpu.memref_slice %arg5[%add3A_137, %dma_wait3A_143] : memref<20480x16xf32, #tpu.memory_space<hbm>> -> memref<128x16xf32, #tpu.memory_space<hbm>>
    %dma_wait3A_145 = arith.constant 0 : i32
    %dma_wait3A_146 = tpu.memref_slice %arg5[%add3A_137, %dma_wait3A_145] : memref<20480x16xf32, #tpu.memory_space<hbm>> -> memref<128x16xf32, #tpu.memory_space<hbm>>
    %dma_wait3A_147 = arith.constant 0 : i32
    %dma_wait3A_148 = arith.constant 0 : i32
    %dma_wait3A_149 = tpu.memref_slice %arg8[%dma_wait3A_138, %dma_wait3A_147, %dma_wait3A_148] : memref<2x128x16xf32, #tpu.memory_space<vmem>> -> memref<1x128x16xf32, #tpu.memory_space<vmem>>
    %dma_wait3A_150 = tpu.memref_squeeze %dma_wait3A_149 : memref<1x128x16xf32, #tpu.memory_space<vmem>> -> memref<128x16xf32, #tpu.memory_space<vmem>>
    tpu.wait_dma2 semaphore(%arg11 : memref<!tpu.dma_semaphore, #tpu.memory_space<semaphore_mem>>) src(%dma_wait3A_150 : memref<128x16xf32, #tpu.memory_space<vmem>>) dst(%dma_wait3A_146 : memref<128x16xf32, #tpu.memory_space<hbm>>)
    %mul3A_151 = arith.constant 640 : i32
    %mul3A_152 = arith.muli %arg1, %mul3A_151 : i32
    %add3A_153 = arith.constant 384 : i32
    %add3A_154 = arith.addi %mul3A_152, %add3A_153 : i32
    %run_scoped3A_155 = arith.constant 1 : i32
    "tpu.region"() ({
      %run_scoped3A_261 = tpu.sem_alloc : memref<!tpu.dma_semaphore, #tpu.memory_space<semaphore_mem>>
      %dma_start3A_262 = arith.constant 0 : i32
      %dma_start3A_263 = arith.constant 0 : i32
      %dma_start3A_264 = tpu.memref_slice %arg8[%run_scoped3A_155, %dma_start3A_262, %dma_start3A_263] : memref<2x128x16xf32, #tpu.memory_space<vmem>> -> memref<1x128x16xf32, #tpu.memory_space<vmem>>
      %dma_start3A_265 = tpu.memref_squeeze %dma_start3A_264 : memref<1x128x16xf32, #tpu.memory_space<vmem>> -> memref<128x16xf32, #tpu.memory_space<vmem>>
      %dma_start3A_266 = arith.constant 0 : i32
      %dma_start3A_267 = tpu.memref_slice %arg9[%add3A_154, %dma_start3A_266] : memref<10240x16xf32, #tpu.memory_space<vmem_shared>> -> memref<128x16xf32, #tpu.memory_space<vmem_shared>>
      %dma_start3A_268 = arith.constant 0 : i32
      %dma_start3A_269 = arith.constant 0 : i32
      %dma_start3A_270 = tpu.memref_slice %arg8[%run_scoped3A_155, %dma_start3A_268, %dma_start3A_269] : memref<2x128x16xf32, #tpu.memory_space<vmem>> -> memref<1x128x16xf32, #tpu.memory_space<vmem>>
      %dma_start3A_271 = tpu.memref_squeeze %dma_start3A_270 : memref<1x128x16xf32, #tpu.memory_space<vmem>> -> memref<128x16xf32, #tpu.memory_space<vmem>>
      %dma_start3A_272 = arith.constant 0 : i32
      %dma_start3A_273 = tpu.memref_slice %arg9[%add3A_154, %dma_start3A_272] : memref<10240x16xf32, #tpu.memory_space<vmem_shared>> -> memref<128x16xf32, #tpu.memory_space<vmem_shared>>
      tpu.enqueue_dma source(%dma_start3A_273 : memref<128x16xf32, #tpu.memory_space<vmem_shared>>) target(%dma_start3A_271 : memref<128x16xf32, #tpu.memory_space<vmem>>) target_semaphore(%run_scoped3A_261 : memref<!tpu.dma_semaphore, #tpu.memory_space<semaphore_mem>>)
      %dma_wait3A_274 = arith.constant 0 : i32
      %dma_wait3A_275 = arith.constant 0 : i32
      %dma_wait3A_276 = tpu.memref_slice %arg8[%run_scoped3A_155, %dma_wait3A_274, %dma_wait3A_275] : memref<2x128x16xf32, #tpu.memory_space<vmem>> -> memref<1x128x16xf32, #tpu.memory_space<vmem>>
      %dma_wait3A_277 = tpu.memref_squeeze %dma_wait3A_276 : memref<1x128x16xf32, #tpu.memory_space<vmem>> -> memref<128x16xf32, #tpu.memory_space<vmem>>
      %dma_wait3A_278 = arith.constant 0 : i32
      %dma_wait3A_279 = tpu.memref_slice %arg9[%add3A_154, %dma_wait3A_278] : memref<10240x16xf32, #tpu.memory_space<vmem_shared>> -> memref<128x16xf32, #tpu.memory_space<vmem_shared>>
      %dma_wait3A_280 = arith.constant 0 : i32
      %dma_wait3A_281 = arith.constant 0 : i32
      %dma_wait3A_282 = tpu.memref_slice %arg8[%run_scoped3A_155, %dma_wait3A_280, %dma_wait3A_281] : memref<2x128x16xf32, #tpu.memory_space<vmem>> -> memref<1x128x16xf32, #tpu.memory_space<vmem>>
      %dma_wait3A_283 = tpu.memref_squeeze %dma_wait3A_282 : memref<1x128x16xf32, #tpu.memory_space<vmem>> -> memref<128x16xf32, #tpu.memory_space<vmem>>
      %dma_wait3A_284 = arith.constant 0 : i32
      %dma_wait3A_285 = tpu.memref_slice %arg9[%add3A_154, %dma_wait3A_284] : memref<10240x16xf32, #tpu.memory_space<vmem_shared>> -> memref<128x16xf32, #tpu.memory_space<vmem_shared>>
      tpu.wait_dma2 semaphore(%run_scoped3A_261 : memref<!tpu.dma_semaphore, #tpu.memory_space<semaphore_mem>>) src(%dma_wait3A_285 : memref<128x16xf32, #tpu.memory_space<vmem_shared>>) dst(%dma_wait3A_283 : memref<128x16xf32, #tpu.memory_space<vmem>>)
      tpu.yield
    }) : () -> ()
    %mul3A_156 = arith.constant 10240 : i32
    %mul3A_157 = arith.muli %arg0, %mul3A_156 : i32
    %mul3A_158 = arith.constant 640 : i32
    %mul3A_159 = arith.muli %arg1, %mul3A_158 : i32
    %add3A_160 = arith.addi %mul3A_157, %mul3A_159 : i32
    %add3A_161 = arith.constant 384 : i32
    %add3A_162 = arith.addi %add3A_160, %add3A_161 : i32
    %dma_start3A_163 = arith.constant 1 : i32
    %dma_start3A_164 = arith.constant 0 : i32
    %dma_start3A_165 = arith.constant 0 : i32
    %dma_start3A_166 = tpu.memref_slice %arg8[%dma_start3A_163, %dma_start3A_164, %dma_start3A_165] : memref<2x128x16xf32, #tpu.memory_space<vmem>> -> memref<1x128x16xf32, #tpu.memory_space<vmem>>
    %dma_start3A_167 = tpu.memref_squeeze %dma_start3A_166 : memref<1x128x16xf32, #tpu.memory_space<vmem>> -> memref<128x16xf32, #tpu.memory_space<vmem>>
    %dma_start3A_168 = arith.constant 0 : i32
    %dma_start3A_169 = tpu.memref_slice %arg5[%add3A_162, %dma_start3A_168] : memref<20480x16xf32, #tpu.memory_space<hbm>> -> memref<128x16xf32, #tpu.memory_space<hbm>>
    %dma_start3A_170 = arith.constant 0 : i32
    %dma_start3A_171 = tpu.memref_slice %arg5[%add3A_162, %dma_start3A_170] : memref<20480x16xf32, #tpu.memory_space<hbm>> -> memref<128x16xf32, #tpu.memory_space<hbm>>
    %dma_start3A_172 = arith.constant 0 : i32
    %dma_start3A_173 = arith.constant 0 : i32
    %dma_start3A_174 = tpu.memref_slice %arg8[%dma_start3A_163, %dma_start3A_172, %dma_start3A_173] : memref<2x128x16xf32, #tpu.memory_space<vmem>> -> memref<1x128x16xf32, #tpu.memory_space<vmem>>
    %dma_start3A_175 = tpu.memref_squeeze %dma_start3A_174 : memref<1x128x16xf32, #tpu.memory_space<vmem>> -> memref<128x16xf32, #tpu.memory_space<vmem>>
    tpu.enqueue_dma source(%dma_start3A_175 : memref<128x16xf32, #tpu.memory_space<vmem>>) target(%dma_start3A_171 : memref<128x16xf32, #tpu.memory_space<hbm>>) target_semaphore(%arg11 : memref<!tpu.dma_semaphore, #tpu.memory_space<semaphore_mem>>)
    %mul3A_176 = arith.constant 10240 : i32
    %mul3A_177 = arith.muli %arg0, %mul3A_176 : i32
    %mul3A_178 = arith.constant 640 : i32
    %mul3A_179 = arith.muli %arg1, %mul3A_178 : i32
    %add3A_180 = arith.addi %mul3A_177, %mul3A_179 : i32
    %add3A_181 = arith.constant 256 : i32
    %add3A_182 = arith.addi %add3A_180, %add3A_181 : i32
    %dma_wait3A_183 = arith.constant 0 : i32
    %dma_wait3A_184 = arith.constant 0 : i32
    %dma_wait3A_185 = arith.constant 0 : i32
    %dma_wait3A_186 = tpu.memref_slice %arg8[%dma_wait3A_183, %dma_wait3A_184, %dma_wait3A_185] : memref<2x128x16xf32, #tpu.memory_space<vmem>> -> memref<1x128x16xf32, #tpu.memory_space<vmem>>
    %dma_wait3A_187 = tpu.memref_squeeze %dma_wait3A_186 : memref<1x128x16xf32, #tpu.memory_space<vmem>> -> memref<128x16xf32, #tpu.memory_space<vmem>>
    %dma_wait3A_188 = arith.constant 0 : i32
    %dma_wait3A_189 = tpu.memref_slice %arg5[%add3A_182, %dma_wait3A_188] : memref<20480x16xf32, #tpu.memory_space<hbm>> -> memref<128x16xf32, #tpu.memory_space<hbm>>
    %dma_wait3A_190 = arith.constant 0 : i32
    %dma_wait3A_191 = tpu.memref_slice %arg5[%add3A_182, %dma_wait3A_190] : memref<20480x16xf32, #tpu.memory_space<hbm>> -> memref<128x16xf32, #tpu.memory_space<hbm>>
    %dma_wait3A_192 = arith.constant 0 : i32
    %dma_wait3A_193 = arith.constant 0 : i32
    %dma_wait3A_194 = tpu.memref_slice %arg8[%dma_wait3A_183, %dma_wait3A_192, %dma_wait3A_193] : memref<2x128x16xf32, #tpu.memory_space<vmem>> -> memref<1x128x16xf32, #tpu.memory_space<vmem>>
    %dma_wait3A_195 = tpu.memref_squeeze %dma_wait3A_194 : memref<1x128x16xf32, #tpu.memory_space<vmem>> -> memref<128x16xf32, #tpu.memory_space<vmem>>
    tpu.wait_dma2 semaphore(%arg10 : memref<!tpu.dma_semaphore, #tpu.memory_space<semaphore_mem>>) src(%dma_wait3A_195 : memref<128x16xf32, #tpu.memory_space<vmem>>) dst(%dma_wait3A_191 : memref<128x16xf32, #tpu.memory_space<hbm>>)
    %mul3A_196 = arith.constant 640 : i32
    %mul3A_197 = arith.muli %arg1, %mul3A_196 : i32
    %add3A_198 = arith.constant 512 : i32
    %add3A_199 = arith.addi %mul3A_197, %add3A_198 : i32
    %run_scoped3A_200 = arith.constant 0 : i32
    "tpu.region"() ({
      %run_scoped3A_261 = tpu.sem_alloc : memref<!tpu.dma_semaphore, #tpu.memory_space<semaphore_mem>>
      %dma_start3A_262 = arith.constant 0 : i32
      %dma_start3A_263 = arith.constant 0 : i32
      %dma_start3A_264 = tpu.memref_slice %arg8[%run_scoped3A_200, %dma_start3A_262, %dma_start3A_263] : memref<2x128x16xf32, #tpu.memory_space<vmem>> -> memref<1x128x16xf32, #tpu.memory_space<vmem>>
      %dma_start3A_265 = tpu.memref_squeeze %dma_start3A_264 : memref<1x128x16xf32, #tpu.memory_space<vmem>> -> memref<128x16xf32, #tpu.memory_space<vmem>>
      %dma_start3A_266 = arith.constant 0 : i32
      %dma_start3A_267 = tpu.memref_slice %arg9[%add3A_199, %dma_start3A_266] : memref<10240x16xf32, #tpu.memory_space<vmem_shared>> -> memref<128x16xf32, #tpu.memory_space<vmem_shared>>
      %dma_start3A_268 = arith.constant 0 : i32
      %dma_start3A_269 = arith.constant 0 : i32
      %dma_start3A_270 = tpu.memref_slice %arg8[%run_scoped3A_200, %dma_start3A_268, %dma_start3A_269] : memref<2x128x16xf32, #tpu.memory_space<vmem>> -> memref<1x128x16xf32, #tpu.memory_space<vmem>>
      %dma_start3A_271 = tpu.memref_squeeze %dma_start3A_270 : memref<1x128x16xf32, #tpu.memory_space<vmem>> -> memref<128x16xf32, #tpu.memory_space<vmem>>
      %dma_start3A_272 = arith.constant 0 : i32
      %dma_start3A_273 = tpu.memref_slice %arg9[%add3A_199, %dma_start3A_272] : memref<10240x16xf32, #tpu.memory_space<vmem_shared>> -> memref<128x16xf32, #tpu.memory_space<vmem_shared>>
      tpu.enqueue_dma source(%dma_start3A_273 : memref<128x16xf32, #tpu.memory_space<vmem_shared>>) target(%dma_start3A_271 : memref<128x16xf32, #tpu.memory_space<vmem>>) target_semaphore(%run_scoped3A_261 : memref<!tpu.dma_semaphore, #tpu.memory_space<semaphore_mem>>)
      %dma_wait3A_274 = arith.constant 0 : i32
      %dma_wait3A_275 = arith.constant 0 : i32
      %dma_wait3A_276 = tpu.memref_slice %arg8[%run_scoped3A_200, %dma_wait3A_274, %dma_wait3A_275] : memref<2x128x16xf32, #tpu.memory_space<vmem>> -> memref<1x128x16xf32, #tpu.memory_space<vmem>>
      %dma_wait3A_277 = tpu.memref_squeeze %dma_wait3A_276 : memref<1x128x16xf32, #tpu.memory_space<vmem>> -> memref<128x16xf32, #tpu.memory_space<vmem>>
      %dma_wait3A_278 = arith.constant 0 : i32
      %dma_wait3A_279 = tpu.memref_slice %arg9[%add3A_199, %dma_wait3A_278] : memref<10240x16xf32, #tpu.memory_space<vmem_shared>> -> memref<128x16xf32, #tpu.memory_space<vmem_shared>>
      %dma_wait3A_280 = arith.constant 0 : i32
      %dma_wait3A_281 = arith.constant 0 : i32
      %dma_wait3A_282 = tpu.memref_slice %arg8[%run_scoped3A_200, %dma_wait3A_280, %dma_wait3A_281] : memref<2x128x16xf32, #tpu.memory_space<vmem>> -> memref<1x128x16xf32, #tpu.memory_space<vmem>>
      %dma_wait3A_283 = tpu.memref_squeeze %dma_wait3A_282 : memref<1x128x16xf32, #tpu.memory_space<vmem>> -> memref<128x16xf32, #tpu.memory_space<vmem>>
      %dma_wait3A_284 = arith.constant 0 : i32
      %dma_wait3A_285 = tpu.memref_slice %arg9[%add3A_199, %dma_wait3A_284] : memref<10240x16xf32, #tpu.memory_space<vmem_shared>> -> memref<128x16xf32, #tpu.memory_space<vmem_shared>>
      tpu.wait_dma2 semaphore(%run_scoped3A_261 : memref<!tpu.dma_semaphore, #tpu.memory_space<semaphore_mem>>) src(%dma_wait3A_285 : memref<128x16xf32, #tpu.memory_space<vmem_shared>>) dst(%dma_wait3A_283 : memref<128x16xf32, #tpu.memory_space<vmem>>)
      tpu.yield
    }) : () -> ()
    %mul3A_201 = arith.constant 10240 : i32
    %mul3A_202 = arith.muli %arg0, %mul3A_201 : i32
    %mul3A_203 = arith.constant 640 : i32
    %mul3A_204 = arith.muli %arg1, %mul3A_203 : i32
    %add3A_205 = arith.addi %mul3A_202, %mul3A_204 : i32
    %add3A_206 = arith.constant 512 : i32
    %add3A_207 = arith.addi %add3A_205, %add3A_206 : i32
    %dma_start3A_208 = arith.constant 0 : i32
    %dma_start3A_209 = arith.constant 0 : i32
    %dma_start3A_210 = arith.constant 0 : i32
    %dma_start3A_211 = tpu.memref_slice %arg8[%dma_start3A_208, %dma_start3A_209, %dma_start3A_210] : memref<2x128x16xf32, #tpu.memory_space<vmem>> -> memref<1x128x16xf32, #tpu.memory_space<vmem>>
    %dma_start3A_212 = tpu.memref_squeeze %dma_start3A_211 : memref<1x128x16xf32, #tpu.memory_space<vmem>> -> memref<128x16xf32, #tpu.memory_space<vmem>>
    %dma_start3A_213 = arith.constant 0 : i32
    %dma_start3A_214 = tpu.memref_slice %arg5[%add3A_207, %dma_start3A_213] : memref<20480x16xf32, #tpu.memory_space<hbm>> -> memref<128x16xf32, #tpu.memory_space<hbm>>
    %dma_start3A_215 = arith.constant 0 : i32
    %dma_start3A_216 = tpu.memref_slice %arg5[%add3A_207, %dma_start3A_215] : memref<20480x16xf32, #tpu.memory_space<hbm>> -> memref<128x16xf32, #tpu.memory_space<hbm>>
    %dma_start3A_217 = arith.constant 0 : i32
    %dma_start3A_218 = arith.constant 0 : i32
    %dma_start3A_219 = tpu.memref_slice %arg8[%dma_start3A_208, %dma_start3A_217, %dma_start3A_218] : memref<2x128x16xf32, #tpu.memory_space<vmem>> -> memref<1x128x16xf32, #tpu.memory_space<vmem>>
    %dma_start3A_220 = tpu.memref_squeeze %dma_start3A_219 : memref<1x128x16xf32, #tpu.memory_space<vmem>> -> memref<128x16xf32, #tpu.memory_space<vmem>>
    tpu.enqueue_dma source(%dma_start3A_220 : memref<128x16xf32, #tpu.memory_space<vmem>>) target(%dma_start3A_216 : memref<128x16xf32, #tpu.memory_space<hbm>>) target_semaphore(%arg10 : memref<!tpu.dma_semaphore, #tpu.memory_space<semaphore_mem>>)
    %mul3A_221 = arith.constant 10240 : i32
    %mul3A_222 = arith.muli %arg0, %mul3A_221 : i32
    %mul3A_223 = arith.constant 640 : i32
    %mul3A_224 = arith.muli %arg1, %mul3A_223 : i32
    %add3A_225 = arith.addi %mul3A_222, %mul3A_224 : i32
    %add3A_226 = arith.constant 384 : i32
    %add3A_227 = arith.addi %add3A_225, %add3A_226 : i32
    %dma_wait3A_228 = arith.constant 1 : i32
    %dma_wait3A_229 = arith.constant 0 : i32
    %dma_wait3A_230 = arith.constant 0 : i32
    %dma_wait3A_231 = tpu.memref_slice %arg8[%dma_wait3A_228, %dma_wait3A_229, %dma_wait3A_230] : memref<2x128x16xf32, #tpu.memory_space<vmem>> -> memref<1x128x16xf32, #tpu.memory_space<vmem>>
    %dma_wait3A_232 = tpu.memref_squeeze %dma_wait3A_231 : memref<1x128x16xf32, #tpu.memory_space<vmem>> -> memref<128x16xf32, #tpu.memory_space<vmem>>
    %dma_wait3A_233 = arith.constant 0 : i32
    %dma_wait3A_234 = tpu.memref_slice %arg5[%add3A_227, %dma_wait3A_233] : memref<20480x16xf32, #tpu.memory_space<hbm>> -> memref<128x16xf32, #tpu.memory_space<hbm>>
    %dma_wait3A_235 = arith.constant 0 : i32
    %dma_wait3A_236 = tpu.memref_slice %arg5[%add3A_227, %dma_wait3A_235] : memref<20480x16xf32, #tpu.memory_space<hbm>> -> memref<128x16xf32, #tpu.memory_space<hbm>>
    %dma_wait3A_237 = arith.constant 0 : i32
    %dma_wait3A_238 = arith.constant 0 : i32
    %dma_wait3A_239 = tpu.memref_slice %arg8[%dma_wait3A_228, %dma_wait3A_237, %dma_wait3A_238] : memref<2x128x16xf32, #tpu.memory_space<vmem>> -> memref<1x128x16xf32, #tpu.memory_space<vmem>>
    %dma_wait3A_240 = tpu.memref_squeeze %dma_wait3A_239 : memref<1x128x16xf32, #tpu.memory_space<vmem>> -> memref<128x16xf32, #tpu.memory_space<vmem>>
    tpu.wait_dma2 semaphore(%arg11 : memref<!tpu.dma_semaphore, #tpu.memory_space<semaphore_mem>>) src(%dma_wait3A_240 : memref<128x16xf32, #tpu.memory_space<vmem>>) dst(%dma_wait3A_236 : memref<128x16xf32, #tpu.memory_space<hbm>>)
    %mul3A_241 = arith.constant 10240 : i32
    %mul3A_242 = arith.muli %arg0, %mul3A_241 : i32
    %mul3A_243 = arith.constant 640 : i32
    %mul3A_244 = arith.muli %arg1, %mul3A_243 : i32
    %add3A_245 = arith.addi %mul3A_242, %mul3A_244 : i32
    %add3A_246 = arith.constant 512 : i32
    %add3A_247 = arith.addi %add3A_245, %add3A_246 : i32
    %dma_wait3A_248 = arith.constant 0 : i32
    %dma_wait3A_249 = arith.constant 0 : i32
    %dma_wait3A_250 = arith.constant 0 : i32
    %dma_wait3A_251 = tpu.memref_slice %arg8[%dma_wait3A_248, %dma_wait3A_249, %dma_wait3A_250] : memref<2x128x16xf32, #tpu.memory_space<vmem>> -> memref<1x128x16xf32, #tpu.memory_space<vmem>>
    %dma_wait3A_252 = tpu.memref_squeeze %dma_wait3A_251 : memref<1x128x16xf32, #tpu.memory_space<vmem>> -> memref<128x16xf32, #tpu.memory_space<vmem>>
    %dma_wait3A_253 = arith.constant 0 : i32
    %dma_wait3A_254 = tpu.memref_slice %arg5[%add3A_247, %dma_wait3A_253] : memref<20480x16xf32, #tpu.memory_space<hbm>> -> memref<128x16xf32, #tpu.memory_space<hbm>>
    %dma_wait3A_255 = arith.constant 0 : i32
    %dma_wait3A_256 = tpu.memref_slice %arg5[%add3A_247, %dma_wait3A_255] : memref<20480x16xf32, #tpu.memory_space<hbm>> -> memref<128x16xf32, #tpu.memory_space<hbm>>
    %dma_wait3A_257 = arith.constant 0 : i32
    %dma_wait3A_258 = arith.constant 0 : i32
    %dma_wait3A_259 = tpu.memref_slice %arg8[%dma_wait3A_248, %dma_wait3A_257, %dma_wait3A_258] : memref<2x128x16xf32, #tpu.memory_space<vmem>> -> memref<1x128x16xf32, #tpu.memory_space<vmem>>
    %dma_wait3A_260 = tpu.memref_squeeze %dma_wait3A_259 : memref<1x128x16xf32, #tpu.memory_space<vmem>> -> memref<128x16xf32, #tpu.memory_space<vmem>>
    tpu.wait_dma2 semaphore(%arg10 : memref<!tpu.dma_semaphore, #tpu.memory_space<semaphore_mem>>) src(%dma_wait3A_260 : memref<128x16xf32, #tpu.memory_space<vmem>>) dst(%dma_wait3A_256 : memref<128x16xf32, #tpu.memory_space<hbm>>)
    return
  }
}

#map = affine_map<(d0, d1) -> (0, 0)>
module attributes {stable_mosaic.version = 14 : i64} {
  func.func @_sc_agg_l2(%arg0: i32, %arg1: i32, %arg2: memref<10240x16xf32, #tpu.memory_space<hbm>>, %arg3: memref<2560x128xi32, #tpu.memory_space<hbm>>, %arg4: memref<2560x128xi32, #tpu.memory_space<hbm>>, %arg5: memref<10240x16xf32, #tpu.memory_space<hbm>>, %arg6: memref<20480x16xf32, #tpu.memory_space<hbm>>, %arg7: memref<80x128xi32, #tpu.memory_space<vmem>>, %arg8: memref<80x128xi32, #tpu.memory_space<vmem>>, %arg9: memref<4x128x16xf32, #tpu.memory_space<vmem>>, %arg10: memref<10240x16xf32, #tpu.memory_space<vmem_shared>>, %arg11: memref<10240x16xf32, #tpu.memory_space<vmem_shared>>, %arg12: memref<!tpu.dma_semaphore, #tpu.memory_space<semaphore_mem>>, %arg13: memref<!tpu.dma_semaphore, #tpu.memory_space<semaphore_mem>>, %arg14: memref<!tpu.dma_semaphore, #tpu.memory_space<semaphore_mem>>, %arg15: memref<!tpu.dma_semaphore, #tpu.memory_space<semaphore_mem>>, %arg16: memref<!tpu.dma_semaphore, #tpu.memory_space<semaphore_mem>>, %arg17: memref<!tpu.dma_semaphore, #tpu.memory_space<semaphore_mem>>, %arg18: memref<!tpu.dma_semaphore, #tpu.memory_space<semaphore_mem>>, %arg19: memref<!tpu.dma_semaphore, #tpu.memory_space<semaphore_mem>>) attributes {dimension_semantics = [#tpu.dimension_semantics<core_parallel>, #tpu.dimension_semantics<subcore_parallel>], iteration_bounds = array<i64: 2, 16>, scalar_prefetch = 0 : i64, scratch_operands = 13 : i64, tpu.core_type = #tpu.core_type<sc_vector_subcore>, window_params = [{transform_indices = #map}, {transform_indices = #map}, {transform_indices = #map}, {transform_indices = #map}, {transform_indices = #map}]} {
    %mul3A = arith.constant 16 : i32
    %mul3A_0 = arith.muli %arg0, %mul3A : i32
    %add3A = arith.addi %mul3A_0, %arg1 : i32
    %mul3A_1 = arith.constant 80 : i32
    %mul3A_2 = arith.muli %add3A, %mul3A_1 : i32
    "tpu.region"() ({
      %run_scoped3A_283 = tpu.sem_alloc : memref<!tpu.dma_semaphore, #tpu.memory_space<semaphore_mem>>
      %dma_start3A_284 = arith.constant 0 : i32
      %dma_start3A_285 = tpu.memref_slice %arg3[%mul3A_2, %dma_start3A_284] : memref<2560x128xi32, #tpu.memory_space<hbm>> -> memref<80x128xi32, #tpu.memory_space<hbm>>
      %dma_start3A_286 = arith.constant 0 : i32
      %dma_start3A_287 = tpu.memref_slice %arg3[%mul3A_2, %dma_start3A_286] : memref<2560x128xi32, #tpu.memory_space<hbm>> -> memref<80x128xi32, #tpu.memory_space<hbm>>
      tpu.enqueue_dma source(%dma_start3A_287 : memref<80x128xi32, #tpu.memory_space<hbm>>) target(%arg7 : memref<80x128xi32, #tpu.memory_space<vmem>>) target_semaphore(%run_scoped3A_283 : memref<!tpu.dma_semaphore, #tpu.memory_space<semaphore_mem>>)
      %dma_wait3A_288 = arith.constant 0 : i32
      %dma_wait3A_289 = tpu.memref_slice %arg3[%mul3A_2, %dma_wait3A_288] : memref<2560x128xi32, #tpu.memory_space<hbm>> -> memref<80x128xi32, #tpu.memory_space<hbm>>
      %dma_wait3A_290 = arith.constant 0 : i32
      %dma_wait3A_291 = tpu.memref_slice %arg3[%mul3A_2, %dma_wait3A_290] : memref<2560x128xi32, #tpu.memory_space<hbm>> -> memref<80x128xi32, #tpu.memory_space<hbm>>
      tpu.wait_dma2 semaphore(%run_scoped3A_283 : memref<!tpu.dma_semaphore, #tpu.memory_space<semaphore_mem>>) src(%dma_wait3A_291 : memref<80x128xi32, #tpu.memory_space<hbm>>) dst(%arg7 : memref<80x128xi32, #tpu.memory_space<vmem>>)
      tpu.yield
    }) : () -> ()
    %mul3A_3 = arith.constant 80 : i32
    %mul3A_4 = arith.muli %add3A, %mul3A_3 : i32
    "tpu.region"() ({
      %run_scoped3A_283 = tpu.sem_alloc : memref<!tpu.dma_semaphore, #tpu.memory_space<semaphore_mem>>
      %dma_start3A_284 = arith.constant 0 : i32
      %dma_start3A_285 = tpu.memref_slice %arg4[%mul3A_4, %dma_start3A_284] : memref<2560x128xi32, #tpu.memory_space<hbm>> -> memref<80x128xi32, #tpu.memory_space<hbm>>
      %dma_start3A_286 = arith.constant 0 : i32
      %dma_start3A_287 = tpu.memref_slice %arg4[%mul3A_4, %dma_start3A_286] : memref<2560x128xi32, #tpu.memory_space<hbm>> -> memref<80x128xi32, #tpu.memory_space<hbm>>
      tpu.enqueue_dma source(%dma_start3A_287 : memref<80x128xi32, #tpu.memory_space<hbm>>) target(%arg8 : memref<80x128xi32, #tpu.memory_space<vmem>>) target_semaphore(%run_scoped3A_283 : memref<!tpu.dma_semaphore, #tpu.memory_space<semaphore_mem>>)
      %dma_wait3A_288 = arith.constant 0 : i32
      %dma_wait3A_289 = tpu.memref_slice %arg4[%mul3A_4, %dma_wait3A_288] : memref<2560x128xi32, #tpu.memory_space<hbm>> -> memref<80x128xi32, #tpu.memory_space<hbm>>
      %dma_wait3A_290 = arith.constant 0 : i32
      %dma_wait3A_291 = tpu.memref_slice %arg4[%mul3A_4, %dma_wait3A_290] : memref<2560x128xi32, #tpu.memory_space<hbm>> -> memref<80x128xi32, #tpu.memory_space<hbm>>
      tpu.wait_dma2 semaphore(%run_scoped3A_283 : memref<!tpu.dma_semaphore, #tpu.memory_space<semaphore_mem>>) src(%dma_wait3A_291 : memref<80x128xi32, #tpu.memory_space<hbm>>) dst(%arg8 : memref<80x128xi32, #tpu.memory_space<vmem>>)
      tpu.yield
    }) : () -> ()
    %mul3A_5 = arith.constant 640 : i32
    %mul3A_6 = arith.muli %arg1, %mul3A_5 : i32
    "tpu.region"() ({
      %run_scoped3A_283 = tpu.sem_alloc : memref<!tpu.dma_semaphore, #tpu.memory_space<semaphore_mem>>
      %dma_start3A_284 = arith.constant 0 : i32
      %dma_start3A_285 = tpu.memref_slice %arg10[%mul3A_6, %dma_start3A_284] : memref<10240x16xf32, #tpu.memory_space<vmem_shared>> -> memref<640x16xf32, #tpu.memory_space<vmem_shared>>
      %dma_start3A_286 = arith.constant 0 : i32
      %dma_start3A_287 = tpu.memref_slice %arg2[%mul3A_6, %dma_start3A_286] : memref<10240x16xf32, #tpu.memory_space<hbm>> -> memref<640x16xf32, #tpu.memory_space<hbm>>
      tpu.enqueue_dma source(%dma_start3A_287 : memref<640x16xf32, #tpu.memory_space<hbm>>) target(%dma_start3A_285 : memref<640x16xf32, #tpu.memory_space<vmem_shared>>) target_semaphore(%run_scoped3A_283 : memref<!tpu.dma_semaphore, #tpu.memory_space<semaphore_mem>>)
      %dma_wait3A_288 = arith.constant 0 : i32
      %dma_wait3A_289 = tpu.memref_slice %arg10[%mul3A_6, %dma_wait3A_288] : memref<10240x16xf32, #tpu.memory_space<vmem_shared>> -> memref<640x16xf32, #tpu.memory_space<vmem_shared>>
      %dma_wait3A_290 = arith.constant 0 : i32
      %dma_wait3A_291 = tpu.memref_slice %arg2[%mul3A_6, %dma_wait3A_290] : memref<10240x16xf32, #tpu.memory_space<hbm>> -> memref<640x16xf32, #tpu.memory_space<hbm>>
      tpu.wait_dma2 semaphore(%run_scoped3A_283 : memref<!tpu.dma_semaphore, #tpu.memory_space<semaphore_mem>>) src(%dma_wait3A_291 : memref<640x16xf32, #tpu.memory_space<hbm>>) dst(%dma_wait3A_289 : memref<640x16xf32, #tpu.memory_space<vmem_shared>>)
      tpu.yield
    }) : () -> ()
    "tpu.region"() ({
      %run_scoped3A_283 = tpu.sem_alloc : memref<!tpu.dma_semaphore, #tpu.memory_space<semaphore_mem>>
      %dma_start3A_284 = arith.constant 0 : i32
      %dma_start3A_285 = tpu.memref_slice %arg11[%mul3A_6, %dma_start3A_284] : memref<10240x16xf32, #tpu.memory_space<vmem_shared>> -> memref<640x16xf32, #tpu.memory_space<vmem_shared>>
      %dma_start3A_286 = arith.constant 0 : i32
      %dma_start3A_287 = tpu.memref_slice %arg5[%mul3A_6, %dma_start3A_286] : memref<10240x16xf32, #tpu.memory_space<hbm>> -> memref<640x16xf32, #tpu.memory_space<hbm>>
      tpu.enqueue_dma source(%dma_start3A_287 : memref<640x16xf32, #tpu.memory_space<hbm>>) target(%dma_start3A_285 : memref<640x16xf32, #tpu.memory_space<vmem_shared>>) target_semaphore(%run_scoped3A_283 : memref<!tpu.dma_semaphore, #tpu.memory_space<semaphore_mem>>)
      %dma_wait3A_288 = arith.constant 0 : i32
      %dma_wait3A_289 = tpu.memref_slice %arg11[%mul3A_6, %dma_wait3A_288] : memref<10240x16xf32, #tpu.memory_space<vmem_shared>> -> memref<640x16xf32, #tpu.memory_space<vmem_shared>>
      %dma_wait3A_290 = arith.constant 0 : i32
      %dma_wait3A_291 = tpu.memref_slice %arg5[%mul3A_6, %dma_wait3A_290] : memref<10240x16xf32, #tpu.memory_space<hbm>> -> memref<640x16xf32, #tpu.memory_space<hbm>>
      tpu.wait_dma2 semaphore(%run_scoped3A_283 : memref<!tpu.dma_semaphore, #tpu.memory_space<semaphore_mem>>) src(%dma_wait3A_291 : memref<640x16xf32, #tpu.memory_space<hbm>>) dst(%dma_wait3A_289 : memref<640x16xf32, #tpu.memory_space<vmem_shared>>)
      tpu.yield
    }) : () -> ()
    %barrier3A = arith.constant 0 : index
    tpu.barrier barrier_id(%barrier3A)
    %dma_start3A = arith.constant 0 : i32
    %dma_start3A_7 = arith.constant 0 : i32
    %dma_start3A_8 = arith.constant 0 : i32
    %dma_start3A_9 = arith.constant 0 : i32
    %dma_start3A_10 = tpu.memref_slice %arg9[%dma_start3A_7, %dma_start3A_8, %dma_start3A_9] : memref<4x128x16xf32, #tpu.memory_space<vmem>> -> memref<1x128x16xf32, #tpu.memory_space<vmem>>
    %dma_start3A_11 = tpu.memref_squeeze %dma_start3A_10 : memref<1x128x16xf32, #tpu.memory_space<vmem>> -> memref<128x16xf32, #tpu.memory_space<vmem>>
    %dma_start3A_12 = arith.constant 0 : i32
    %dma_start3A_13 = tpu.memref_slice %arg7[%dma_start3A, %dma_start3A_12] : memref<80x128xi32, #tpu.memory_space<vmem>> -> memref<1x128xi32, #tpu.memory_space<vmem>>
    %dma_start3A_14 = tpu.memref_squeeze %dma_start3A_13 : memref<1x128xi32, #tpu.memory_space<vmem>> -> memref<128xi32, #tpu.memory_space<vmem>>
    %dma_start3A_15 = arith.constant 0 : i32
    %dma_start3A_16 = arith.constant 0 : i32
    %dma_start3A_17 = tpu.memref_slice %arg10[%dma_start3A_15, %dma_start3A_16] : memref<10240x16xf32, #tpu.memory_space<vmem_shared>> -> memref<10240x16xf32, #tpu.memory_space<vmem_shared>>
    tpu.enqueue_indirect_dma source(%dma_start3A_17 : memref<10240x16xf32, #tpu.memory_space<vmem_shared>>) target(%dma_start3A_11 : memref<128x16xf32, #tpu.memory_space<vmem>>) offsets(%dma_start3A_14 : memref<128xi32, #tpu.memory_space<vmem>>) semaphore(%arg12 : memref<!tpu.dma_semaphore, #tpu.memory_space<semaphore_mem>>)
    %dma_start3A_18 = arith.constant 1 : i32
    %dma_start3A_19 = arith.constant 1 : i32
    %dma_start3A_20 = arith.constant 0 : i32
    %dma_start3A_21 = arith.constant 0 : i32
    %dma_start3A_22 = tpu.memref_slice %arg9[%dma_start3A_19, %dma_start3A_20, %dma_start3A_21] : memref<4x128x16xf32, #tpu.memory_space<vmem>> -> memref<1x128x16xf32, #tpu.memory_space<vmem>>
    %dma_start3A_23 = tpu.memref_squeeze %dma_start3A_22 : memref<1x128x16xf32, #tpu.memory_space<vmem>> -> memref<128x16xf32, #tpu.memory_space<vmem>>
    %dma_start3A_24 = arith.constant 0 : i32
    %dma_start3A_25 = tpu.memref_slice %arg7[%dma_start3A_18, %dma_start3A_24] : memref<80x128xi32, #tpu.memory_space<vmem>> -> memref<1x128xi32, #tpu.memory_space<vmem>>
    %dma_start3A_26 = tpu.memref_squeeze %dma_start3A_25 : memref<1x128xi32, #tpu.memory_space<vmem>> -> memref<128xi32, #tpu.memory_space<vmem>>
    %dma_start3A_27 = arith.constant 0 : i32
    %dma_start3A_28 = arith.constant 0 : i32
    %dma_start3A_29 = tpu.memref_slice %arg10[%dma_start3A_27, %dma_start3A_28] : memref<10240x16xf32, #tpu.memory_space<vmem_shared>> -> memref<10240x16xf32, #tpu.memory_space<vmem_shared>>
    tpu.enqueue_indirect_dma source(%dma_start3A_29 : memref<10240x16xf32, #tpu.memory_space<vmem_shared>>) target(%dma_start3A_23 : memref<128x16xf32, #tpu.memory_space<vmem>>) offsets(%dma_start3A_26 : memref<128xi32, #tpu.memory_space<vmem>>) semaphore(%arg13 : memref<!tpu.dma_semaphore, #tpu.memory_space<semaphore_mem>>)
    %dma_start3A_30 = arith.constant 2 : i32
    %dma_start3A_31 = arith.constant 2 : i32
    %dma_start3A_32 = arith.constant 0 : i32
    %dma_start3A_33 = arith.constant 0 : i32
    %dma_start3A_34 = tpu.memref_slice %arg9[%dma_start3A_31, %dma_start3A_32, %dma_start3A_33] : memref<4x128x16xf32, #tpu.memory_space<vmem>> -> memref<1x128x16xf32, #tpu.memory_space<vmem>>
    %dma_start3A_35 = tpu.memref_squeeze %dma_start3A_34 : memref<1x128x16xf32, #tpu.memory_space<vmem>> -> memref<128x16xf32, #tpu.memory_space<vmem>>
    %dma_start3A_36 = arith.constant 0 : i32
    %dma_start3A_37 = tpu.memref_slice %arg7[%dma_start3A_30, %dma_start3A_36] : memref<80x128xi32, #tpu.memory_space<vmem>> -> memref<1x128xi32, #tpu.memory_space<vmem>>
    %dma_start3A_38 = tpu.memref_squeeze %dma_start3A_37 : memref<1x128xi32, #tpu.memory_space<vmem>> -> memref<128xi32, #tpu.memory_space<vmem>>
    %dma_start3A_39 = arith.constant 0 : i32
    %dma_start3A_40 = arith.constant 0 : i32
    %dma_start3A_41 = tpu.memref_slice %arg10[%dma_start3A_39, %dma_start3A_40] : memref<10240x16xf32, #tpu.memory_space<vmem_shared>> -> memref<10240x16xf32, #tpu.memory_space<vmem_shared>>
    tpu.enqueue_indirect_dma source(%dma_start3A_41 : memref<10240x16xf32, #tpu.memory_space<vmem_shared>>) target(%dma_start3A_35 : memref<128x16xf32, #tpu.memory_space<vmem>>) offsets(%dma_start3A_38 : memref<128xi32, #tpu.memory_space<vmem>>) semaphore(%arg14 : memref<!tpu.dma_semaphore, #tpu.memory_space<semaphore_mem>>)
    %dma_start3A_42 = arith.constant 3 : i32
    %dma_start3A_43 = arith.constant 3 : i32
    %dma_start3A_44 = arith.constant 0 : i32
    %dma_start3A_45 = arith.constant 0 : i32
    %dma_start3A_46 = tpu.memref_slice %arg9[%dma_start3A_43, %dma_start3A_44, %dma_start3A_45] : memref<4x128x16xf32, #tpu.memory_space<vmem>> -> memref<1x128x16xf32, #tpu.memory_space<vmem>>
    %dma_start3A_47 = tpu.memref_squeeze %dma_start3A_46 : memref<1x128x16xf32, #tpu.memory_space<vmem>> -> memref<128x16xf32, #tpu.memory_space<vmem>>
    %dma_start3A_48 = arith.constant 0 : i32
    %dma_start3A_49 = tpu.memref_slice %arg7[%dma_start3A_42, %dma_start3A_48] : memref<80x128xi32, #tpu.memory_space<vmem>> -> memref<1x128xi32, #tpu.memory_space<vmem>>
    %dma_start3A_50 = tpu.memref_squeeze %dma_start3A_49 : memref<1x128xi32, #tpu.memory_space<vmem>> -> memref<128xi32, #tpu.memory_space<vmem>>
    %dma_start3A_51 = arith.constant 0 : i32
    %dma_start3A_52 = arith.constant 0 : i32
    %dma_start3A_53 = tpu.memref_slice %arg10[%dma_start3A_51, %dma_start3A_52] : memref<10240x16xf32, #tpu.memory_space<vmem_shared>> -> memref<10240x16xf32, #tpu.memory_space<vmem_shared>>
    tpu.enqueue_indirect_dma source(%dma_start3A_53 : memref<10240x16xf32, #tpu.memory_space<vmem_shared>>) target(%dma_start3A_47 : memref<128x16xf32, #tpu.memory_space<vmem>>) offsets(%dma_start3A_50 : memref<128xi32, #tpu.memory_space<vmem>>) semaphore(%arg15 : memref<!tpu.dma_semaphore, #tpu.memory_space<semaphore_mem>>)
    %scan3A = arith.constant 0 : i32
    %scan3A_54 = arith.constant 0 : i32
    %scan3A_55 = arith.constant 20 : i32
    %scan3A_56 = arith.addi %scan3A_54, %scan3A_55 : i32
    %scan3A_57 = arith.constant 1 : i32
    scf.for %scan3A_283 = %scan3A_54 to %scan3A_56 step %scan3A_57  : i32 {
      %mul3A_284 = arith.constant 4 : i32
      %mul3A_285 = arith.muli %mul3A_284, %scan3A_283 : i32
      %add3A_286 = arith.constant 0 : i32
      %add3A_287 = arith.addi %mul3A_285, %add3A_286 : i32
      %dma_wait3A_288 = arith.constant 0 : i32
      %dma_wait3A_289 = arith.constant 0 : i32
      %dma_wait3A_290 = arith.constant 0 : i32
      %dma_wait3A_291 = tpu.memref_slice %arg9[%dma_wait3A_288, %dma_wait3A_289, %dma_wait3A_290] : memref<4x128x16xf32, #tpu.memory_space<vmem>> -> memref<1x128x16xf32, #tpu.memory_space<vmem>>
      %dma_wait3A_292 = tpu.memref_squeeze %dma_wait3A_291 : memref<1x128x16xf32, #tpu.memory_space<vmem>> -> memref<128x16xf32, #tpu.memory_space<vmem>>
      %dma_wait3A_293 = arith.constant 0 : i32
      %dma_wait3A_294 = tpu.memref_slice %arg7[%add3A_287, %dma_wait3A_293] : memref<80x128xi32, #tpu.memory_space<vmem>> -> memref<1x128xi32, #tpu.memory_space<vmem>>
      %dma_wait3A_295 = tpu.memref_squeeze %dma_wait3A_294 : memref<1x128xi32, #tpu.memory_space<vmem>> -> memref<128xi32, #tpu.memory_space<vmem>>
      %dma_wait3A_296 = arith.constant 0 : i32
      %dma_wait3A_297 = arith.constant 0 : i32
      %dma_wait3A_298 = tpu.memref_slice %arg10[%dma_wait3A_296, %dma_wait3A_297] : memref<10240x16xf32, #tpu.memory_space<vmem_shared>> -> memref<10240x16xf32, #tpu.memory_space<vmem_shared>>
      tpu.wait_indirect_dma semaphore(%arg12 : memref<!tpu.dma_semaphore, #tpu.memory_space<semaphore_mem>>) src(%dma_wait3A_298 : memref<10240x16xf32, #tpu.memory_space<vmem_shared>>) dst(%dma_wait3A_292 : memref<128x16xf32, #tpu.memory_space<vmem>>)
      %dma_start3A_299 = arith.constant 0 : i32
      %dma_start3A_300 = arith.constant 0 : i32
      %dma_start3A_301 = arith.constant 0 : i32
      %dma_start3A_302 = tpu.memref_slice %arg9[%dma_start3A_299, %dma_start3A_300, %dma_start3A_301] : memref<4x128x16xf32, #tpu.memory_space<vmem>> -> memref<1x128x16xf32, #tpu.memory_space<vmem>>
      %dma_start3A_303 = tpu.memref_squeeze %dma_start3A_302 : memref<1x128x16xf32, #tpu.memory_space<vmem>> -> memref<128x16xf32, #tpu.memory_space<vmem>>
      %dma_start3A_304 = arith.constant 0 : i32
      %dma_start3A_305 = tpu.memref_slice %arg8[%add3A_287, %dma_start3A_304] : memref<80x128xi32, #tpu.memory_space<vmem>> -> memref<1x128xi32, #tpu.memory_space<vmem>>
      %dma_start3A_306 = tpu.memref_squeeze %dma_start3A_305 : memref<1x128xi32, #tpu.memory_space<vmem>> -> memref<128xi32, #tpu.memory_space<vmem>>
      %dma_start3A_307 = arith.constant 0 : i32
      %dma_start3A_308 = arith.constant 0 : i32
      %dma_start3A_309 = tpu.memref_slice %arg11[%dma_start3A_307, %dma_start3A_308] : memref<10240x16xf32, #tpu.memory_space<vmem_shared>> -> memref<10240x16xf32, #tpu.memory_space<vmem_shared>>
      tpu.enqueue_indirect_dma source(%dma_start3A_303 : memref<128x16xf32, #tpu.memory_space<vmem>>) target(%dma_start3A_309 : memref<10240x16xf32, #tpu.memory_space<vmem_shared>>) offsets(%dma_start3A_306 : memref<128xi32, #tpu.memory_space<vmem>>) semaphore(%arg16 : memref<!tpu.dma_semaphore, #tpu.memory_space<semaphore_mem>>) {add = true}
      %add3A_310 = arith.constant 1 : i32
      %add3A_311 = arith.addi %mul3A_285, %add3A_310 : i32
      %dma_wait3A_312 = arith.constant 1 : i32
      %dma_wait3A_313 = arith.constant 0 : i32
      %dma_wait3A_314 = arith.constant 0 : i32
      %dma_wait3A_315 = tpu.memref_slice %arg9[%dma_wait3A_312, %dma_wait3A_313, %dma_wait3A_314] : memref<4x128x16xf32, #tpu.memory_space<vmem>> -> memref<1x128x16xf32, #tpu.memory_space<vmem>>
      %dma_wait3A_316 = tpu.memref_squeeze %dma_wait3A_315 : memref<1x128x16xf32, #tpu.memory_space<vmem>> -> memref<128x16xf32, #tpu.memory_space<vmem>>
      %dma_wait3A_317 = arith.constant 0 : i32
      %dma_wait3A_318 = tpu.memref_slice %arg7[%add3A_311, %dma_wait3A_317] : memref<80x128xi32, #tpu.memory_space<vmem>> -> memref<1x128xi32, #tpu.memory_space<vmem>>
      %dma_wait3A_319 = tpu.memref_squeeze %dma_wait3A_318 : memref<1x128xi32, #tpu.memory_space<vmem>> -> memref<128xi32, #tpu.memory_space<vmem>>
      %dma_wait3A_320 = arith.constant 0 : i32
      %dma_wait3A_321 = arith.constant 0 : i32
      %dma_wait3A_322 = tpu.memref_slice %arg10[%dma_wait3A_320, %dma_wait3A_321] : memref<10240x16xf32, #tpu.memory_space<vmem_shared>> -> memref<10240x16xf32, #tpu.memory_space<vmem_shared>>
      tpu.wait_indirect_dma semaphore(%arg13 : memref<!tpu.dma_semaphore, #tpu.memory_space<semaphore_mem>>) src(%dma_wait3A_322 : memref<10240x16xf32, #tpu.memory_space<vmem_shared>>) dst(%dma_wait3A_316 : memref<128x16xf32, #tpu.memory_space<vmem>>)
      %dma_start3A_323 = arith.constant 1 : i32
      %dma_start3A_324 = arith.constant 0 : i32
      %dma_start3A_325 = arith.constant 0 : i32
      %dma_start3A_326 = tpu.memref_slice %arg9[%dma_start3A_323, %dma_start3A_324, %dma_start3A_325] : memref<4x128x16xf32, #tpu.memory_space<vmem>> -> memref<1x128x16xf32, #tpu.memory_space<vmem>>
      %dma_start3A_327 = tpu.memref_squeeze %dma_start3A_326 : memref<1x128x16xf32, #tpu.memory_space<vmem>> -> memref<128x16xf32, #tpu.memory_space<vmem>>
      %dma_start3A_328 = arith.constant 0 : i32
      %dma_start3A_329 = tpu.memref_slice %arg8[%add3A_311, %dma_start3A_328] : memref<80x128xi32, #tpu.memory_space<vmem>> -> memref<1x128xi32, #tpu.memory_space<vmem>>
      %dma_start3A_330 = tpu.memref_squeeze %dma_start3A_329 : memref<1x128xi32, #tpu.memory_space<vmem>> -> memref<128xi32, #tpu.memory_space<vmem>>
      %dma_start3A_331 = arith.constant 0 : i32
      %dma_start3A_332 = arith.constant 0 : i32
      %dma_start3A_333 = tpu.memref_slice %arg11[%dma_start3A_331, %dma_start3A_332] : memref<10240x16xf32, #tpu.memory_space<vmem_shared>> -> memref<10240x16xf32, #tpu.memory_space<vmem_shared>>
      tpu.enqueue_indirect_dma source(%dma_start3A_327 : memref<128x16xf32, #tpu.memory_space<vmem>>) target(%dma_start3A_333 : memref<10240x16xf32, #tpu.memory_space<vmem_shared>>) offsets(%dma_start3A_330 : memref<128xi32, #tpu.memory_space<vmem>>) semaphore(%arg17 : memref<!tpu.dma_semaphore, #tpu.memory_space<semaphore_mem>>) {add = true}
      %add3A_334 = arith.constant 2 : i32
      %add3A_335 = arith.addi %mul3A_285, %add3A_334 : i32
      %dma_wait3A_336 = arith.constant 2 : i32
      %dma_wait3A_337 = arith.constant 0 : i32
      %dma_wait3A_338 = arith.constant 0 : i32
      %dma_wait3A_339 = tpu.memref_slice %arg9[%dma_wait3A_336, %dma_wait3A_337, %dma_wait3A_338] : memref<4x128x16xf32, #tpu.memory_space<vmem>> -> memref<1x128x16xf32, #tpu.memory_space<vmem>>
      %dma_wait3A_340 = tpu.memref_squeeze %dma_wait3A_339 : memref<1x128x16xf32, #tpu.memory_space<vmem>> -> memref<128x16xf32, #tpu.memory_space<vmem>>
      %dma_wait3A_341 = arith.constant 0 : i32
      %dma_wait3A_342 = tpu.memref_slice %arg7[%add3A_335, %dma_wait3A_341] : memref<80x128xi32, #tpu.memory_space<vmem>> -> memref<1x128xi32, #tpu.memory_space<vmem>>
      %dma_wait3A_343 = tpu.memref_squeeze %dma_wait3A_342 : memref<1x128xi32, #tpu.memory_space<vmem>> -> memref<128xi32, #tpu.memory_space<vmem>>
      %dma_wait3A_344 = arith.constant 0 : i32
      %dma_wait3A_345 = arith.constant 0 : i32
      %dma_wait3A_346 = tpu.memref_slice %arg10[%dma_wait3A_344, %dma_wait3A_345] : memref<10240x16xf32, #tpu.memory_space<vmem_shared>> -> memref<10240x16xf32, #tpu.memory_space<vmem_shared>>
      tpu.wait_indirect_dma semaphore(%arg14 : memref<!tpu.dma_semaphore, #tpu.memory_space<semaphore_mem>>) src(%dma_wait3A_346 : memref<10240x16xf32, #tpu.memory_space<vmem_shared>>) dst(%dma_wait3A_340 : memref<128x16xf32, #tpu.memory_space<vmem>>)
      %dma_start3A_347 = arith.constant 2 : i32
      %dma_start3A_348 = arith.constant 0 : i32
      %dma_start3A_349 = arith.constant 0 : i32
      %dma_start3A_350 = tpu.memref_slice %arg9[%dma_start3A_347, %dma_start3A_348, %dma_start3A_349] : memref<4x128x16xf32, #tpu.memory_space<vmem>> -> memref<1x128x16xf32, #tpu.memory_space<vmem>>
      %dma_start3A_351 = tpu.memref_squeeze %dma_start3A_350 : memref<1x128x16xf32, #tpu.memory_space<vmem>> -> memref<128x16xf32, #tpu.memory_space<vmem>>
      %dma_start3A_352 = arith.constant 0 : i32
      %dma_start3A_353 = tpu.memref_slice %arg8[%add3A_335, %dma_start3A_352] : memref<80x128xi32, #tpu.memory_space<vmem>> -> memref<1x128xi32, #tpu.memory_space<vmem>>
      %dma_start3A_354 = tpu.memref_squeeze %dma_start3A_353 : memref<1x128xi32, #tpu.memory_space<vmem>> -> memref<128xi32, #tpu.memory_space<vmem>>
      %dma_start3A_355 = arith.constant 0 : i32
      %dma_start3A_356 = arith.constant 0 : i32
      %dma_start3A_357 = tpu.memref_slice %arg11[%dma_start3A_355, %dma_start3A_356] : memref<10240x16xf32, #tpu.memory_space<vmem_shared>> -> memref<10240x16xf32, #tpu.memory_space<vmem_shared>>
      tpu.enqueue_indirect_dma source(%dma_start3A_351 : memref<128x16xf32, #tpu.memory_space<vmem>>) target(%dma_start3A_357 : memref<10240x16xf32, #tpu.memory_space<vmem_shared>>) offsets(%dma_start3A_354 : memref<128xi32, #tpu.memory_space<vmem>>) semaphore(%arg18 : memref<!tpu.dma_semaphore, #tpu.memory_space<semaphore_mem>>) {add = true}
      %add3A_358 = arith.constant 3 : i32
      %add3A_359 = arith.addi %mul3A_285, %add3A_358 : i32
      %dma_wait3A_360 = arith.constant 3 : i32
      %dma_wait3A_361 = arith.constant 0 : i32
      %dma_wait3A_362 = arith.constant 0 : i32
      %dma_wait3A_363 = tpu.memref_slice %arg9[%dma_wait3A_360, %dma_wait3A_361, %dma_wait3A_362] : memref<4x128x16xf32, #tpu.memory_space<vmem>> -> memref<1x128x16xf32, #tpu.memory_space<vmem>>
      %dma_wait3A_364 = tpu.memref_squeeze %dma_wait3A_363 : memref<1x128x16xf32, #tpu.memory_space<vmem>> -> memref<128x16xf32, #tpu.memory_space<vmem>>
      %dma_wait3A_365 = arith.constant 0 : i32
      %dma_wait3A_366 = tpu.memref_slice %arg7[%add3A_359, %dma_wait3A_365] : memref<80x128xi32, #tpu.memory_space<vmem>> -> memref<1x128xi32, #tpu.memory_space<vmem>>
      %dma_wait3A_367 = tpu.memref_squeeze %dma_wait3A_366 : memref<1x128xi32, #tpu.memory_space<vmem>> -> memref<128xi32, #tpu.memory_space<vmem>>
      %dma_wait3A_368 = arith.constant 0 : i32
      %dma_wait3A_369 = arith.constant 0 : i32
      %dma_wait3A_370 = tpu.memref_slice %arg10[%dma_wait3A_368, %dma_wait3A_369] : memref<10240x16xf32, #tpu.memory_space<vmem_shared>> -> memref<10240x16xf32, #tpu.memory_space<vmem_shared>>
      tpu.wait_indirect_dma semaphore(%arg15 : memref<!tpu.dma_semaphore, #tpu.memory_space<semaphore_mem>>) src(%dma_wait3A_370 : memref<10240x16xf32, #tpu.memory_space<vmem_shared>>) dst(%dma_wait3A_364 : memref<128x16xf32, #tpu.memory_space<vmem>>)
      %dma_start3A_371 = arith.constant 3 : i32
      %dma_start3A_372 = arith.constant 0 : i32
      %dma_start3A_373 = arith.constant 0 : i32
      %dma_start3A_374 = tpu.memref_slice %arg9[%dma_start3A_371, %dma_start3A_372, %dma_start3A_373] : memref<4x128x16xf32, #tpu.memory_space<vmem>> -> memref<1x128x16xf32, #tpu.memory_space<vmem>>
      %dma_start3A_375 = tpu.memref_squeeze %dma_start3A_374 : memref<1x128x16xf32, #tpu.memory_space<vmem>> -> memref<128x16xf32, #tpu.memory_space<vmem>>
      %dma_start3A_376 = arith.constant 0 : i32
      %dma_start3A_377 = tpu.memref_slice %arg8[%add3A_359, %dma_start3A_376] : memref<80x128xi32, #tpu.memory_space<vmem>> -> memref<1x128xi32, #tpu.memory_space<vmem>>
      %dma_start3A_378 = tpu.memref_squeeze %dma_start3A_377 : memref<1x128xi32, #tpu.memory_space<vmem>> -> memref<128xi32, #tpu.memory_space<vmem>>
      %dma_start3A_379 = arith.constant 0 : i32
      %dma_start3A_380 = arith.constant 0 : i32
      %dma_start3A_381 = tpu.memref_slice %arg11[%dma_start3A_379, %dma_start3A_380] : memref<10240x16xf32, #tpu.memory_space<vmem_shared>> -> memref<10240x16xf32, #tpu.memory_space<vmem_shared>>
      tpu.enqueue_indirect_dma source(%dma_start3A_375 : memref<128x16xf32, #tpu.memory_space<vmem>>) target(%dma_start3A_381 : memref<10240x16xf32, #tpu.memory_space<vmem_shared>>) offsets(%dma_start3A_378 : memref<128xi32, #tpu.memory_space<vmem>>) semaphore(%arg19 : memref<!tpu.dma_semaphore, #tpu.memory_space<semaphore_mem>>) {add = true}
      %dma_wait3A_382 = arith.constant 0 : i32
      %dma_wait3A_383 = arith.constant 0 : i32
      %dma_wait3A_384 = arith.constant 0 : i32
      %dma_wait3A_385 = tpu.memref_slice %arg9[%dma_wait3A_382, %dma_wait3A_383, %dma_wait3A_384] : memref<4x128x16xf32, #tpu.memory_space<vmem>> -> memref<1x128x16xf32, #tpu.memory_space<vmem>>
      %dma_wait3A_386 = tpu.memref_squeeze %dma_wait3A_385 : memref<1x128x16xf32, #tpu.memory_space<vmem>> -> memref<128x16xf32, #tpu.memory_space<vmem>>
      %dma_wait3A_387 = arith.constant 0 : i32
      %dma_wait3A_388 = tpu.memref_slice %arg8[%add3A_287, %dma_wait3A_387] : memref<80x128xi32, #tpu.memory_space<vmem>> -> memref<1x128xi32, #tpu.memory_space<vmem>>
      %dma_wait3A_389 = tpu.memref_squeeze %dma_wait3A_388 : memref<1x128xi32, #tpu.memory_space<vmem>> -> memref<128xi32, #tpu.memory_space<vmem>>
      %dma_wait3A_390 = arith.constant 0 : i32
      %dma_wait3A_391 = arith.constant 0 : i32
      %dma_wait3A_392 = tpu.memref_slice %arg11[%dma_wait3A_390, %dma_wait3A_391] : memref<10240x16xf32, #tpu.memory_space<vmem_shared>> -> memref<10240x16xf32, #tpu.memory_space<vmem_shared>>
      tpu.wait_indirect_dma semaphore(%arg16 : memref<!tpu.dma_semaphore, #tpu.memory_space<semaphore_mem>>) src(%dma_wait3A_386 : memref<128x16xf32, #tpu.memory_space<vmem>>) dst(%dma_wait3A_392 : memref<10240x16xf32, #tpu.memory_space<vmem_shared>>)
      %lt3A = arith.constant 19 : i32
      %lt3A_393 = arith.cmpi slt, %scan3A_283, %lt3A : i32
      %convert_element_type3A = arith.extui %lt3A_393 : i1 to i32
      %cond3A = arith.constant 0 : i32
      %cond3A_394 = arith.cmpi ne, %convert_element_type3A, %cond3A : i32
      scf.if %cond3A_394 {
        %add3A_443 = arith.constant 0 : i32
        %add3A_444 = arith.addi %mul3A_285, %add3A_443 : i32
        %add3A_445 = arith.constant 4 : i32
        %add3A_446 = arith.addi %add3A_444, %add3A_445 : i32
        %dma_start3A_447 = arith.constant 0 : i32
        %dma_start3A_448 = arith.constant 0 : i32
        %dma_start3A_449 = arith.constant 0 : i32
        %dma_start3A_450 = tpu.memref_slice %arg9[%dma_start3A_447, %dma_start3A_448, %dma_start3A_449] : memref<4x128x16xf32, #tpu.memory_space<vmem>> -> memref<1x128x16xf32, #tpu.memory_space<vmem>>
        %dma_start3A_451 = tpu.memref_squeeze %dma_start3A_450 : memref<1x128x16xf32, #tpu.memory_space<vmem>> -> memref<128x16xf32, #tpu.memory_space<vmem>>
        %dma_start3A_452 = arith.constant 0 : i32
        %dma_start3A_453 = tpu.memref_slice %arg7[%add3A_446, %dma_start3A_452] : memref<80x128xi32, #tpu.memory_space<vmem>> -> memref<1x128xi32, #tpu.memory_space<vmem>>
        %dma_start3A_454 = tpu.memref_squeeze %dma_start3A_453 : memref<1x128xi32, #tpu.memory_space<vmem>> -> memref<128xi32, #tpu.memory_space<vmem>>
        %dma_start3A_455 = arith.constant 0 : i32
        %dma_start3A_456 = arith.constant 0 : i32
        %dma_start3A_457 = tpu.memref_slice %arg10[%dma_start3A_455, %dma_start3A_456] : memref<10240x16xf32, #tpu.memory_space<vmem_shared>> -> memref<10240x16xf32, #tpu.memory_space<vmem_shared>>
        tpu.enqueue_indirect_dma source(%dma_start3A_457 : memref<10240x16xf32, #tpu.memory_space<vmem_shared>>) target(%dma_start3A_451 : memref<128x16xf32, #tpu.memory_space<vmem>>) offsets(%dma_start3A_454 : memref<128xi32, #tpu.memory_space<vmem>>) semaphore(%arg12 : memref<!tpu.dma_semaphore, #tpu.memory_space<semaphore_mem>>)
      } else {
      }
      %dma_wait3A_395 = arith.constant 1 : i32
      %dma_wait3A_396 = arith.constant 0 : i32
      %dma_wait3A_397 = arith.constant 0 : i32
      %dma_wait3A_398 = tpu.memref_slice %arg9[%dma_wait3A_395, %dma_wait3A_396, %dma_wait3A_397] : memref<4x128x16xf32, #tpu.memory_space<vmem>> -> memref<1x128x16xf32, #tpu.memory_space<vmem>>
      %dma_wait3A_399 = tpu.memref_squeeze %dma_wait3A_398 : memref<1x128x16xf32, #tpu.memory_space<vmem>> -> memref<128x16xf32, #tpu.memory_space<vmem>>
      %dma_wait3A_400 = arith.constant 0 : i32
      %dma_wait3A_401 = tpu.memref_slice %arg8[%add3A_311, %dma_wait3A_400] : memref<80x128xi32, #tpu.memory_space<vmem>> -> memref<1x128xi32, #tpu.memory_space<vmem>>
      %dma_wait3A_402 = tpu.memref_squeeze %dma_wait3A_401 : memref<1x128xi32, #tpu.memory_space<vmem>> -> memref<128xi32, #tpu.memory_space<vmem>>
      %dma_wait3A_403 = arith.constant 0 : i32
      %dma_wait3A_404 = arith.constant 0 : i32
      %dma_wait3A_405 = tpu.memref_slice %arg11[%dma_wait3A_403, %dma_wait3A_404] : memref<10240x16xf32, #tpu.memory_space<vmem_shared>> -> memref<10240x16xf32, #tpu.memory_space<vmem_shared>>
      tpu.wait_indirect_dma semaphore(%arg17 : memref<!tpu.dma_semaphore, #tpu.memory_space<semaphore_mem>>) src(%dma_wait3A_399 : memref<128x16xf32, #tpu.memory_space<vmem>>) dst(%dma_wait3A_405 : memref<10240x16xf32, #tpu.memory_space<vmem_shared>>)
      %lt3A_406 = arith.constant 19 : i32
      %lt3A_407 = arith.cmpi slt, %scan3A_283, %lt3A_406 : i32
      %convert_element_type3A_408 = arith.extui %lt3A_407 : i1 to i32
      %cond3A_409 = arith.constant 0 : i32
      %cond3A_410 = arith.cmpi ne, %convert_element_type3A_408, %cond3A_409 : i32
      scf.if %cond3A_410 {
        %add3A_443 = arith.constant 1 : i32
        %add3A_444 = arith.addi %mul3A_285, %add3A_443 : i32
        %add3A_445 = arith.constant 4 : i32
        %add3A_446 = arith.addi %add3A_444, %add3A_445 : i32
        %dma_start3A_447 = arith.constant 1 : i32
        %dma_start3A_448 = arith.constant 0 : i32
        %dma_start3A_449 = arith.constant 0 : i32
        %dma_start3A_450 = tpu.memref_slice %arg9[%dma_start3A_447, %dma_start3A_448, %dma_start3A_449] : memref<4x128x16xf32, #tpu.memory_space<vmem>> -> memref<1x128x16xf32, #tpu.memory_space<vmem>>
        %dma_start3A_451 = tpu.memref_squeeze %dma_start3A_450 : memref<1x128x16xf32, #tpu.memory_space<vmem>> -> memref<128x16xf32, #tpu.memory_space<vmem>>
        %dma_start3A_452 = arith.constant 0 : i32
        %dma_start3A_453 = tpu.memref_slice %arg7[%add3A_446, %dma_start3A_452] : memref<80x128xi32, #tpu.memory_space<vmem>> -> memref<1x128xi32, #tpu.memory_space<vmem>>
        %dma_start3A_454 = tpu.memref_squeeze %dma_start3A_453 : memref<1x128xi32, #tpu.memory_space<vmem>> -> memref<128xi32, #tpu.memory_space<vmem>>
        %dma_start3A_455 = arith.constant 0 : i32
        %dma_start3A_456 = arith.constant 0 : i32
        %dma_start3A_457 = tpu.memref_slice %arg10[%dma_start3A_455, %dma_start3A_456] : memref<10240x16xf32, #tpu.memory_space<vmem_shared>> -> memref<10240x16xf32, #tpu.memory_space<vmem_shared>>
        tpu.enqueue_indirect_dma source(%dma_start3A_457 : memref<10240x16xf32, #tpu.memory_space<vmem_shared>>) target(%dma_start3A_451 : memref<128x16xf32, #tpu.memory_space<vmem>>) offsets(%dma_start3A_454 : memref<128xi32, #tpu.memory_space<vmem>>) semaphore(%arg13 : memref<!tpu.dma_semaphore, #tpu.memory_space<semaphore_mem>>)
      } else {
      }
      %dma_wait3A_411 = arith.constant 2 : i32
      %dma_wait3A_412 = arith.constant 0 : i32
      %dma_wait3A_413 = arith.constant 0 : i32
      %dma_wait3A_414 = tpu.memref_slice %arg9[%dma_wait3A_411, %dma_wait3A_412, %dma_wait3A_413] : memref<4x128x16xf32, #tpu.memory_space<vmem>> -> memref<1x128x16xf32, #tpu.memory_space<vmem>>
      %dma_wait3A_415 = tpu.memref_squeeze %dma_wait3A_414 : memref<1x128x16xf32, #tpu.memory_space<vmem>> -> memref<128x16xf32, #tpu.memory_space<vmem>>
      %dma_wait3A_416 = arith.constant 0 : i32
      %dma_wait3A_417 = tpu.memref_slice %arg8[%add3A_335, %dma_wait3A_416] : memref<80x128xi32, #tpu.memory_space<vmem>> -> memref<1x128xi32, #tpu.memory_space<vmem>>
      %dma_wait3A_418 = tpu.memref_squeeze %dma_wait3A_417 : memref<1x128xi32, #tpu.memory_space<vmem>> -> memref<128xi32, #tpu.memory_space<vmem>>
      %dma_wait3A_419 = arith.constant 0 : i32
      %dma_wait3A_420 = arith.constant 0 : i32
      %dma_wait3A_421 = tpu.memref_slice %arg11[%dma_wait3A_419, %dma_wait3A_420] : memref<10240x16xf32, #tpu.memory_space<vmem_shared>> -> memref<10240x16xf32, #tpu.memory_space<vmem_shared>>
      tpu.wait_indirect_dma semaphore(%arg18 : memref<!tpu.dma_semaphore, #tpu.memory_space<semaphore_mem>>) src(%dma_wait3A_415 : memref<128x16xf32, #tpu.memory_space<vmem>>) dst(%dma_wait3A_421 : memref<10240x16xf32, #tpu.memory_space<vmem_shared>>)
      %lt3A_422 = arith.constant 19 : i32
      %lt3A_423 = arith.cmpi slt, %scan3A_283, %lt3A_422 : i32
      %convert_element_type3A_424 = arith.extui %lt3A_423 : i1 to i32
      %cond3A_425 = arith.constant 0 : i32
      %cond3A_426 = arith.cmpi ne, %convert_element_type3A_424, %cond3A_425 : i32
      scf.if %cond3A_426 {
        %add3A_443 = arith.constant 2 : i32
        %add3A_444 = arith.addi %mul3A_285, %add3A_443 : i32
        %add3A_445 = arith.constant 4 : i32
        %add3A_446 = arith.addi %add3A_444, %add3A_445 : i32
        %dma_start3A_447 = arith.constant 2 : i32
        %dma_start3A_448 = arith.constant 0 : i32
        %dma_start3A_449 = arith.constant 0 : i32
        %dma_start3A_450 = tpu.memref_slice %arg9[%dma_start3A_447, %dma_start3A_448, %dma_start3A_449] : memref<4x128x16xf32, #tpu.memory_space<vmem>> -> memref<1x128x16xf32, #tpu.memory_space<vmem>>
        %dma_start3A_451 = tpu.memref_squeeze %dma_start3A_450 : memref<1x128x16xf32, #tpu.memory_space<vmem>> -> memref<128x16xf32, #tpu.memory_space<vmem>>
        %dma_start3A_452 = arith.constant 0 : i32
        %dma_start3A_453 = tpu.memref_slice %arg7[%add3A_446, %dma_start3A_452] : memref<80x128xi32, #tpu.memory_space<vmem>> -> memref<1x128xi32, #tpu.memory_space<vmem>>
        %dma_start3A_454 = tpu.memref_squeeze %dma_start3A_453 : memref<1x128xi32, #tpu.memory_space<vmem>> -> memref<128xi32, #tpu.memory_space<vmem>>
        %dma_start3A_455 = arith.constant 0 : i32
        %dma_start3A_456 = arith.constant 0 : i32
        %dma_start3A_457 = tpu.memref_slice %arg10[%dma_start3A_455, %dma_start3A_456] : memref<10240x16xf32, #tpu.memory_space<vmem_shared>> -> memref<10240x16xf32, #tpu.memory_space<vmem_shared>>
        tpu.enqueue_indirect_dma source(%dma_start3A_457 : memref<10240x16xf32, #tpu.memory_space<vmem_shared>>) target(%dma_start3A_451 : memref<128x16xf32, #tpu.memory_space<vmem>>) offsets(%dma_start3A_454 : memref<128xi32, #tpu.memory_space<vmem>>) semaphore(%arg14 : memref<!tpu.dma_semaphore, #tpu.memory_space<semaphore_mem>>)
      } else {
      }
      %dma_wait3A_427 = arith.constant 3 : i32
      %dma_wait3A_428 = arith.constant 0 : i32
      %dma_wait3A_429 = arith.constant 0 : i32
      %dma_wait3A_430 = tpu.memref_slice %arg9[%dma_wait3A_427, %dma_wait3A_428, %dma_wait3A_429] : memref<4x128x16xf32, #tpu.memory_space<vmem>> -> memref<1x128x16xf32, #tpu.memory_space<vmem>>
      %dma_wait3A_431 = tpu.memref_squeeze %dma_wait3A_430 : memref<1x128x16xf32, #tpu.memory_space<vmem>> -> memref<128x16xf32, #tpu.memory_space<vmem>>
      %dma_wait3A_432 = arith.constant 0 : i32
      %dma_wait3A_433 = tpu.memref_slice %arg8[%add3A_359, %dma_wait3A_432] : memref<80x128xi32, #tpu.memory_space<vmem>> -> memref<1x128xi32, #tpu.memory_space<vmem>>
      %dma_wait3A_434 = tpu.memref_squeeze %dma_wait3A_433 : memref<1x128xi32, #tpu.memory_space<vmem>> -> memref<128xi32, #tpu.memory_space<vmem>>
      %dma_wait3A_435 = arith.constant 0 : i32
      %dma_wait3A_436 = arith.constant 0 : i32
      %dma_wait3A_437 = tpu.memref_slice %arg11[%dma_wait3A_435, %dma_wait3A_436] : memref<10240x16xf32, #tpu.memory_space<vmem_shared>> -> memref<10240x16xf32, #tpu.memory_space<vmem_shared>>
      tpu.wait_indirect_dma semaphore(%arg19 : memref<!tpu.dma_semaphore, #tpu.memory_space<semaphore_mem>>) src(%dma_wait3A_431 : memref<128x16xf32, #tpu.memory_space<vmem>>) dst(%dma_wait3A_437 : memref<10240x16xf32, #tpu.memory_space<vmem_shared>>)
      %lt3A_438 = arith.constant 19 : i32
      %lt3A_439 = arith.cmpi slt, %scan3A_283, %lt3A_438 : i32
      %convert_element_type3A_440 = arith.extui %lt3A_439 : i1 to i32
      %cond3A_441 = arith.constant 0 : i32
      %cond3A_442 = arith.cmpi ne, %convert_element_type3A_440, %cond3A_441 : i32
      scf.if %cond3A_442 {
        %add3A_443 = arith.constant 3 : i32
        %add3A_444 = arith.addi %mul3A_285, %add3A_443 : i32
        %add3A_445 = arith.constant 4 : i32
        %add3A_446 = arith.addi %add3A_444, %add3A_445 : i32
        %dma_start3A_447 = arith.constant 3 : i32
        %dma_start3A_448 = arith.constant 0 : i32
        %dma_start3A_449 = arith.constant 0 : i32
        %dma_start3A_450 = tpu.memref_slice %arg9[%dma_start3A_447, %dma_start3A_448, %dma_start3A_449] : memref<4x128x16xf32, #tpu.memory_space<vmem>> -> memref<1x128x16xf32, #tpu.memory_space<vmem>>
        %dma_start3A_451 = tpu.memref_squeeze %dma_start3A_450 : memref<1x128x16xf32, #tpu.memory_space<vmem>> -> memref<128x16xf32, #tpu.memory_space<vmem>>
        %dma_start3A_452 = arith.constant 0 : i32
        %dma_start3A_453 = tpu.memref_slice %arg7[%add3A_446, %dma_start3A_452] : memref<80x128xi32, #tpu.memory_space<vmem>> -> memref<1x128xi32, #tpu.memory_space<vmem>>
        %dma_start3A_454 = tpu.memref_squeeze %dma_start3A_453 : memref<1x128xi32, #tpu.memory_space<vmem>> -> memref<128xi32, #tpu.memory_space<vmem>>
        %dma_start3A_455 = arith.constant 0 : i32
        %dma_start3A_456 = arith.constant 0 : i32
        %dma_start3A_457 = tpu.memref_slice %arg10[%dma_start3A_455, %dma_start3A_456] : memref<10240x16xf32, #tpu.memory_space<vmem_shared>> -> memref<10240x16xf32, #tpu.memory_space<vmem_shared>>
        tpu.enqueue_indirect_dma source(%dma_start3A_457 : memref<10240x16xf32, #tpu.memory_space<vmem_shared>>) target(%dma_start3A_451 : memref<128x16xf32, #tpu.memory_space<vmem>>) offsets(%dma_start3A_454 : memref<128xi32, #tpu.memory_space<vmem>>) semaphore(%arg15 : memref<!tpu.dma_semaphore, #tpu.memory_space<semaphore_mem>>)
      } else {
      }
    }
    %scan3A_58 = arith.constant 20 : i32
    %barrier3A_59 = arith.constant 0 : index
    tpu.barrier barrier_id(%barrier3A_59)
    %mul3A_60 = arith.constant 640 : i32
    %mul3A_61 = arith.muli %arg1, %mul3A_60 : i32
    %add3A_62 = arith.constant 0 : i32
    %add3A_63 = arith.addi %mul3A_61, %add3A_62 : i32
    %run_scoped3A = arith.constant 0 : i32
    "tpu.region"() ({
      %run_scoped3A_283 = tpu.sem_alloc : memref<!tpu.dma_semaphore, #tpu.memory_space<semaphore_mem>>
      %dma_start3A_284 = arith.constant 0 : i32
      %dma_start3A_285 = arith.constant 0 : i32
      %dma_start3A_286 = tpu.memref_slice %arg9[%run_scoped3A, %dma_start3A_284, %dma_start3A_285] : memref<4x128x16xf32, #tpu.memory_space<vmem>> -> memref<1x128x16xf32, #tpu.memory_space<vmem>>
      %dma_start3A_287 = tpu.memref_squeeze %dma_start3A_286 : memref<1x128x16xf32, #tpu.memory_space<vmem>> -> memref<128x16xf32, #tpu.memory_space<vmem>>
      %dma_start3A_288 = arith.constant 0 : i32
      %dma_start3A_289 = tpu.memref_slice %arg11[%add3A_63, %dma_start3A_288] : memref<10240x16xf32, #tpu.memory_space<vmem_shared>> -> memref<128x16xf32, #tpu.memory_space<vmem_shared>>
      %dma_start3A_290 = arith.constant 0 : i32
      %dma_start3A_291 = arith.constant 0 : i32
      %dma_start3A_292 = tpu.memref_slice %arg9[%run_scoped3A, %dma_start3A_290, %dma_start3A_291] : memref<4x128x16xf32, #tpu.memory_space<vmem>> -> memref<1x128x16xf32, #tpu.memory_space<vmem>>
      %dma_start3A_293 = tpu.memref_squeeze %dma_start3A_292 : memref<1x128x16xf32, #tpu.memory_space<vmem>> -> memref<128x16xf32, #tpu.memory_space<vmem>>
      %dma_start3A_294 = arith.constant 0 : i32
      %dma_start3A_295 = tpu.memref_slice %arg11[%add3A_63, %dma_start3A_294] : memref<10240x16xf32, #tpu.memory_space<vmem_shared>> -> memref<128x16xf32, #tpu.memory_space<vmem_shared>>
      tpu.enqueue_dma source(%dma_start3A_295 : memref<128x16xf32, #tpu.memory_space<vmem_shared>>) target(%dma_start3A_293 : memref<128x16xf32, #tpu.memory_space<vmem>>) target_semaphore(%run_scoped3A_283 : memref<!tpu.dma_semaphore, #tpu.memory_space<semaphore_mem>>)
      %dma_wait3A_296 = arith.constant 0 : i32
      %dma_wait3A_297 = arith.constant 0 : i32
      %dma_wait3A_298 = tpu.memref_slice %arg9[%run_scoped3A, %dma_wait3A_296, %dma_wait3A_297] : memref<4x128x16xf32, #tpu.memory_space<vmem>> -> memref<1x128x16xf32, #tpu.memory_space<vmem>>
      %dma_wait3A_299 = tpu.memref_squeeze %dma_wait3A_298 : memref<1x128x16xf32, #tpu.memory_space<vmem>> -> memref<128x16xf32, #tpu.memory_space<vmem>>
      %dma_wait3A_300 = arith.constant 0 : i32
      %dma_wait3A_301 = tpu.memref_slice %arg11[%add3A_63, %dma_wait3A_300] : memref<10240x16xf32, #tpu.memory_space<vmem_shared>> -> memref<128x16xf32, #tpu.memory_space<vmem_shared>>
      %dma_wait3A_302 = arith.constant 0 : i32
      %dma_wait3A_303 = arith.constant 0 : i32
      %dma_wait3A_304 = tpu.memref_slice %arg9[%run_scoped3A, %dma_wait3A_302, %dma_wait3A_303] : memref<4x128x16xf32, #tpu.memory_space<vmem>> -> memref<1x128x16xf32, #tpu.memory_space<vmem>>
      %dma_wait3A_305 = tpu.memref_squeeze %dma_wait3A_304 : memref<1x128x16xf32, #tpu.memory_space<vmem>> -> memref<128x16xf32, #tpu.memory_space<vmem>>
      %dma_wait3A_306 = arith.constant 0 : i32
      %dma_wait3A_307 = tpu.memref_slice %arg11[%add3A_63, %dma_wait3A_306] : memref<10240x16xf32, #tpu.memory_space<vmem_shared>> -> memref<128x16xf32, #tpu.memory_space<vmem_shared>>
      tpu.wait_dma2 semaphore(%run_scoped3A_283 : memref<!tpu.dma_semaphore, #tpu.memory_space<semaphore_mem>>) src(%dma_wait3A_307 : memref<128x16xf32, #tpu.memory_space<vmem_shared>>) dst(%dma_wait3A_305 : memref<128x16xf32, #tpu.memory_space<vmem>>)
      tpu.yield
    }) : () -> ()
    %mul3A_64 = arith.constant 10240 : i32
    %mul3A_65 = arith.muli %arg0, %mul3A_64 : i32
    %mul3A_66 = arith.constant 640 : i32
    %mul3A_67 = arith.muli %arg1, %mul3A_66 : i32
    %add3A_68 = arith.addi %mul3A_65, %mul3A_67 : i32
    %add3A_69 = arith.constant 0 : i32
    %add3A_70 = arith.addi %add3A_68, %add3A_69 : i32
    %dma_start3A_71 = arith.constant 0 : i32
    %dma_start3A_72 = arith.constant 0 : i32
    %dma_start3A_73 = arith.constant 0 : i32
    %dma_start3A_74 = tpu.memref_slice %arg9[%dma_start3A_71, %dma_start3A_72, %dma_start3A_73] : memref<4x128x16xf32, #tpu.memory_space<vmem>> -> memref<1x128x16xf32, #tpu.memory_space<vmem>>
    %dma_start3A_75 = tpu.memref_squeeze %dma_start3A_74 : memref<1x128x16xf32, #tpu.memory_space<vmem>> -> memref<128x16xf32, #tpu.memory_space<vmem>>
    %dma_start3A_76 = arith.constant 0 : i32
    %dma_start3A_77 = tpu.memref_slice %arg6[%add3A_70, %dma_start3A_76] : memref<20480x16xf32, #tpu.memory_space<hbm>> -> memref<128x16xf32, #tpu.memory_space<hbm>>
    %dma_start3A_78 = arith.constant 0 : i32
    %dma_start3A_79 = tpu.memref_slice %arg6[%add3A_70, %dma_start3A_78] : memref<20480x16xf32, #tpu.memory_space<hbm>> -> memref<128x16xf32, #tpu.memory_space<hbm>>
    %dma_start3A_80 = arith.constant 0 : i32
    %dma_start3A_81 = arith.constant 0 : i32
    %dma_start3A_82 = tpu.memref_slice %arg9[%dma_start3A_71, %dma_start3A_80, %dma_start3A_81] : memref<4x128x16xf32, #tpu.memory_space<vmem>> -> memref<1x128x16xf32, #tpu.memory_space<vmem>>
    %dma_start3A_83 = tpu.memref_squeeze %dma_start3A_82 : memref<1x128x16xf32, #tpu.memory_space<vmem>> -> memref<128x16xf32, #tpu.memory_space<vmem>>
    tpu.enqueue_dma source(%dma_start3A_83 : memref<128x16xf32, #tpu.memory_space<vmem>>) target(%dma_start3A_79 : memref<128x16xf32, #tpu.memory_space<hbm>>) target_semaphore(%arg12 : memref<!tpu.dma_semaphore, #tpu.memory_space<semaphore_mem>>)
    %mul3A_84 = arith.constant 640 : i32
    %mul3A_85 = arith.muli %arg1, %mul3A_84 : i32
    %add3A_86 = arith.constant 128 : i32
    %add3A_87 = arith.addi %mul3A_85, %add3A_86 : i32
    %run_scoped3A_88 = arith.constant 1 : i32
    "tpu.region"() ({
      %run_scoped3A_283 = tpu.sem_alloc : memref<!tpu.dma_semaphore, #tpu.memory_space<semaphore_mem>>
      %dma_start3A_284 = arith.constant 0 : i32
      %dma_start3A_285 = arith.constant 0 : i32
      %dma_start3A_286 = tpu.memref_slice %arg9[%run_scoped3A_88, %dma_start3A_284, %dma_start3A_285] : memref<4x128x16xf32, #tpu.memory_space<vmem>> -> memref<1x128x16xf32, #tpu.memory_space<vmem>>
      %dma_start3A_287 = tpu.memref_squeeze %dma_start3A_286 : memref<1x128x16xf32, #tpu.memory_space<vmem>> -> memref<128x16xf32, #tpu.memory_space<vmem>>
      %dma_start3A_288 = arith.constant 0 : i32
      %dma_start3A_289 = tpu.memref_slice %arg11[%add3A_87, %dma_start3A_288] : memref<10240x16xf32, #tpu.memory_space<vmem_shared>> -> memref<128x16xf32, #tpu.memory_space<vmem_shared>>
      %dma_start3A_290 = arith.constant 0 : i32
      %dma_start3A_291 = arith.constant 0 : i32
      %dma_start3A_292 = tpu.memref_slice %arg9[%run_scoped3A_88, %dma_start3A_290, %dma_start3A_291] : memref<4x128x16xf32, #tpu.memory_space<vmem>> -> memref<1x128x16xf32, #tpu.memory_space<vmem>>
      %dma_start3A_293 = tpu.memref_squeeze %dma_start3A_292 : memref<1x128x16xf32, #tpu.memory_space<vmem>> -> memref<128x16xf32, #tpu.memory_space<vmem>>
      %dma_start3A_294 = arith.constant 0 : i32
      %dma_start3A_295 = tpu.memref_slice %arg11[%add3A_87, %dma_start3A_294] : memref<10240x16xf32, #tpu.memory_space<vmem_shared>> -> memref<128x16xf32, #tpu.memory_space<vmem_shared>>
      tpu.enqueue_dma source(%dma_start3A_295 : memref<128x16xf32, #tpu.memory_space<vmem_shared>>) target(%dma_start3A_293 : memref<128x16xf32, #tpu.memory_space<vmem>>) target_semaphore(%run_scoped3A_283 : memref<!tpu.dma_semaphore, #tpu.memory_space<semaphore_mem>>)
      %dma_wait3A_296 = arith.constant 0 : i32
      %dma_wait3A_297 = arith.constant 0 : i32
      %dma_wait3A_298 = tpu.memref_slice %arg9[%run_scoped3A_88, %dma_wait3A_296, %dma_wait3A_297] : memref<4x128x16xf32, #tpu.memory_space<vmem>> -> memref<1x128x16xf32, #tpu.memory_space<vmem>>
      %dma_wait3A_299 = tpu.memref_squeeze %dma_wait3A_298 : memref<1x128x16xf32, #tpu.memory_space<vmem>> -> memref<128x16xf32, #tpu.memory_space<vmem>>
      %dma_wait3A_300 = arith.constant 0 : i32
      %dma_wait3A_301 = tpu.memref_slice %arg11[%add3A_87, %dma_wait3A_300] : memref<10240x16xf32, #tpu.memory_space<vmem_shared>> -> memref<128x16xf32, #tpu.memory_space<vmem_shared>>
      %dma_wait3A_302 = arith.constant 0 : i32
      %dma_wait3A_303 = arith.constant 0 : i32
      %dma_wait3A_304 = tpu.memref_slice %arg9[%run_scoped3A_88, %dma_wait3A_302, %dma_wait3A_303] : memref<4x128x16xf32, #tpu.memory_space<vmem>> -> memref<1x128x16xf32, #tpu.memory_space<vmem>>
      %dma_wait3A_305 = tpu.memref_squeeze %dma_wait3A_304 : memref<1x128x16xf32, #tpu.memory_space<vmem>> -> memref<128x16xf32, #tpu.memory_space<vmem>>
      %dma_wait3A_306 = arith.constant 0 : i32
      %dma_wait3A_307 = tpu.memref_slice %arg11[%add3A_87, %dma_wait3A_306] : memref<10240x16xf32, #tpu.memory_space<vmem_shared>> -> memref<128x16xf32, #tpu.memory_space<vmem_shared>>
      tpu.wait_dma2 semaphore(%run_scoped3A_283 : memref<!tpu.dma_semaphore, #tpu.memory_space<semaphore_mem>>) src(%dma_wait3A_307 : memref<128x16xf32, #tpu.memory_space<vmem_shared>>) dst(%dma_wait3A_305 : memref<128x16xf32, #tpu.memory_space<vmem>>)
      tpu.yield
    }) : () -> ()
    %mul3A_89 = arith.constant 10240 : i32
    %mul3A_90 = arith.muli %arg0, %mul3A_89 : i32
    %mul3A_91 = arith.constant 640 : i32
    %mul3A_92 = arith.muli %arg1, %mul3A_91 : i32
    %add3A_93 = arith.addi %mul3A_90, %mul3A_92 : i32
    %add3A_94 = arith.constant 128 : i32
    %add3A_95 = arith.addi %add3A_93, %add3A_94 : i32
    %dma_start3A_96 = arith.constant 1 : i32
    %dma_start3A_97 = arith.constant 0 : i32
    %dma_start3A_98 = arith.constant 0 : i32
    %dma_start3A_99 = tpu.memref_slice %arg9[%dma_start3A_96, %dma_start3A_97, %dma_start3A_98] : memref<4x128x16xf32, #tpu.memory_space<vmem>> -> memref<1x128x16xf32, #tpu.memory_space<vmem>>
    %dma_start3A_100 = tpu.memref_squeeze %dma_start3A_99 : memref<1x128x16xf32, #tpu.memory_space<vmem>> -> memref<128x16xf32, #tpu.memory_space<vmem>>
    %dma_start3A_101 = arith.constant 0 : i32
    %dma_start3A_102 = tpu.memref_slice %arg6[%add3A_95, %dma_start3A_101] : memref<20480x16xf32, #tpu.memory_space<hbm>> -> memref<128x16xf32, #tpu.memory_space<hbm>>
    %dma_start3A_103 = arith.constant 0 : i32
    %dma_start3A_104 = tpu.memref_slice %arg6[%add3A_95, %dma_start3A_103] : memref<20480x16xf32, #tpu.memory_space<hbm>> -> memref<128x16xf32, #tpu.memory_space<hbm>>
    %dma_start3A_105 = arith.constant 0 : i32
    %dma_start3A_106 = arith.constant 0 : i32
    %dma_start3A_107 = tpu.memref_slice %arg9[%dma_start3A_96, %dma_start3A_105, %dma_start3A_106] : memref<4x128x16xf32, #tpu.memory_space<vmem>> -> memref<1x128x16xf32, #tpu.memory_space<vmem>>
    %dma_start3A_108 = tpu.memref_squeeze %dma_start3A_107 : memref<1x128x16xf32, #tpu.memory_space<vmem>> -> memref<128x16xf32, #tpu.memory_space<vmem>>
    tpu.enqueue_dma source(%dma_start3A_108 : memref<128x16xf32, #tpu.memory_space<vmem>>) target(%dma_start3A_104 : memref<128x16xf32, #tpu.memory_space<hbm>>) target_semaphore(%arg13 : memref<!tpu.dma_semaphore, #tpu.memory_space<semaphore_mem>>)
    %mul3A_109 = arith.constant 10240 : i32
    %mul3A_110 = arith.muli %arg0, %mul3A_109 : i32
    %mul3A_111 = arith.constant 640 : i32
    %mul3A_112 = arith.muli %arg1, %mul3A_111 : i32
    %add3A_113 = arith.addi %mul3A_110, %mul3A_112 : i32
    %add3A_114 = arith.constant 0 : i32
    %add3A_115 = arith.addi %add3A_113, %add3A_114 : i32
    %dma_wait3A = arith.constant 0 : i32
    %dma_wait3A_116 = arith.constant 0 : i32
    %dma_wait3A_117 = arith.constant 0 : i32
    %dma_wait3A_118 = tpu.memref_slice %arg9[%dma_wait3A, %dma_wait3A_116, %dma_wait3A_117] : memref<4x128x16xf32, #tpu.memory_space<vmem>> -> memref<1x128x16xf32, #tpu.memory_space<vmem>>
    %dma_wait3A_119 = tpu.memref_squeeze %dma_wait3A_118 : memref<1x128x16xf32, #tpu.memory_space<vmem>> -> memref<128x16xf32, #tpu.memory_space<vmem>>
    %dma_wait3A_120 = arith.constant 0 : i32
    %dma_wait3A_121 = tpu.memref_slice %arg6[%add3A_115, %dma_wait3A_120] : memref<20480x16xf32, #tpu.memory_space<hbm>> -> memref<128x16xf32, #tpu.memory_space<hbm>>
    %dma_wait3A_122 = arith.constant 0 : i32
    %dma_wait3A_123 = tpu.memref_slice %arg6[%add3A_115, %dma_wait3A_122] : memref<20480x16xf32, #tpu.memory_space<hbm>> -> memref<128x16xf32, #tpu.memory_space<hbm>>
    %dma_wait3A_124 = arith.constant 0 : i32
    %dma_wait3A_125 = arith.constant 0 : i32
    %dma_wait3A_126 = tpu.memref_slice %arg9[%dma_wait3A, %dma_wait3A_124, %dma_wait3A_125] : memref<4x128x16xf32, #tpu.memory_space<vmem>> -> memref<1x128x16xf32, #tpu.memory_space<vmem>>
    %dma_wait3A_127 = tpu.memref_squeeze %dma_wait3A_126 : memref<1x128x16xf32, #tpu.memory_space<vmem>> -> memref<128x16xf32, #tpu.memory_space<vmem>>
    tpu.wait_dma2 semaphore(%arg12 : memref<!tpu.dma_semaphore, #tpu.memory_space<semaphore_mem>>) src(%dma_wait3A_127 : memref<128x16xf32, #tpu.memory_space<vmem>>) dst(%dma_wait3A_123 : memref<128x16xf32, #tpu.memory_space<hbm>>)
    %mul3A_128 = arith.constant 640 : i32
    %mul3A_129 = arith.muli %arg1, %mul3A_128 : i32
    %add3A_130 = arith.constant 256 : i32
    %add3A_131 = arith.addi %mul3A_129, %add3A_130 : i32
    %run_scoped3A_132 = arith.constant 0 : i32
    "tpu.region"() ({
      %run_scoped3A_283 = tpu.sem_alloc : memref<!tpu.dma_semaphore, #tpu.memory_space<semaphore_mem>>
      %dma_start3A_284 = arith.constant 0 : i32
      %dma_start3A_285 = arith.constant 0 : i32
      %dma_start3A_286 = tpu.memref_slice %arg9[%run_scoped3A_132, %dma_start3A_284, %dma_start3A_285] : memref<4x128x16xf32, #tpu.memory_space<vmem>> -> memref<1x128x16xf32, #tpu.memory_space<vmem>>
      %dma_start3A_287 = tpu.memref_squeeze %dma_start3A_286 : memref<1x128x16xf32, #tpu.memory_space<vmem>> -> memref<128x16xf32, #tpu.memory_space<vmem>>
      %dma_start3A_288 = arith.constant 0 : i32
      %dma_start3A_289 = tpu.memref_slice %arg11[%add3A_131, %dma_start3A_288] : memref<10240x16xf32, #tpu.memory_space<vmem_shared>> -> memref<128x16xf32, #tpu.memory_space<vmem_shared>>
      %dma_start3A_290 = arith.constant 0 : i32
      %dma_start3A_291 = arith.constant 0 : i32
      %dma_start3A_292 = tpu.memref_slice %arg9[%run_scoped3A_132, %dma_start3A_290, %dma_start3A_291] : memref<4x128x16xf32, #tpu.memory_space<vmem>> -> memref<1x128x16xf32, #tpu.memory_space<vmem>>
      %dma_start3A_293 = tpu.memref_squeeze %dma_start3A_292 : memref<1x128x16xf32, #tpu.memory_space<vmem>> -> memref<128x16xf32, #tpu.memory_space<vmem>>
      %dma_start3A_294 = arith.constant 0 : i32
      %dma_start3A_295 = tpu.memref_slice %arg11[%add3A_131, %dma_start3A_294] : memref<10240x16xf32, #tpu.memory_space<vmem_shared>> -> memref<128x16xf32, #tpu.memory_space<vmem_shared>>
      tpu.enqueue_dma source(%dma_start3A_295 : memref<128x16xf32, #tpu.memory_space<vmem_shared>>) target(%dma_start3A_293 : memref<128x16xf32, #tpu.memory_space<vmem>>) target_semaphore(%run_scoped3A_283 : memref<!tpu.dma_semaphore, #tpu.memory_space<semaphore_mem>>)
      %dma_wait3A_296 = arith.constant 0 : i32
      %dma_wait3A_297 = arith.constant 0 : i32
      %dma_wait3A_298 = tpu.memref_slice %arg9[%run_scoped3A_132, %dma_wait3A_296, %dma_wait3A_297] : memref<4x128x16xf32, #tpu.memory_space<vmem>> -> memref<1x128x16xf32, #tpu.memory_space<vmem>>
      %dma_wait3A_299 = tpu.memref_squeeze %dma_wait3A_298 : memref<1x128x16xf32, #tpu.memory_space<vmem>> -> memref<128x16xf32, #tpu.memory_space<vmem>>
      %dma_wait3A_300 = arith.constant 0 : i32
      %dma_wait3A_301 = tpu.memref_slice %arg11[%add3A_131, %dma_wait3A_300] : memref<10240x16xf32, #tpu.memory_space<vmem_shared>> -> memref<128x16xf32, #tpu.memory_space<vmem_shared>>
      %dma_wait3A_302 = arith.constant 0 : i32
      %dma_wait3A_303 = arith.constant 0 : i32
      %dma_wait3A_304 = tpu.memref_slice %arg9[%run_scoped3A_132, %dma_wait3A_302, %dma_wait3A_303] : memref<4x128x16xf32, #tpu.memory_space<vmem>> -> memref<1x128x16xf32, #tpu.memory_space<vmem>>
      %dma_wait3A_305 = tpu.memref_squeeze %dma_wait3A_304 : memref<1x128x16xf32, #tpu.memory_space<vmem>> -> memref<128x16xf32, #tpu.memory_space<vmem>>
      %dma_wait3A_306 = arith.constant 0 : i32
      %dma_wait3A_307 = tpu.memref_slice %arg11[%add3A_131, %dma_wait3A_306] : memref<10240x16xf32, #tpu.memory_space<vmem_shared>> -> memref<128x16xf32, #tpu.memory_space<vmem_shared>>
      tpu.wait_dma2 semaphore(%run_scoped3A_283 : memref<!tpu.dma_semaphore, #tpu.memory_space<semaphore_mem>>) src(%dma_wait3A_307 : memref<128x16xf32, #tpu.memory_space<vmem_shared>>) dst(%dma_wait3A_305 : memref<128x16xf32, #tpu.memory_space<vmem>>)
      tpu.yield
    }) : () -> ()
    %mul3A_133 = arith.constant 10240 : i32
    %mul3A_134 = arith.muli %arg0, %mul3A_133 : i32
    %mul3A_135 = arith.constant 640 : i32
    %mul3A_136 = arith.muli %arg1, %mul3A_135 : i32
    %add3A_137 = arith.addi %mul3A_134, %mul3A_136 : i32
    %add3A_138 = arith.constant 256 : i32
    %add3A_139 = arith.addi %add3A_137, %add3A_138 : i32
    %dma_start3A_140 = arith.constant 0 : i32
    %dma_start3A_141 = arith.constant 0 : i32
    %dma_start3A_142 = arith.constant 0 : i32
    %dma_start3A_143 = tpu.memref_slice %arg9[%dma_start3A_140, %dma_start3A_141, %dma_start3A_142] : memref<4x128x16xf32, #tpu.memory_space<vmem>> -> memref<1x128x16xf32, #tpu.memory_space<vmem>>
    %dma_start3A_144 = tpu.memref_squeeze %dma_start3A_143 : memref<1x128x16xf32, #tpu.memory_space<vmem>> -> memref<128x16xf32, #tpu.memory_space<vmem>>
    %dma_start3A_145 = arith.constant 0 : i32
    %dma_start3A_146 = tpu.memref_slice %arg6[%add3A_139, %dma_start3A_145] : memref<20480x16xf32, #tpu.memory_space<hbm>> -> memref<128x16xf32, #tpu.memory_space<hbm>>
    %dma_start3A_147 = arith.constant 0 : i32
    %dma_start3A_148 = tpu.memref_slice %arg6[%add3A_139, %dma_start3A_147] : memref<20480x16xf32, #tpu.memory_space<hbm>> -> memref<128x16xf32, #tpu.memory_space<hbm>>
    %dma_start3A_149 = arith.constant 0 : i32
    %dma_start3A_150 = arith.constant 0 : i32
    %dma_start3A_151 = tpu.memref_slice %arg9[%dma_start3A_140, %dma_start3A_149, %dma_start3A_150] : memref<4x128x16xf32, #tpu.memory_space<vmem>> -> memref<1x128x16xf32, #tpu.memory_space<vmem>>
    %dma_start3A_152 = tpu.memref_squeeze %dma_start3A_151 : memref<1x128x16xf32, #tpu.memory_space<vmem>> -> memref<128x16xf32, #tpu.memory_space<vmem>>
    tpu.enqueue_dma source(%dma_start3A_152 : memref<128x16xf32, #tpu.memory_space<vmem>>) target(%dma_start3A_148 : memref<128x16xf32, #tpu.memory_space<hbm>>) target_semaphore(%arg12 : memref<!tpu.dma_semaphore, #tpu.memory_space<semaphore_mem>>)
    %mul3A_153 = arith.constant 10240 : i32
    %mul3A_154 = arith.muli %arg0, %mul3A_153 : i32
    %mul3A_155 = arith.constant 640 : i32
    %mul3A_156 = arith.muli %arg1, %mul3A_155 : i32
    %add3A_157 = arith.addi %mul3A_154, %mul3A_156 : i32
    %add3A_158 = arith.constant 128 : i32
    %add3A_159 = arith.addi %add3A_157, %add3A_158 : i32
    %dma_wait3A_160 = arith.constant 1 : i32
    %dma_wait3A_161 = arith.constant 0 : i32
    %dma_wait3A_162 = arith.constant 0 : i32
    %dma_wait3A_163 = tpu.memref_slice %arg9[%dma_wait3A_160, %dma_wait3A_161, %dma_wait3A_162] : memref<4x128x16xf32, #tpu.memory_space<vmem>> -> memref<1x128x16xf32, #tpu.memory_space<vmem>>
    %dma_wait3A_164 = tpu.memref_squeeze %dma_wait3A_163 : memref<1x128x16xf32, #tpu.memory_space<vmem>> -> memref<128x16xf32, #tpu.memory_space<vmem>>
    %dma_wait3A_165 = arith.constant 0 : i32
    %dma_wait3A_166 = tpu.memref_slice %arg6[%add3A_159, %dma_wait3A_165] : memref<20480x16xf32, #tpu.memory_space<hbm>> -> memref<128x16xf32, #tpu.memory_space<hbm>>
    %dma_wait3A_167 = arith.constant 0 : i32
    %dma_wait3A_168 = tpu.memref_slice %arg6[%add3A_159, %dma_wait3A_167] : memref<20480x16xf32, #tpu.memory_space<hbm>> -> memref<128x16xf32, #tpu.memory_space<hbm>>
    %dma_wait3A_169 = arith.constant 0 : i32
    %dma_wait3A_170 = arith.constant 0 : i32
    %dma_wait3A_171 = tpu.memref_slice %arg9[%dma_wait3A_160, %dma_wait3A_169, %dma_wait3A_170] : memref<4x128x16xf32, #tpu.memory_space<vmem>> -> memref<1x128x16xf32, #tpu.memory_space<vmem>>
    %dma_wait3A_172 = tpu.memref_squeeze %dma_wait3A_171 : memref<1x128x16xf32, #tpu.memory_space<vmem>> -> memref<128x16xf32, #tpu.memory_space<vmem>>
    tpu.wait_dma2 semaphore(%arg13 : memref<!tpu.dma_semaphore, #tpu.memory_space<semaphore_mem>>) src(%dma_wait3A_172 : memref<128x16xf32, #tpu.memory_space<vmem>>) dst(%dma_wait3A_168 : memref<128x16xf32, #tpu.memory_space<hbm>>)
    %mul3A_173 = arith.constant 640 : i32
    %mul3A_174 = arith.muli %arg1, %mul3A_173 : i32
    %add3A_175 = arith.constant 384 : i32
    %add3A_176 = arith.addi %mul3A_174, %add3A_175 : i32
    %run_scoped3A_177 = arith.constant 1 : i32
    "tpu.region"() ({
      %run_scoped3A_283 = tpu.sem_alloc : memref<!tpu.dma_semaphore, #tpu.memory_space<semaphore_mem>>
      %dma_start3A_284 = arith.constant 0 : i32
      %dma_start3A_285 = arith.constant 0 : i32
      %dma_start3A_286 = tpu.memref_slice %arg9[%run_scoped3A_177, %dma_start3A_284, %dma_start3A_285] : memref<4x128x16xf32, #tpu.memory_space<vmem>> -> memref<1x128x16xf32, #tpu.memory_space<vmem>>
      %dma_start3A_287 = tpu.memref_squeeze %dma_start3A_286 : memref<1x128x16xf32, #tpu.memory_space<vmem>> -> memref<128x16xf32, #tpu.memory_space<vmem>>
      %dma_start3A_288 = arith.constant 0 : i32
      %dma_start3A_289 = tpu.memref_slice %arg11[%add3A_176, %dma_start3A_288] : memref<10240x16xf32, #tpu.memory_space<vmem_shared>> -> memref<128x16xf32, #tpu.memory_space<vmem_shared>>
      %dma_start3A_290 = arith.constant 0 : i32
      %dma_start3A_291 = arith.constant 0 : i32
      %dma_start3A_292 = tpu.memref_slice %arg9[%run_scoped3A_177, %dma_start3A_290, %dma_start3A_291] : memref<4x128x16xf32, #tpu.memory_space<vmem>> -> memref<1x128x16xf32, #tpu.memory_space<vmem>>
      %dma_start3A_293 = tpu.memref_squeeze %dma_start3A_292 : memref<1x128x16xf32, #tpu.memory_space<vmem>> -> memref<128x16xf32, #tpu.memory_space<vmem>>
      %dma_start3A_294 = arith.constant 0 : i32
      %dma_start3A_295 = tpu.memref_slice %arg11[%add3A_176, %dma_start3A_294] : memref<10240x16xf32, #tpu.memory_space<vmem_shared>> -> memref<128x16xf32, #tpu.memory_space<vmem_shared>>
      tpu.enqueue_dma source(%dma_start3A_295 : memref<128x16xf32, #tpu.memory_space<vmem_shared>>) target(%dma_start3A_293 : memref<128x16xf32, #tpu.memory_space<vmem>>) target_semaphore(%run_scoped3A_283 : memref<!tpu.dma_semaphore, #tpu.memory_space<semaphore_mem>>)
      %dma_wait3A_296 = arith.constant 0 : i32
      %dma_wait3A_297 = arith.constant 0 : i32
      %dma_wait3A_298 = tpu.memref_slice %arg9[%run_scoped3A_177, %dma_wait3A_296, %dma_wait3A_297] : memref<4x128x16xf32, #tpu.memory_space<vmem>> -> memref<1x128x16xf32, #tpu.memory_space<vmem>>
      %dma_wait3A_299 = tpu.memref_squeeze %dma_wait3A_298 : memref<1x128x16xf32, #tpu.memory_space<vmem>> -> memref<128x16xf32, #tpu.memory_space<vmem>>
      %dma_wait3A_300 = arith.constant 0 : i32
      %dma_wait3A_301 = tpu.memref_slice %arg11[%add3A_176, %dma_wait3A_300] : memref<10240x16xf32, #tpu.memory_space<vmem_shared>> -> memref<128x16xf32, #tpu.memory_space<vmem_shared>>
      %dma_wait3A_302 = arith.constant 0 : i32
      %dma_wait3A_303 = arith.constant 0 : i32
      %dma_wait3A_304 = tpu.memref_slice %arg9[%run_scoped3A_177, %dma_wait3A_302, %dma_wait3A_303] : memref<4x128x16xf32, #tpu.memory_space<vmem>> -> memref<1x128x16xf32, #tpu.memory_space<vmem>>
      %dma_wait3A_305 = tpu.memref_squeeze %dma_wait3A_304 : memref<1x128x16xf32, #tpu.memory_space<vmem>> -> memref<128x16xf32, #tpu.memory_space<vmem>>
      %dma_wait3A_306 = arith.constant 0 : i32
      %dma_wait3A_307 = tpu.memref_slice %arg11[%add3A_176, %dma_wait3A_306] : memref<10240x16xf32, #tpu.memory_space<vmem_shared>> -> memref<128x16xf32, #tpu.memory_space<vmem_shared>>
      tpu.wait_dma2 semaphore(%run_scoped3A_283 : memref<!tpu.dma_semaphore, #tpu.memory_space<semaphore_mem>>) src(%dma_wait3A_307 : memref<128x16xf32, #tpu.memory_space<vmem_shared>>) dst(%dma_wait3A_305 : memref<128x16xf32, #tpu.memory_space<vmem>>)
      tpu.yield
    }) : () -> ()
    %mul3A_178 = arith.constant 10240 : i32
    %mul3A_179 = arith.muli %arg0, %mul3A_178 : i32
    %mul3A_180 = arith.constant 640 : i32
    %mul3A_181 = arith.muli %arg1, %mul3A_180 : i32
    %add3A_182 = arith.addi %mul3A_179, %mul3A_181 : i32
    %add3A_183 = arith.constant 384 : i32
    %add3A_184 = arith.addi %add3A_182, %add3A_183 : i32
    %dma_start3A_185 = arith.constant 1 : i32
    %dma_start3A_186 = arith.constant 0 : i32
    %dma_start3A_187 = arith.constant 0 : i32
    %dma_start3A_188 = tpu.memref_slice %arg9[%dma_start3A_185, %dma_start3A_186, %dma_start3A_187] : memref<4x128x16xf32, #tpu.memory_space<vmem>> -> memref<1x128x16xf32, #tpu.memory_space<vmem>>
    %dma_start3A_189 = tpu.memref_squeeze %dma_start3A_188 : memref<1x128x16xf32, #tpu.memory_space<vmem>> -> memref<128x16xf32, #tpu.memory_space<vmem>>
    %dma_start3A_190 = arith.constant 0 : i32
    %dma_start3A_191 = tpu.memref_slice %arg6[%add3A_184, %dma_start3A_190] : memref<20480x16xf32, #tpu.memory_space<hbm>> -> memref<128x16xf32, #tpu.memory_space<hbm>>
    %dma_start3A_192 = arith.constant 0 : i32
    %dma_start3A_193 = tpu.memref_slice %arg6[%add3A_184, %dma_start3A_192] : memref<20480x16xf32, #tpu.memory_space<hbm>> -> memref<128x16xf32, #tpu.memory_space<hbm>>
    %dma_start3A_194 = arith.constant 0 : i32
    %dma_start3A_195 = arith.constant 0 : i32
    %dma_start3A_196 = tpu.memref_slice %arg9[%dma_start3A_185, %dma_start3A_194, %dma_start3A_195] : memref<4x128x16xf32, #tpu.memory_space<vmem>> -> memref<1x128x16xf32, #tpu.memory_space<vmem>>
    %dma_start3A_197 = tpu.memref_squeeze %dma_start3A_196 : memref<1x128x16xf32, #tpu.memory_space<vmem>> -> memref<128x16xf32, #tpu.memory_space<vmem>>
    tpu.enqueue_dma source(%dma_start3A_197 : memref<128x16xf32, #tpu.memory_space<vmem>>) target(%dma_start3A_193 : memref<128x16xf32, #tpu.memory_space<hbm>>) target_semaphore(%arg13 : memref<!tpu.dma_semaphore, #tpu.memory_space<semaphore_mem>>)
    %mul3A_198 = arith.constant 10240 : i32
    %mul3A_199 = arith.muli %arg0, %mul3A_198 : i32
    %mul3A_200 = arith.constant 640 : i32
    %mul3A_201 = arith.muli %arg1, %mul3A_200 : i32
    %add3A_202 = arith.addi %mul3A_199, %mul3A_201 : i32
    %add3A_203 = arith.constant 256 : i32
    %add3A_204 = arith.addi %add3A_202, %add3A_203 : i32
    %dma_wait3A_205 = arith.constant 0 : i32
    %dma_wait3A_206 = arith.constant 0 : i32
    %dma_wait3A_207 = arith.constant 0 : i32
    %dma_wait3A_208 = tpu.memref_slice %arg9[%dma_wait3A_205, %dma_wait3A_206, %dma_wait3A_207] : memref<4x128x16xf32, #tpu.memory_space<vmem>> -> memref<1x128x16xf32, #tpu.memory_space<vmem>>
    %dma_wait3A_209 = tpu.memref_squeeze %dma_wait3A_208 : memref<1x128x16xf32, #tpu.memory_space<vmem>> -> memref<128x16xf32, #tpu.memory_space<vmem>>
    %dma_wait3A_210 = arith.constant 0 : i32
    %dma_wait3A_211 = tpu.memref_slice %arg6[%add3A_204, %dma_wait3A_210] : memref<20480x16xf32, #tpu.memory_space<hbm>> -> memref<128x16xf32, #tpu.memory_space<hbm>>
    %dma_wait3A_212 = arith.constant 0 : i32
    %dma_wait3A_213 = tpu.memref_slice %arg6[%add3A_204, %dma_wait3A_212] : memref<20480x16xf32, #tpu.memory_space<hbm>> -> memref<128x16xf32, #tpu.memory_space<hbm>>
    %dma_wait3A_214 = arith.constant 0 : i32
    %dma_wait3A_215 = arith.constant 0 : i32
    %dma_wait3A_216 = tpu.memref_slice %arg9[%dma_wait3A_205, %dma_wait3A_214, %dma_wait3A_215] : memref<4x128x16xf32, #tpu.memory_space<vmem>> -> memref<1x128x16xf32, #tpu.memory_space<vmem>>
    %dma_wait3A_217 = tpu.memref_squeeze %dma_wait3A_216 : memref<1x128x16xf32, #tpu.memory_space<vmem>> -> memref<128x16xf32, #tpu.memory_space<vmem>>
    tpu.wait_dma2 semaphore(%arg12 : memref<!tpu.dma_semaphore, #tpu.memory_space<semaphore_mem>>) src(%dma_wait3A_217 : memref<128x16xf32, #tpu.memory_space<vmem>>) dst(%dma_wait3A_213 : memref<128x16xf32, #tpu.memory_space<hbm>>)
    %mul3A_218 = arith.constant 640 : i32
    %mul3A_219 = arith.muli %arg1, %mul3A_218 : i32
    %add3A_220 = arith.constant 512 : i32
    %add3A_221 = arith.addi %mul3A_219, %add3A_220 : i32
    %run_scoped3A_222 = arith.constant 0 : i32
    "tpu.region"() ({
      %run_scoped3A_283 = tpu.sem_alloc : memref<!tpu.dma_semaphore, #tpu.memory_space<semaphore_mem>>
      %dma_start3A_284 = arith.constant 0 : i32
      %dma_start3A_285 = arith.constant 0 : i32
      %dma_start3A_286 = tpu.memref_slice %arg9[%run_scoped3A_222, %dma_start3A_284, %dma_start3A_285] : memref<4x128x16xf32, #tpu.memory_space<vmem>> -> memref<1x128x16xf32, #tpu.memory_space<vmem>>
      %dma_start3A_287 = tpu.memref_squeeze %dma_start3A_286 : memref<1x128x16xf32, #tpu.memory_space<vmem>> -> memref<128x16xf32, #tpu.memory_space<vmem>>
      %dma_start3A_288 = arith.constant 0 : i32
      %dma_start3A_289 = tpu.memref_slice %arg11[%add3A_221, %dma_start3A_288] : memref<10240x16xf32, #tpu.memory_space<vmem_shared>> -> memref<128x16xf32, #tpu.memory_space<vmem_shared>>
      %dma_start3A_290 = arith.constant 0 : i32
      %dma_start3A_291 = arith.constant 0 : i32
      %dma_start3A_292 = tpu.memref_slice %arg9[%run_scoped3A_222, %dma_start3A_290, %dma_start3A_291] : memref<4x128x16xf32, #tpu.memory_space<vmem>> -> memref<1x128x16xf32, #tpu.memory_space<vmem>>
      %dma_start3A_293 = tpu.memref_squeeze %dma_start3A_292 : memref<1x128x16xf32, #tpu.memory_space<vmem>> -> memref<128x16xf32, #tpu.memory_space<vmem>>
      %dma_start3A_294 = arith.constant 0 : i32
      %dma_start3A_295 = tpu.memref_slice %arg11[%add3A_221, %dma_start3A_294] : memref<10240x16xf32, #tpu.memory_space<vmem_shared>> -> memref<128x16xf32, #tpu.memory_space<vmem_shared>>
      tpu.enqueue_dma source(%dma_start3A_295 : memref<128x16xf32, #tpu.memory_space<vmem_shared>>) target(%dma_start3A_293 : memref<128x16xf32, #tpu.memory_space<vmem>>) target_semaphore(%run_scoped3A_283 : memref<!tpu.dma_semaphore, #tpu.memory_space<semaphore_mem>>)
      %dma_wait3A_296 = arith.constant 0 : i32
      %dma_wait3A_297 = arith.constant 0 : i32
      %dma_wait3A_298 = tpu.memref_slice %arg9[%run_scoped3A_222, %dma_wait3A_296, %dma_wait3A_297] : memref<4x128x16xf32, #tpu.memory_space<vmem>> -> memref<1x128x16xf32, #tpu.memory_space<vmem>>
      %dma_wait3A_299 = tpu.memref_squeeze %dma_wait3A_298 : memref<1x128x16xf32, #tpu.memory_space<vmem>> -> memref<128x16xf32, #tpu.memory_space<vmem>>
      %dma_wait3A_300 = arith.constant 0 : i32
      %dma_wait3A_301 = tpu.memref_slice %arg11[%add3A_221, %dma_wait3A_300] : memref<10240x16xf32, #tpu.memory_space<vmem_shared>> -> memref<128x16xf32, #tpu.memory_space<vmem_shared>>
      %dma_wait3A_302 = arith.constant 0 : i32
      %dma_wait3A_303 = arith.constant 0 : i32
      %dma_wait3A_304 = tpu.memref_slice %arg9[%run_scoped3A_222, %dma_wait3A_302, %dma_wait3A_303] : memref<4x128x16xf32, #tpu.memory_space<vmem>> -> memref<1x128x16xf32, #tpu.memory_space<vmem>>
      %dma_wait3A_305 = tpu.memref_squeeze %dma_wait3A_304 : memref<1x128x16xf32, #tpu.memory_space<vmem>> -> memref<128x16xf32, #tpu.memory_space<vmem>>
      %dma_wait3A_306 = arith.constant 0 : i32
      %dma_wait3A_307 = tpu.memref_slice %arg11[%add3A_221, %dma_wait3A_306] : memref<10240x16xf32, #tpu.memory_space<vmem_shared>> -> memref<128x16xf32, #tpu.memory_space<vmem_shared>>
      tpu.wait_dma2 semaphore(%run_scoped3A_283 : memref<!tpu.dma_semaphore, #tpu.memory_space<semaphore_mem>>) src(%dma_wait3A_307 : memref<128x16xf32, #tpu.memory_space<vmem_shared>>) dst(%dma_wait3A_305 : memref<128x16xf32, #tpu.memory_space<vmem>>)
      tpu.yield
    }) : () -> ()
    %mul3A_223 = arith.constant 10240 : i32
    %mul3A_224 = arith.muli %arg0, %mul3A_223 : i32
    %mul3A_225 = arith.constant 640 : i32
    %mul3A_226 = arith.muli %arg1, %mul3A_225 : i32
    %add3A_227 = arith.addi %mul3A_224, %mul3A_226 : i32
    %add3A_228 = arith.constant 512 : i32
    %add3A_229 = arith.addi %add3A_227, %add3A_228 : i32
    %dma_start3A_230 = arith.constant 0 : i32
    %dma_start3A_231 = arith.constant 0 : i32
    %dma_start3A_232 = arith.constant 0 : i32
    %dma_start3A_233 = tpu.memref_slice %arg9[%dma_start3A_230, %dma_start3A_231, %dma_start3A_232] : memref<4x128x16xf32, #tpu.memory_space<vmem>> -> memref<1x128x16xf32, #tpu.memory_space<vmem>>
    %dma_start3A_234 = tpu.memref_squeeze %dma_start3A_233 : memref<1x128x16xf32, #tpu.memory_space<vmem>> -> memref<128x16xf32, #tpu.memory_space<vmem>>
    %dma_start3A_235 = arith.constant 0 : i32
    %dma_start3A_236 = tpu.memref_slice %arg6[%add3A_229, %dma_start3A_235] : memref<20480x16xf32, #tpu.memory_space<hbm>> -> memref<128x16xf32, #tpu.memory_space<hbm>>
    %dma_start3A_237 = arith.constant 0 : i32
    %dma_start3A_238 = tpu.memref_slice %arg6[%add3A_229, %dma_start3A_237] : memref<20480x16xf32, #tpu.memory_space<hbm>> -> memref<128x16xf32, #tpu.memory_space<hbm>>
    %dma_start3A_239 = arith.constant 0 : i32
    %dma_start3A_240 = arith.constant 0 : i32
    %dma_start3A_241 = tpu.memref_slice %arg9[%dma_start3A_230, %dma_start3A_239, %dma_start3A_240] : memref<4x128x16xf32, #tpu.memory_space<vmem>> -> memref<1x128x16xf32, #tpu.memory_space<vmem>>
    %dma_start3A_242 = tpu.memref_squeeze %dma_start3A_241 : memref<1x128x16xf32, #tpu.memory_space<vmem>> -> memref<128x16xf32, #tpu.memory_space<vmem>>
    tpu.enqueue_dma source(%dma_start3A_242 : memref<128x16xf32, #tpu.memory_space<vmem>>) target(%dma_start3A_238 : memref<128x16xf32, #tpu.memory_space<hbm>>) target_semaphore(%arg12 : memref<!tpu.dma_semaphore, #tpu.memory_space<semaphore_mem>>)
    %mul3A_243 = arith.constant 10240 : i32
    %mul3A_244 = arith.muli %arg0, %mul3A_243 : i32
    %mul3A_245 = arith.constant 640 : i32
    %mul3A_246 = arith.muli %arg1, %mul3A_245 : i32
    %add3A_247 = arith.addi %mul3A_244, %mul3A_246 : i32
    %add3A_248 = arith.constant 384 : i32
    %add3A_249 = arith.addi %add3A_247, %add3A_248 : i32
    %dma_wait3A_250 = arith.constant 1 : i32
    %dma_wait3A_251 = arith.constant 0 : i32
    %dma_wait3A_252 = arith.constant 0 : i32
    %dma_wait3A_253 = tpu.memref_slice %arg9[%dma_wait3A_250, %dma_wait3A_251, %dma_wait3A_252] : memref<4x128x16xf32, #tpu.memory_space<vmem>> -> memref<1x128x16xf32, #tpu.memory_space<vmem>>
    %dma_wait3A_254 = tpu.memref_squeeze %dma_wait3A_253 : memref<1x128x16xf32, #tpu.memory_space<vmem>> -> memref<128x16xf32, #tpu.memory_space<vmem>>
    %dma_wait3A_255 = arith.constant 0 : i32
    %dma_wait3A_256 = tpu.memref_slice %arg6[%add3A_249, %dma_wait3A_255] : memref<20480x16xf32, #tpu.memory_space<hbm>> -> memref<128x16xf32, #tpu.memory_space<hbm>>
    %dma_wait3A_257 = arith.constant 0 : i32
    %dma_wait3A_258 = tpu.memref_slice %arg6[%add3A_249, %dma_wait3A_257] : memref<20480x16xf32, #tpu.memory_space<hbm>> -> memref<128x16xf32, #tpu.memory_space<hbm>>
    %dma_wait3A_259 = arith.constant 0 : i32
    %dma_wait3A_260 = arith.constant 0 : i32
    %dma_wait3A_261 = tpu.memref_slice %arg9[%dma_wait3A_250, %dma_wait3A_259, %dma_wait3A_260] : memref<4x128x16xf32, #tpu.memory_space<vmem>> -> memref<1x128x16xf32, #tpu.memory_space<vmem>>
    %dma_wait3A_262 = tpu.memref_squeeze %dma_wait3A_261 : memref<1x128x16xf32, #tpu.memory_space<vmem>> -> memref<128x16xf32, #tpu.memory_space<vmem>>
    tpu.wait_dma2 semaphore(%arg13 : memref<!tpu.dma_semaphore, #tpu.memory_space<semaphore_mem>>) src(%dma_wait3A_262 : memref<128x16xf32, #tpu.memory_space<vmem>>) dst(%dma_wait3A_258 : memref<128x16xf32, #tpu.memory_space<hbm>>)
    %mul3A_263 = arith.constant 10240 : i32
    %mul3A_264 = arith.muli %arg0, %mul3A_263 : i32
    %mul3A_265 = arith.constant 640 : i32
    %mul3A_266 = arith.muli %arg1, %mul3A_265 : i32
    %add3A_267 = arith.addi %mul3A_264, %mul3A_266 : i32
    %add3A_268 = arith.constant 512 : i32
    %add3A_269 = arith.addi %add3A_267, %add3A_268 : i32
    %dma_wait3A_270 = arith.constant 0 : i32
    %dma_wait3A_271 = arith.constant 0 : i32
    %dma_wait3A_272 = arith.constant 0 : i32
    %dma_wait3A_273 = tpu.memref_slice %arg9[%dma_wait3A_270, %dma_wait3A_271, %dma_wait3A_272] : memref<4x128x16xf32, #tpu.memory_space<vmem>> -> memref<1x128x16xf32, #tpu.memory_space<vmem>>
    %dma_wait3A_274 = tpu.memref_squeeze %dma_wait3A_273 : memref<1x128x16xf32, #tpu.memory_space<vmem>> -> memref<128x16xf32, #tpu.memory_space<vmem>>
    %dma_wait3A_275 = arith.constant 0 : i32
    %dma_wait3A_276 = tpu.memref_slice %arg6[%add3A_269, %dma_wait3A_275] : memref<20480x16xf32, #tpu.memory_space<hbm>> -> memref<128x16xf32, #tpu.memory_space<hbm>>
    %dma_wait3A_277 = arith.constant 0 : i32
    %dma_wait3A_278 = tpu.memref_slice %arg6[%add3A_269, %dma_wait3A_277] : memref<20480x16xf32, #tpu.memory_space<hbm>> -> memref<128x16xf32, #tpu.memory_space<hbm>>
    %dma_wait3A_279 = arith.constant 0 : i32
    %dma_wait3A_280 = arith.constant 0 : i32
    %dma_wait3A_281 = tpu.memref_slice %arg9[%dma_wait3A_270, %dma_wait3A_279, %dma_wait3A_280] : memref<4x128x16xf32, #tpu.memory_space<vmem>> -> memref<1x128x16xf32, #tpu.memory_space<vmem>>
    %dma_wait3A_282 = tpu.memref_squeeze %dma_wait3A_281 : memref<1x128x16xf32, #tpu.memory_space<vmem>> -> memref<128x16xf32, #tpu.memory_space<vmem>>
    tpu.wait_dma2 semaphore(%arg12 : memref<!tpu.dma_semaphore, #tpu.memory_space<semaphore_mem>>) src(%dma_wait3A_282 : memref<128x16xf32, #tpu.memory_space<vmem>>) dst(%dma_wait3A_278 : memref<128x16xf32, #tpu.memory_space<hbm>>)
    return
  }
}

module attributes {stable_mosaic.version = 14 : i64} {
  func.func @_tc0_body(%arg0: i32, %arg1: memref<1280x128xf32, #tpu.memory_space<vmem>>, %arg2: memref<128x128xf32, #tpu.memory_space<vmem>>, %arg3: memref<1280x128xf32, #tpu.memory_space<vmem>>) attributes {dimension_semantics = [#tpu.dimension_semantics<arbitrary>], iteration_bounds = array<i64: 8>, scalar_prefetch = 0 : i64, scratch_operands = 0 : i64, tpu.core_type = #tpu.core_type<tc>, window_params = [{transform_indices = @transform_0, window_bounds = array<i64: 1280, 128>}, {pipeline_mode = #tpu.pipeline_mode<synchronous>, transform_indices = @transform_1, window_bounds = array<i64: 128, 128>}, {transform_indices = @transform_2, window_bounds = array<i64: 1280, 128>}]} {
    %get3A = arith.constant 0 : index
    %get3A_0 = arith.constant 0 : index
    %get3A_1 = vector.load %arg1[%get3A, %get3A_0] : memref<1280x128xf32, #tpu.memory_space<vmem>>, vector<1280x128xf32>
    %get3A_2 = arith.constant 0 : index
    %get3A_3 = arith.constant 0 : index
    %get3A_4 = vector.load %arg2[%get3A_2, %get3A_3] : memref<128x128xf32, #tpu.memory_space<vmem>>, vector<128x128xf32>
    %dot_general3A = arith.constant dense<0.000000e+00> : vector<1280x128xf32>
    %dot_general3A_5 = tpu.matmul %get3A_1, %get3A_4, %dot_general3A {dimension_numbers = #tpu.dot_dimension_numbers<[1], [0], [0], [1], [0, 0, 1, 1], [], []>, transpose_lhs_hint = false} : vector<1280x128xf32>, vector<128x128xf32>, vector<1280x128xf32> -> vector<1280x128xf32>
    %swap3A = arith.constant 0 : index
    %swap3A_6 = arith.constant 0 : index
    %swap3A_7 = vector.load %arg3[%swap3A, %swap3A_6] : memref<1280x128xf32, #tpu.memory_space<vmem>>, vector<1280x128xf32>
    tpu.vector_store %arg3[%swap3A, %swap3A_6], %dot_general3A_5 {strides = array<i32>} : memref<1280x128xf32, #tpu.memory_space<vmem>>, vector<1280x128xf32>,
    return
  }
  func.func @transform_0(%arg0: i32) -> (i32, i32) {
    %c0_i32 = arith.constant 0 : i32
    %c0_i32_0 = arith.constant 0 : i32
    return %arg0, %c0_i32 : i32, i32
  }
  func.func @transform_1(%arg0: i32) -> (i32, i32) {
    %c0_i32 = arith.constant 0 : i32
    %c0_i32_0 = arith.constant 0 : i32
    %c0_i32_1 = arith.constant 0 : i32
    return %c0_i32, %c0_i32_0 : i32, i32
  }
  func.func @transform_2(%arg0: i32) -> (i32, i32) {
    %c0_i32 = arith.constant 0 : i32
    %c0_i32_0 = arith.constant 0 : i32
    return %arg0, %c0_i32 : i32, i32
  }
}

module attributes {stable_mosaic.version = 14 : i64} {
  func.func @_tc1_body(%arg0: i32, %arg1: memref<1280x16xf32, #tpu.memory_space<vmem>>, %arg2: memref<1280x16xf32, #tpu.memory_space<vmem>>, %arg3: memref<1280x128xf32, #tpu.memory_space<vmem>>, %arg4: memref<1280x64xf32, #tpu.memory_space<vmem>>, %arg5: memref<1280x64xf32, #tpu.memory_space<vmem>>, %arg6: memref<1280x16xf32, #tpu.memory_space<vmem>>) attributes {dimension_semantics = [#tpu.dimension_semantics<arbitrary>], iteration_bounds = array<i64: 8>, scalar_prefetch = 0 : i64, scratch_operands = 0 : i64, tpu.core_type = #tpu.core_type<tc>, window_params = [{transform_indices = @transform_0, window_bounds = array<i64: 1280, 16>}, {transform_indices = @transform_1, window_bounds = array<i64: 1280, 16>}, {transform_indices = @transform_2, window_bounds = array<i64: 1280, 128>}, {transform_indices = @transform_3, window_bounds = array<i64: 1280, 64>}, {transform_indices = @transform_4, window_bounds = array<i64: 1280, 64>}, {transform_indices = @transform_5, window_bounds = array<i64: 1280, 16>}]} {
    %get3A = arith.constant 0 : index
    %get3A_0 = arith.constant 0 : index
    %get3A_1 = vector.load %arg1[%get3A, %get3A_0] : memref<1280x16xf32, #tpu.memory_space<vmem>>, vector<1280x1xf32>
    %get3A_2 = arith.constant 0 : index
    %get3A_3 = arith.constant 0 : index
    %get3A_4 = vector.load %arg2[%get3A_2, %get3A_3] : memref<1280x16xf32, #tpu.memory_space<vmem>>, vector<1280x1xf32>
    %add3A = arith.addf %get3A_1, %get3A_4 : vector<1280x1xf32>
    %gt3A = arith.constant 0.000000e+00 : f32
    %gt3A_5 = vector.broadcast %gt3A : f32 to vector<1280x1xf32>
    %gt3A_6 = arith.cmpf ogt, %add3A, %gt3A_5 : vector<1280x1xf32>
    %rsqrt3A = math.rsqrt %add3A : vector<1280x1xf32>
    %jit3A = arith.constant 0.000000e+00 : f32
    %broadcast_in_dim3A = vector.broadcast %jit3A : f32 to vector<1280x1xf32>
    %select_n3A = arith.select %gt3A_6, %rsqrt3A, %broadcast_in_dim3A : vector<1280x1xi1>, vector<1280x1xf32>
    %get3A_7 = arith.constant 0 : index
    %get3A_8 = arith.constant 0 : index
    %get3A_9 = vector.load %arg3[%get3A_7, %get3A_8] : memref<1280x128xf32, #tpu.memory_space<vmem>>, vector<1280x128xf32>
    %mul3A = vector.broadcast %select_n3A : vector<1280x1xf32> to vector<1280x128xf32>
    %mul3A_10 = arith.mulf %mul3A, %get3A_9 : vector<1280x128xf32>
    %slice3A = vector.extract_strided_slice %mul3A_10 {offsets = [0, 0], sizes = [1280, 64], strides = [1, 1]} : vector<1280x128xf32> to vector<1280x64xf32>
    %swap3A = arith.constant 0 : index
    %swap3A_11 = arith.constant 0 : index
    %swap3A_12 = vector.load %arg4[%swap3A, %swap3A_11] : memref<1280x64xf32, #tpu.memory_space<vmem>>, vector<1280x64xf32>
    tpu.vector_store %arg4[%swap3A, %swap3A_11], %slice3A {strides = array<i32>} : memref<1280x64xf32, #tpu.memory_space<vmem>>, vector<1280x64xf32>,
    %slice3A_13 = vector.extract_strided_slice %mul3A_10 {offsets = [0, 64], sizes = [1280, 64], strides = [1, 1]} : vector<1280x128xf32> to vector<1280x64xf32>
    %swap3A_14 = arith.constant 0 : index
    %swap3A_15 = arith.constant 0 : index
    %swap3A_16 = vector.load %arg5[%swap3A_14, %swap3A_15] : memref<1280x64xf32, #tpu.memory_space<vmem>>, vector<1280x64xf32>
    tpu.vector_store %arg5[%swap3A_14, %swap3A_15], %slice3A_13 {strides = array<i32>} : memref<1280x64xf32, #tpu.memory_space<vmem>>, vector<1280x64xf32>,
    %broadcast_in_dim3A_17 = vector.shape_cast %select_n3A : vector<1280x1xf32> to vector<1280x1xf32>
    %broadcast_in_dim3A_18 = vector.broadcast %broadcast_in_dim3A_17 : vector<1280x1xf32> to vector<1280x16xf32>
    %swap3A_19 = arith.constant 0 : index
    %swap3A_20 = arith.constant 0 : index
    %swap3A_21 = vector.load %arg6[%swap3A_19, %swap3A_20] : memref<1280x16xf32, #tpu.memory_space<vmem>>, vector<1280x16xf32>
    tpu.vector_store %arg6[%swap3A_19, %swap3A_20], %broadcast_in_dim3A_18 {strides = array<i32>} : memref<1280x16xf32, #tpu.memory_space<vmem>>, vector<1280x16xf32>,
    return
  }
  func.func @transform_0(%arg0: i32) -> (i32, i32) {
    %c0_i32 = arith.constant 0 : i32
    %c0_i32_0 = arith.constant 0 : i32
    return %arg0, %c0_i32 : i32, i32
  }
  func.func @transform_1(%arg0: i32) -> (i32, i32) {
    %c0_i32 = arith.constant 0 : i32
    %c0_i32_0 = arith.constant 0 : i32
    return %arg0, %c0_i32 : i32, i32
  }
  func.func @transform_2(%arg0: i32) -> (i32, i32) {
    %c0_i32 = arith.constant 0 : i32
    %c0_i32_0 = arith.constant 0 : i32
    return %arg0, %c0_i32 : i32, i32
  }
  func.func @transform_3(%arg0: i32) -> (i32, i32) {
    %c0_i32 = arith.constant 0 : i32
    %c0_i32_0 = arith.constant 0 : i32
    return %arg0, %c0_i32 : i32, i32
  }
  func.func @transform_4(%arg0: i32) -> (i32, i32) {
    %c0_i32 = arith.constant 0 : i32
    %c0_i32_0 = arith.constant 0 : i32
    return %arg0, %c0_i32 : i32, i32
  }
  func.func @transform_5(%arg0: i32) -> (i32, i32) {
    %c0_i32 = arith.constant 0 : i32
    %c0_i32_0 = arith.constant 0 : i32
    return %arg0, %c0_i32 : i32, i32
  }
}

module attributes {stable_mosaic.version = 14 : i64} {
  func.func @_tc2_body(%arg0: i32, %arg1: memref<1280x64xf32, #tpu.memory_space<vmem>>, %arg2: memref<1280x64xf32, #tpu.memory_space<vmem>>, %arg3: memref<1280x64xf32, #tpu.memory_space<vmem>>, %arg4: memref<1280x64xf32, #tpu.memory_space<vmem>>, %arg5: memref<1280x16xf32, #tpu.memory_space<vmem>>, %arg6: memref<128x16xf32, #tpu.memory_space<vmem>>, %arg7: memref<1x128xf32, #tpu.memory_space<vmem>>, %arg8: memref<1280x16xf32, #tpu.memory_space<vmem>>) attributes {dimension_semantics = [#tpu.dimension_semantics<arbitrary>], iteration_bounds = array<i64: 8>, scalar_prefetch = 0 : i64, scratch_operands = 0 : i64, tpu.core_type = #tpu.core_type<tc>, window_params = [{transform_indices = @transform_0, window_bounds = array<i64: 1280, 64>}, {transform_indices = @transform_1, window_bounds = array<i64: 1280, 64>}, {transform_indices = @transform_2, window_bounds = array<i64: 1280, 64>}, {transform_indices = @transform_3, window_bounds = array<i64: 1280, 64>}, {transform_indices = @transform_4, window_bounds = array<i64: 1280, 16>}, {pipeline_mode = #tpu.pipeline_mode<synchronous>, transform_indices = @transform_5, window_bounds = array<i64: 128, 16>}, {pipeline_mode = #tpu.pipeline_mode<synchronous>, transform_indices = @transform_6, window_bounds = array<i64: 1, 128>}, {transform_indices = @transform_7, window_bounds = array<i64: 1280, 16>}]} {
    %get3A = arith.constant 0 : index
    %get3A_0 = arith.constant 0 : index
    %get3A_1 = vector.load %arg1[%get3A, %get3A_0] : memref<1280x64xf32, #tpu.memory_space<vmem>>, vector<1280x64xf32>
    %get3A_2 = arith.constant 0 : index
    %get3A_3 = arith.constant 0 : index
    %get3A_4 = vector.load %arg3[%get3A_2, %get3A_3] : memref<1280x64xf32, #tpu.memory_space<vmem>>, vector<1280x64xf32>
    %add3A = arith.addf %get3A_1, %get3A_4 : vector<1280x64xf32>
    %get3A_5 = arith.constant 0 : index
    %get3A_6 = arith.constant 0 : index
    %get3A_7 = vector.load %arg2[%get3A_5, %get3A_6] : memref<1280x64xf32, #tpu.memory_space<vmem>>, vector<1280x64xf32>
    %get3A_8 = arith.constant 0 : index
    %get3A_9 = arith.constant 0 : index
    %get3A_10 = vector.load %arg4[%get3A_8, %get3A_9] : memref<1280x64xf32, #tpu.memory_space<vmem>>, vector<1280x64xf32>
    %add3A_11 = arith.addf %get3A_7, %get3A_10 : vector<1280x64xf32>
    %concatenate3A = tpu.concatenate %add3A, %add3A_11 in 1 : vector<1280x64xf32>, vector<1280x64xf32> -> vector<1280x128xf32>
    %get3A_12 = arith.constant 0 : index
    %get3A_13 = arith.constant 0 : index
    %get3A_14 = vector.load %arg5[%get3A_12, %get3A_13] : memref<1280x16xf32, #tpu.memory_space<vmem>>, vector<1280x1xf32>
    %mul3A = vector.broadcast %get3A_14 : vector<1280x1xf32> to vector<1280x128xf32>
    %mul3A_15 = arith.mulf %mul3A, %concatenate3A : vector<1280x128xf32>
    %get3A_16 = arith.constant 0 : index
    %get3A_17 = arith.constant 0 : index
    %get3A_18 = vector.load %arg7[%get3A_16, %get3A_17] : memref<1x128xf32, #tpu.memory_space<vmem>>, vector<1x128xf32>
    %add3A_19 = vector.broadcast %get3A_18 : vector<1x128xf32> to vector<1280x128xf32>
    %add3A_20 = arith.addf %mul3A_15, %add3A_19 : vector<1280x128xf32>
    %max3A = arith.constant 0.000000e+00 : f32
    %max3A_21 = vector.broadcast %max3A : f32 to vector<1280x128xf32>
    %max3A_22 = arith.maximumf %add3A_20, %max3A_21 : vector<1280x128xf32>
    %get3A_23 = arith.constant 0 : index
    %get3A_24 = arith.constant 0 : index
    %get3A_25 = vector.load %arg6[%get3A_23, %get3A_24] : memref<128x16xf32, #tpu.memory_space<vmem>>, vector<128x16xf32>
    %dot_general3A = arith.constant dense<0.000000e+00> : vector<1280x16xf32>
    %dot_general3A_26 = tpu.matmul %max3A_22, %get3A_25, %dot_general3A {dimension_numbers = #tpu.dot_dimension_numbers<[1], [0], [0], [1], [0, 0, 1, 1], [], []>, transpose_lhs_hint = false} : vector<1280x128xf32>, vector<128x16xf32>, vector<1280x16xf32> -> vector<1280x16xf32>
    %mul3A_27 = vector.broadcast %get3A_14 : vector<1280x1xf32> to vector<1280x16xf32>
    %mul3A_28 = arith.mulf %mul3A_27, %dot_general3A_26 : vector<1280x16xf32>
    %swap3A = arith.constant 0 : index
    %swap3A_29 = arith.constant 0 : index
    %swap3A_30 = vector.load %arg8[%swap3A, %swap3A_29] : memref<1280x16xf32, #tpu.memory_space<vmem>>, vector<1280x16xf32>
    tpu.vector_store %arg8[%swap3A, %swap3A_29], %mul3A_28 {strides = array<i32>} : memref<1280x16xf32, #tpu.memory_space<vmem>>, vector<1280x16xf32>,
    return
  }
  func.func @transform_0(%arg0: i32) -> (i32, i32) {
    %c0_i32 = arith.constant 0 : i32
    %c0_i32_0 = arith.constant 0 : i32
    return %arg0, %c0_i32 : i32, i32
  }
  func.func @transform_1(%arg0: i32) -> (i32, i32) {
    %c0_i32 = arith.constant 0 : i32
    %c0_i32_0 = arith.constant 0 : i32
    return %arg0, %c0_i32 : i32, i32
  }
  func.func @transform_2(%arg0: i32) -> (i32, i32) {
    %c0_i32 = arith.constant 0 : i32
    %c0_i32_0 = arith.constant 0 : i32
    return %arg0, %c0_i32 : i32, i32
  }
  func.func @transform_3(%arg0: i32) -> (i32, i32) {
    %c0_i32 = arith.constant 0 : i32
    %c0_i32_0 = arith.constant 0 : i32
    return %arg0, %c0_i32 : i32, i32
  }
  func.func @transform_4(%arg0: i32) -> (i32, i32) {
    %c0_i32 = arith.constant 0 : i32
    %c0_i32_0 = arith.constant 0 : i32
    return %arg0, %c0_i32 : i32, i32
  }
  func.func @transform_5(%arg0: i32) -> (i32, i32) {
    %c0_i32 = arith.constant 0 : i32
    %c0_i32_0 = arith.constant 0 : i32
    %c0_i32_1 = arith.constant 0 : i32
    return %c0_i32, %c0_i32_0 : i32, i32
  }
  func.func @transform_6(%arg0: i32) -> (i32, i32) {
    %c0_i32 = arith.constant 0 : i32
    %c0_i32_0 = arith.constant 0 : i32
    %c0_i32_1 = arith.constant 0 : i32
    return %c0_i32, %c0_i32_0 : i32, i32
  }
  func.func @transform_7(%arg0: i32) -> (i32, i32) {
    %c0_i32 = arith.constant 0 : i32
    %c0_i32_0 = arith.constant 0 : i32
    return %arg0, %c0_i32 : i32, i32
  }
}

module attributes {stable_mosaic.version = 14 : i64} {
  func.func @_tc3_body(%arg0: i32, %arg1: memref<1280x16xf32, #tpu.memory_space<vmem>>, %arg2: memref<1280x16xf32, #tpu.memory_space<vmem>>, %arg3: memref<1280x16xf32, #tpu.memory_space<vmem>>, %arg4: memref<1280x16xf32, #tpu.memory_space<vmem>>, %arg5: memref<1x16xf32, #tpu.memory_space<vmem>>, %arg6: memref<1280x16xf32, #tpu.memory_space<vmem>>) attributes {dimension_semantics = [#tpu.dimension_semantics<arbitrary>], iteration_bounds = array<i64: 8>, scalar_prefetch = 0 : i64, scratch_operands = 0 : i64, tpu.core_type = #tpu.core_type<tc>, window_params = [{transform_indices = @transform_0, window_bounds = array<i64: 1280, 16>}, {transform_indices = @transform_1, window_bounds = array<i64: 1280, 16>}, {transform_indices = @transform_2, window_bounds = array<i64: 1280, 16>}, {transform_indices = @transform_3, window_bounds = array<i64: 1280, 16>}, {pipeline_mode = #tpu.pipeline_mode<synchronous>, transform_indices = @transform_4, window_bounds = array<i64: 1, 16>}, {transform_indices = @transform_5, window_bounds = array<i64: 1280, 16>}]} {
    %get3A = arith.constant 0 : index
    %get3A_0 = arith.constant 0 : index
    %get3A_1 = vector.load %arg4[%get3A, %get3A_0] : memref<1280x16xf32, #tpu.memory_space<vmem>>, vector<1280x1xf32>
    %get3A_2 = arith.constant 0 : index
    %get3A_3 = arith.constant 0 : index
    %get3A_4 = vector.load %arg1[%get3A_2, %get3A_3] : memref<1280x16xf32, #tpu.memory_space<vmem>>, vector<1280x16xf32>
    %get3A_5 = arith.constant 0 : index
    %get3A_6 = arith.constant 0 : index
    %get3A_7 = vector.load %arg2[%get3A_5, %get3A_6] : memref<1280x16xf32, #tpu.memory_space<vmem>>, vector<1280x16xf32>
    %add3A = arith.addf %get3A_4, %get3A_7 : vector<1280x16xf32>
    %get3A_8 = arith.constant 0 : index
    %get3A_9 = arith.constant 0 : index
    %get3A_10 = vector.load %arg3[%get3A_8, %get3A_9] : memref<1280x16xf32, #tpu.memory_space<vmem>>, vector<1280x16xf32>
    %add3A_11 = arith.addf %add3A, %get3A_10 : vector<1280x16xf32>
    %mul3A = vector.broadcast %get3A_1 : vector<1280x1xf32> to vector<1280x16xf32>
    %mul3A_12 = arith.mulf %mul3A, %add3A_11 : vector<1280x16xf32>
    %get3A_13 = arith.constant 0 : index
    %get3A_14 = arith.constant 0 : index
    %get3A_15 = vector.load %arg5[%get3A_13, %get3A_14] : memref<1x16xf32, #tpu.memory_space<vmem>>, vector<1x16xf32>
    %add3A_16 = vector.broadcast %get3A_15 : vector<1x16xf32> to vector<1280x16xf32>
    %add3A_17 = arith.addf %mul3A_12, %add3A_16 : vector<1280x16xf32>
    %slice3A = vector.extract_strided_slice %add3A_17 {offsets = [0, 0], sizes = [1280, 1], strides = [1, 1]} : vector<1280x16xf32> to vector<1280x1xf32>
    %slice3A_18 = vector.extract_strided_slice %add3A_17 {offsets = [0, 1], sizes = [1280, 1], strides = [1, 1]} : vector<1280x16xf32> to vector<1280x1xf32>
    %max3A = arith.maximumf %slice3A, %slice3A_18 : vector<1280x1xf32>
    %sub3A = arith.subf %slice3A, %max3A : vector<1280x1xf32>
    %exp3A = math.exp %sub3A : vector<1280x1xf32>
    %sub3A_19 = arith.subf %slice3A_18, %max3A : vector<1280x1xf32>
    %exp3A_20 = math.exp %sub3A_19 : vector<1280x1xf32>
    %add3A_21 = arith.addf %exp3A, %exp3A_20 : vector<1280x1xf32>
    %div3A = arith.divf %exp3A, %add3A_21 : vector<1280x1xf32>
    %div3A_22 = arith.divf %exp3A_20, %add3A_21 : vector<1280x1xf32>
    %broadcast_in_dim3A = arith.constant 0.000000e+00 : f32
    %broadcast_in_dim3A_23 = vector.broadcast %broadcast_in_dim3A : f32 to vector<1280x14xf32>
    %concatenate3A = tpu.concatenate %div3A, %div3A_22, %broadcast_in_dim3A_23 in 1 : vector<1280x1xf32>, vector<1280x1xf32>, vector<1280x14xf32> -> vector<1280x16xf32>
    %swap3A = arith.constant 0 : index
    %swap3A_24 = arith.constant 0 : index
    %swap3A_25 = vector.load %arg6[%swap3A, %swap3A_24] : memref<1280x16xf32, #tpu.memory_space<vmem>>, vector<1280x16xf32>
    tpu.vector_store %arg6[%swap3A, %swap3A_24], %concatenate3A {strides = array<i32>} : memref<1280x16xf32, #tpu.memory_space<vmem>>, vector<1280x16xf32>,
    return
  }
  func.func @transform_0(%arg0: i32) -> (i32, i32) {
    %c0_i32 = arith.constant 0 : i32
    %c0_i32_0 = arith.constant 0 : i32
    return %arg0, %c0_i32 : i32, i32
  }
  func.func @transform_1(%arg0: i32) -> (i32, i32) {
    %c0_i32 = arith.constant 0 : i32
    %c0_i32_0 = arith.constant 0 : i32
    return %arg0, %c0_i32 : i32, i32
  }
  func.func @transform_2(%arg0: i32) -> (i32, i32) {
    %c0_i32 = arith.constant 0 : i32
    %c0_i32_0 = arith.constant 0 : i32
    return %arg0, %c0_i32 : i32, i32
  }
  func.func @transform_3(%arg0: i32) -> (i32, i32) {
    %c0_i32 = arith.constant 0 : i32
    %c0_i32_0 = arith.constant 0 : i32
    return %arg0, %c0_i32 : i32, i32
  }
  func.func @transform_4(%arg0: i32) -> (i32, i32) {
    %c0_i32 = arith.constant 0 : i32
    %c0_i32_0 = arith.constant 0 : i32
    %c0_i32_1 = arith.constant 0 : i32
    return %c0_i32, %c0_i32_0 : i32, i32
  }
  func.func @transform_5(%arg0: i32) -> (i32, i32) {
    %c0_i32 = arith.constant 0 : i32
    %c0_i32_0 = arith.constant 0 : i32
    return %arg0, %c0_i32 : i32, i32
  }
}

</mosaic_0001>

<sc_bundles>
// kernel: kernel.12.cloned.1.call-start
scs
__scs_entry_jumppad:
0x0: {  	(pc) =	sbr.rel $0x88, $3  }
0x1: {  	(tag) =	ssettag $0x0;
	lr =	simm.s32 $0x1  }
0x2: {  	[smem:$0x3F9B] =	sst lr;
	_ =	strace $0xD0000000  }
0x3: {  	_ = 	snop  }
0x4: {  	_ = 	snop  }
0x5: {  	_ = 	snop  }
0x6: {  	_ = 	snop  }
0x7: {  	_ = 	snop  }
__scs_overlays_trampoline_lowered:
0x8: {  	[smem:$0x3FAA] =	sst s0  }
0x9: {  	[smem:$0x3FAB] =	sst s1  }
0xa: {  	[smem:$0x3FAC] =	sst s2  }
0xb: {  	[smem:$0x3FAD] =	sst s3  }
0xc: {  	[smem:$0x3FAE] =	sst s4  }
0xd: {  	[smem:$0x3FAF] =	sst s5  }
0xe: {  	[smem:$0x3FB0] =	sst s6  }
0xf: {  	[smem:$0x3FB1] =	sst s7  }
0x10: {  	[smem:$0x3FB2] =	sst s8  }
0x11: {  	[smem:$0x3FB3] =	sst s9;
	s0 =	simm.s32 @!p0 $0x0  }
0x12: {  	s1 =	sld [smem:$0x3F99];
	s0 =	simm.s32 @p0 $0x1  }
0x13: {  	[smem:$0x3FB4] =	sst s0;
	s0 =	simm.s32 @!p1 $0x0  }
0x14: {  	s2 =	sld [smem:$0x3F98];
	s0 =	simm.s32 @p1 $0x1  }
0x15: {  	[smem:$0x3FB5] =	sst s0;
	s0 =	simm.s32 @!p2 $0x0  }
0x16: {  	s3 =	sld [smem:$0x3FDB];
	s0 =	simm.s32 @p2 $0x1  }
0x17: {  	s4 =	simm.s32 $0x1BF5;
	[smem:$0x3FB7] =	sst s0  }
0x18: {  	s0 =	sld [smem:$0x3F9A];
	_ =	swait.ge [sflag:s4], $0x0  }
0x19: {  	s7 =	sld [smem:$0x3F9B]  }
0x1a: {  	s8 =	sadd.s32 $0xFFFFE003, lr  }
0x1b: {  	s9 =	sadd.s32 $0xFFFFFEF7, lr;
	s5 =	simm.s32 $0xFFFFFFFF;
	p2 =	slt.u32 s8, $0xFFFFF086  }
0x1c: {  	p1 =	slt.u32 s9, $0xF7A;
	s5 =	simm.s32 @!p2 $0x0  }
0x1d: {  	s5 =	simm.s32 @p1 $0x1;
	p0 =	seq.s32 s7, s2  }
0x1e: {  	s7 =	smul.u32 @!p0 $0xF7A, s2;
	p2 =	seq.s32 @!p0 s5, $0x0  }
0x1f: {  	s9 =	smul.u32 $0xF7A, s1;
	s8 =	simm.s32 @!p0 $0x1BF5;
	p2 =	por !p2, p0  }
0x20: {  	[sflag:s8] =	ssyncset.s32 @!p0 $0xFFFFF086;
	s6 =	sadd.s32 @!p0 s3, s7;
	s7 =	simm.s32 @!p0 $0x108  }
0x21: {  	s3 =	sadd.s32 s3, s9;
	s6 =	sadd.s32 @!p0 $0x88, s6;
	s7 =	simm.s32 @p2 $0x1082  }
0x22: {  	[simem:s7], [sflag:s8] =	dma.local @!p0 [hbm:s6], $0xF7A  }
0x23: {  	s9 =	sor.u32 $0xD0000000, s2;
	s6 =	simm.s32 $0x108;
	_ =	swait.ge @!p0 [sflag:s8], $0x0  }
0x24: {  	s3 =	sadd.s32 $0x88, s3;
	s6 =	simm.s32 @!p1 $0x1082;
	[sflag:s4] =	ssyncset.s32 $0xFFFFF086  }
0x25: {  	[simem:s6], [sflag:s4] =	dma.local [hbm:s3], $0xF7A  }
0x26: {  	[smem:$0x3F9B] =	sst s1;
	(tag) =	ssettag s2;
	_ =	strace s9  }
0x27: {  	s1 =	sld [smem:$0x3FAB]  }
0x28: {  	s2 =	sld [smem:$0x3FAC]  }
0x29: {  	s4 =	sld [smem:$0x3FAE]  }
0x2a: {  	p0 =	seq.s32 s5, $0x0;
	s5 =	sld [smem:$0x3FAF]  }
0x2b: {  	s6 =	sld [smem:$0x3FB0]  }
0x2c: {  	s7 =	sld [smem:$0x3FB1]  }
0x2d: {  	s3 =	simm.s32 $0x108;
	s8 =	sld [smem:$0x3FB2]  }
0x2e: {  	s3 =	simm.s32 @!p0 $0x1082;
	s9 =	sld [smem:$0x3FB3]  }
0x2f: {  	lr =	sadd.s32 s0, s3;
	s0 =	sld [smem:$0x3FAA]  }
0x30: {  	s3 =	sld [smem:$0x3FAD]  }
0x31: {  	[smem:$0x3FB6] =	sst s10  }
0x32: {  	s10 =	sld [smem:$0x3FB4];
	_ =	sdelay $0x3  }
0x33: {  	p0 =	seq.s32 s10, $0x1;
	s10 =	sld [smem:$0x3FB6];
	_ =	sdelay $0x3  }
0x34: {  	[smem:$0x3FB6] =	sst s10  }
0x35: {  	s10 =	sld [smem:$0x3FB5];
	_ =	sdelay $0x3  }
0x36: {  	p1 =	seq.s32 s10, $0x1;
	s10 =	sld [smem:$0x3FB6];
	_ =	sdelay $0x3  }
0x37: {  	[smem:$0x3FB6] =	sst s10  }
0x38: {  	s10 =	sld [smem:$0x3FB7]  }
0x39: {  	_ = 	snop;
	(pc) =	sbr.ind lr, $3  }
0x3a: {  	_ = 	snop  }
0x3b: {  	_ = 	snop  }
0x3c: {  	p2 =	seq.s32 s10, $0x1;
	s10 =	sld [smem:$0x3FB6]  }
0x3d: {  	_ =	shalt  }
0x3e: {  	_ =	shalt  }
0x3f: {  	_ =	shalt  }
0x40: {  	_ =	shalt  }
0x41: {  	_ =	shalt  }
0x42: {  	_ =	shalt  }
0x43: {  	_ =	shalt  }
0x44: {  	_ =	shalt  }
0x45: {  	_ =	shalt  }
0x46: {  	_ =	shalt  }
0x47: {  	_ =	shalt  }
0x48: {  	_ =	shalt  }
0x49: {  	_ =	shalt  }
0x4a: {  	_ =	shalt  }
0x4b: {  	_ =	shalt  }
0x4c: {  	_ =	shalt  }
0x4d: {  	_ =	shalt  }
0x4e: {  	_ =	shalt  }
0x4f: {  	_ =	shalt  }
0x50: {  	_ =	shalt  }
0x51: {  	_ =	shalt  }
0x52: {  	_ =	shalt  }
0x53: {  	_ =	shalt  }
0x54: {  	_ =	shalt  }
0x55: {  	_ =	shalt  }
0x56: {  	_ =	shalt  }
0x57: {  	_ =	shalt  }
0x58: {  	_ =	shalt  }
0x59: {  	_ =	shalt  }
0x5a: {  	_ =	shalt  }
0x5b: {  	_ =	shalt  }
0x5c: {  	_ =	shalt  }
0x5d: {  	_ =	shalt  }
0x5e: {  	_ =	shalt  }
0x5f: {  	_ =	shalt  }
0x60: {  	_ =	shalt  }
0x61: {  	_ =	shalt  }
0x62: {  	_ =	shalt  }
0x63: {  	_ =	shalt  }
0x64: {  	_ =	shalt  }
0x65: {  	_ =	shalt  }
0x66: {  	_ =	shalt  }
0x67: {  	_ =	shalt  }
0x68: {  	_ =	shalt  }
0x69: {  	_ =	shalt  }
0x6a: {  	_ =	shalt  }
0x6b: {  	_ =	shalt  }
0x6c: {  	_ =	shalt  }
0x6d: {  	_ =	shalt  }
0x6e: {  	_ =	shalt  }
0x6f: {  	_ =	shalt  }
0x70: {  	_ =	shalt  }
0x71: {  	_ =	shalt  }
0x72: {  	_ =	shalt  }
0x73: {  	_ =	shalt  }
0x74: {  	_ =	shalt  }
0x75: {  	_ =	shalt  }
0x76: {  	_ =	shalt  }
0x77: {  	_ =	shalt  }
0x78: {  	_ =	shalt  }
0x79: {  	_ =	shalt  }
0x7a: {  	_ =	shalt  }
0x7b: {  	_ =	shalt  }
0x7c: {  	_ =	shalt  }
0x7d: {  	_ =	shalt  }
0x7e: {  	_ =	shalt  }
0x7f: {  	_ =	shalt  }
0x80: {  	_ =	shalt  }
0x81: {  	_ =	shalt  }
0x82: {  	_ =	shalt  }
0x83: {  	_ =	shalt  }
0x84: {  	_ =	shalt  }
0x85: {  	_ =	shalt  }
0x86: {  	_ =	shalt  }
0x87: {  	_ =	shalt  }
.Lfunc_end0:
.L_simem_size_0:
called_computation.1_lowered:
.L_overlay_start_0:
0x88: {  	s2 =	sld [smem:$0x3FD9]  }
0x89: {  	s3 =	sld [smem:$0x3FFE];
	_ =	sdelay $0x1  }
0x8a: {  	s1 =	srdreg.scid  }
0x8b: {  	s0 =	sand.u32 $0x1, s1  }
0x8c: {  	s16 =	sshll.u32 s0, $0xA;
	s2 =	sadd.s32 s3, s2  }
0x8d: {  	s2 =	sadd.s32 s2, s16  }
0x8e: {  	[smem:$0x3FC2] =	sst s2  }
0x8f: {  	_ = 	snop  }
0x90: {  	(tm) =	ssettm $0x1  }
0x91: {  	s17 =	sld [smem:$0x3FFB];
	_ =	sdelay $0x3  }
0x92: {  	_ =	strace s17  }
0x93: {  	s2 =	sld [smem:$0x3FFC];
	_ =	sdelay $0x3  }
0x94: {  	_ =	strace s2  }
0x95: {  	s2 =	sld [smem:$0x3FFD];
	_ =	sdelay $0x3  }
0x96: {  	_ =	strace s2  }
0x97: {  	_ =	strace $0x8FFFFFFF  }
0x98: {  	s18 =	sld [smem:$0x3FDB];
	_ =	sdelay $0x1  }
0x99: {  	s19 =	simm.s32 $_scs_section_size  }
0x9a: {  	s4 =	simm.s32 $_size__tile_overlayer_lowered;
	s5 =	simm.s32 $_tile_overlayer_lowered  }
0x9b: {  	s22 =	simm.s32 $0x1BFF;
	s21 =	sshll.u32 s5, $0x1;
	s2 =	sadd.s32 s19, s18  }
0x9c: {  	s6 =	simm.s32 $0x0;
	s20 =	sshll.u32 s4, $0x1;
	s4 =	sadd.s32 s21, s2  }
0x9d: {  	[timem:s6], [sflag:s22] =	dma.local [hbm:s4], s20  }
0x9e: {  	_ =	swait.ge [sflag:s22], s20  }
0x9f: {  	s3 =	ssub.s32 $0x0, s20;
	[sflag:s22] =	ssyncset.done $0x0  }
0xa0: {  	[sflag:s22] =	ssyncadd.s32 s3;
	_ =	sdelay $0x1  }
0xa1: {  	s23 =	simm.s32 $0x1B8B  }
0xa2: {  	_ =	swait.ge [sflag:s23], $0x1  }
0xa3: {  	[sflag:s23] =	ssyncset.done $0x0  }
0xa4: {  	s25 =	simm.s32 $0x1B8E;
	s24 =	sld [smem:$0x3FFE];
	[sflag:s23] =	ssyncadd.s32 $0xFFFFFFFF  }
0xa5: {  	s26 =	simm.s32 $execute0_lowered;
	[smem:$0x3FD2] =	sst s25  }
0xa6: {  	s4 =	sshll.u32 s26, $0x1;
	_ =	strace $0x80000049;
	[dreg:$0x1] =	wrdreg $0xFFFFFFFF  }
0xa7: {  	s28 =	simm.s32 $_size_execute0_lowered;
	s2 =	sadd.s32 s2, s4;
	[dreg:$0x0] =	wrdreg $0x0  }
0xa8: {  	s4 =	sshll.u32 s28, $0x1;
	[dreg:$0x2] =	wrdreg s2  }
0xa9: {  	[dreg:$0x3] =	wrdreg s4  }
0xaa: {  	[dreg:$0x4] =	wrdreg $0xC0  }
0xab: {  	_ =	task [dreg:s6], $0x5FFFF  }
0xac: {  	[dreg:$0x1] =	wrdreg $0xFFFFFFFF  }
0xad: {  	[dreg:$0x0] =	wrdreg $0x60  }
0xae: {  	[dreg:$0x2] =	wrdreg s24  }
0xaf: {  	[dreg:$0x3] =	wrdreg $0x68000  }
0xb0: {  	[dreg:$0x4] =	wrdreg $0x108000  }
0xb1: {  	[dreg:$0x5] =	wrdreg $0x9  }
0xb2: {  	_ =	task.clear_ibuf [dreg:s6], $0x6FFFF;
	_ =	strace $0x90000049  }
0xb3: {  	s29 =	simm.s32 $0x9;
	_ =	strace $0x8000004B  }
0xb4: {  	_ =	swait.ge [sflag:s29], $0x1  }
0xb5: {  	[sflag:s29] =	ssyncadd.s32 $0xFFFFFFFF  }
0xb6: {  	_ =	strace $0x9000004B  }
0xb7: {  	_ =	sfence  }
0xb8: {  	s30 =	sld [smem:$0x0];
	_ =	sdelay $0x2  }
0xb9: {  	s31 =	sshll.u32 s1, $0xD;
	s1 =	sshrl.u32 s1, $0x2  }
0xba: {  	s3 =	sand.u32 $0x4000, s31;
	s1 =	sadd.s32 s1, s30  }
0xbb: {  	s0 =	sor.u32 s3, s0;
	s1 =	sshll.u32 s1, $0x11  }
0xbc: {  	s0 =	sor.u32 s1, s0  }
0xbd: {  	s0 =	sadd.s32 $0x8F2B, s0  }
0xbe: {  	[sflag:s0] =	ssyncadd.remote.s32 $0x1  }
0xbf: {  	_ =	sfence.sel $0xFFFF  }
0xc0: {  	[dreg:$0x0] =	wrdreg $0xFFFFFFFF;
	(pc) =	sbr.abs _section_cstart, $3  }
0xc1: {  	[dreg:$0x1] =	wrdreg $0xFFFFFFFF  }
0xc2: {  	_ =	task.clear_ibuf [dreg:s6], $0x2FFFF;
	_ =	strace $0x9FFFFFFF  }
0xc3: {  	(tm) =	ssettm $0x7FFFFFFF  }
tec
execute0_lowered:
.L_overlay_start_1:
0x0: {  	(tag) =	ssettag $0x1  }
0x1: {  	s0 =	rddreg [dreg:$0x0]  }
0x2: {  	s2 =	rddreg [dreg:$0x1]  }
0x3: {  	s3 =	rddreg [dreg:$0x2];
	s14 =	stileid.u32  }
0x4: {  	s5 =	srdreg.scid;
	s1 =	smul.u32 $0xA000, s14  }
0x5: {  	s4 =	simm.s32 $0x0;
	s29 =	simm.s32 $0x5;
	s6 =	smul.u32 $0x280, s14  }
0x6: {  	s30 =	simm.s32 $0x1400;
	s31 =	simm.s32 $0x80;
	s24 =	smul.u32 $0x5000, s14  }
0x7: {  	s5 =	sand.u32 $0x1, s5;
	[smem:$0x7FF] =	sst s4;
	s12 =	smul.u32 $0xA00, s14  }
0x8: {  	s8 =	sadd.s32 $0x43200, s0;
	s9 =	sadd.s32 $0x2200, s0;
	s13 =	smul.u32 $0x28000, s14  }
0x9: {  	s7 =	smul.u32 $0x2800, s5;
	_ =	strace $0x8000004A;
	s23 =	ssub.s32 $0x2, s5  }
0xa: {  	p0 =	seq.s32 s5, $0x1;
	s10 =	sshrl.u32 s1, $0x3;
	s11 =	sshrl.u32 s23, $0x1  }
0xb: {  	s5 =	sadd.s32 s1, s3;
	s26 =	sshrl.u32 s24, $0x3;
	s15 =	sadd.s32 s8, s12  }
0xc: {  	s16 =	sadd.s32 s9, s12;
	s12 =	simm.s32 $0x0;
	[dreg:$0x5] =	wrdreg s15  }
0xd: {  	s6 =	sadd.s32 s6, s7;
	s10 =	sadd.s32 s10, s0;
	[dreg:$0x6] =	wrdreg s16  }
0xe: {  	s17 =	sadd.s32 $0x280, s26;
	s19 =	sadd.s32 $0x500, s26;
	s25 =	sadd.s32 $0x9D200, s10  }
0xf: {  	s6 =	sshll.u32 s6, $0x3;
	s18 =	sadd.s32 s8, s17;
	[dreg:$0x4] =	wrdreg s25  }
0x10: {  	s7 =	sadd.s32 s9, s17;
	s20 =	sadd.s32 s8, s19;
	[dreg:$0x7] =	wrdreg s18  }
0x11: {  	s21 =	sadd.s32 s9, s19;
	s0 =	sadd.s32 s6, s0;
	[dreg:$0x8] =	wrdreg s7  }
0x12: {  	s6 =	ssub.s32 s23, s11;
	s11 =	sadd.s32 s1, s2;
	[dreg:$0x9] =	wrdreg s20  }
0x13: {  	s1 =	sadd.s32 $0x780, s26;
	[dreg:$0xa] =	wrdreg s21;
	s23 =	sshrl.u32 s13, $0x2  }
0x14: {  	s7 =	simm.s32 $0x75200;
	s26 =	sshll.u32 s14, $0x6;
	s22 =	sadd.s32 s8, s1  }
0x15: {  	s1 =	sadd.s32 s9, s1;
	s24 =	sadd.s32 $0xB1200, s0;
	s25 =	sadd.s32 s23, s3  }
0x16: {  	s17 =	sadd.s32 $0xB1600, s0;
	s19 =	sadd.s32 $0xB1A00, s0;
	s7 =	simm.s32 @!p0 $0x89200  }
0x17: {  	s23 =	sadd.s32 $0xB1E00, s0;
	s26 =	sor.u32 $0x1C05, s26;
	[dreg:$0xb] =	wrdreg s22  }
0x18: {  	s28 =	sshrl.u32 s11, $0x3;
	s8 =	simm.s32 $0x3;
	[dreg:$0xc] =	wrdreg s1  }
0x19: {  	s9 =	simm.s32 $0x4;
	s11 =	simm.s32 $0x2780;
	[dreg:$0xd] =	wrdreg s24  }
0x1a: {  	s16 =	sadd.s32 $0x2000, s25;
	s18 =	sadd.s32 $0x4000, s25;
	s20 =	sadd.s32 s7, s10  }
0x1b: {  	s21 =	sadd.s32 $0x6000, s25;
	s22 =	sadd.s32 $0x8000, s25;
	s24 =	sadd.s32 $0xB2200, s0  }
0x1c: {  	s25 =	smax.u32 s6, $0x1;
	s0 =	simm.s32 $0x2800;
	s1 =	simm.s32 $0x4800  }
0x1d: {  	s6 =	simm.s32 $0x1;
	s7 =	simm.s32 $0x2;
	s10 =	simm.s32 $0x2700  }
.LBB2_1:
0x1e: {  	[spmem:s28], [sflag:s26] =	dma.local [hbm:s20], $0x1400  }
0x1f: {  	_ =	swait.ge [sflag:s29], $0x1400  }
0x20: {  	[sflag:s29] =	ssyncset.done $0x0  }
0x21: {  	s13 =	sshrl.u32 s5, $0x3;
	s14 =	rddreg [dreg:$0x4];
	[sflag:s29] =	ssyncadd.s32 $0xFFFFEC00  }
0x22: {  	[spmem:s13], [sflag:s26] =	dma.local [hbm:s14], $0x1400  }
0x23: {  	_ =	swait.ge [sflag:s29], $0x1400  }
0x24: {  	[sflag:s29] =	ssyncset.done $0x0  }
0x25: {  	[sflag:s29] =	ssyncadd.s32 $0xFFFFEC00  }
0x26: {  	[bflag:$0x0] =	sbarrier.arrive $0xFFFF  }
0x27: {  	s15 =	rddreg [dreg:$0x5]  }
0x28: {  	[tilespmem:s4], [sflag:$0x5] =	stream.linear.gather [hbm4b:s15+s4], $0x1400, $0x38;
	[tilespmem:$0x1A800] =	vst v63  }
0x29: {  	_ =	swait.ge [sflag:s29], $0x1400  }
0x2a: {  	[sflag:s29] =	ssyncset.done $0x0  }
0x2b: {  	s14 =	rddreg [dreg:$0x6];
	[sflag:s29] =	ssyncadd.s32 $0xFFFFEC00  }
0x2c: {  	[tilespmem:s30], [sflag:$0x5] =	stream.linear.gather [hbm4b:s14+s4], $0x1400, $0x38;
	[tilespmem:$0x1A800] =	vst v63  }
0x2d: {  	_ =	swait.ge [sflag:s29], $0x1400  }
0x2e: {  	[sflag:s29] =	ssyncset.done $0x0  }
0x2f: {  	[sflag:s29] =	ssyncadd.s32 $0xFFFFEC00  }
0x30: {  	[tilespmem:s0], [sflag:$0x1] =	stream.indirect.gather [spmem:s2], $0x40, s4, s31, $0xb8;
	[tilespmem:$0x1A800] =	vst v63  }
0x31: {  	_ = 	snop  }
0x32: {  	[tilespmem:s1], [sflag:$0x2] =	stream.indirect.gather [spmem:s2], $0x40, s31, s31, $0xb8;
	[tilespmem:$0x1A800] =	vst v63  }
0x33: {  	_ =	swait.ge [sflag:s6], $0x2000  }
0x34: {  	[sflag:s6] =	ssyncset.done $0x0  }
0x35: {  	s15 =	simm.s32 $0x1400;
	[sflag:s6] =	ssyncadd.s32 $0xFFFFE000  }
0x36: {  	[spmem:s3] =	stream.indirect.scatter.add.f32 [tilespmem:s0], [sflag:$0x3], $0x40, s15, s31, $0xb8;
	[tilespmem:$0x1A800] =	vst v63  }
0x37: {  	_ =	swait.ge [sflag:s7], $0x2000  }
0x38: {  	[sflag:s7] =	ssyncset.done $0x0  }
0x39: {  	s14 =	simm.s32 $0x1480;
	[sflag:s7] =	ssyncadd.s32 $0xFFFFE000  }
0x3a: {  	[spmem:s3] =	stream.indirect.scatter.add.f32 [tilespmem:s1], [sflag:$0x4], $0x40, s14, s31, $0xb8;
	[tilespmem:$0x1A800] =	vst v63  }
0x3b: {  	_ =	swait.ge [sflag:s8], $0x2000  }
0x3c: {  	[sflag:s8] =	ssyncset.done $0x0  }
0x3d: {  	s15 =	simm.s32 $0x100;
	[sflag:s8] =	ssyncadd.s32 $0xFFFFE000  }
0x3e: {  	[tilespmem:s0], [sflag:$0x1] =	stream.indirect.gather [spmem:s2], $0x40, s15, s31, $0xb8;
	[tilespmem:$0x1A800] =	vst v63  }
0x3f: {  	_ =	swait.ge [sflag:s9], $0x2000  }
0x40: {  	[sflag:s9] =	ssyncset.done $0x0  }
0x41: {  	s13 =	simm.s32 $0x400;
	s14 =	simm.s32 $0x180;
	[sflag:s9] =	ssyncadd.s32 $0xFFFFE000  }
.LBB2_2:
0x42: {  	[tilespmem:s1], [sflag:$0x2] =	stream.indirect.gather [spmem:s2], $0x40, s14, s31, $0xb8;
	[tilespmem:$0x1A800] =	vst v63  }
0x43: {  	s14 =	smov.u32 s13  }
0x44: {  	p0 =	sne.s32 s13, $0x4800;
	s13 =	sadd.s32 $0x400, s13;
	_ =	swait.ge [sflag:s6], $0x2000  }
0x45: {  	s14 =	sshra.s32 s14, $0x2;
	[sflag:s6] =	ssyncset.done $0x0  }
0x46: {  	s15 =	sadd.s32 $0x1400, s14;
	[sflag:s6] =	ssyncadd.s32 $0xFFFFE000  }
0x47: {  	[spmem:s3] =	stream.indirect.scatter.add.f32 [tilespmem:s0], [sflag:$0x3], $0x40, s15, s31, $0xb8;
	[tilespmem:$0x1A800] =	vst v63  }
0x48: {  	_ =	swait.ge [sflag:s7], $0x2000  }
0x49: {  	[sflag:s7] =	ssyncset.done $0x0  }
0x4a: {  	s15 =	sadd.s32 $0x1480, s14;
	[sflag:s7] =	ssyncadd.s32 $0xFFFFE000  }
0x4b: {  	[spmem:s3] =	stream.indirect.scatter.add.f32 [tilespmem:s1], [sflag:$0x4], $0x40, s15, s31, $0xb8;
	[tilespmem:$0x1A800] =	vst v63  }
0x4c: {  	_ =	swait.ge [sflag:s8], $0x2000  }
0x4d: {  	[sflag:s8] =	ssyncset.done $0x0  }
.Ltmp0:
0x4e: {  	s15 =	sadd.s32 $0x100, s14;
	[sflag:s8] =	ssyncadd.s32 $0xFFFFE000;
	(pc) =	sbr.rel @p0 .LBB2_2-.Ltmp0, $4  }
0x4f: {  	[tilespmem:s0], [sflag:$0x1] =	stream.indirect.gather [spmem:s2], $0x40, s15, s31, $0xb8;
	[tilespmem:$0x1A800] =	vst v63  }
0x50: {  	_ =	swait.ge [sflag:s9], $0x2000  }
0x51: {  	[sflag:s9] =	ssyncset.done $0x0  }
0x52: {  	s14 =	sadd.s32 $0x180, s14;
	[sflag:s9] =	ssyncadd.s32 $0xFFFFE000  }
0x53: {  	[tilespmem:s1], [sflag:$0x2] =	stream.indirect.gather [spmem:s2], $0x40, s14, s31, $0xb8;
	[tilespmem:$0x1A800] =	vst v63  }
0x54: {  	_ =	swait.ge [sflag:s6], $0x2000  }
0x55: {  	[sflag:s6] =	ssyncset.done $0x0  }
0x56: {  	[sflag:s6] =	ssyncadd.s32 $0xFFFFE000  }
0x57: {  	[spmem:s3] =	stream.indirect.scatter.add.f32 [tilespmem:s0], [sflag:$0x3], $0x40, s10, s31, $0xb8;
	[tilespmem:$0x1A800] =	vst v63  }
0x58: {  	_ =	swait.ge [sflag:s7], $0x2000  }
0x59: {  	[sflag:s7] =	ssyncset.done $0x0  }
0x5a: {  	[sflag:s7] =	ssyncadd.s32 $0xFFFFE000  }
0x5b: {  	[spmem:s3] =	stream.indirect.scatter.add.f32 [tilespmem:s1], [sflag:$0x4], $0x40, s11, s31, $0xb8;
	[tilespmem:$0x1A800] =	vst v63  }
0x5c: {  	_ =	swait.ge [sflag:s8], $0x2000  }
0x5d: {  	[sflag:s8] =	ssyncset.done $0x0  }
0x5e: {  	[sflag:s8] =	ssyncadd.s32 $0xFFFFE000  }
0x5f: {  	_ =	swait.ge [sflag:s9], $0x2000  }
0x60: {  	[sflag:s9] =	ssyncset.done $0x0  }
0x61: {  	s13 =	simm.s32 $0x0;
	s15 =	rddreg [dreg:$0x7];
	[sflag:s9] =	ssyncadd.s32 $0xFFFFE000  }
0x62: {  	[tilespmem:s13], [sflag:$0x5] =	stream.linear.gather [hbm4b:s15+s13], $0x1400, $0x38;
	[tilespmem:$0x1A800] =	vst v63  }
0x63: {  	_ =	swait.ge [sflag:s29], $0x1400  }
0x64: {  	[sflag:s29] =	ssyncset.done $0x0  }
0x65: {  	s15 =	rddreg [dreg:$0x8];
	[sflag:s29] =	ssyncadd.s32 $0xFFFFEC00  }
0x66: {  	[tilespmem:s30], [sflag:$0x5] =	stream.linear.gather [hbm4b:s15+s13], $0x1400, $0x38;
	[tilespmem:$0x1A800] =	vst v63  }
0x67: {  	_ =	swait.ge [sflag:s29], $0x1400  }
0x68: {  	[sflag:s29] =	ssyncset.done $0x0  }
0x69: {  	[sflag:s29] =	ssyncadd.s32 $0xFFFFEC00  }
0x6a: {  	[tilespmem:s0], [sflag:$0x1] =	stream.indirect.gather [spmem:s2], $0x40, s13, s31, $0xb8;
	[tilespmem:$0x1A800] =	vst v63  }
0x6b: {  	_ = 	snop  }
0x6c: {  	[tilespmem:s1], [sflag:$0x2] =	stream.indirect.gather [spmem:s2], $0x40, s31, s31, $0xb8;
	[tilespmem:$0x1A800] =	vst v63  }
0x6d: {  	_ =	swait.ge [sflag:s6], $0x2000  }
0x6e: {  	[sflag:s6] =	ssyncset.done $0x0  }
0x6f: {  	s15 =	simm.s32 $0x1400;
	[sflag:s6] =	ssyncadd.s32 $0xFFFFE000  }
0x70: {  	[spmem:s3] =	stream.indirect.scatter.add.f32 [tilespmem:s0], [sflag:$0x3], $0x40, s15, s31, $0xb8;
	[tilespmem:$0x1A800] =	vst v63  }
0x71: {  	_ =	swait.ge [sflag:s7], $0x2000  }
0x72: {  	[sflag:s7] =	ssyncset.done $0x0  }
0x73: {  	s14 =	simm.s32 $0x1480;
	[sflag:s7] =	ssyncadd.s32 $0xFFFFE000  }
0x74: {  	[spmem:s3] =	stream.indirect.scatter.add.f32 [tilespmem:s1], [sflag:$0x4], $0x40, s14, s31, $0xb8;
	[tilespmem:$0x1A800] =	vst v63  }
0x75: {  	_ =	swait.ge [sflag:s8], $0x2000  }
0x76: {  	[sflag:s8] =	ssyncset.done $0x0  }
0x77: {  	s15 =	simm.s32 $0x100;
	[sflag:s8] =	ssyncadd.s32 $0xFFFFE000  }
0x78: {  	[tilespmem:s0], [sflag:$0x1] =	stream.indirect.gather [spmem:s2], $0x40, s15, s31, $0xb8;
	[tilespmem:$0x1A800] =	vst v63  }
0x79: {  	_ =	swait.ge [sflag:s9], $0x2000  }
0x7a: {  	[sflag:s9] =	ssyncset.done $0x0  }
0x7b: {  	s13 =	simm.s32 $0x400;
	s14 =	simm.s32 $0x180;
	[sflag:s9] =	ssyncadd.s32 $0xFFFFE000  }
.LBB2_4:
0x7c: {  	[tilespmem:s1], [sflag:$0x2] =	stream.indirect.gather [spmem:s2], $0x40, s14, s31, $0xb8;
	[tilespmem:$0x1A800] =	vst v63  }
0x7d: {  	s14 =	smov.u32 s13  }
0x7e: {  	p0 =	sne.s32 s13, $0x4800;
	s13 =	sadd.s32 $0x400, s13;
	_ =	swait.ge [sflag:s6], $0x2000  }
0x7f: {  	s14 =	sshra.s32 s14, $0x2;
	[sflag:s6] =	ssyncset.done $0x0  }
0x80: {  	s15 =	sadd.s32 $0x1400, s14;
	[sflag:s6] =	ssyncadd.s32 $0xFFFFE000  }
0x81: {  	[spmem:s3] =	stream.indirect.scatter.add.f32 [tilespmem:s0], [sflag:$0x3], $0x40, s15, s31, $0xb8;
	[tilespmem:$0x1A800] =	vst v63  }
0x82: {  	_ =	swait.ge [sflag:s7], $0x2000  }
0x83: {  	[sflag:s7] =	ssyncset.done $0x0  }
0x84: {  	s15 =	sadd.s32 $0x1480, s14;
	[sflag:s7] =	ssyncadd.s32 $0xFFFFE000  }
0x85: {  	[spmem:s3] =	stream.indirect.scatter.add.f32 [tilespmem:s1], [sflag:$0x4], $0x40, s15, s31, $0xb8;
	[tilespmem:$0x1A800] =	vst v63  }
0x86: {  	_ =	swait.ge [sflag:s8], $0x2000  }
0x87: {  	[sflag:s8] =	ssyncset.done $0x0  }
.Ltmp1:
0x88: {  	s15 =	sadd.s32 $0x100, s14;
	[sflag:s8] =	ssyncadd.s32 $0xFFFFE000;
	(pc) =	sbr.rel @p0 .LBB2_4-.Ltmp1, $4  }
0x89: {  	[tilespmem:s0], [sflag:$0x1] =	stream.indirect.gather [spmem:s2], $0x40, s15, s31, $0xb8;
	[tilespmem:$0x1A800] =	vst v63  }
0x8a: {  	_ =	swait.ge [sflag:s9], $0x2000  }
0x8b: {  	[sflag:s9] =	ssyncset.done $0x0  }
0x8c: {  	s14 =	sadd.s32 $0x180, s14;
	[sflag:s9] =	ssyncadd.s32 $0xFFFFE000  }
0x8d: {  	[tilespmem:s1], [sflag:$0x2] =	stream.indirect.gather [spmem:s2], $0x40, s14, s31, $0xb8;
	[tilespmem:$0x1A800] =	vst v63  }
0x8e: {  	_ =	swait.ge [sflag:s6], $0x2000  }
0x8f: {  	[sflag:s6] =	ssyncset.done $0x0  }
0x90: {  	[sflag:s6] =	ssyncadd.s32 $0xFFFFE000  }
0x91: {  	[spmem:s3] =	stream.indirect.scatter.add.f32 [tilespmem:s0], [sflag:$0x3], $0x40, s10, s31, $0xb8;
	[tilespmem:$0x1A800] =	vst v63  }
0x92: {  	_ =	swait.ge [sflag:s7], $0x2000  }
0x93: {  	[sflag:s7] =	ssyncset.done $0x0  }
0x94: {  	[sflag:s7] =	ssyncadd.s32 $0xFFFFE000  }
0x95: {  	[spmem:s3] =	stream.indirect.scatter.add.f32 [tilespmem:s1], [sflag:$0x4], $0x40, s11, s31, $0xb8;
	[tilespmem:$0x1A800] =	vst v63  }
0x96: {  	_ =	swait.ge [sflag:s8], $0x2000  }
0x97: {  	[sflag:s8] =	ssyncset.done $0x0  }
0x98: {  	[sflag:s8] =	ssyncadd.s32 $0xFFFFE000  }
0x99: {  	_ =	swait.ge [sflag:s9], $0x2000  }
0x9a: {  	[sflag:s9] =	ssyncset.done $0x0  }
0x9b: {  	s13 =	simm.s32 $0x0;
	s15 =	rddreg [dreg:$0x9];
	[sflag:s9] =	ssyncadd.s32 $0xFFFFE000  }
0x9c: {  	[tilespmem:s13], [sflag:$0x5] =	stream.linear.gather [hbm4b:s15+s13], $0x1400, $0x38;
	[tilespmem:$0x1A800] =	vst v63  }
0x9d: {  	_ =	swait.ge [sflag:s29], $0x1400  }
0x9e: {  	[sflag:s29] =	ssyncset.done $0x0  }
0x9f: {  	s15 =	rddreg [dreg:$0xa];
	[sflag:s29] =	ssyncadd.s32 $0xFFFFEC00  }
0xa0: {  	[tilespmem:s30], [sflag:$0x5] =	stream.linear.gather [hbm4b:s15+s13], $0x1400, $0x38;
	[tilespmem:$0x1A800] =	vst v63  }
0xa1: {  	_ =	swait.ge [sflag:s29], $0x1400  }
0xa2: {  	[sflag:s29] =	ssyncset.done $0x0  }
0xa3: {  	[sflag:s29] =	ssyncadd.s32 $0xFFFFEC00  }
0xa4: {  	[tilespmem:s0], [sflag:$0x1] =	stream.indirect.gather [spmem:s2], $0x40, s13, s31, $0xb8;
	[tilespmem:$0x1A800] =	vst v63  }
0xa5: {  	_ = 	snop  }
0xa6: {  	[tilespmem:s1], [sflag:$0x2] =	stream.indirect.gather [spmem:s2], $0x40, s31, s31, $0xb8;
	[tilespmem:$0x1A800] =	vst v63  }
0xa7: {  	_ =	swait.ge [sflag:s6], $0x2000  }
0xa8: {  	[sflag:s6] =	ssyncset.done $0x0  }
0xa9: {  	s15 =	simm.s32 $0x1400;
	[sflag:s6] =	ssyncadd.s32 $0xFFFFE000  }
0xaa: {  	[spmem:s3] =	stream.indirect.scatter.add.f32 [tilespmem:s0], [sflag:$0x3], $0x40, s15, s31, $0xb8;
	[tilespmem:$0x1A800] =	vst v63  }
0xab: {  	_ =	swait.ge [sflag:s7], $0x2000  }
0xac: {  	[sflag:s7] =	ssyncset.done $0x0  }
0xad: {  	s14 =	simm.s32 $0x1480;
	[sflag:s7] =	ssyncadd.s32 $0xFFFFE000  }
0xae: {  	[spmem:s3] =	stream.indirect.scatter.add.f32 [tilespmem:s1], [sflag:$0x4], $0x40, s14, s31, $0xb8;
	[tilespmem:$0x1A800] =	vst v63  }
0xaf: {  	_ =	swait.ge [sflag:s8], $0x2000  }
0xb0: {  	[sflag:s8] =	ssyncset.done $0x0  }
0xb1: {  	s15 =	simm.s32 $0x100;
	[sflag:s8] =	ssyncadd.s32 $0xFFFFE000  }
0xb2: {  	[tilespmem:s0], [sflag:$0x1] =	stream.indirect.gather [spmem:s2], $0x40, s15, s31, $0xb8;
	[tilespmem:$0x1A800] =	vst v63  }
0xb3: {  	_ =	swait.ge [sflag:s9], $0x2000  }
0xb4: {  	[sflag:s9] =	ssyncset.done $0x0  }
0xb5: {  	s13 =	simm.s32 $0x400;
	s14 =	simm.s32 $0x180;
	[sflag:s9] =	ssyncadd.s32 $0xFFFFE000  }
.LBB2_6:
0xb6: {  	[tilespmem:s1], [sflag:$0x2] =	stream.indirect.gather [spmem:s2], $0x40, s14, s31, $0xb8;
	[tilespmem:$0x1A800] =	vst v63  }
0xb7: {  	s14 =	smov.u32 s13  }
0xb8: {  	p0 =	sne.s32 s13, $0x4800;
	s13 =	sadd.s32 $0x400, s13;
	_ =	swait.ge [sflag:s6], $0x2000  }
0xb9: {  	s14 =	sshra.s32 s14, $0x2;
	[sflag:s6] =	ssyncset.done $0x0  }
0xba: {  	s15 =	sadd.s32 $0x1400, s14;
	[sflag:s6] =	ssyncadd.s32 $0xFFFFE000  }
0xbb: {  	[spmem:s3] =	stream.indirect.scatter.add.f32 [tilespmem:s0], [sflag:$0x3], $0x40, s15, s31, $0xb8;
	[tilespmem:$0x1A800] =	vst v63  }
0xbc: {  	_ =	swait.ge [sflag:s7], $0x2000  }
0xbd: {  	[sflag:s7] =	ssyncset.done $0x0  }
0xbe: {  	s15 =	sadd.s32 $0x1480, s14;
	[sflag:s7] =	ssyncadd.s32 $0xFFFFE000  }
0xbf: {  	[spmem:s3] =	stream.indirect.scatter.add.f32 [tilespmem:s1], [sflag:$0x4], $0x40, s15, s31, $0xb8;
	[tilespmem:$0x1A800] =	vst v63  }
0xc0: {  	_ =	swait.ge [sflag:s8], $0x2000  }
0xc1: {  	[sflag:s8] =	ssyncset.done $0x0  }
.Ltmp2:
0xc2: {  	s15 =	sadd.s32 $0x100, s14;
	[sflag:s8] =	ssyncadd.s32 $0xFFFFE000;
	(pc) =	sbr.rel @p0 .LBB2_6-.Ltmp2, $4  }
0xc3: {  	[tilespmem:s0], [sflag:$0x1] =	stream.indirect.gather [spmem:s2], $0x40, s15, s31, $0xb8;
	[tilespmem:$0x1A800] =	vst v63  }
0xc4: {  	_ =	swait.ge [sflag:s9], $0x2000  }
0xc5: {  	[sflag:s9] =	ssyncset.done $0x0  }
0xc6: {  	s14 =	sadd.s32 $0x180, s14;
	[sflag:s9] =	ssyncadd.s32 $0xFFFFE000  }
0xc7: {  	[tilespmem:s1], [sflag:$0x2] =	stream.indirect.gather [spmem:s2], $0x40, s14, s31, $0xb8;
	[tilespmem:$0x1A800] =	vst v63  }
0xc8: {  	_ =	swait.ge [sflag:s6], $0x2000  }
0xc9: {  	[sflag:s6] =	ssyncset.done $0x0  }
0xca: {  	[sflag:s6] =	ssyncadd.s32 $0xFFFFE000  }
0xcb: {  	[spmem:s3] =	stream.indirect.scatter.add.f32 [tilespmem:s0], [sflag:$0x3], $0x40, s10, s31, $0xb8;
	[tilespmem:$0x1A800] =	vst v63  }
0xcc: {  	_ =	swait.ge [sflag:s7], $0x2000  }
0xcd: {  	[sflag:s7] =	ssyncset.done $0x0  }
0xce: {  	[sflag:s7] =	ssyncadd.s32 $0xFFFFE000  }
0xcf: {  	[spmem:s3] =	stream.indirect.scatter.add.f32 [tilespmem:s1], [sflag:$0x4], $0x40, s11, s31, $0xb8;
	[tilespmem:$0x1A800] =	vst v63  }
0xd0: {  	_ =	swait.ge [sflag:s8], $0x2000  }
0xd1: {  	[sflag:s8] =	ssyncset.done $0x0  }
0xd2: {  	[sflag:s8] =	ssyncadd.s32 $0xFFFFE000  }
0xd3: {  	_ =	swait.ge [sflag:s9], $0x2000  }
0xd4: {  	[sflag:s9] =	ssyncset.done $0x0  }
0xd5: {  	s13 =	simm.s32 $0x0;
	s15 =	rddreg [dreg:$0xb];
	[sflag:s9] =	ssyncadd.s32 $0xFFFFE000  }
0xd6: {  	[tilespmem:s13], [sflag:$0x5] =	stream.linear.gather [hbm4b:s15+s13], $0x1400, $0x38;
	[tilespmem:$0x1A800] =	vst v63  }
0xd7: {  	_ =	swait.ge [sflag:s29], $0x1400  }
0xd8: {  	[sflag:s29] =	ssyncset.done $0x0  }
0xd9: {  	s15 =	rddreg [dreg:$0xc];
	[sflag:s29] =	ssyncadd.s32 $0xFFFFEC00  }
0xda: {  	[tilespmem:s30], [sflag:$0x5] =	stream.linear.gather [hbm4b:s15+s13], $0x1400, $0x38;
	[tilespmem:$0x1A800] =	vst v63  }
0xdb: {  	_ =	swait.ge [sflag:s29], $0x1400  }
0xdc: {  	[sflag:s29] =	ssyncset.done $0x0  }
0xdd: {  	[sflag:s29] =	ssyncadd.s32 $0xFFFFEC00  }
0xde: {  	[tilespmem:s0], [sflag:$0x1] =	stream.indirect.gather [spmem:s2], $0x40, s13, s31, $0xb8;
	[tilespmem:$0x1A800] =	vst v63  }
0xdf: {  	_ = 	snop  }
0xe0: {  	[tilespmem:s1], [sflag:$0x2] =	stream.indirect.gather [spmem:s2], $0x40, s31, s31, $0xb8;
	[tilespmem:$0x1A800] =	vst v63  }
0xe1: {  	_ =	swait.ge [sflag:s6], $0x2000  }
0xe2: {  	[sflag:s6] =	ssyncset.done $0x0  }
0xe3: {  	s15 =	simm.s32 $0x1400;
	[sflag:s6] =	ssyncadd.s32 $0xFFFFE000  }
0xe4: {  	[spmem:s3] =	stream.indirect.scatter.add.f32 [tilespmem:s0], [sflag:$0x3], $0x40, s15, s31, $0xb8;
	[tilespmem:$0x1A800] =	vst v63  }
0xe5: {  	_ =	swait.ge [sflag:s7], $0x2000  }
0xe6: {  	[sflag:s7] =	ssyncset.done $0x0  }
0xe7: {  	s14 =	simm.s32 $0x1480;
	[sflag:s7] =	ssyncadd.s32 $0xFFFFE000  }
0xe8: {  	[spmem:s3] =	stream.indirect.scatter.add.f32 [tilespmem:s1], [sflag:$0x4], $0x40, s14, s31, $0xb8;
	[tilespmem:$0x1A800] =	vst v63  }
0xe9: {  	_ =	swait.ge [sflag:s8], $0x2000  }
0xea: {  	[sflag:s8] =	ssyncset.done $0x0  }
0xeb: {  	s15 =	simm.s32 $0x100;
	[sflag:s8] =	ssyncadd.s32 $0xFFFFE000  }
0xec: {  	[tilespmem:s0], [sflag:$0x1] =	stream.indirect.gather [spmem:s2], $0x40, s15, s31, $0xb8;
	[tilespmem:$0x1A800] =	vst v63  }
0xed: {  	_ =	swait.ge [sflag:s9], $0x2000  }
0xee: {  	[sflag:s9] =	ssyncset.done $0x0  }
0xef: {  	s13 =	simm.s32 $0x400;
	s14 =	simm.s32 $0x180;
	[sflag:s9] =	ssyncadd.s32 $0xFFFFE000  }
.LBB2_8:
0xf0: {  	[tilespmem:s1], [sflag:$0x2] =	stream.indirect.gather [spmem:s2], $0x40, s14, s31, $0xb8;
	[tilespmem:$0x1A800] =	vst v63  }
0xf1: {  	s14 =	smov.u32 s13  }
0xf2: {  	p0 =	sne.s32 s13, $0x4800;
	s13 =	sadd.s32 $0x400, s13;
	_ =	swait.ge [sflag:s6], $0x2000  }
0xf3: {  	s14 =	sshra.s32 s14, $0x2;
	[sflag:s6] =	ssyncset.done $0x0  }
0xf4: {  	s15 =	sadd.s32 $0x1400, s14;
	[sflag:s6] =	ssyncadd.s32 $0xFFFFE000  }
0xf5: {  	[spmem:s3] =	stream.indirect.scatter.add.f32 [tilespmem:s0], [sflag:$0x3], $0x40, s15, s31, $0xb8;
	[tilespmem:$0x1A800] =	vst v63  }
0xf6: {  	_ =	swait.ge [sflag:s7], $0x2000  }
0xf7: {  	[sflag:s7] =	ssyncset.done $0x0  }
0xf8: {  	s15 =	sadd.s32 $0x1480, s14;
	[sflag:s7] =	ssyncadd.s32 $0xFFFFE000  }
0xf9: {  	[spmem:s3] =	stream.indirect.scatter.add.f32 [tilespmem:s1], [sflag:$0x4], $0x40, s15, s31, $0xb8;
	[tilespmem:$0x1A800] =	vst v63  }
0xfa: {  	_ =	swait.ge [sflag:s8], $0x2000  }
0xfb: {  	[sflag:s8] =	ssyncset.done $0x0  }
.Ltmp3:
0xfc: {  	s15 =	sadd.s32 $0x100, s14;
	[sflag:s8] =	ssyncadd.s32 $0xFFFFE000;
	(pc) =	sbr.rel @p0 .LBB2_8-.Ltmp3, $4  }
0xfd: {  	[tilespmem:s0], [sflag:$0x1] =	stream.indirect.gather [spmem:s2], $0x40, s15, s31, $0xb8;
	[tilespmem:$0x1A800] =	vst v63  }
0xfe: {  	_ =	swait.ge [sflag:s9], $0x2000  }
0xff: {  	[sflag:s9] =	ssyncset.done $0x0  }
0x100: {  	s14 =	sadd.s32 $0x180, s14;
	[sflag:s9] =	ssyncadd.s32 $0xFFFFE000  }
0x101: {  	[tilespmem:s1], [sflag:$0x2] =	stream.indirect.gather [spmem:s2], $0x40, s14, s31, $0xb8;
	[tilespmem:$0x1A800] =	vst v63  }
0x102: {  	_ =	swait.ge [sflag:s6], $0x2000  }
0x103: {  	[sflag:s6] =	ssyncset.done $0x0  }
0x104: {  	[sflag:s6] =	ssyncadd.s32 $0xFFFFE000  }
0x105: {  	[spmem:s3] =	stream.indirect.scatter.add.f32 [tilespmem:s0], [sflag:$0x3], $0x40, s10, s31, $0xb8;
	[tilespmem:$0x1A800] =	vst v63  }
0x106: {  	_ =	swait.ge [sflag:s7], $0x2000  }
0x107: {  	[sflag:s7] =	ssyncset.done $0x0  }
0x108: {  	[sflag:s7] =	ssyncadd.s32 $0xFFFFE000  }
0x109: {  	[spmem:s3] =	stream.indirect.scatter.add.f32 [tilespmem:s1], [sflag:$0x4], $0x40, s11, s31, $0xb8;
	[tilespmem:$0x1A800] =	vst v63  }
0x10a: {  	_ =	swait.ge [sflag:s8], $0x2000  }
0x10b: {  	[sflag:s8] =	ssyncset.done $0x0  }
0x10c: {  	[sflag:s8] =	ssyncadd.s32 $0xFFFFE000  }
0x10d: {  	_ =	swait.ge [sflag:s9], $0x2000  }
0x10e: {  	[sflag:s9] =	ssyncset.done $0x0  }
0x10f: {  	[sflag:s9] =	ssyncadd.s32 $0xFFFFE000  }
0x110: {  	[bflag:$0x0] =	sbarrier.arrive $0xFFFF  }
0x111: {  	[tilespmem:s0], [sflag:$0x5] =	stream.linear.gather [spmem:s5], $0x2000, $0x38;
	[tilespmem:$0x1A800] =	vst v63  }
0x112: {  	_ =	swait.ge [sflag:s29], $0x2000  }
0x113: {  	[sflag:s29] =	ssyncset.done $0x0  }
0x114: {  	s13 =	rddreg [dreg:$0xd];
	[sflag:s29] =	ssyncadd.s32 $0xFFFFE000  }
0x115: {  	[hbm4b:s13+s4] =	stream.linear.scatter [tilespmem:s0], [sflag:$0x1], $0x2000, $0x38;
	[tilespmem:$0x1A800] =	vst v63  }
0x116: {  	_ = 	snop  }
0x117: {  	[tilespmem:s1], [sflag:$0x5] =	stream.linear.gather [spmem:s16], $0x2000, $0x38;
	[tilespmem:$0x1A800] =	vst v63  }
0x118: {  	_ =	swait.ge [sflag:s29], $0x2000  }
0x119: {  	[sflag:s29] =	ssyncset.done $0x0  }
0x11a: {  	[sflag:s29] =	ssyncadd.s32 $0xFFFFE000  }
0x11b: {  	[hbm4b:s17+s4] =	stream.linear.scatter [tilespmem:s1], [sflag:$0x2], $0x2000, $0x38;
	[tilespmem:$0x1A800] =	vst v63  }
0x11c: {  	_ =	swait.ge [sflag:s6], $0x2000  }
0x11d: {  	[sflag:s6] =	ssyncset.done $0x0  }
0x11e: {  	[sflag:s6] =	ssyncadd.s32 $0xFFFFE000  }
0x11f: {  	[tilespmem:s0], [sflag:$0x5] =	stream.linear.gather [spmem:s18], $0x2000, $0x38;
	[tilespmem:$0x1A800] =	vst v63  }
0x120: {  	_ =	swait.ge [sflag:s29], $0x2000  }
0x121: {  	[sflag:s29] =	ssyncset.done $0x0  }
0x122: {  	[sflag:s29] =	ssyncadd.s32 $0xFFFFE000  }
0x123: {  	[hbm4b:s19+s4] =	stream.linear.scatter [tilespmem:s0], [sflag:$0x1], $0x2000, $0x38;
	[tilespmem:$0x1A800] =	vst v63  }
0x124: {  	_ =	swait.ge [sflag:s7], $0x2000  }
0x125: {  	[sflag:s7] =	ssyncset.done $0x0  }
0x126: {  	[sflag:s7] =	ssyncadd.s32 $0xFFFFE000  }
0x127: {  	[tilespmem:s1], [sflag:$0x5] =	stream.linear.gather [spmem:s21], $0x2000, $0x38;
	[tilespmem:$0x1A800] =	vst v63  }
0x128: {  	_ =	swait.ge [sflag:s29], $0x2000  }
0x129: {  	[sflag:s29] =	ssyncset.done $0x0  }
0x12a: {  	[sflag:s29] =	ssyncadd.s32 $0xFFFFE000  }
0x12b: {  	[hbm4b:s23+s4] =	stream.linear.scatter [tilespmem:s1], [sflag:$0x2], $0x2000, $0x38;
	[tilespmem:$0x1A800] =	vst v63  }
0x12c: {  	_ =	swait.ge [sflag:s6], $0x2000  }
0x12d: {  	[sflag:s6] =	ssyncset.done $0x0  }
0x12e: {  	[sflag:s6] =	ssyncadd.s32 $0xFFFFE000  }
0x12f: {  	[tilespmem:s0], [sflag:$0x5] =	stream.linear.gather [spmem:s22], $0x2000, $0x38;
	[tilespmem:$0x1A800] =	vst v63  }
0x130: {  	_ =	swait.ge [sflag:s29], $0x2000  }
0x131: {  	[sflag:s29] =	ssyncset.done $0x0  }
0x132: {  	s12 =	sadd.s32 $0x1, s12;
	[sflag:s29] =	ssyncadd.s32 $0xFFFFE000  }
0x133: {  	[hbm4b:s24+s4] =	stream.linear.scatter [tilespmem:s0], [sflag:$0x1], $0x2000, $0x38;
	[tilespmem:$0x1A800] =	vst v63  }
0x134: {  	p0 =	sne.s32 s12, s25;
	_ =	swait.ge [sflag:s7], $0x2000  }
.Ltmp4:
0x135: {  	[sflag:s7] =	ssyncset.done $0x0;
	(pc) =	sbr.rel @p0 .LBB2_1-.Ltmp4, $4  }
0x136: {  	[sflag:s7] =	ssyncadd.s32 $0xFFFFE000  }
0x137: {  	_ =	swait.ge [sflag:s6], $0x2000  }
0x138: {  	[sflag:s6] =	ssyncset.done $0x0  }
0x139: {  	[sflag:s6] =	ssyncadd.s32 $0xFFFFE000  }
0x13a: {  	_ =	sfence.sel $0x180000  }
0x13b: {  	[bflag:$0x0] =	sbarrier.arrive $0xFFFF  }
0x13c: {  	_ =	strace $0x9000004A  }
0x13d: {  	s0 =	stileid.u32;
	[bflag:$0x2] =	sbarrier.arrive $0xFFFF  }
0x13e: {  	p0 =	sne.s32 s0, $0x0;
	s0 =	rddreg [dreg:$0x3]  }
0x13f: {  	s0 =	sadd.s32 @!p0 $0x100000, s0  }
0x140: {  	[sflag:s0] =	ssyncadd.tile.s32 @!p0 $0x1;
	_ =	shalt  }
.Lfunc_end2:
_tile_overlayer_lowered:
.L_overlay_start_2:
0x141: {  	(tag) =	ssettag $0x2  }
0x142: {  	s0 =	rddreg [dreg:$0x0];
	s2 =	stileid.u32  }
0x143: {  	s1 =	rddreg [dreg:$0x1];
	p0 =	sne.s32 s2, $0x0  }
0x144: {  	s3 =	rddreg [dreg:$0x2];
	[bflag:$0x3] =	sbarrier.arrive $0xFFFF;
	s2 =	simm.s32 @!p0 $0x1C05  }
0x145: {  	[timem:s3], [sflag:s2] =	dma.local @!p0 [hbm:s0], s1  }
0x146: {  	s0 =	simm.s32 @!p0 $0x5  }
0x147: {  	_ =	swait.ge @!p0 [sflag:s0], s1  }
0x148: {  	s1 =	ssub.s32 @!p0 $0x0, s1;
	[sflag:s0] =	ssyncset.done @!p0 $0x0  }
0x149: {  	[sflag:s0] =	ssyncadd.s32 @!p0 s1  }
0x14a: {  	[bflag:$0x3] =	sbarrier.arrive $0xFFFF  }
0x14b: {  	_ =	shalt  }

// kernel: kernel.15.cloned.1.call-start
scs
__scs_entry_jumppad:
0x0: {  	(pc) =	sbr.rel $0x88, $3  }
0x1: {  	(tag) =	ssettag $0x0;
	lr =	simm.s32 $0x1  }
0x2: {  	[smem:$0x3F9B] =	sst lr;
	_ =	strace $0xD0000000  }
0x3: {  	_ = 	snop  }
0x4: {  	_ = 	snop  }
0x5: {  	_ = 	snop  }
0x6: {  	_ = 	snop  }
0x7: {  	_ = 	snop  }
__scs_overlays_trampoline_lowered:
0x8: {  	[smem:$0x3FAA] =	sst s0  }
0x9: {  	[smem:$0x3FAB] =	sst s1  }
0xa: {  	[smem:$0x3FAC] =	sst s2  }
0xb: {  	[smem:$0x3FAD] =	sst s3  }
0xc: {  	[smem:$0x3FAE] =	sst s4  }
0xd: {  	[smem:$0x3FAF] =	sst s5  }
0xe: {  	[smem:$0x3FB0] =	sst s6  }
0xf: {  	[smem:$0x3FB1] =	sst s7  }
0x10: {  	[smem:$0x3FB2] =	sst s8  }
0x11: {  	[smem:$0x3FB3] =	sst s9;
	s0 =	simm.s32 @!p0 $0x0  }
0x12: {  	s1 =	sld [smem:$0x3F99];
	s0 =	simm.s32 @p0 $0x1  }
0x13: {  	[smem:$0x3FB4] =	sst s0;
	s0 =	simm.s32 @!p1 $0x0  }
0x14: {  	s2 =	sld [smem:$0x3F98];
	s0 =	simm.s32 @p1 $0x1  }
0x15: {  	[smem:$0x3FB5] =	sst s0;
	s0 =	simm.s32 @!p2 $0x0  }
0x16: {  	s3 =	sld [smem:$0x3FDB];
	s0 =	simm.s32 @p2 $0x1  }
0x17: {  	s4 =	simm.s32 $0x1BF5;
	[smem:$0x3FB7] =	sst s0  }
0x18: {  	s0 =	sld [smem:$0x3F9A];
	_ =	swait.ge [sflag:s4], $0x0  }
0x19: {  	s7 =	sld [smem:$0x3F9B]  }
0x1a: {  	s8 =	sadd.s32 $0xFFFFE003, lr  }
0x1b: {  	s9 =	sadd.s32 $0xFFFFFEF7, lr;
	s5 =	simm.s32 $0xFFFFFFFF;
	p2 =	slt.u32 s8, $0xFFFFF086  }
0x1c: {  	p1 =	slt.u32 s9, $0xF7A;
	s5 =	simm.s32 @!p2 $0x0  }
0x1d: {  	s5 =	simm.s32 @p1 $0x1;
	p0 =	seq.s32 s7, s2  }
0x1e: {  	s7 =	smul.u32 @!p0 $0xF7A, s2;
	p2 =	seq.s32 @!p0 s5, $0x0  }
0x1f: {  	s9 =	smul.u32 $0xF7A, s1;
	s8 =	simm.s32 @!p0 $0x1BF5;
	p2 =	por !p2, p0  }
0x20: {  	[sflag:s8] =	ssyncset.s32 @!p0 $0xFFFFF086;
	s6 =	sadd.s32 @!p0 s3, s7;
	s7 =	simm.s32 @!p0 $0x108  }
0x21: {  	s3 =	sadd.s32 s3, s9;
	s6 =	sadd.s32 @!p0 $0x88, s6;
	s7 =	simm.s32 @p2 $0x1082  }
0x22: {  	[simem:s7], [sflag:s8] =	dma.local @!p0 [hbm:s6], $0xF7A  }
0x23: {  	s9 =	sor.u32 $0xD0000000, s2;
	s6 =	simm.s32 $0x108;
	_ =	swait.ge @!p0 [sflag:s8], $0x0  }
0x24: {  	s3 =	sadd.s32 $0x88, s3;
	s6 =	simm.s32 @!p1 $0x1082;
	[sflag:s4] =	ssyncset.s32 $0xFFFFF086  }
0x25: {  	[simem:s6], [sflag:s4] =	dma.local [hbm:s3], $0xF7A  }
0x26: {  	[smem:$0x3F9B] =	sst s1;
	(tag) =	ssettag s2;
	_ =	strace s9  }
0x27: {  	s1 =	sld [smem:$0x3FAB]  }
0x28: {  	s2 =	sld [smem:$0x3FAC]  }
0x29: {  	s4 =	sld [smem:$0x3FAE]  }
0x2a: {  	p0 =	seq.s32 s5, $0x0;
	s5 =	sld [smem:$0x3FAF]  }
0x2b: {  	s6 =	sld [smem:$0x3FB0]  }
0x2c: {  	s7 =	sld [smem:$0x3FB1]  }
0x2d: {  	s3 =	simm.s32 $0x108;
	s8 =	sld [smem:$0x3FB2]  }
0x2e: {  	s3 =	simm.s32 @!p0 $0x1082;
	s9 =	sld [smem:$0x3FB3]  }
0x2f: {  	lr =	sadd.s32 s0, s3;
	s0 =	sld [smem:$0x3FAA]  }
0x30: {  	s3 =	sld [smem:$0x3FAD]  }
0x31: {  	[smem:$0x3FB6] =	sst s10  }
0x32: {  	s10 =	sld [smem:$0x3FB4];
	_ =	sdelay $0x3  }
0x33: {  	p0 =	seq.s32 s10, $0x1;
	s10 =	sld [smem:$0x3FB6];
	_ =	sdelay $0x3  }
0x34: {  	[smem:$0x3FB6] =	sst s10  }
0x35: {  	s10 =	sld [smem:$0x3FB5];
	_ =	sdelay $0x3  }
0x36: {  	p1 =	seq.s32 s10, $0x1;
	s10 =	sld [smem:$0x3FB6];
	_ =	sdelay $0x3  }
0x37: {  	[smem:$0x3FB6] =	sst s10  }
0x38: {  	s10 =	sld [smem:$0x3FB7]  }
0x39: {  	_ = 	snop;
	(pc) =	sbr.ind lr, $3  }
0x3a: {  	_ = 	snop  }
0x3b: {  	_ = 	snop  }
0x3c: {  	p2 =	seq.s32 s10, $0x1;
	s10 =	sld [smem:$0x3FB6]  }
0x3d: {  	_ =	shalt  }
0x3e: {  	_ =	shalt  }
0x3f: {  	_ =	shalt  }
0x40: {  	_ =	shalt  }
0x41: {  	_ =	shalt  }
0x42: {  	_ =	shalt  }
0x43: {  	_ =	shalt  }
0x44: {  	_ =	shalt  }
0x45: {  	_ =	shalt  }
0x46: {  	_ =	shalt  }
0x47: {  	_ =	shalt  }
0x48: {  	_ =	shalt  }
0x49: {  	_ =	shalt  }
0x4a: {  	_ =	shalt  }
0x4b: {  	_ =	shalt  }
0x4c: {  	_ =	shalt  }
0x4d: {  	_ =	shalt  }
0x4e: {  	_ =	shalt  }
0x4f: {  	_ =	shalt  }
0x50: {  	_ =	shalt  }
0x51: {  	_ =	shalt  }
0x52: {  	_ =	shalt  }
0x53: {  	_ =	shalt  }
0x54: {  	_ =	shalt  }
0x55: {  	_ =	shalt  }
0x56: {  	_ =	shalt  }
0x57: {  	_ =	shalt  }
0x58: {  	_ =	shalt  }
0x59: {  	_ =	shalt  }
0x5a: {  	_ =	shalt  }
0x5b: {  	_ =	shalt  }
0x5c: {  	_ =	shalt  }
0x5d: {  	_ =	shalt  }
0x5e: {  	_ =	shalt  }
0x5f: {  	_ =	shalt  }
0x60: {  	_ =	shalt  }
0x61: {  	_ =	shalt  }
0x62: {  	_ =	shalt  }
0x63: {  	_ =	shalt  }
0x64: {  	_ =	shalt  }
0x65: {  	_ =	shalt  }
0x66: {  	_ =	shalt  }
0x67: {  	_ =	shalt  }
0x68: {  	_ =	shalt  }
0x69: {  	_ =	shalt  }
0x6a: {  	_ =	shalt  }
0x6b: {  	_ =	shalt  }
0x6c: {  	_ =	shalt  }
0x6d: {  	_ =	shalt  }
0x6e: {  	_ =	shalt  }
0x6f: {  	_ =	shalt  }
0x70: {  	_ =	shalt  }
0x71: {  	_ =	shalt  }
0x72: {  	_ =	shalt  }
0x73: {  	_ =	shalt  }
0x74: {  	_ =	shalt  }
0x75: {  	_ =	shalt  }
0x76: {  	_ =	shalt  }
0x77: {  	_ =	shalt  }
0x78: {  	_ =	shalt  }
0x79: {  	_ =	shalt  }
0x7a: {  	_ =	shalt  }
0x7b: {  	_ =	shalt  }
0x7c: {  	_ =	shalt  }
0x7d: {  	_ =	shalt  }
0x7e: {  	_ =	shalt  }
0x7f: {  	_ =	shalt  }
0x80: {  	_ =	shalt  }
0x81: {  	_ =	shalt  }
0x82: {  	_ =	shalt  }
0x83: {  	_ =	shalt  }
0x84: {  	_ =	shalt  }
0x85: {  	_ =	shalt  }
0x86: {  	_ =	shalt  }
0x87: {  	_ =	shalt  }
.Lfunc_end0:
.L_simem_size_0:
called_computation.2_lowered:
.L_overlay_start_0:
0x88: {  	s2 =	sld [smem:$0x3FD9]  }
0x89: {  	s3 =	sld [smem:$0x3FFE];
	_ =	sdelay $0x1  }
0x8a: {  	s1 =	srdreg.scid  }
0x8b: {  	s0 =	sand.u32 $0x1, s1  }
0x8c: {  	s16 =	sshll.u32 s0, $0xA;
	s2 =	sadd.s32 s3, s2  }
0x8d: {  	s2 =	sadd.s32 s2, s16  }
0x8e: {  	[smem:$0x3FC2] =	sst s2  }
0x8f: {  	_ = 	snop  }
0x90: {  	(tm) =	ssettm $0x1  }
0x91: {  	s17 =	sld [smem:$0x3FFB];
	_ =	sdelay $0x3  }
0x92: {  	_ =	strace s17  }
0x93: {  	s2 =	sld [smem:$0x3FFC];
	_ =	sdelay $0x3  }
0x94: {  	_ =	strace s2  }
0x95: {  	s2 =	sld [smem:$0x3FFD];
	_ =	sdelay $0x3  }
0x96: {  	_ =	strace s2  }
0x97: {  	_ =	strace $0x8FFFFFFF  }
0x98: {  	s18 =	sld [smem:$0x3FDB];
	_ =	sdelay $0x1  }
0x99: {  	s19 =	simm.s32 $_scs_section_size  }
0x9a: {  	s4 =	simm.s32 $_size__tile_overlayer_lowered;
	s5 =	simm.s32 $_tile_overlayer_lowered  }
0x9b: {  	s22 =	simm.s32 $0x1BFF;
	s21 =	sshll.u32 s5, $0x1;
	s2 =	sadd.s32 s19, s18  }
0x9c: {  	s6 =	simm.s32 $0x0;
	s20 =	sshll.u32 s4, $0x1;
	s4 =	sadd.s32 s21, s2  }
0x9d: {  	[timem:s6], [sflag:s22] =	dma.local [hbm:s4], s20  }
0x9e: {  	_ =	swait.ge [sflag:s22], s20  }
0x9f: {  	s3 =	ssub.s32 $0x0, s20;
	[sflag:s22] =	ssyncset.done $0x0  }
0xa0: {  	[sflag:s22] =	ssyncadd.s32 s3;
	_ =	sdelay $0x1  }
0xa1: {  	s23 =	simm.s32 $0x1B8B  }
0xa2: {  	_ =	swait.ge [sflag:s23], $0x1  }
0xa3: {  	[sflag:s23] =	ssyncset.done $0x0  }
0xa4: {  	s25 =	simm.s32 $0x1B8E;
	s24 =	sld [smem:$0x3FFE];
	[sflag:s23] =	ssyncadd.s32 $0xFFFFFFFF  }
0xa5: {  	s26 =	simm.s32 $execute0_lowered;
	[smem:$0x3FD2] =	sst s25  }
0xa6: {  	s4 =	sshll.u32 s26, $0x1;
	_ =	strace $0x8000004C;
	[dreg:$0x1] =	wrdreg $0xFFFFFFFF  }
0xa7: {  	s28 =	simm.s32 $_size_execute0_lowered;
	s2 =	sadd.s32 s2, s4;
	[dreg:$0x0] =	wrdreg $0x0  }
0xa8: {  	s4 =	sshll.u32 s28, $0x1;
	[dreg:$0x2] =	wrdreg s2  }
0xa9: {  	[dreg:$0x3] =	wrdreg s4  }
0xaa: {  	[dreg:$0x4] =	wrdreg $0xC0  }
0xab: {  	_ =	task [dreg:s6], $0x5FFFF  }
0xac: {  	[dreg:$0x1] =	wrdreg $0xFFFFFFFF  }
0xad: {  	[dreg:$0x0] =	wrdreg $0x60  }
0xae: {  	[dreg:$0x2] =	wrdreg s24  }
0xaf: {  	[dreg:$0x3] =	wrdreg $0x70000  }
0xb0: {  	[dreg:$0x4] =	wrdreg $0x98000  }
0xb1: {  	[dreg:$0x5] =	wrdreg $0x9  }
0xb2: {  	_ =	task.clear_ibuf [dreg:s6], $0x6FFFF;
	_ =	strace $0x9000004C  }
0xb3: {  	s29 =	simm.s32 $0x9;
	_ =	strace $0x8000004E  }
0xb4: {  	_ =	swait.ge [sflag:s29], $0x1  }
0xb5: {  	[sflag:s29] =	ssyncadd.s32 $0xFFFFFFFF  }
0xb6: {  	_ =	strace $0x9000004E  }
0xb7: {  	_ =	sfence  }
0xb8: {  	s30 =	sld [smem:$0x0];
	_ =	sdelay $0x2  }
0xb9: {  	s31 =	sshll.u32 s1, $0xD;
	s1 =	sshrl.u32 s1, $0x2  }
0xba: {  	s3 =	sand.u32 $0x4000, s31;
	s1 =	sadd.s32 s1, s30  }
0xbb: {  	s0 =	sor.u32 s3, s0;
	s1 =	sshll.u32 s1, $0x11  }
0xbc: {  	s0 =	sor.u32 s1, s0  }
0xbd: {  	s0 =	sadd.s32 $0x8F2B, s0  }
0xbe: {  	[sflag:s0] =	ssyncadd.remote.s32 $0x1  }
0xbf: {  	_ =	sfence.sel $0xFFFF  }
0xc0: {  	[dreg:$0x0] =	wrdreg $0xFFFFFFFF;
	(pc) =	sbr.abs _section_cstart, $3  }
0xc1: {  	[dreg:$0x1] =	wrdreg $0xFFFFFFFF  }
0xc2: {  	_ =	task.clear_ibuf [dreg:s6], $0x2FFFF;
	_ =	strace $0x9FFFFFFF  }
0xc3: {  	(tm) =	ssettm $0x7FFFFFFF  }
tec
execute0_lowered:
.L_overlay_start_1:
0x0: {  	(tag) =	ssettag $0x1  }
0x1: {  	s5 =	rddreg [dreg:$0x0]  }
0x2: {  	s0 =	srdreg.scid;
	s2 =	rddreg [dreg:$0x1]  }
0x3: {  	s10 =	stileid.u32;
	s3 =	rddreg [dreg:$0x2]  }
0x4: {  	s4 =	simm.s32 $0x0;
	s20 =	simm.s32 $0x9;
	s28 =	simm.s32 $0x6000  }
0x5: {  	s30 =	simm.s32 $0x6800;
	s31 =	simm.s32 $0x1;
	s6 =	smul.u32 $0x2800, s10  }
0x6: {  	s29 =	simm.s32 $0x6;
	s0 =	sand.u32 $0x1, s0;
	s7 =	smul.u32 $0x280, s10  }
0x7: {  	[smem:$0x7FF] =	sst s4;
	s26 =	smul.u32 $0xA000, s10;
	s1 =	sshll.u32 s0, $0x4  }
0x8: {  	s8 =	smul.u32 $0x2800, s0;
	_ =	strace $0x8000004D;
	s0 =	ssub.s32 $0x2, s0  }
0x9: {  	s1 =	sor.u32 s10, s1;
	s9 =	sshrl.u32 s6, $0x3;
	s25 =	sshrl.u32 s0, $0x1  }
0xa: {  	s11 =	sadd.s32 s6, s2;
	s22 =	sshrl.u32 s26, $0x2;
	s1 =	smul.u32 $0x500, s1  }
0xb: {  	s7 =	sadd.s32 s7, s8;
	s9 =	sadd.s32 s9, s5;
	s0 =	ssub.s32 s0, s25  }
0xc: {  	s8 =	sadd.s32 s6, s3;
	s24 =	sadd.s32 s22, s3;
	s22 =	sshrl.u32 s11, $0x3  }
0xd: {  	s6 =	simm.s32 $0x8;
	s7 =	sshll.u32 s7, $0x1;
	s21 =	sadd.s32 $0x39200, s9  }
0xe: {  	s23 =	sadd.s32 $0xC200, s9;
	s26 =	sadd.s32 $0x800, s24;
	s13 =	sadd.s32 $0x1000, s24  }
0xf: {  	s15 =	sadd.s32 $0x1800, s24;
	s17 =	sadd.s32 $0x2000, s24;
	s19 =	smax.u32 s0, $0x1  }
0x10: {  	s24 =	simm.s32 $0x5000;
	s0 =	simm.s32 $0x3;
	[dreg:$0x6] =	wrdreg s21  }
0x11: {  	s1 =	sadd.s32 s1, s5;
	s5 =	sadd.s32 s7, s5;
	[dreg:$0x7] =	wrdreg s23  }
0x12: {  	[dreg:$0x9] =	wrdreg s26;
	s23 =	simm.s32 $0x80;
	s21 =	simm.s32 $0x4  }
0x13: {  	s26 =	simm.s32 $0x5;
	s7 =	simm.s32 $0x0;
	s10 =	sadd.s32 $0x43200, s1  }
0x14: {  	s1 =	sadd.s32 $0x2200, s1;
	s25 =	sadd.s32 $0x4D200, s5;
	s12 =	sadd.s32 $0x4D300, s5  }
0x15: {  	s14 =	sadd.s32 $0x4D400, s5;
	s16 =	sadd.s32 $0x4D500, s5;
	[dreg:$0x4] =	wrdreg s10  }
0x16: {  	s18 =	sadd.s32 $0x4D600, s5;
	s5 =	simm.s32 $0x7;
	[dreg:$0x5] =	wrdreg s1  }
0x17: {  	[dreg:$0x8] =	wrdreg s25;
	s25 =	simm.s32 $0x5800;
	s1 =	simm.s32 $0x2  }
.LBB2_1:
0x18: {  	s9 =	rddreg [dreg:$0x4]  }
0x19: {  	[tilespmem:s4], [sflag:$0x9] =	stream.linear.gather [hbm4b:s9+s4], $0x2800, $0x38;
	[tilespmem:$0xC000] =	vst v63  }
0x1a: {  	_ =	swait.ge [sflag:s20], $0x2800  }
0x1b: {  	[sflag:s20] =	ssyncset.done $0x0  }
0x1c: {  	s10 =	simm.s32 $0x2800;
	s11 =	rddreg [dreg:$0x5];
	[sflag:s20] =	ssyncadd.s32 $0xFFFFD800  }
0x1d: {  	[tilespmem:s10], [sflag:$0x9] =	stream.linear.gather [hbm4b:s11+s4], $0x2800, $0x38;
	[tilespmem:$0xC000] =	vst v63  }
0x1e: {  	s10 =	stileid.u32;
	_ =	swait.ge [sflag:s20], $0x2800  }
0x1f: {  	s9 =	sshll.u32 s10, $0x6;
	[sflag:s20] =	ssyncset.done $0x0  }
0x20: {  	s9 =	sor.u32 $0x1C09, s9;
	s11 =	rddreg [dreg:$0x6];
	[sflag:s20] =	ssyncadd.s32 $0xFFFFD800  }
0x21: {  	[spmem:s22], [sflag:s9] =	dma.local [hbm:s11], $0x500  }
0x22: {  	_ =	swait.ge [sflag:s20], $0x500  }
0x23: {  	[sflag:s20] =	ssyncset.done $0x0  }
0x24: {  	s10 =	sshrl.u32 s8, $0x3;
	s11 =	rddreg [dreg:$0x7];
	[sflag:s20] =	ssyncadd.s32 $0xFFFFFB00  }
0x25: {  	[spmem:s10], [sflag:s9] =	dma.local [hbm:s11], $0x500  }
0x26: {  	_ =	swait.ge [sflag:s20], $0x500  }
0x27: {  	[sflag:s20] =	ssyncset.done $0x0  }
0x28: {  	[sflag:s20] =	ssyncadd.s32 $0xFFFFFB00  }
0x29: {  	[bflag:$0x0] =	sbarrier.arrive $0xFFFF  }
0x2a: {  	[tilespmem:s24], [sflag:$0x1] =	stream.indirect.gather [spmem:s2], $0x10, s4, s23, $0xb8;
	[tilespmem:$0xC000] =	vst v63  }
0x2b: {  	_ = 	snop  }
0x2c: {  	[tilespmem:s25], [sflag:$0x2] =	stream.indirect.gather [spmem:s2], $0x10, s23, s23, $0xb8;
	[tilespmem:$0xC000] =	vst v63  }
0x2d: {  	s11 =	simm.s32 $0x100  }
0x2e: {  	[tilespmem:s28], [sflag:$0x3] =	stream.indirect.gather [spmem:s2], $0x10, s11, s23, $0xb8;
	[tilespmem:$0xC000] =	vst v63  }
0x2f: {  	s10 =	simm.s32 $0x180  }
0x30: {  	[tilespmem:s30], [sflag:$0x4] =	stream.indirect.gather [spmem:s2], $0x10, s10, s23, $0xb8;
	[tilespmem:$0xC000] =	vst v63  }
0x31: {  	_ =	swait.ge [sflag:s31], $0x800  }
0x32: {  	[sflag:s31] =	ssyncset.done $0x0  }
0x33: {  	s11 =	simm.s32 $0x2800;
	[sflag:s31] =	ssyncadd.s32 $0xFFFFF800  }
0x34: {  	[spmem:s3] =	stream.indirect.scatter.add.f32 [tilespmem:s24], [sflag:$0x5], $0x10, s11, s23, $0xb8;
	[tilespmem:$0xC000] =	vst v63  }
0x35: {  	_ =	swait.ge [sflag:s1], $0x800  }
0x36: {  	[sflag:s1] =	ssyncset.done $0x0  }
0x37: {  	s10 =	simm.s32 $0x2880;
	[sflag:s1] =	ssyncadd.s32 $0xFFFFF800  }
0x38: {  	[spmem:s3] =	stream.indirect.scatter.add.f32 [tilespmem:s25], [sflag:$0x6], $0x10, s10, s23, $0xb8;
	[tilespmem:$0xC000] =	vst v63  }
0x39: {  	_ =	swait.ge [sflag:s0], $0x800  }
0x3a: {  	[sflag:s0] =	ssyncset.done $0x0  }
0x3b: {  	s11 =	simm.s32 $0x2900;
	[sflag:s0] =	ssyncadd.s32 $0xFFFFF800  }
0x3c: {  	[spmem:s3] =	stream.indirect.scatter.add.f32 [tilespmem:s28], [sflag:$0x7], $0x10, s11, s23, $0xb8;
	[tilespmem:$0xC000] =	vst v63  }
0x3d: {  	_ =	swait.ge [sflag:s21], $0x800  }
0x3e: {  	[sflag:s21] =	ssyncset.done $0x0  }
0x3f: {  	s10 =	simm.s32 $0x2980;
	[sflag:s21] =	ssyncadd.s32 $0xFFFFF800  }
0x40: {  	[spmem:s3] =	stream.indirect.scatter.add.f32 [tilespmem:s30], [sflag:$0x8], $0x10, s10, s23, $0xb8;
	[tilespmem:$0xC000] =	vst v63  }
0x41: {  	_ =	swait.ge [sflag:s26], $0x800  }
0x42: {  	[sflag:s26] =	ssyncset.done $0x0  }
0x43: {  	s11 =	simm.s32 $0x200;
	[sflag:s26] =	ssyncadd.s32 $0xFFFFF800  }
0x44: {  	[tilespmem:s24], [sflag:$0x1] =	stream.indirect.gather [spmem:s2], $0x10, s11, s23, $0xb8;
	[tilespmem:$0xC000] =	vst v63  }
0x45: {  	_ =	swait.ge [sflag:s29], $0x800  }
0x46: {  	[sflag:s29] =	ssyncset.done $0x0  }
0x47: {  	s10 =	simm.s32 $0x280;
	[sflag:s29] =	ssyncadd.s32 $0xFFFFF800  }
0x48: {  	[tilespmem:s25], [sflag:$0x2] =	stream.indirect.gather [spmem:s2], $0x10, s10, s23, $0xb8;
	[tilespmem:$0xC000] =	vst v63  }
0x49: {  	_ =	swait.ge [sflag:s5], $0x800  }
0x4a: {  	[sflag:s5] =	ssyncset.done $0x0  }
0x4b: {  	s11 =	simm.s32 $0x300;
	[sflag:s5] =	ssyncadd.s32 $0xFFFFF800  }
0x4c: {  	[tilespmem:s28], [sflag:$0x3] =	stream.indirect.gather [spmem:s2], $0x10, s11, s23, $0xb8;
	[tilespmem:$0xC000] =	vst v63  }
0x4d: {  	_ =	swait.ge [sflag:s6], $0x800  }
0x4e: {  	[sflag:s6] =	ssyncset.done $0x0  }
0x4f: {  	s9 =	simm.s32 $0x800;
	s10 =	simm.s32 $0x380;
	[sflag:s6] =	ssyncadd.s32 $0xFFFFF800  }
.LBB2_2:
0x50: {  	[tilespmem:s30], [sflag:$0x4] =	stream.indirect.gather [spmem:s2], $0x10, s10, s23, $0xb8;
	[tilespmem:$0xC000] =	vst v63  }
0x51: {  	s10 =	smov.u32 s9  }
0x52: {  	p0 =	sne.s32 s9, $0x9000;
	s9 =	sadd.s32 $0x800, s9;
	_ =	swait.ge [sflag:s31], $0x800  }
0x53: {  	s10 =	sshra.s32 s10, $0x2;
	[sflag:s31] =	ssyncset.done $0x0  }
0x54: {  	s11 =	sadd.s32 $0x2800, s10;
	[sflag:s31] =	ssyncadd.s32 $0xFFFFF800  }
0x55: {  	[spmem:s3] =	stream.indirect.scatter.add.f32 [tilespmem:s24], [sflag:$0x5], $0x10, s11, s23, $0xb8;
	[tilespmem:$0xC000] =	vst v63  }
0x56: {  	_ =	swait.ge [sflag:s1], $0x800  }
0x57: {  	[sflag:s1] =	ssyncset.done $0x0  }
0x58: {  	s11 =	sadd.s32 $0x2880, s10;
	[sflag:s1] =	ssyncadd.s32 $0xFFFFF800  }
0x59: {  	[spmem:s3] =	stream.indirect.scatter.add.f32 [tilespmem:s25], [sflag:$0x6], $0x10, s11, s23, $0xb8;
	[tilespmem:$0xC000] =	vst v63  }
0x5a: {  	_ =	swait.ge [sflag:s0], $0x800  }
0x5b: {  	[sflag:s0] =	ssyncset.done $0x0  }
0x5c: {  	s11 =	sadd.s32 $0x2900, s10;
	[sflag:s0] =	ssyncadd.s32 $0xFFFFF800  }
0x5d: {  	[spmem:s3] =	stream.indirect.scatter.add.f32 [tilespmem:s28], [sflag:$0x7], $0x10, s11, s23, $0xb8;
	[tilespmem:$0xC000] =	vst v63  }
0x5e: {  	_ =	swait.ge [sflag:s21], $0x800  }
0x5f: {  	[sflag:s21] =	ssyncset.done $0x0  }
0x60: {  	s11 =	sadd.s32 $0x2980, s10;
	[sflag:s21] =	ssyncadd.s32 $0xFFFFF800  }
0x61: {  	[spmem:s3] =	stream.indirect.scatter.add.f32 [tilespmem:s30], [sflag:$0x8], $0x10, s11, s23, $0xb8;
	[tilespmem:$0xC000] =	vst v63  }
0x62: {  	_ =	swait.ge [sflag:s26], $0x800  }
0x63: {  	[sflag:s26] =	ssyncset.done $0x0  }
0x64: {  	s11 =	sadd.s32 $0x200, s10;
	[sflag:s26] =	ssyncadd.s32 $0xFFFFF800  }
0x65: {  	[tilespmem:s24], [sflag:$0x1] =	stream.indirect.gather [spmem:s2], $0x10, s11, s23, $0xb8;
	[tilespmem:$0xC000] =	vst v63  }
0x66: {  	_ =	swait.ge [sflag:s29], $0x800  }
0x67: {  	[sflag:s29] =	ssyncset.done $0x0  }
0x68: {  	s11 =	sadd.s32 $0x280, s10;
	[sflag:s29] =	ssyncadd.s32 $0xFFFFF800  }
0x69: {  	[tilespmem:s25], [sflag:$0x2] =	stream.indirect.gather [spmem:s2], $0x10, s11, s23, $0xb8;
	[tilespmem:$0xC000] =	vst v63  }
0x6a: {  	_ =	swait.ge [sflag:s5], $0x800  }
0x6b: {  	[sflag:s5] =	ssyncset.done $0x0  }
.Ltmp0:
0x6c: {  	s11 =	sadd.s32 $0x300, s10;
	[sflag:s5] =	ssyncadd.s32 $0xFFFFF800;
	(pc) =	sbr.rel @p0 .LBB2_2-.Ltmp0, $4  }
0x6d: {  	[tilespmem:s28], [sflag:$0x3] =	stream.indirect.gather [spmem:s2], $0x10, s11, s23, $0xb8;
	[tilespmem:$0xC000] =	vst v63  }
0x6e: {  	_ =	swait.ge [sflag:s6], $0x800  }
0x6f: {  	[sflag:s6] =	ssyncset.done $0x0  }
0x70: {  	s10 =	sadd.s32 $0x380, s10;
	[sflag:s6] =	ssyncadd.s32 $0xFFFFF800  }
0x71: {  	[tilespmem:s30], [sflag:$0x4] =	stream.indirect.gather [spmem:s2], $0x10, s10, s23, $0xb8;
	[tilespmem:$0xC000] =	vst v63  }
0x72: {  	_ =	swait.ge [sflag:s31], $0x800  }
0x73: {  	[sflag:s31] =	ssyncset.done $0x0  }
0x74: {  	s9 =	simm.s32 $0x4E00;
	[sflag:s31] =	ssyncadd.s32 $0xFFFFF800  }
0x75: {  	[spmem:s3] =	stream.indirect.scatter.add.f32 [tilespmem:s24], [sflag:$0x5], $0x10, s9, s23, $0xb8;
	[tilespmem:$0xC000] =	vst v63  }
0x76: {  	_ =	swait.ge [sflag:s1], $0x800  }
0x77: {  	[sflag:s1] =	ssyncset.done $0x0  }
0x78: {  	s11 =	simm.s32 $0x4E80;
	[sflag:s1] =	ssyncadd.s32 $0xFFFFF800  }
0x79: {  	[spmem:s3] =	stream.indirect.scatter.add.f32 [tilespmem:s25], [sflag:$0x6], $0x10, s11, s23, $0xb8;
	[tilespmem:$0xC000] =	vst v63  }
0x7a: {  	_ =	swait.ge [sflag:s0], $0x800  }
0x7b: {  	[sflag:s0] =	ssyncset.done $0x0  }
0x7c: {  	s10 =	simm.s32 $0x4F00;
	[sflag:s0] =	ssyncadd.s32 $0xFFFFF800  }
0x7d: {  	[spmem:s3] =	stream.indirect.scatter.add.f32 [tilespmem:s28], [sflag:$0x7], $0x10, s10, s23, $0xb8;
	[tilespmem:$0xC000] =	vst v63  }
0x7e: {  	_ =	swait.ge [sflag:s21], $0x800  }
0x7f: {  	[sflag:s21] =	ssyncset.done $0x0  }
0x80: {  	s11 =	simm.s32 $0x4F80;
	[sflag:s21] =	ssyncadd.s32 $0xFFFFF800  }
0x81: {  	[spmem:s3] =	stream.indirect.scatter.add.f32 [tilespmem:s30], [sflag:$0x8], $0x10, s11, s23, $0xb8;
	[tilespmem:$0xC000] =	vst v63  }
0x82: {  	_ =	swait.ge [sflag:s26], $0x800  }
0x83: {  	[sflag:s26] =	ssyncset.done $0x0  }
0x84: {  	[sflag:s26] =	ssyncadd.s32 $0xFFFFF800  }
0x85: {  	_ =	swait.ge [sflag:s29], $0x800  }
0x86: {  	[sflag:s29] =	ssyncset.done $0x0  }
0x87: {  	[sflag:s29] =	ssyncadd.s32 $0xFFFFF800  }
0x88: {  	_ =	swait.ge [sflag:s5], $0x800  }
0x89: {  	[sflag:s5] =	ssyncset.done $0x0  }
0x8a: {  	[sflag:s5] =	ssyncadd.s32 $0xFFFFF800  }
0x8b: {  	_ =	swait.ge [sflag:s6], $0x800  }
0x8c: {  	[sflag:s6] =	ssyncset.done $0x0  }
0x8d: {  	[sflag:s6] =	ssyncadd.s32 $0xFFFFF800  }
0x8e: {  	[bflag:$0x0] =	sbarrier.arrive $0xFFFF  }
0x8f: {  	[tilespmem:s24], [sflag:$0x9] =	stream.linear.gather [spmem:s8], $0x800, $0x38;
	[tilespmem:$0xC000] =	vst v63  }
0x90: {  	_ =	swait.ge [sflag:s20], $0x800  }
0x91: {  	[sflag:s20] =	ssyncset.done $0x0  }
0x92: {  	s10 =	rddreg [dreg:$0x8];
	[sflag:s20] =	ssyncadd.s32 $0xFFFFF800  }
0x93: {  	[hbm4b:s10+s4] =	stream.linear.scatter [tilespmem:s24], [sflag:$0x1], $0x800, $0x38;
	[tilespmem:$0xC000] =	vst v63  }
0x94: {  	s11 =	rddreg [dreg:$0x9]  }
0x95: {  	[tilespmem:s25], [sflag:$0x9] =	stream.linear.gather [spmem:s11], $0x800, $0x38;
	[tilespmem:$0xC000] =	vst v63  }
0x96: {  	_ =	swait.ge [sflag:s20], $0x800  }
0x97: {  	[sflag:s20] =	ssyncset.done $0x0  }
0x98: {  	[sflag:s20] =	ssyncadd.s32 $0xFFFFF800  }
0x99: {  	[hbm4b:s12+s4] =	stream.linear.scatter [tilespmem:s25], [sflag:$0x2], $0x800, $0x38;
	[tilespmem:$0xC000] =	vst v63  }
0x9a: {  	_ =	swait.ge [sflag:s31], $0x800  }
0x9b: {  	[sflag:s31] =	ssyncset.done $0x0  }
0x9c: {  	[sflag:s31] =	ssyncadd.s32 $0xFFFFF800  }
0x9d: {  	[tilespmem:s24], [sflag:$0x9] =	stream.linear.gather [spmem:s13], $0x800, $0x38;
	[tilespmem:$0xC000] =	vst v63  }
0x9e: {  	_ =	swait.ge [sflag:s20], $0x800  }
0x9f: {  	[sflag:s20] =	ssyncset.done $0x0  }
0xa0: {  	[sflag:s20] =	ssyncadd.s32 $0xFFFFF800  }
0xa1: {  	[hbm4b:s14+s4] =	stream.linear.scatter [tilespmem:s24], [sflag:$0x1], $0x800, $0x38;
	[tilespmem:$0xC000] =	vst v63  }
0xa2: {  	_ =	swait.ge [sflag:s1], $0x800  }
0xa3: {  	[sflag:s1] =	ssyncset.done $0x0  }
0xa4: {  	[sflag:s1] =	ssyncadd.s32 $0xFFFFF800  }
0xa5: {  	[tilespmem:s25], [sflag:$0x9] =	stream.linear.gather [spmem:s15], $0x800, $0x38;
	[tilespmem:$0xC000] =	vst v63  }
0xa6: {  	_ =	swait.ge [sflag:s20], $0x800  }
0xa7: {  	[sflag:s20] =	ssyncset.done $0x0  }
0xa8: {  	[sflag:s20] =	ssyncadd.s32 $0xFFFFF800  }
0xa9: {  	[hbm4b:s16+s4] =	stream.linear.scatter [tilespmem:s25], [sflag:$0x2], $0x800, $0x38;
	[tilespmem:$0xC000] =	vst v63  }
0xaa: {  	_ =	swait.ge [sflag:s31], $0x800  }
0xab: {  	[sflag:s31] =	ssyncset.done $0x0  }
0xac: {  	[sflag:s31] =	ssyncadd.s32 $0xFFFFF800  }
0xad: {  	[tilespmem:s24], [sflag:$0x9] =	stream.linear.gather [spmem:s17], $0x800, $0x38;
	[tilespmem:$0xC000] =	vst v63  }
0xae: {  	_ =	swait.ge [sflag:s20], $0x800  }
0xaf: {  	[sflag:s20] =	ssyncset.done $0x0  }
0xb0: {  	s7 =	sadd.s32 $0x1, s7;
	[sflag:s20] =	ssyncadd.s32 $0xFFFFF800  }
0xb1: {  	[hbm4b:s18+s4] =	stream.linear.scatter [tilespmem:s24], [sflag:$0x1], $0x800, $0x38;
	[tilespmem:$0xC000] =	vst v63  }
0xb2: {  	p0 =	sne.s32 s7, s19;
	_ =	swait.ge [sflag:s1], $0x800  }
.Ltmp1:
0xb3: {  	[sflag:s1] =	ssyncset.done $0x0;
	(pc) =	sbr.rel @p0 .LBB2_1-.Ltmp1, $4  }
0xb4: {  	[sflag:s1] =	ssyncadd.s32 $0xFFFFF800  }
0xb5: {  	_ =	swait.ge [sflag:s31], $0x800  }
0xb6: {  	[sflag:s31] =	ssyncset.done $0x0  }
0xb7: {  	[sflag:s31] =	ssyncadd.s32 $0xFFFFF800  }
0xb8: {  	_ =	sfence.sel $0x180000  }
0xb9: {  	[bflag:$0x0] =	sbarrier.arrive $0xFFFF  }
0xba: {  	_ =	strace $0x9000004D  }
0xbb: {  	s0 =	stileid.u32;
	[bflag:$0x2] =	sbarrier.arrive $0xFFFF  }
0xbc: {  	p0 =	sne.s32 s0, $0x0;
	s0 =	rddreg [dreg:$0x3]  }
0xbd: {  	s0 =	sadd.s32 @!p0 $0x100000, s0  }
0xbe: {  	[sflag:s0] =	ssyncadd.tile.s32 @!p0 $0x1;
	_ =	shalt  }
.Lfunc_end2:
_tile_overlayer_lowered:
.L_overlay_start_2:
0xbf: {  	(tag) =	ssettag $0x2  }
0xc0: {  	s0 =	rddreg [dreg:$0x0];
	s2 =	stileid.u32  }
0xc1: {  	s1 =	rddreg [dreg:$0x1];
	p0 =	sne.s32 s2, $0x0  }
0xc2: {  	s3 =	rddreg [dreg:$0x2];
	[bflag:$0x3] =	sbarrier.arrive $0xFFFF;
	s2 =	simm.s32 @!p0 $0x1C09  }
0xc3: {  	[timem:s3], [sflag:s2] =	dma.local @!p0 [hbm:s0], s1  }
0xc4: {  	s0 =	simm.s32 @!p0 $0x9  }
0xc5: {  	_ =	swait.ge @!p0 [sflag:s0], s1  }
0xc6: {  	s1 =	ssub.s32 @!p0 $0x0, s1;
	[sflag:s0] =	ssyncset.done @!p0 $0x0  }
0xc7: {  	[sflag:s0] =	ssyncadd.s32 @!p0 s1  }
0xc8: {  	[bflag:$0x3] =	sbarrier.arrive $0xFFFF  }
0xc9: {  	_ =	shalt  }

// kernel: kernel.9.cloned.1.call-start
scs
__scs_entry_jumppad:
0x0: {  	(pc) =	sbr.rel $0x88, $3  }
0x1: {  	(tag) =	ssettag $0x0;
	lr =	simm.s32 $0x1  }
0x2: {  	[smem:$0x3F9B] =	sst lr;
	_ =	strace $0xD0000000  }
0x3: {  	_ = 	snop  }
0x4: {  	_ = 	snop  }
0x5: {  	_ = 	snop  }
0x6: {  	_ = 	snop  }
0x7: {  	_ = 	snop  }
__scs_overlays_trampoline_lowered:
0x8: {  	[smem:$0x3FAA] =	sst s0  }
0x9: {  	[smem:$0x3FAB] =	sst s1  }
0xa: {  	[smem:$0x3FAC] =	sst s2  }
0xb: {  	[smem:$0x3FAD] =	sst s3  }
0xc: {  	[smem:$0x3FAE] =	sst s4  }
0xd: {  	[smem:$0x3FAF] =	sst s5  }
0xe: {  	[smem:$0x3FB0] =	sst s6  }
0xf: {  	[smem:$0x3FB1] =	sst s7  }
0x10: {  	[smem:$0x3FB2] =	sst s8  }
0x11: {  	[smem:$0x3FB3] =	sst s9;
	s0 =	simm.s32 @!p0 $0x0  }
0x12: {  	s1 =	sld [smem:$0x3F99];
	s0 =	simm.s32 @p0 $0x1  }
0x13: {  	[smem:$0x3FB4] =	sst s0;
	s0 =	simm.s32 @!p1 $0x0  }
0x14: {  	s2 =	sld [smem:$0x3F98];
	s0 =	simm.s32 @p1 $0x1  }
0x15: {  	[smem:$0x3FB5] =	sst s0;
	s0 =	simm.s32 @!p2 $0x0  }
0x16: {  	s3 =	sld [smem:$0x3FDB];
	s0 =	simm.s32 @p2 $0x1  }
0x17: {  	s4 =	simm.s32 $0x1BF5;
	[smem:$0x3FB7] =	sst s0  }
0x18: {  	s0 =	sld [smem:$0x3F9A];
	_ =	swait.ge [sflag:s4], $0x0  }
0x19: {  	s7 =	sld [smem:$0x3F9B]  }
0x1a: {  	s8 =	sadd.s32 $0xFFFFE003, lr  }
0x1b: {  	s9 =	sadd.s32 $0xFFFFFEF7, lr;
	s5 =	simm.s32 $0xFFFFFFFF;
	p2 =	slt.u32 s8, $0xFFFFF086  }
0x1c: {  	p1 =	slt.u32 s9, $0xF7A;
	s5 =	simm.s32 @!p2 $0x0  }
0x1d: {  	s5 =	simm.s32 @p1 $0x1;
	p0 =	seq.s32 s7, s2  }
0x1e: {  	s7 =	smul.u32 @!p0 $0xF7A, s2;
	p2 =	seq.s32 @!p0 s5, $0x0  }
0x1f: {  	s9 =	smul.u32 $0xF7A, s1;
	s8 =	simm.s32 @!p0 $0x1BF5;
	p2 =	por !p2, p0  }
0x20: {  	[sflag:s8] =	ssyncset.s32 @!p0 $0xFFFFF086;
	s6 =	sadd.s32 @!p0 s3, s7;
	s7 =	simm.s32 @!p0 $0x108  }
0x21: {  	s3 =	sadd.s32 s3, s9;
	s6 =	sadd.s32 @!p0 $0x88, s6;
	s7 =	simm.s32 @p2 $0x1082  }
0x22: {  	[simem:s7], [sflag:s8] =	dma.local @!p0 [hbm:s6], $0xF7A  }
0x23: {  	s9 =	sor.u32 $0xD0000000, s2;
	s6 =	simm.s32 $0x108;
	_ =	swait.ge @!p0 [sflag:s8], $0x0  }
0x24: {  	s3 =	sadd.s32 $0x88, s3;
	s6 =	simm.s32 @!p1 $0x1082;
	[sflag:s4] =	ssyncset.s32 $0xFFFFF086  }
0x25: {  	[simem:s6], [sflag:s4] =	dma.local [hbm:s3], $0xF7A  }
0x26: {  	[smem:$0x3F9B] =	sst s1;
	(tag) =	ssettag s2;
	_ =	strace s9  }
0x27: {  	s1 =	sld [smem:$0x3FAB]  }
0x28: {  	s2 =	sld [smem:$0x3FAC]  }
0x29: {  	s4 =	sld [smem:$0x3FAE]  }
0x2a: {  	p0 =	seq.s32 s5, $0x0;
	s5 =	sld [smem:$0x3FAF]  }
0x2b: {  	s6 =	sld [smem:$0x3FB0]  }
0x2c: {  	s7 =	sld [smem:$0x3FB1]  }
0x2d: {  	s3 =	simm.s32 $0x108;
	s8 =	sld [smem:$0x3FB2]  }
0x2e: {  	s3 =	simm.s32 @!p0 $0x1082;
	s9 =	sld [smem:$0x3FB3]  }
0x2f: {  	lr =	sadd.s32 s0, s3;
	s0 =	sld [smem:$0x3FAA]  }
0x30: {  	s3 =	sld [smem:$0x3FAD]  }
0x31: {  	[smem:$0x3FB6] =	sst s10  }
0x32: {  	s10 =	sld [smem:$0x3FB4];
	_ =	sdelay $0x3  }
0x33: {  	p0 =	seq.s32 s10, $0x1;
	s10 =	sld [smem:$0x3FB6];
	_ =	sdelay $0x3  }
0x34: {  	[smem:$0x3FB6] =	sst s10  }
0x35: {  	s10 =	sld [smem:$0x3FB5];
	_ =	sdelay $0x3  }
0x36: {  	p1 =	seq.s32 s10, $0x1;
	s10 =	sld [smem:$0x3FB6];
	_ =	sdelay $0x3  }
0x37: {  	[smem:$0x3FB6] =	sst s10  }
0x38: {  	s10 =	sld [smem:$0x3FB7]  }
0x39: {  	_ = 	snop;
	(pc) =	sbr.ind lr, $3  }
0x3a: {  	_ = 	snop  }
0x3b: {  	_ = 	snop  }
0x3c: {  	p2 =	seq.s32 s10, $0x1;
	s10 =	sld [smem:$0x3FB6]  }
0x3d: {  	_ =	shalt  }
0x3e: {  	_ =	shalt  }
0x3f: {  	_ =	shalt  }
0x40: {  	_ =	shalt  }
0x41: {  	_ =	shalt  }
0x42: {  	_ =	shalt  }
0x43: {  	_ =	shalt  }
0x44: {  	_ =	shalt  }
0x45: {  	_ =	shalt  }
0x46: {  	_ =	shalt  }
0x47: {  	_ =	shalt  }
0x48: {  	_ =	shalt  }
0x49: {  	_ =	shalt  }
0x4a: {  	_ =	shalt  }
0x4b: {  	_ =	shalt  }
0x4c: {  	_ =	shalt  }
0x4d: {  	_ =	shalt  }
0x4e: {  	_ =	shalt  }
0x4f: {  	_ =	shalt  }
0x50: {  	_ =	shalt  }
0x51: {  	_ =	shalt  }
0x52: {  	_ =	shalt  }
0x53: {  	_ =	shalt  }
0x54: {  	_ =	shalt  }
0x55: {  	_ =	shalt  }
0x56: {  	_ =	shalt  }
0x57: {  	_ =	shalt  }
0x58: {  	_ =	shalt  }
0x59: {  	_ =	shalt  }
0x5a: {  	_ =	shalt  }
0x5b: {  	_ =	shalt  }
0x5c: {  	_ =	shalt  }
0x5d: {  	_ =	shalt  }
0x5e: {  	_ =	shalt  }
0x5f: {  	_ =	shalt  }
0x60: {  	_ =	shalt  }
0x61: {  	_ =	shalt  }
0x62: {  	_ =	shalt  }
0x63: {  	_ =	shalt  }
0x64: {  	_ =	shalt  }
0x65: {  	_ =	shalt  }
0x66: {  	_ =	shalt  }
0x67: {  	_ =	shalt  }
0x68: {  	_ =	shalt  }
0x69: {  	_ =	shalt  }
0x6a: {  	_ =	shalt  }
0x6b: {  	_ =	shalt  }
0x6c: {  	_ =	shalt  }
0x6d: {  	_ =	shalt  }
0x6e: {  	_ =	shalt  }
0x6f: {  	_ =	shalt  }
0x70: {  	_ =	shalt  }
0x71: {  	_ =	shalt  }
0x72: {  	_ =	shalt  }
0x73: {  	_ =	shalt  }
0x74: {  	_ =	shalt  }
0x75: {  	_ =	shalt  }
0x76: {  	_ =	shalt  }
0x77: {  	_ =	shalt  }
0x78: {  	_ =	shalt  }
0x79: {  	_ =	shalt  }
0x7a: {  	_ =	shalt  }
0x7b: {  	_ =	shalt  }
0x7c: {  	_ =	shalt  }
0x7d: {  	_ =	shalt  }
0x7e: {  	_ =	shalt  }
0x7f: {  	_ =	shalt  }
0x80: {  	_ =	shalt  }
0x81: {  	_ =	shalt  }
0x82: {  	_ =	shalt  }
0x83: {  	_ =	shalt  }
0x84: {  	_ =	shalt  }
0x85: {  	_ =	shalt  }
0x86: {  	_ =	shalt  }
0x87: {  	_ =	shalt  }
.Lfunc_end0:
.L_simem_size_0:
called_computation_lowered:
.L_overlay_start_0:
0x88: {  	s2 =	sld [smem:$0x3FD9]  }
0x89: {  	s3 =	sld [smem:$0x3FFE];
	_ =	sdelay $0x1  }
0x8a: {  	s1 =	srdreg.scid  }
0x8b: {  	s0 =	sand.u32 $0x1, s1  }
0x8c: {  	s17 =	sshll.u32 s0, $0xA;
	s2 =	sadd.s32 s3, s2  }
0x8d: {  	s2 =	sadd.s32 s2, s17  }
0x8e: {  	[smem:$0x3FC2] =	sst s2  }
0x8f: {  	_ = 	snop  }
0x90: {  	s2 =	sld [smem:$0x3FD0];
	(tm) =	ssettm $0x1  }
0x91: {  	s18 =	sld [smem:$0x3FFB];
	_ =	sdelay $0x3  }
0x92: {  	_ =	strace s18  }
0x93: {  	s3 =	sld [smem:$0x3FFC];
	_ =	sdelay $0x3  }
0x94: {  	_ =	strace s3  }
0x95: {  	s3 =	sld [smem:$0x3FFD];
	_ =	sdelay $0x3  }
0x96: {  	_ =	strace s3  }
0x97: {  	_ =	strace $0x8FFFFFFF  }
0x98: {  	s19 =	sld [smem:$0x3FDB];
	_ =	sdelay $0x1  }
0x99: {  	s4 =	simm.s32 $_scs_section_size  }
0x9a: {  	s5 =	simm.s32 $_size__tile_overlayer_lowered;
	s6 =	simm.s32 $_tile_overlayer_lowered  }
0x9b: {  	s22 =	simm.s32 $0x1BFF;
	s21 =	sshll.u32 s6, $0x1;
	s3 =	sadd.s32 s4, s19  }
0x9c: {  	s7 =	simm.s32 $0x0;
	s20 =	sshll.u32 s5, $0x1;
	s5 =	sadd.s32 s21, s3  }
0x9d: {  	[timem:s7], [sflag:s22] =	dma.local [hbm:s5], s20  }
0x9e: {  	_ =	swait.ge [sflag:s22], s20  }
0x9f: {  	s4 =	ssub.s32 $0x0, s20;
	[sflag:s22] =	ssyncset.done $0x0  }
0xa0: {  	[sflag:s22] =	ssyncadd.s32 s4;
	_ =	sdelay $0x1  }
0xa1: {  	s23 =	simm.s32 $0x1B8B  }
0xa2: {  	_ =	swait.ge [sflag:s23], $0x1  }
0xa3: {  	[sflag:s23] =	ssyncset.done $0x0  }
0xa4: {  	s25 =	simm.s32 $0x1B8E;
	s24 =	sld [smem:$0x3FFE];
	[sflag:s23] =	ssyncadd.s32 $0xFFFFFFFF  }
0xa5: {  	s26 =	simm.s32 $execute0_lowered;
	[smem:$0x3FD2] =	sst s25  }
0xa6: {  	s5 =	sshll.u32 s26, $0x1;
	_ =	strace $0x80000046;
	[dreg:$0x1] =	wrdreg $0xFFFFFFFF  }
0xa7: {  	s28 =	simm.s32 $_size_execute0_lowered;
	s3 =	sadd.s32 s3, s5;
	[dreg:$0x0] =	wrdreg $0x0  }
0xa8: {  	s5 =	sshll.u32 s28, $0x1;
	[dreg:$0x2] =	wrdreg s3  }
0xa9: {  	[dreg:$0x3] =	wrdreg s5  }
0xaa: {  	[dreg:$0x4] =	wrdreg $0xC0  }
0xab: {  	_ =	task [dreg:s7], $0x5FFFF  }
0xac: {  	[dreg:$0x1] =	wrdreg $0xFFFFFFFF  }
0xad: {  	[dreg:$0x0] =	wrdreg $0x60  }
0xae: {  	[dreg:$0x2] =	wrdreg s24  }
0xaf: {  	[dreg:$0x3] =	wrdreg s2  }
0xb0: {  	[dreg:$0x4] =	wrdreg $0x40000  }
0xb1: {  	[dreg:$0x5] =	wrdreg $0x9  }
0xb2: {  	_ =	task.clear_ibuf [dreg:s7], $0x6FFFF;
	_ =	strace $0x90000046  }
0xb3: {  	s29 =	simm.s32 $0x9;
	_ =	strace $0x80000048  }
0xb4: {  	_ =	swait.ge [sflag:s29], $0x1  }
0xb5: {  	[sflag:s29] =	ssyncadd.s32 $0xFFFFFFFF  }
0xb6: {  	_ =	strace $0x90000048  }
0xb7: {  	_ =	sfence  }
0xb8: {  	s30 =	sld [smem:$0x0];
	_ =	sdelay $0x2  }
0xb9: {  	s31 =	sshll.u32 s1, $0xD;
	s1 =	sshrl.u32 s1, $0x2  }
0xba: {  	s3 =	sand.u32 $0x4000, s31;
	s1 =	sadd.s32 s1, s30  }
0xbb: {  	s0 =	sor.u32 s3, s0;
	s1 =	sshll.u32 s1, $0x11  }
0xbc: {  	s0 =	sor.u32 s1, s0  }
0xbd: {  	s0 =	sadd.s32 $0x8F2B, s0  }
0xbe: {  	[sflag:s0] =	ssyncadd.remote.s32 $0x1  }
0xbf: {  	_ =	sfence.sel $0xFFFF  }
0xc0: {  	[dreg:$0x0] =	wrdreg $0xFFFFFFFF;
	(pc) =	sbr.abs _section_cstart, $3  }
0xc1: {  	[dreg:$0x1] =	wrdreg $0xFFFFFFFF  }
0xc2: {  	_ =	task.clear_ibuf [dreg:s7], $0x2FFFF;
	_ =	strace $0x9FFFFFFF  }
0xc3: {  	(tm) =	ssettm $0x7FFFFFFF  }
tec
execute0_lowered:
.L_overlay_start_1:
0x0: {  	(tag) =	ssettag $0x1  }
0x1: {  	s0 =	srdreg.scid;
	s2 =	rddreg [dreg:$0x0]  }
0x2: {  	s20 =	stileid.u32;
	s3 =	rddreg [dreg:$0x2];
	s4 =	simm.s32 $0x0  }
0x3: {  	s18 =	simm.s32 $0x5;
	s19 =	simm.s32 $0x2800;
	s22 =	simm.s32 $0x80  }
0x4: {  	s28 =	simm.s32 $0x3;
	s29 =	simm.s32 $0x4;
	s6 =	smul.u32 $0x2800, s20  }
0x5: {  	s30 =	simm.s32 $0x3000;
	s31 =	simm.s32 $0x3800;
	s5 =	smul.u32 $0x280, s20  }
0x6: {  	s0 =	sand.u32 $0x1, s0;
	[smem:$0x7FF] =	sst s4;
	s9 =	smul.u32 $0xA000, s20  }
0x7: {  	s26 =	sshll.u32 s20, $0x6;
	s1 =	sshll.u32 s0, $0x4;
	s7 =	smul.u32 $0x2800, s0  }
0x8: {  	_ =	strace $0x80000047;
	s0 =	ssub.s32 $0x2, s0;
	s1 =	sor.u32 s20, s1  }
0x9: {  	s8 =	sshrl.u32 s6, $0x3;
	s24 =	sshrl.u32 s0, $0x1;
	s6 =	sadd.s32 s6, s3  }
0xa: {  	s25 =	sshrl.u32 s9, $0x2;
	s20 =	sor.u32 $0x1C05, s26;
	s26 =	simm.s32 $0x2  }
0xb: {  	s1 =	smul.u32 $0x500, s1;
	s5 =	sadd.s32 s5, s7;
	s8 =	sadd.s32 s8, s2  }
0xc: {  	s0 =	ssub.s32 s0, s24;
	s21 =	sshrl.u32 s6, $0x3;
	s24 =	simm.s32 $0x180  }
0xd: {  	s5 =	sshll.u32 s5, $0x1;
	s7 =	sadd.s32 $0xC200, s8;
	s1 =	sadd.s32 s1, s2  }
0xe: {  	s17 =	smax.u32 s0, $0x1;
	s2 =	sadd.s32 s5, s2;
	s5 =	sadd.s32 $0x2200, s1  }
0xf: {  	s8 =	sadd.s32 $0x11200, s2;
	s1 =	sadd.s32 s25, s3;
	s10 =	sadd.s32 $0x11300, s2  }
0x10: {  	s12 =	sadd.s32 $0x11400, s2;
	s14 =	sadd.s32 $0x11500, s2;
	s16 =	sadd.s32 $0x11600, s2  }
0x11: {  	s25 =	simm.s32 $0x1;
	s9 =	sadd.s32 $0x800, s1;
	s11 =	sadd.s32 $0x1000, s1  }
0x12: {  	s13 =	sadd.s32 $0x1800, s1;
	s15 =	sadd.s32 $0x2000, s1;
	s1 =	simm.s32 $0x0  }
.LBB2_1:
0x13: {  	[tilespmem:s4], [sflag:$0x5] =	stream.linear.gather [hbm4b:s5+s4], $0x2800, $0x38;
	[tilespmem:$0x6800] =	vst v63  }
0x14: {  	_ =	swait.ge [sflag:s18], $0x2800  }
0x15: {  	[sflag:s18] =	ssyncset.done $0x0  }
0x16: {  	[sflag:s18] =	ssyncadd.s32 $0xFFFFD800  }
0x17: {  	s0 =	rddreg [dreg:$0x1]  }
0x18: {  	[tilespmem:s19], [sflag:$0x5] =	stream.linear.gather [hbm4b:s0+s4], $0x800, $0x38;
	[tilespmem:$0x6800] =	vst v63  }
0x19: {  	_ =	swait.ge [sflag:s18], $0x800  }
0x1a: {  	[sflag:s18] =	ssyncset.done $0x0  }
0x1b: {  	[sflag:s18] =	ssyncadd.s32 $0xFFFFF800  }
0x1c: {  	[spmem:s21], [sflag:s20] =	dma.local [hbm:s7], $0x500  }
0x1d: {  	_ =	swait.ge [sflag:s18], $0x500  }
0x1e: {  	[sflag:s18] =	ssyncset.done $0x0  }
0x1f: {  	[sflag:s18] =	ssyncadd.s32 $0xFFFFFB00  }
0x20: {  	[bflag:$0x0] =	sbarrier.arrive $0xFFFF  }
0x21: {  	[spmem:s3] =	stream.indirect.scatter.add.f32 [tilespmem:s19], [sflag:$0x1], $0x10, s4, s22, $0xb8;
	[tilespmem:$0x6800] =	vst v63  }
0x22: {  	_ = 	snop  }
0x23: {  	[spmem:s3] =	stream.indirect.scatter.add.f32 [tilespmem:s19], [sflag:$0x2], $0x10, s22, s22, $0xb8;
	[tilespmem:$0x6800] =	vst v63  }
0x24: {  	s2 =	simm.s32 $0x100  }
0x25: {  	[spmem:s3] =	stream.indirect.scatter.add.f32 [tilespmem:s19], [sflag:$0x3], $0x10, s2, s22, $0xb8;
	[tilespmem:$0x6800] =	vst v63  }
0x26: {  	_ = 	snop  }
0x27: {  	[spmem:s3] =	stream.indirect.scatter.add.f32 [tilespmem:s19], [sflag:$0x4], $0x10, s24, s22, $0xb8;
	[tilespmem:$0x6800] =	vst v63  }
0x28: {  	_ =	swait.ge [sflag:s25], $0x800  }
0x29: {  	[sflag:s25] =	ssyncset.done $0x0  }
0x2a: {  	s23 =	simm.s32 $0x200;
	[sflag:s25] =	ssyncadd.s32 $0xFFFFF800  }
0x2b: {  	[spmem:s3] =	stream.indirect.scatter.add.f32 [tilespmem:s19], [sflag:$0x1], $0x10, s23, s22, $0xb8;
	[tilespmem:$0x6800] =	vst v63  }
0x2c: {  	_ =	swait.ge [sflag:s26], $0x800  }
0x2d: {  	[sflag:s26] =	ssyncset.done $0x0  }
0x2e: {  	s2 =	simm.s32 $0x280;
	[sflag:s26] =	ssyncadd.s32 $0xFFFFF800  }
0x2f: {  	[spmem:s3] =	stream.indirect.scatter.add.f32 [tilespmem:s19], [sflag:$0x2], $0x10, s2, s22, $0xb8;
	[tilespmem:$0x6800] =	vst v63  }
0x30: {  	_ =	swait.ge [sflag:s28], $0x800  }
0x31: {  	[sflag:s28] =	ssyncset.done $0x0  }
0x32: {  	s23 =	simm.s32 $0x300;
	[sflag:s28] =	ssyncadd.s32 $0xFFFFF800  }
0x33: {  	[spmem:s3] =	stream.indirect.scatter.add.f32 [tilespmem:s19], [sflag:$0x3], $0x10, s23, s22, $0xb8;
	[tilespmem:$0x6800] =	vst v63  }
0x34: {  	_ =	swait.ge [sflag:s29], $0x800  }
0x35: {  	[sflag:s29] =	ssyncset.done $0x0  }
0x36: {  	s0 =	simm.s32 $0xFFFF7000;
	s2 =	simm.s32 $0x380;
	[sflag:s29] =	ssyncadd.s32 $0xFFFFF800  }
.LBB2_2:
0x37: {  	[spmem:s3] =	stream.indirect.scatter.add.f32 [tilespmem:s19], [sflag:$0x4], $0x10, s2, s22, $0xb8;
	[tilespmem:$0x6800] =	vst v63  }
0x38: {  	s2 =	smov.u32 s0  }
0x39: {  	p0 =	sne.s32 s0, $0xFFFFF800;
	s0 =	sadd.s32 $0x800, s0;
	_ =	swait.ge [sflag:s25], $0x800  }
0x3a: {  	s2 =	sshra.s32 s2, $0x2;
	[sflag:s25] =	ssyncset.done $0x0  }
0x3b: {  	s23 =	sadd.s32 $0x2800, s2;
	[sflag:s25] =	ssyncadd.s32 $0xFFFFF800  }
0x3c: {  	[spmem:s3] =	stream.indirect.scatter.add.f32 [tilespmem:s19], [sflag:$0x1], $0x10, s23, s22, $0xb8;
	[tilespmem:$0x6800] =	vst v63  }
0x3d: {  	_ =	swait.ge [sflag:s26], $0x800  }
0x3e: {  	[sflag:s26] =	ssyncset.done $0x0  }
0x3f: {  	s23 =	sadd.s32 $0x2880, s2;
	[sflag:s26] =	ssyncadd.s32 $0xFFFFF800  }
0x40: {  	[spmem:s3] =	stream.indirect.scatter.add.f32 [tilespmem:s19], [sflag:$0x2], $0x10, s23, s22, $0xb8;
	[tilespmem:$0x6800] =	vst v63  }
0x41: {  	_ =	swait.ge [sflag:s28], $0x800  }
0x42: {  	[sflag:s28] =	ssyncset.done $0x0  }
.Ltmp0:
0x43: {  	s23 =	sadd.s32 $0x2900, s2;
	[sflag:s28] =	ssyncadd.s32 $0xFFFFF800;
	(pc) =	sbr.rel @p0 .LBB2_2-.Ltmp0, $4  }
0x44: {  	[spmem:s3] =	stream.indirect.scatter.add.f32 [tilespmem:s19], [sflag:$0x3], $0x10, s23, s22, $0xb8;
	[tilespmem:$0x6800] =	vst v63  }
0x45: {  	_ =	swait.ge [sflag:s29], $0x800  }
0x46: {  	[sflag:s29] =	ssyncset.done $0x0  }
0x47: {  	s2 =	sadd.s32 $0x2980, s2;
	[sflag:s29] =	ssyncadd.s32 $0xFFFFF800  }
0x48: {  	[spmem:s3] =	stream.indirect.scatter.add.f32 [tilespmem:s19], [sflag:$0x4], $0x10, s2, s22, $0xb8;
	[tilespmem:$0x6800] =	vst v63  }
0x49: {  	_ =	swait.ge [sflag:s25], $0x800  }
0x4a: {  	[sflag:s25] =	ssyncset.done $0x0  }
0x4b: {  	[sflag:s25] =	ssyncadd.s32 $0xFFFFF800  }
0x4c: {  	_ =	swait.ge [sflag:s26], $0x800  }
0x4d: {  	[sflag:s26] =	ssyncset.done $0x0  }
0x4e: {  	[sflag:s26] =	ssyncadd.s32 $0xFFFFF800  }
0x4f: {  	_ =	swait.ge [sflag:s28], $0x800  }
0x50: {  	[sflag:s28] =	ssyncset.done $0x0  }
0x51: {  	[sflag:s28] =	ssyncadd.s32 $0xFFFFF800  }
0x52: {  	_ =	swait.ge [sflag:s29], $0x800  }
0x53: {  	[sflag:s29] =	ssyncset.done $0x0  }
0x54: {  	[sflag:s29] =	ssyncadd.s32 $0xFFFFF800  }
0x55: {  	[bflag:$0x0] =	sbarrier.arrive $0xFFFF  }
0x56: {  	[tilespmem:s30], [sflag:$0x5] =	stream.linear.gather [spmem:s6], $0x800, $0x38;
	[tilespmem:$0x6800] =	vst v63  }
0x57: {  	_ =	swait.ge [sflag:s18], $0x800  }
0x58: {  	[sflag:s18] =	ssyncset.done $0x0  }
0x59: {  	[sflag:s18] =	ssyncadd.s32 $0xFFFFF800  }
0x5a: {  	[hbm4b:s8+s4] =	stream.linear.scatter [tilespmem:s30], [sflag:$0x1], $0x800, $0x38;
	[tilespmem:$0x6800] =	vst v63  }
0x5b: {  	_ = 	snop  }
0x5c: {  	[tilespmem:s31], [sflag:$0x5] =	stream.linear.gather [spmem:s9], $0x800, $0x38;
	[tilespmem:$0x6800] =	vst v63  }
0x5d: {  	_ =	swait.ge [sflag:s18], $0x800  }
0x5e: {  	[sflag:s18] =	ssyncset.done $0x0  }
0x5f: {  	[sflag:s18] =	ssyncadd.s32 $0xFFFFF800  }
0x60: {  	[hbm4b:s10+s4] =	stream.linear.scatter [tilespmem:s31], [sflag:$0x2], $0x800, $0x38;
	[tilespmem:$0x6800] =	vst v63  }
0x61: {  	_ =	swait.ge [sflag:s25], $0x800  }
0x62: {  	[sflag:s25] =	ssyncset.done $0x0  }
0x63: {  	[sflag:s25] =	ssyncadd.s32 $0xFFFFF800  }
0x64: {  	[tilespmem:s30], [sflag:$0x5] =	stream.linear.gather [spmem:s11], $0x800, $0x38;
	[tilespmem:$0x6800] =	vst v63  }
0x65: {  	_ =	swait.ge [sflag:s18], $0x800  }
0x66: {  	[sflag:s18] =	ssyncset.done $0x0  }
0x67: {  	[sflag:s18] =	ssyncadd.s32 $0xFFFFF800  }
0x68: {  	[hbm4b:s12+s4] =	stream.linear.scatter [tilespmem:s30], [sflag:$0x1], $0x800, $0x38;
	[tilespmem:$0x6800] =	vst v63  }
0x69: {  	_ =	swait.ge [sflag:s26], $0x800  }
0x6a: {  	[sflag:s26] =	ssyncset.done $0x0  }
0x6b: {  	[sflag:s26] =	ssyncadd.s32 $0xFFFFF800  }
0x6c: {  	[tilespmem:s31], [sflag:$0x5] =	stream.linear.gather [spmem:s13], $0x800, $0x38;
	[tilespmem:$0x6800] =	vst v63  }
0x6d: {  	_ =	swait.ge [sflag:s18], $0x800  }
0x6e: {  	[sflag:s18] =	ssyncset.done $0x0  }
0x6f: {  	[sflag:s18] =	ssyncadd.s32 $0xFFFFF800  }
0x70: {  	[hbm4b:s14+s4] =	stream.linear.scatter [tilespmem:s31], [sflag:$0x2], $0x800, $0x38;
	[tilespmem:$0x6800] =	vst v63  }
0x71: {  	_ =	swait.ge [sflag:s25], $0x800  }
0x72: {  	[sflag:s25] =	ssyncset.done $0x0  }
0x73: {  	[sflag:s25] =	ssyncadd.s32 $0xFFFFF800  }
0x74: {  	[tilespmem:s30], [sflag:$0x5] =	stream.linear.gather [spmem:s15], $0x800, $0x38;
	[tilespmem:$0x6800] =	vst v63  }
0x75: {  	_ =	swait.ge [sflag:s18], $0x800  }
0x76: {  	[sflag:s18] =	ssyncset.done $0x0  }
0x77: {  	s1 =	sadd.s32 $0x1, s1;
	[sflag:s18] =	ssyncadd.s32 $0xFFFFF800  }
0x78: {  	[hbm4b:s16+s4] =	stream.linear.scatter [tilespmem:s30], [sflag:$0x1], $0x800, $0x38;
	[tilespmem:$0x6800] =	vst v63  }
0x79: {  	p0 =	sne.s32 s1, s17;
	_ =	swait.ge [sflag:s26], $0x800  }
.Ltmp1:
0x7a: {  	[sflag:s26] =	ssyncset.done $0x0;
	(pc) =	sbr.rel @p0 .LBB2_1-.Ltmp1, $4  }
0x7b: {  	[sflag:s26] =	ssyncadd.s32 $0xFFFFF800  }
0x7c: {  	_ =	swait.ge [sflag:s25], $0x800  }
0x7d: {  	[sflag:s25] =	ssyncset.done $0x0  }
0x7e: {  	[sflag:s25] =	ssyncadd.s32 $0xFFFFF800  }
0x7f: {  	_ =	sfence.sel $0x180000  }
0x80: {  	[bflag:$0x0] =	sbarrier.arrive $0xFFFF  }
0x81: {  	_ =	strace $0x90000047  }
0x82: {  	s0 =	stileid.u32;
	[bflag:$0x2] =	sbarrier.arrive $0xFFFF  }
0x83: {  	p0 =	sne.s32 s0, $0x0;
	s0 =	rddreg [dreg:$0x3]  }
0x84: {  	s0 =	sadd.s32 @!p0 $0x100000, s0  }
0x85: {  	[sflag:s0] =	ssyncadd.tile.s32 @!p0 $0x1;
	_ =	shalt  }
.Lfunc_end2:
_tile_overlayer_lowered:
.L_overlay_start_2:
0x86: {  	(tag) =	ssettag $0x2  }
0x87: {  	s0 =	rddreg [dreg:$0x0];
	s2 =	stileid.u32  }
0x88: {  	s1 =	rddreg [dreg:$0x1];
	p0 =	sne.s32 s2, $0x0  }
0x89: {  	s3 =	rddreg [dreg:$0x2];
	[bflag:$0x3] =	sbarrier.arrive $0xFFFF;
	s2 =	simm.s32 @!p0 $0x1C05  }
0x8a: {  	[timem:s3], [sflag:s2] =	dma.local @!p0 [hbm:s0], s1  }
0x8b: {  	s0 =	simm.s32 @!p0 $0x5  }
0x8c: {  	_ =	swait.ge @!p0 [sflag:s0], s1  }
0x8d: {  	s1 =	ssub.s32 @!p0 $0x0, s1;
	[sflag:s0] =	ssyncset.done @!p0 $0x0  }
0x8e: {  	[sflag:s0] =	ssyncadd.s32 @!p0 s1  }
0x8f: {  	[bflag:$0x3] =	sbarrier.arrive $0xFFFF  }
0x90: {  	_ =	shalt  }

</sc_bundles>
